<compile_context>
chip_gen: v7x
topology: tpu7x:2x2x1
jax: 0.10.2.dev20260603
libtpu: 0.0.44.dev20260713+nightly
codegen_flags: <defaults>
</compile_context>

<pallas_src>
import functools

import jax
import jax.numpy as jnp
from jax import lax
from jax.experimental import pallas as pl
from jax.experimental.pallas import tpu as pltpu
from jax.experimental.pallas import tpu_sc as plsc

_NS = 16


@functools.cache
def _sc_gather(start: int, count: int, n_table: int):
    nw = _NS
    bpw = count // nw

    @functools.partial(
        pl.kernel,
        mesh=plsc.VectorSubcoreMesh(core_axis_name="c", subcore_axis_name="s",
                                    num_cores=1),
        out_type=jax.ShapeDtypeStruct((count,), jnp.float32),
        scratch_types=[
            pltpu.VMEM((bpw,), jnp.int32),
            pltpu.VMEM((bpw,), jnp.float32),
            pltpu.SemaphoreType.DMA,
        ],
    )
    def gather(w_hbm, idx_hbm, out_hbm, idx_v, out_v, sem):
        wid = lax.axis_index("s")
        base = wid * bpw
        pltpu.sync_copy(idx_hbm.at[pl.ds(start + base, bpw)], idx_v)
        pltpu.async_copy(w_hbm.at[idx_v], out_v, sem).wait()
        pltpu.sync_copy(out_v, out_hbm.at[pl.ds(base, bpw)])

    return gather


def _mul_body(scale_ref, e_ref, *rest):
    o_ref = rest[-1]
    i = pl.program_id(0)
    for r in range(e_ref.shape[0]):
        o_ref[r] = e_ref[r] * scale_ref[0, i, r]


def _tc_scale_mul_part(scale3d, e3d, prev_out, blk_off: int, block_b: int):
    b, h, w = e3d.shape
    nb = scale3d.shape[1]
    in_specs = [
        pl.BlockSpec((1, nb, block_b), lambda i: (0, 0, 0),
                     memory_space=pltpu.SMEM),
        pl.BlockSpec((block_b, h, w), lambda i: (i + blk_off, 0, 0)),
    ]
    args = [scale3d, e3d]
    kwargs = {}
    if prev_out is not None:
        in_specs.append(pl.BlockSpec(memory_space=pl.ANY))
        args.append(prev_out)
        kwargs["input_output_aliases"] = {2: 0}
    return pl.pallas_call(
        _mul_body,
        grid=(nb,),
        in_specs=in_specs,
        out_specs=pl.BlockSpec((block_b, h, w), lambda i: (i + blk_off, 0, 0)),
        out_shape=jax.ShapeDtypeStruct((b, h, w), e3d.dtype),
        compiler_params=pltpu.CompilerParams(
            dimension_semantics=("parallel",),
        ),
        **kwargs,
    )(*args)


def kernel(E_in, idx, weights):
    b = E_in.shape[0]
    block_b = 128
    split = 2 * block_b
    nt = weights.shape[0]
    idx_flat = idx.reshape(b).astype(jnp.int32)
    s_lo = _sc_gather(0, split, nt)(weights, idx_flat)
    s_hi = _sc_gather(split, b - split, nt)(weights, idx_flat)
    out0 = _tc_scale_mul_part(
        s_lo.reshape(1, split // block_b, block_b), E_in, None, 0, block_b)
    out = _tc_scale_mul_part(
        s_hi.reshape(1, (b - split) // block_b, block_b), E_in, out0,
        split // block_b, block_b)
    return out

# --- scband reference (transcript-rebuilt; emitter-appended) ---
"""Pipeline reference for scband-light-correction-layer-31834297598387 (READ-ONLY COPY).

The authoritative reference and input builder live on the scoring server;
editing this copy changes nothing except your own understanding.
"""

import jax, jax.numpy as jnp
import numpy as np

NUM_ILLU = 1024  # config.num_illu


def setup_inputs(seed: int = 0) -> dict:
    key = jax.random.key(seed)
    k1, k2 = jax.random.split(key, 2)
    E_in = jax.random.normal(k1, (4096, 128, 128), dtype=jnp.float32)
    idx = jax.random.randint(k2, (4096, 1, 1), 0, NUM_ILLU, dtype=jnp.int64 if jax.config.jax_enable_x64 else jnp.int32)
    # learned parameter: per-illumination correction weights, initialized to ones
    weights = jnp.ones((NUM_ILLU,), dtype=jnp.float32)
    return {"E_in": E_in, "idx": idx, "weights": weights}


def reference(E_in, idx, weights):
    # E_out = weights[idx] * E_in  (gather of per-illumination scale, broadcast multiply)
    scale = jnp.take(weights, idx, axis=0)  # [B,1,1]
    E_out = scale * E_in                    # broadcast over field dims [B,128,128]
    return E_out

if __name__ == "__main__":
    import jax
    _d = setup_inputs()
    print(jax.jit(kernel)(*tuple(_d.values())))

</pallas_src>

<mosaic_0001>
#map = affine_map<(d0, d1) -> (0)>
module attributes {stable_mosaic.version = 14 : i64} {
  func.func @gather(%arg0: i32, %arg1: i32, %arg2: memref<1024xf32, #tpu.memory_space<hbm>>, %arg3: memref<4096xi32, #tpu.memory_space<hbm>>, %arg4: memref<256xf32, #tpu.memory_space<hbm>>, %arg5: memref<16xi32, #tpu.memory_space<vmem>>, %arg6: memref<16xf32, #tpu.memory_space<vmem>>, %arg7: memref<!tpu.dma_semaphore, #tpu.memory_space<semaphore_mem>>) attributes {dimension_semantics = [#tpu.dimension_semantics<core_parallel>, #tpu.dimension_semantics<subcore_parallel>], iteration_bounds = array<i64: 1, 16>, scalar_prefetch = 0 : i64, scratch_operands = 3 : i64, tpu.core_type = #tpu.core_type<sc_vector_subcore>, window_params = [{transform_indices = #map}, {transform_indices = #map}, {transform_indices = #map}]} {
    %mul3A = arith.constant 16 : i32
    %mul3A_0 = arith.muli %arg1, %mul3A : i32
    %add3A = arith.constant 0 : i32
    %add3A_1 = arith.addi %add3A, %mul3A_0 : i32
    "tpu.region"() ({
      %run_scoped3A = tpu.sem_alloc : memref<!tpu.dma_semaphore, #tpu.memory_space<semaphore_mem>>
      %dma_start3A_4 = tpu.memref_slice %arg3[%add3A_1] : memref<4096xi32, #tpu.memory_space<hbm>> -> memref<16xi32, #tpu.memory_space<hbm>>
      %dma_start3A_5 = tpu.memref_slice %arg3[%add3A_1] : memref<4096xi32, #tpu.memory_space<hbm>> -> memref<16xi32, #tpu.memory_space<hbm>>
      tpu.enqueue_dma source(%dma_start3A_5 : memref<16xi32, #tpu.memory_space<hbm>>) target(%arg5 : memref<16xi32, #tpu.memory_space<vmem>>) target_semaphore(%run_scoped3A : memref<!tpu.dma_semaphore, #tpu.memory_space<semaphore_mem>>)
      %dma_wait3A_6 = tpu.memref_slice %arg3[%add3A_1] : memref<4096xi32, #tpu.memory_space<hbm>> -> memref<16xi32, #tpu.memory_space<hbm>>
      %dma_wait3A_7 = tpu.memref_slice %arg3[%add3A_1] : memref<4096xi32, #tpu.memory_space<hbm>> -> memref<16xi32, #tpu.memory_space<hbm>>
      tpu.wait_dma2 semaphore(%run_scoped3A : memref<!tpu.dma_semaphore, #tpu.memory_space<semaphore_mem>>) src(%dma_wait3A_7 : memref<16xi32, #tpu.memory_space<hbm>>) dst(%arg5 : memref<16xi32, #tpu.memory_space<vmem>>)
      tpu.yield
    }) : () -> ()
    %dma_start3A = arith.constant 0 : i32
    %dma_start3A_2 = tpu.memref_slice %arg2[%dma_start3A] : memref<1024xf32, #tpu.memory_space<hbm>> -> memref<1024xf32, #tpu.memory_space<hbm>>
    tpu.enqueue_indirect_dma source(%dma_start3A_2 : memref<1024xf32, #tpu.memory_space<hbm>>) target(%arg6 : memref<16xf32, #tpu.memory_space<vmem>>) offsets(%arg5 : memref<16xi32, #tpu.memory_space<vmem>>) semaphore(%arg7 : memref<!tpu.dma_semaphore, #tpu.memory_space<semaphore_mem>>)
    %dma_wait3A = arith.constant 0 : i32
    %dma_wait3A_3 = tpu.memref_slice %arg2[%dma_wait3A] : memref<1024xf32, #tpu.memory_space<hbm>> -> memref<1024xf32, #tpu.memory_space<hbm>>
    tpu.wait_indirect_dma semaphore(%arg7 : memref<!tpu.dma_semaphore, #tpu.memory_space<semaphore_mem>>) src(%dma_wait3A_3 : memref<1024xf32, #tpu.memory_space<hbm>>) dst(%arg6 : memref<16xf32, #tpu.memory_space<vmem>>)
    "tpu.region"() ({
      %run_scoped3A = tpu.sem_alloc : memref<!tpu.dma_semaphore, #tpu.memory_space<semaphore_mem>>
      %dma_start3A_4 = tpu.memref_slice %arg4[%mul3A_0] : memref<256xf32, #tpu.memory_space<hbm>> -> memref<16xf32, #tpu.memory_space<hbm>>
      %dma_start3A_5 = tpu.memref_slice %arg4[%mul3A_0] : memref<256xf32, #tpu.memory_space<hbm>> -> memref<16xf32, #tpu.memory_space<hbm>>
      tpu.enqueue_dma source(%arg6 : memref<16xf32, #tpu.memory_space<vmem>>) target(%dma_start3A_5 : memref<16xf32, #tpu.memory_space<hbm>>) target_semaphore(%run_scoped3A : memref<!tpu.dma_semaphore, #tpu.memory_space<semaphore_mem>>)
      %dma_wait3A_6 = tpu.memref_slice %arg4[%mul3A_0] : memref<256xf32, #tpu.memory_space<hbm>> -> memref<16xf32, #tpu.memory_space<hbm>>
      %dma_wait3A_7 = tpu.memref_slice %arg4[%mul3A_0] : memref<256xf32, #tpu.memory_space<hbm>> -> memref<16xf32, #tpu.memory_space<hbm>>
      tpu.wait_dma2 semaphore(%run_scoped3A : memref<!tpu.dma_semaphore, #tpu.memory_space<semaphore_mem>>) src(%arg6 : memref<16xf32, #tpu.memory_space<vmem>>) dst(%dma_wait3A_7 : memref<16xf32, #tpu.memory_space<hbm>>)
      tpu.yield
    }) : () -> ()
    return
  }
}

#map = affine_map<(d0, d1) -> (0)>
module attributes {stable_mosaic.version = 14 : i64} {
  func.func @gather(%arg0: i32, %arg1: i32, %arg2: memref<1024xf32, #tpu.memory_space<hbm>>, %arg3: memref<4096xi32, #tpu.memory_space<hbm>>, %arg4: memref<3840xf32, #tpu.memory_space<hbm>>, %arg5: memref<240xi32, #tpu.memory_space<vmem>>, %arg6: memref<240xf32, #tpu.memory_space<vmem>>, %arg7: memref<!tpu.dma_semaphore, #tpu.memory_space<semaphore_mem>>) attributes {dimension_semantics = [#tpu.dimension_semantics<core_parallel>, #tpu.dimension_semantics<subcore_parallel>], iteration_bounds = array<i64: 1, 16>, scalar_prefetch = 0 : i64, scratch_operands = 3 : i64, tpu.core_type = #tpu.core_type<sc_vector_subcore>, window_params = [{transform_indices = #map}, {transform_indices = #map}, {transform_indices = #map}]} {
    %mul3A = arith.constant 240 : i32
    %mul3A_0 = arith.muli %arg1, %mul3A : i32
    %add3A = arith.constant 256 : i32
    %add3A_1 = arith.addi %add3A, %mul3A_0 : i32
    "tpu.region"() ({
      %run_scoped3A = tpu.sem_alloc : memref<!tpu.dma_semaphore, #tpu.memory_space<semaphore_mem>>
      %dma_start3A_4 = tpu.memref_slice %arg3[%add3A_1] : memref<4096xi32, #tpu.memory_space<hbm>> -> memref<240xi32, #tpu.memory_space<hbm>>
      %dma_start3A_5 = tpu.memref_slice %arg3[%add3A_1] : memref<4096xi32, #tpu.memory_space<hbm>> -> memref<240xi32, #tpu.memory_space<hbm>>
      tpu.enqueue_dma source(%dma_start3A_5 : memref<240xi32, #tpu.memory_space<hbm>>) target(%arg5 : memref<240xi32, #tpu.memory_space<vmem>>) target_semaphore(%run_scoped3A : memref<!tpu.dma_semaphore, #tpu.memory_space<semaphore_mem>>)
      %dma_wait3A_6 = tpu.memref_slice %arg3[%add3A_1] : memref<4096xi32, #tpu.memory_space<hbm>> -> memref<240xi32, #tpu.memory_space<hbm>>
      %dma_wait3A_7 = tpu.memref_slice %arg3[%add3A_1] : memref<4096xi32, #tpu.memory_space<hbm>> -> memref<240xi32, #tpu.memory_space<hbm>>
      tpu.wait_dma2 semaphore(%run_scoped3A : memref<!tpu.dma_semaphore, #tpu.memory_space<semaphore_mem>>) src(%dma_wait3A_7 : memref<240xi32, #tpu.memory_space<hbm>>) dst(%arg5 : memref<240xi32, #tpu.memory_space<vmem>>)
      tpu.yield
    }) : () -> ()
    %dma_start3A = arith.constant 0 : i32
    %dma_start3A_2 = tpu.memref_slice %arg2[%dma_start3A] : memref<1024xf32, #tpu.memory_space<hbm>> -> memref<1024xf32, #tpu.memory_space<hbm>>
    tpu.enqueue_indirect_dma source(%dma_start3A_2 : memref<1024xf32, #tpu.memory_space<hbm>>) target(%arg6 : memref<240xf32, #tpu.memory_space<vmem>>) offsets(%arg5 : memref<240xi32, #tpu.memory_space<vmem>>) semaphore(%arg7 : memref<!tpu.dma_semaphore, #tpu.memory_space<semaphore_mem>>)
    %dma_wait3A = arith.constant 0 : i32
    %dma_wait3A_3 = tpu.memref_slice %arg2[%dma_wait3A] : memref<1024xf32, #tpu.memory_space<hbm>> -> memref<1024xf32, #tpu.memory_space<hbm>>
    tpu.wait_indirect_dma semaphore(%arg7 : memref<!tpu.dma_semaphore, #tpu.memory_space<semaphore_mem>>) src(%dma_wait3A_3 : memref<1024xf32, #tpu.memory_space<hbm>>) dst(%arg6 : memref<240xf32, #tpu.memory_space<vmem>>)
    "tpu.region"() ({
      %run_scoped3A = tpu.sem_alloc : memref<!tpu.dma_semaphore, #tpu.memory_space<semaphore_mem>>
      %dma_start3A_4 = tpu.memref_slice %arg4[%mul3A_0] : memref<3840xf32, #tpu.memory_space<hbm>> -> memref<240xf32, #tpu.memory_space<hbm>>
      %dma_start3A_5 = tpu.memref_slice %arg4[%mul3A_0] : memref<3840xf32, #tpu.memory_space<hbm>> -> memref<240xf32, #tpu.memory_space<hbm>>
      tpu.enqueue_dma source(%arg6 : memref<240xf32, #tpu.memory_space<vmem>>) target(%dma_start3A_5 : memref<240xf32, #tpu.memory_space<hbm>>) target_semaphore(%run_scoped3A : memref<!tpu.dma_semaphore, #tpu.memory_space<semaphore_mem>>)
      %dma_wait3A_6 = tpu.memref_slice %arg4[%mul3A_0] : memref<3840xf32, #tpu.memory_space<hbm>> -> memref<240xf32, #tpu.memory_space<hbm>>
      %dma_wait3A_7 = tpu.memref_slice %arg4[%mul3A_0] : memref<3840xf32, #tpu.memory_space<hbm>> -> memref<240xf32, #tpu.memory_space<hbm>>
      tpu.wait_dma2 semaphore(%run_scoped3A : memref<!tpu.dma_semaphore, #tpu.memory_space<semaphore_mem>>) src(%arg6 : memref<240xf32, #tpu.memory_space<vmem>>) dst(%dma_wait3A_7 : memref<240xf32, #tpu.memory_space<hbm>>)
      tpu.yield
    }) : () -> ()
    return
  }
}

module attributes {stable_mosaic.version = 14 : i64} {
  func.func @_mul_body(%arg0: i32, %arg1: memref<1x30x128xf32, #tpu.memory_space<smem>>, %arg2: memref<128x128x128xf32, #tpu.memory_space<vmem>>, %arg3: memref<4096x128x128xf32, #tpu.memory_space<any>>, %arg4: memref<128x128x128xf32, #tpu.memory_space<vmem>>) attributes {dimension_semantics = [#tpu.dimension_semantics<parallel>], iteration_bounds = array<i64: 30>, scalar_prefetch = 0 : i64, scratch_operands = 0 : i64, tpu.core_type = #tpu.core_type<tc>, window_params = [{transform_indices = @transform_0, window_bounds = array<i64: 1, 30, 128>}, {transform_indices = @transform_1, window_bounds = array<i64: 128, 128, 128>}, {}, {transform_indices = @transform_3, window_bounds = array<i64: 128, 128, 128>}]} {
    %get3A = arith.constant 0 : index
    %get3A_0 = arith.constant 0 : index
    %get3A_1 = arith.constant 0 : index
    %get3A_2 = vector.load %arg2[%get3A, %get3A_0, %get3A_1] : memref<128x128x128xf32, #tpu.memory_space<vmem>>, vector<1x128x128xf32>
    %get3A_3 = vector.shape_cast %get3A_2 : vector<1x128x128xf32> to vector<128x128xf32>
    %get3A_4 = arith.constant 0 : index
    %get3A_5 = arith.index_cast %arg0 : i32 to index
    %get3A_6 = arith.constant 0 : index
    %get3A_7 = memref.load %arg1[%get3A_4, %get3A_5, %get3A_6] : memref<1x30x128xf32, #tpu.memory_space<smem>>
    %mul3A = vector.broadcast %get3A_7 : f32 to vector<128x128xf32>
    %mul3A_8 = arith.mulf %get3A_3, %mul3A : vector<128x128xf32>
    %swap3A = arith.constant 0 : index
    %swap3A_9 = arith.constant 0 : index
    %swap3A_10 = arith.constant 0 : index
    %swap3A_11 = vector.load %arg4[%swap3A, %swap3A_9, %swap3A_10] : memref<128x128x128xf32, #tpu.memory_space<vmem>>, vector<1x128x128xf32>
    %swap3A_12 = vector.shape_cast %swap3A_11 : vector<1x128x128xf32> to vector<128x128xf32>
    %swap3A_13 = vector.shape_cast %mul3A_8 : vector<128x128xf32> to vector<1x128x128xf32>
    tpu.vector_store %arg4[%swap3A, %swap3A_9, %swap3A_10], %swap3A_13 {strides = array<i32>} : memref<128x128x128xf32, #tpu.memory_space<vmem>>, vector<1x128x128xf32>,
    %get3A_14 = arith.constant 1 : index
    %get3A_15 = arith.constant 0 : index
    %get3A_16 = arith.constant 0 : index
    %get3A_17 = vector.load %arg2[%get3A_14, %get3A_15, %get3A_16] : memref<128x128x128xf32, #tpu.memory_space<vmem>>, vector<1x128x128xf32>
    %get3A_18 = vector.shape_cast %get3A_17 : vector<1x128x128xf32> to vector<128x128xf32>
    %get3A_19 = arith.constant 0 : index
    %get3A_20 = arith.index_cast %arg0 : i32 to index
    %get3A_21 = arith.constant 1 : index
    %get3A_22 = memref.load %arg1[%get3A_19, %get3A_20, %get3A_21] : memref<1x30x128xf32, #tpu.memory_space<smem>>
    %mul3A_23 = vector.broadcast %get3A_22 : f32 to vector<128x128xf32>
    %mul3A_24 = arith.mulf %get3A_18, %mul3A_23 : vector<128x128xf32>
    %swap3A_25 = arith.constant 1 : index
    %swap3A_26 = arith.constant 0 : index
    %swap3A_27 = arith.constant 0 : index
    %swap3A_28 = vector.load %arg4[%swap3A_25, %swap3A_26, %swap3A_27] : memref<128x128x128xf32, #tpu.memory_space<vmem>>, vector<1x128x128xf32>
    %swap3A_29 = vector.shape_cast %swap3A_28 : vector<1x128x128xf32> to vector<128x128xf32>
    %swap3A_30 = vector.shape_cast %mul3A_24 : vector<128x128xf32> to vector<1x128x128xf32>
    tpu.vector_store %arg4[%swap3A_25, %swap3A_26, %swap3A_27], %swap3A_30 {strides = array<i32>} : memref<128x128x128xf32, #tpu.memory_space<vmem>>, vector<1x128x128xf32>,
    %get3A_31 = arith.constant 2 : index
    %get3A_32 = arith.constant 0 : index
    %get3A_33 = arith.constant 0 : index
    %get3A_34 = vector.load %arg2[%get3A_31, %get3A_32, %get3A_33] : memref<128x128x128xf32, #tpu.memory_space<vmem>>, vector<1x128x128xf32>
    %get3A_35 = vector.shape_cast %get3A_34 : vector<1x128x128xf32> to vector<128x128xf32>
    %get3A_36 = arith.constant 0 : index
    %get3A_37 = arith.index_cast %arg0 : i32 to index
    %get3A_38 = arith.constant 2 : index
    %get3A_39 = memref.load %arg1[%get3A_36, %get3A_37, %get3A_38] : memref<1x30x128xf32, #tpu.memory_space<smem>>
    %mul3A_40 = vector.broadcast %get3A_39 : f32 to vector<128x128xf32>
    %mul3A_41 = arith.mulf %get3A_35, %mul3A_40 : vector<128x128xf32>
    %swap3A_42 = arith.constant 2 : index
    %swap3A_43 = arith.constant 0 : index
    %swap3A_44 = arith.constant 0 : index
    %swap3A_45 = vector.load %arg4[%swap3A_42, %swap3A_43, %swap3A_44] : memref<128x128x128xf32, #tpu.memory_space<vmem>>, vector<1x128x128xf32>
    %swap3A_46 = vector.shape_cast %swap3A_45 : vector<1x128x128xf32> to vector<128x128xf32>
    %swap3A_47 = vector.shape_cast %mul3A_41 : vector<128x128xf32> to vector<1x128x128xf32>
    tpu.vector_store %arg4[%swap3A_42, %swap3A_43, %swap3A_44], %swap3A_47 {strides = array<i32>} : memref<128x128x128xf32, #tpu.memory_space<vmem>>, vector<1x128x128xf32>,
    %get3A_48 = arith.constant 3 : index
    %get3A_49 = arith.constant 0 : index
    %get3A_50 = arith.constant 0 : index
    %get3A_51 = vector.load %arg2[%get3A_48, %get3A_49, %get3A_50] : memref<128x128x128xf32, #tpu.memory_space<vmem>>, vector<1x128x128xf32>
    %get3A_52 = vector.shape_cast %get3A_51 : vector<1x128x128xf32> to vector<128x128xf32>
    %get3A_53 = arith.constant 0 : index
    %get3A_54 = arith.index_cast %arg0 : i32 to index
    %get3A_55 = arith.constant 3 : index
    %get3A_56 = memref.load %arg1[%get3A_53, %get3A_54, %get3A_55] : memref<1x30x128xf32, #tpu.memory_space<smem>>
    %mul3A_57 = vector.broadcast %get3A_56 : f32 to vector<128x128xf32>
    %mul3A_58 = arith.mulf %get3A_52, %mul3A_57 : vector<128x128xf32>
    %swap3A_59 = arith.constant 3 : index
    %swap3A_60 = arith.constant 0 : index
    %swap3A_61 = arith.constant 0 : index
    %swap3A_62 = vector.load %arg4[%swap3A_59, %swap3A_60, %swap3A_61] : memref<128x128x128xf32, #tpu.memory_space<vmem>>, vector<1x128x128xf32>
    %swap3A_63 = vector.shape_cast %swap3A_62 : vector<1x128x128xf32> to vector<128x128xf32>
    %swap3A_64 = vector.shape_cast %mul3A_58 : vector<128x128xf32> to vector<1x128x128xf32>
    tpu.vector_store %arg4[%swap3A_59, %swap3A_60, %swap3A_61], %swap3A_64 {strides = array<i32>} : memref<128x128x128xf32, #tpu.memory_space<vmem>>, vector<1x128x128xf32>,
    %get3A_65 = arith.constant 4 : index
    %get3A_66 = arith.constant 0 : index
    %get3A_67 = arith.constant 0 : index
    %get3A_68 = vector.load %arg2[%get3A_65, %get3A_66, %get3A_67] : memref<128x128x128xf32, #tpu.memory_space<vmem>>, vector<1x128x128xf32>
    %get3A_69 = vector.shape_cast %get3A_68 : vector<1x128x128xf32> to vector<128x128xf32>
    %get3A_70 = arith.constant 0 : index
    %get3A_71 = arith.index_cast %arg0 : i32 to index
    %get3A_72 = arith.constant 4 : index
    %get3A_73 = memref.load %arg1[%get3A_70, %get3A_71, %get3A_72] : memref<1x30x128xf32, #tpu.memory_space<smem>>
    %mul3A_74 = vector.broadcast %get3A_73 : f32 to vector<128x128xf32>
    %mul3A_75 = arith.mulf %get3A_69, %mul3A_74 : vector<128x128xf32>
    %swap3A_76 = arith.constant 4 : index
    %swap3A_77 = arith.constant 0 : index
    %swap3A_78 = arith.constant 0 : index
    %swap3A_79 = vector.load %arg4[%swap3A_76, %swap3A_77, %swap3A_78] : memref<128x128x128xf32, #tpu.memory_space<vmem>>, vector<1x128x128xf32>
    %swap3A_80 = vector.shape_cast %swap3A_79 : vector<1x128x128xf32> to vector<128x128xf32>
    %swap3A_81 = vector.shape_cast %mul3A_75 : vector<128x128xf32> to vector<1x128x128xf32>
    tpu.vector_store %arg4[%swap3A_76, %swap3A_77, %swap3A_78], %swap3A_81 {strides = array<i32>} : memref<128x128x128xf32, #tpu.memory_space<vmem>>, vector<1x128x128xf32>,
    %get3A_82 = arith.constant 5 : index
    %get3A_83 = arith.constant 0 : index
    %get3A_84 = arith.constant 0 : index
    %get3A_85 = vector.load %arg2[%get3A_82, %get3A_83, %get3A_84] : memref<128x128x128xf32, #tpu.memory_space<vmem>>, vector<1x128x128xf32>
    %get3A_86 = vector.shape_cast %get3A_85 : vector<1x128x128xf32> to vector<128x128xf32>
    %get3A_87 = arith.constant 0 : index
    %get3A_88 = arith.index_cast %arg0 : i32 to index
    %get3A_89 = arith.constant 5 : index
    %get3A_90 = memref.load %arg1[%get3A_87, %get3A_88, %get3A_89] : memref<1x30x128xf32, #tpu.memory_space<smem>>
    %mul3A_91 = vector.broadcast %get3A_90 : f32 to vector<128x128xf32>
    %mul3A_92 = arith.mulf %get3A_86, %mul3A_91 : vector<128x128xf32>
    %swap3A_93 = arith.constant 5 : index
    %swap3A_94 = arith.constant 0 : index
    %swap3A_95 = arith.constant 0 : index
    %swap3A_96 = vector.load %arg4[%swap3A_93, %swap3A_94, %swap3A_95] : memref<128x128x128xf32, #tpu.memory_space<vmem>>, vector<1x128x128xf32>
    %swap3A_97 = vector.shape_cast %swap3A_96 : vector<1x128x128xf32> to vector<128x128xf32>
    %swap3A_98 = vector.shape_cast %mul3A_92 : vector<128x128xf32> to vector<1x128x128xf32>
    tpu.vector_store %arg4[%swap3A_93, %swap3A_94, %swap3A_95], %swap3A_98 {strides = array<i32>} : memref<128x128x128xf32, #tpu.memory_space<vmem>>, vector<1x128x128xf32>,
    %get3A_99 = arith.constant 6 : index
    %get3A_100 = arith.constant 0 : index
    %get3A_101 = arith.constant 0 : index
    %get3A_102 = vector.load %arg2[%get3A_99, %get3A_100, %get3A_101] : memref<128x128x128xf32, #tpu.memory_space<vmem>>, vector<1x128x128xf32>
    %get3A_103 = vector.shape_cast %get3A_102 : vector<1x128x128xf32> to vector<128x128xf32>
    %get3A_104 = arith.constant 0 : index
    %get3A_105 = arith.index_cast %arg0 : i32 to index
    %get3A_106 = arith.constant 6 : index
    %get3A_107 = memref.load %arg1[%get3A_104, %get3A_105, %get3A_106] : memref<1x30x128xf32, #tpu.memory_space<smem>>
    %mul3A_108 = vector.broadcast %get3A_107 : f32 to vector<128x128xf32>
    %mul3A_109 = arith.mulf %get3A_103, %mul3A_108 : vector<128x128xf32>
    %swap3A_110 = arith.constant 6 : index
    %swap3A_111 = arith.constant 0 : index
    %swap3A_112 = arith.constant 0 : index
    %swap3A_113 = vector.load %arg4[%swap3A_110, %swap3A_111, %swap3A_112] : memref<128x128x128xf32, #tpu.memory_space<vmem>>, vector<1x128x128xf32>
    %swap3A_114 = vector.shape_cast %swap3A_113 : vector<1x128x128xf32> to vector<128x128xf32>
    %swap3A_115 = vector.shape_cast %mul3A_109 : vector<128x128xf32> to vector<1x128x128xf32>
    tpu.vector_store %arg4[%swap3A_110, %swap3A_111, %swap3A_112], %swap3A_115 {strides = array<i32>} : memref<128x128x128xf32, #tpu.memory_space<vmem>>, vector<1x128x128xf32>,
    %get3A_116 = arith.constant 7 : index
    %get3A_117 = arith.constant 0 : index
    %get3A_118 = arith.constant 0 : index
    %get3A_119 = vector.load %arg2[%get3A_116, %get3A_117, %get3A_118] : memref<128x128x128xf32, #tpu.memory_space<vmem>>, vector<1x128x128xf32>
    %get3A_120 = vector.shape_cast %get3A_119 : vector<1x128x128xf32> to vector<128x128xf32>
    %get3A_121 = arith.constant 0 : index
    %get3A_122 = arith.index_cast %arg0 : i32 to index
    %get3A_123 = arith.constant 7 : index
    %get3A_124 = memref.load %arg1[%get3A_121, %get3A_122, %get3A_123] : memref<1x30x128xf32, #tpu.memory_space<smem>>
    %mul3A_125 = vector.broadcast %get3A_124 : f32 to vector<128x128xf32>
    %mul3A_126 = arith.mulf %get3A_120, %mul3A_125 : vector<128x128xf32>
    %swap3A_127 = arith.constant 7 : index
    %swap3A_128 = arith.constant 0 : index
    %swap3A_129 = arith.constant 0 : index
    %swap3A_130 = vector.load %arg4[%swap3A_127, %swap3A_128, %swap3A_129] : memref<128x128x128xf32, #tpu.memory_space<vmem>>, vector<1x128x128xf32>
    %swap3A_131 = vector.shape_cast %swap3A_130 : vector<1x128x128xf32> to vector<128x128xf32>
    %swap3A_132 = vector.shape_cast %mul3A_126 : vector<128x128xf32> to vector<1x128x128xf32>
    tpu.vector_store %arg4[%swap3A_127, %swap3A_128, %swap3A_129], %swap3A_132 {strides = array<i32>} : memref<128x128x128xf32, #tpu.memory_space<vmem>>, vector<1x128x128xf32>,
    %get3A_133 = arith.constant 8 : index
    %get3A_134 = arith.constant 0 : index
    %get3A_135 = arith.constant 0 : index
    %get3A_136 = vector.load %arg2[%get3A_133, %get3A_134, %get3A_135] : memref<128x128x128xf32, #tpu.memory_space<vmem>>, vector<1x128x128xf32>
    %get3A_137 = vector.shape_cast %get3A_136 : vector<1x128x128xf32> to vector<128x128xf32>
    %get3A_138 = arith.constant 0 : index
    %get3A_139 = arith.index_cast %arg0 : i32 to index
    %get3A_140 = arith.constant 8 : index
    %get3A_141 = memref.load %arg1[%get3A_138, %get3A_139, %get3A_140] : memref<1x30x128xf32, #tpu.memory_space<smem>>
    %mul3A_142 = vector.broadcast %get3A_141 : f32 to vector<128x128xf32>
    %mul3A_143 = arith.mulf %get3A_137, %mul3A_142 : vector<128x128xf32>
    %swap3A_144 = arith.constant 8 : index
    %swap3A_145 = arith.constant 0 : index
    %swap3A_146 = arith.constant 0 : index
    %swap3A_147 = vector.load %arg4[%swap3A_144, %swap3A_145, %swap3A_146] : memref<128x128x128xf32, #tpu.memory_space<vmem>>, vector<1x128x128xf32>
    %swap3A_148 = vector.shape_cast %swap3A_147 : vector<1x128x128xf32> to vector<128x128xf32>
    %swap3A_149 = vector.shape_cast %mul3A_143 : vector<128x128xf32> to vector<1x128x128xf32>
    tpu.vector_store %arg4[%swap3A_144, %swap3A_145, %swap3A_146], %swap3A_149 {strides = array<i32>} : memref<128x128x128xf32, #tpu.memory_space<vmem>>, vector<1x128x128xf32>,
    %get3A_150 = arith.constant 9 : index
    %get3A_151 = arith.constant 0 : index
    %get3A_152 = arith.constant 0 : index
    %get3A_153 = vector.load %arg2[%get3A_150, %get3A_151, %get3A_152] : memref<128x128x128xf32, #tpu.memory_space<vmem>>, vector<1x128x128xf32>
    %get3A_154 = vector.shape_cast %get3A_153 : vector<1x128x128xf32> to vector<128x128xf32>
    %get3A_155 = arith.constant 0 : index
    %get3A_156 = arith.index_cast %arg0 : i32 to index
    %get3A_157 = arith.constant 9 : index
    %get3A_158 = memref.load %arg1[%get3A_155, %get3A_156, %get3A_157] : memref<1x30x128xf32, #tpu.memory_space<smem>>
    %mul3A_159 = vector.broadcast %get3A_158 : f32 to vector<128x128xf32>
    %mul3A_160 = arith.mulf %get3A_154, %mul3A_159 : vector<128x128xf32>
    %swap3A_161 = arith.constant 9 : index
    %swap3A_162 = arith.constant 0 : index
    %swap3A_163 = arith.constant 0 : index
    %swap3A_164 = vector.load %arg4[%swap3A_161, %swap3A_162, %swap3A_163] : memref<128x128x128xf32, #tpu.memory_space<vmem>>, vector<1x128x128xf32>
    %swap3A_165 = vector.shape_cast %swap3A_164 : vector<1x128x128xf32> to vector<128x128xf32>
    %swap3A_166 = vector.shape_cast %mul3A_160 : vector<128x128xf32> to vector<1x128x128xf32>
    tpu.vector_store %arg4[%swap3A_161, %swap3A_162, %swap3A_163], %swap3A_166 {strides = array<i32>} : memref<128x128x128xf32, #tpu.memory_space<vmem>>, vector<1x128x128xf32>,
    %get3A_167 = arith.constant 10 : index
    %get3A_168 = arith.constant 0 : index
    %get3A_169 = arith.constant 0 : index
    %get3A_170 = vector.load %arg2[%get3A_167, %get3A_168, %get3A_169] : memref<128x128x128xf32, #tpu.memory_space<vmem>>, vector<1x128x128xf32>
    %get3A_171 = vector.shape_cast %get3A_170 : vector<1x128x128xf32> to vector<128x128xf32>
    %get3A_172 = arith.constant 0 : index
    %get3A_173 = arith.index_cast %arg0 : i32 to index
    %get3A_174 = arith.constant 10 : index
    %get3A_175 = memref.load %arg1[%get3A_172, %get3A_173, %get3A_174] : memref<1x30x128xf32, #tpu.memory_space<smem>>
    %mul3A_176 = vector.broadcast %get3A_175 : f32 to vector<128x128xf32>
    %mul3A_177 = arith.mulf %get3A_171, %mul3A_176 : vector<128x128xf32>
    %swap3A_178 = arith.constant 10 : index
    %swap3A_179 = arith.constant 0 : index
    %swap3A_180 = arith.constant 0 : index
    %swap3A_181 = vector.load %arg4[%swap3A_178, %swap3A_179, %swap3A_180] : memref<128x128x128xf32, #tpu.memory_space<vmem>>, vector<1x128x128xf32>
    %swap3A_182 = vector.shape_cast %swap3A_181 : vector<1x128x128xf32> to vector<128x128xf32>
    %swap3A_183 = vector.shape_cast %mul3A_177 : vector<128x128xf32> to vector<1x128x128xf32>
    tpu.vector_store %arg4[%swap3A_178, %swap3A_179, %swap3A_180], %swap3A_183 {strides = array<i32>} : memref<128x128x128xf32, #tpu.memory_space<vmem>>, vector<1x128x128xf32>,
    %get3A_184 = arith.constant 11 : index
    %get3A_185 = arith.constant 0 : index
    %get3A_186 = arith.constant 0 : index
    %get3A_187 = vector.load %arg2[%get3A_184, %get3A_185, %get3A_186] : memref<128x128x128xf32, #tpu.memory_space<vmem>>, vector<1x128x128xf32>
    %get3A_188 = vector.shape_cast %get3A_187 : vector<1x128x128xf32> to vector<128x128xf32>
    %get3A_189 = arith.constant 0 : index
    %get3A_190 = arith.index_cast %arg0 : i32 to index
    %get3A_191 = arith.constant 11 : index
    %get3A_192 = memref.load %arg1[%get3A_189, %get3A_190, %get3A_191] : memref<1x30x128xf32, #tpu.memory_space<smem>>
    %mul3A_193 = vector.broadcast %get3A_192 : f32 to vector<128x128xf32>
    %mul3A_194 = arith.mulf %get3A_188, %mul3A_193 : vector<128x128xf32>
    %swap3A_195 = arith.constant 11 : index
    %swap3A_196 = arith.constant 0 : index
    %swap3A_197 = arith.constant 0 : index
    %swap3A_198 = vector.load %arg4[%swap3A_195, %swap3A_196, %swap3A_197] : memref<128x128x128xf32, #tpu.memory_space<vmem>>, vector<1x128x128xf32>
    %swap3A_199 = vector.shape_cast %swap3A_198 : vector<1x128x128xf32> to vector<128x128xf32>
    %swap3A_200 = vector.shape_cast %mul3A_194 : vector<128x128xf32> to vector<1x128x128xf32>
    tpu.vector_store %arg4[%swap3A_195, %swap3A_196, %swap3A_197], %swap3A_200 {strides = array<i32>} : memref<128x128x128xf32, #tpu.memory_space<vmem>>, vector<1x128x128xf32>,
    %get3A_201 = arith.constant 12 : index
    %get3A_202 = arith.constant 0 : index
    %get3A_203 = arith.constant 0 : index
    %get3A_204 = vector.load %arg2[%get3A_201, %get3A_202, %get3A_203] : memref<128x128x128xf32, #tpu.memory_space<vmem>>, vector<1x128x128xf32>
    %get3A_205 = vector.shape_cast %get3A_204 : vector<1x128x128xf32> to vector<128x128xf32>
    %get3A_206 = arith.constant 0 : index
    %get3A_207 = arith.index_cast %arg0 : i32 to index
    %get3A_208 = arith.constant 12 : index
    %get3A_209 = memref.load %arg1[%get3A_206, %get3A_207, %get3A_208] : memref<1x30x128xf32, #tpu.memory_space<smem>>
    %mul3A_210 = vector.broadcast %get3A_209 : f32 to vector<128x128xf32>
    %mul3A_211 = arith.mulf %get3A_205, %mul3A_210 : vector<128x128xf32>
    %swap3A_212 = arith.constant 12 : index
    %swap3A_213 = arith.constant 0 : index
    %swap3A_214 = arith.constant 0 : index
    %swap3A_215 = vector.load %arg4[%swap3A_212, %swap3A_213, %swap3A_214] : memref<128x128x128xf32, #tpu.memory_space<vmem>>, vector<1x128x128xf32>
    %swap3A_216 = vector.shape_cast %swap3A_215 : vector<1x128x128xf32> to vector<128x128xf32>
    %swap3A_217 = vector.shape_cast %mul3A_211 : vector<128x128xf32> to vector<1x128x128xf32>
    tpu.vector_store %arg4[%swap3A_212, %swap3A_213, %swap3A_214], %swap3A_217 {strides = array<i32>} : memref<128x128x128xf32, #tpu.memory_space<vmem>>, vector<1x128x128xf32>,
    %get3A_218 = arith.constant 13 : index
    %get3A_219 = arith.constant 0 : index
    %get3A_220 = arith.constant 0 : index
    %get3A_221 = vector.load %arg2[%get3A_218, %get3A_219, %get3A_220] : memref<128x128x128xf32, #tpu.memory_space<vmem>>, vector<1x128x128xf32>
    %get3A_222 = vector.shape_cast %get3A_221 : vector<1x128x128xf32> to vector<128x128xf32>
    %get3A_223 = arith.constant 0 : index
    %get3A_224 = arith.index_cast %arg0 : i32 to index
    %get3A_225 = arith.constant 13 : index
    %get3A_226 = memref.load %arg1[%get3A_223, %get3A_224, %get3A_225] : memref<1x30x128xf32, #tpu.memory_space<smem>>
    %mul3A_227 = vector.broadcast %get3A_226 : f32 to vector<128x128xf32>
    %mul3A_228 = arith.mulf %get3A_222, %mul3A_227 : vector<128x128xf32>
    %swap3A_229 = arith.constant 13 : index
    %swap3A_230 = arith.constant 0 : index
    %swap3A_231 = arith.constant 0 : index
    %swap3A_232 = vector.load %arg4[%swap3A_229, %swap3A_230, %swap3A_231] : memref<128x128x128xf32, #tpu.memory_space<vmem>>, vector<1x128x128xf32>
    %swap3A_233 = vector.shape_cast %swap3A_232 : vector<1x128x128xf32> to vector<128x128xf32>
    %swap3A_234 = vector.shape_cast %mul3A_228 : vector<128x128xf32> to vector<1x128x128xf32>
    tpu.vector_store %arg4[%swap3A_229, %swap3A_230, %swap3A_231], %swap3A_234 {strides = array<i32>} : memref<128x128x128xf32, #tpu.memory_space<vmem>>, vector<1x128x128xf32>,
    %get3A_235 = arith.constant 14 : index
    %get3A_236 = arith.constant 0 : index
    %get3A_237 = arith.constant 0 : index
    %get3A_238 = vector.load %arg2[%get3A_235, %get3A_236, %get3A_237] : memref<128x128x128xf32, #tpu.memory_space<vmem>>, vector<1x128x128xf32>
    %get3A_239 = vector.shape_cast %get3A_238 : vector<1x128x128xf32> to vector<128x128xf32>
    %get3A_240 = arith.constant 0 : index
    %get3A_241 = arith.index_cast %arg0 : i32 to index
    %get3A_242 = arith.constant 14 : index
    %get3A_243 = memref.load %arg1[%get3A_240, %get3A_241, %get3A_242] : memref<1x30x128xf32, #tpu.memory_space<smem>>
    %mul3A_244 = vector.broadcast %get3A_243 : f32 to vector<128x128xf32>
    %mul3A_245 = arith.mulf %get3A_239, %mul3A_244 : vector<128x128xf32>
    %swap3A_246 = arith.constant 14 : index
    %swap3A_247 = arith.constant 0 : index
    %swap3A_248 = arith.constant 0 : index
    %swap3A_249 = vector.load %arg4[%swap3A_246, %swap3A_247, %swap3A_248] : memref<128x128x128xf32, #tpu.memory_space<vmem>>, vector<1x128x128xf32>
    %swap3A_250 = vector.shape_cast %swap3A_249 : vector<1x128x128xf32> to vector<128x128xf32>
    %swap3A_251 = vector.shape_cast %mul3A_245 : vector<128x128xf32> to vector<1x128x128xf32>
    tpu.vector_store %arg4[%swap3A_246, %swap3A_247, %swap3A_248], %swap3A_251 {strides = array<i32>} : memref<128x128x128xf32, #tpu.memory_space<vmem>>, vector<1x128x128xf32>,
    %get3A_252 = arith.constant 15 : index
    %get3A_253 = arith.constant 0 : index
    %get3A_254 = arith.constant 0 : index
    %get3A_255 = vector.load %arg2[%get3A_252, %get3A_253, %get3A_254] : memref<128x128x128xf32, #tpu.memory_space<vmem>>, vector<1x128x128xf32>
    %get3A_256 = vector.shape_cast %get3A_255 : vector<1x128x128xf32> to vector<128x128xf32>
    %get3A_257 = arith.constant 0 : index
    %get3A_258 = arith.index_cast %arg0 : i32 to index
    %get3A_259 = arith.constant 15 : index
    %get3A_260 = memref.load %arg1[%get3A_257, %get3A_258, %get3A_259] : memref<1x30x128xf32, #tpu.memory_space<smem>>
    %mul3A_261 = vector.broadcast %get3A_260 : f32 to vector<128x128xf32>
    %mul3A_262 = arith.mulf %get3A_256, %mul3A_261 : vector<128x128xf32>
    %swap3A_263 = arith.constant 15 : index
    %swap3A_264 = arith.constant 0 : index
    %swap3A_265 = arith.constant 0 : index
    %swap3A_266 = vector.load %arg4[%swap3A_263, %swap3A_264, %swap3A_265] : memref<128x128x128xf32, #tpu.memory_space<vmem>>, vector<1x128x128xf32>
    %swap3A_267 = vector.shape_cast %swap3A_266 : vector<1x128x128xf32> to vector<128x128xf32>
    %swap3A_268 = vector.shape_cast %mul3A_262 : vector<128x128xf32> to vector<1x128x128xf32>
    tpu.vector_store %arg4[%swap3A_263, %swap3A_264, %swap3A_265], %swap3A_268 {strides = array<i32>} : memref<128x128x128xf32, #tpu.memory_space<vmem>>, vector<1x128x128xf32>,
    %get3A_269 = arith.constant 16 : index
    %get3A_270 = arith.constant 0 : index
    %get3A_271 = arith.constant 0 : index
    %get3A_272 = vector.load %arg2[%get3A_269, %get3A_270, %get3A_271] : memref<128x128x128xf32, #tpu.memory_space<vmem>>, vector<1x128x128xf32>
    %get3A_273 = vector.shape_cast %get3A_272 : vector<1x128x128xf32> to vector<128x128xf32>
    %get3A_274 = arith.constant 0 : index
    %get3A_275 = arith.index_cast %arg0 : i32 to index
    %get3A_276 = arith.constant 16 : index
    %get3A_277 = memref.load %arg1[%get3A_274, %get3A_275, %get3A_276] : memref<1x30x128xf32, #tpu.memory_space<smem>>
    %mul3A_278 = vector.broadcast %get3A_277 : f32 to vector<128x128xf32>
    %mul3A_279 = arith.mulf %get3A_273, %mul3A_278 : vector<128x128xf32>
    %swap3A_280 = arith.constant 16 : index
    %swap3A_281 = arith.constant 0 : index
    %swap3A_282 = arith.constant 0 : index
    %swap3A_283 = vector.load %arg4[%swap3A_280, %swap3A_281, %swap3A_282] : memref<128x128x128xf32, #tpu.memory_space<vmem>>, vector<1x128x128xf32>
    %swap3A_284 = vector.shape_cast %swap3A_283 : vector<1x128x128xf32> to vector<128x128xf32>
    %swap3A_285 = vector.shape_cast %mul3A_279 : vector<128x128xf32> to vector<1x128x128xf32>
    tpu.vector_store %arg4[%swap3A_280, %swap3A_281, %swap3A_282], %swap3A_285 {strides = array<i32>} : memref<128x128x128xf32, #tpu.memory_space<vmem>>, vector<1x128x128xf32>,
    %get3A_286 = arith.constant 17 : index
    %get3A_287 = arith.constant 0 : index
    %get3A_288 = arith.constant 0 : index
    %get3A_289 = vector.load %arg2[%get3A_286, %get3A_287, %get3A_288] : memref<128x128x128xf32, #tpu.memory_space<vmem>>, vector<1x128x128xf32>
    %get3A_290 = vector.shape_cast %get3A_289 : vector<1x128x128xf32> to vector<128x128xf32>
    %get3A_291 = arith.constant 0 : index
    %get3A_292 = arith.index_cast %arg0 : i32 to index
    %get3A_293 = arith.constant 17 : index
    %get3A_294 = memref.load %arg1[%get3A_291, %get3A_292, %get3A_293] : memref<1x30x128xf32, #tpu.memory_space<smem>>
    %mul3A_295 = vector.broadcast %get3A_294 : f32 to vector<128x128xf32>
    %mul3A_296 = arith.mulf %get3A_290, %mul3A_295 : vector<128x128xf32>
    %swap3A_297 = arith.constant 17 : index
    %swap3A_298 = arith.constant 0 : index
    %swap3A_299 = arith.constant 0 : index
    %swap3A_300 = vector.load %arg4[%swap3A_297, %swap3A_298, %swap3A_299] : memref<128x128x128xf32, #tpu.memory_space<vmem>>, vector<1x128x128xf32>
    %swap3A_301 = vector.shape_cast %swap3A_300 : vector<1x128x128xf32> to vector<128x128xf32>
    %swap3A_302 = vector.shape_cast %mul3A_296 : vector<128x128xf32> to vector<1x128x128xf32>
    tpu.vector_store %arg4[%swap3A_297, %swap3A_298, %swap3A_299], %swap3A_302 {strides = array<i32>} : memref<128x128x128xf32, #tpu.memory_space<vmem>>, vector<1x128x128xf32>,
    %get3A_303 = arith.constant 18 : index
    %get3A_304 = arith.constant 0 : index
    %get3A_305 = arith.constant 0 : index
    %get3A_306 = vector.load %arg2[%get3A_303, %get3A_304, %get3A_305] : memref<128x128x128xf32, #tpu.memory_space<vmem>>, vector<1x128x128xf32>
    %get3A_307 = vector.shape_cast %get3A_306 : vector<1x128x128xf32> to vector<128x128xf32>
    %get3A_308 = arith.constant 0 : index
    %get3A_309 = arith.index_cast %arg0 : i32 to index
    %get3A_310 = arith.constant 18 : index
    %get3A_311 = memref.load %arg1[%get3A_308, %get3A_309, %get3A_310] : memref<1x30x128xf32, #tpu.memory_space<smem>>
    %mul3A_312 = vector.broadcast %get3A_311 : f32 to vector<128x128xf32>
    %mul3A_313 = arith.mulf %get3A_307, %mul3A_312 : vector<128x128xf32>
    %swap3A_314 = arith.constant 18 : index
    %swap3A_315 = arith.constant 0 : index
    %swap3A_316 = arith.constant 0 : index
    %swap3A_317 = vector.load %arg4[%swap3A_314, %swap3A_315, %swap3A_316] : memref<128x128x128xf32, #tpu.memory_space<vmem>>, vector<1x128x128xf32>
    %swap3A_318 = vector.shape_cast %swap3A_317 : vector<1x128x128xf32> to vector<128x128xf32>
    %swap3A_319 = vector.shape_cast %mul3A_313 : vector<128x128xf32> to vector<1x128x128xf32>
    tpu.vector_store %arg4[%swap3A_314, %swap3A_315, %swap3A_316], %swap3A_319 {strides = array<i32>} : memref<128x128x128xf32, #tpu.memory_space<vmem>>, vector<1x128x128xf32>,
    %get3A_320 = arith.constant 19 : index
    %get3A_321 = arith.constant 0 : index
    %get3A_322 = arith.constant 0 : index
    %get3A_323 = vector.load %arg2[%get3A_320, %get3A_321, %get3A_322] : memref<128x128x128xf32, #tpu.memory_space<vmem>>, vector<1x128x128xf32>
    %get3A_324 = vector.shape_cast %get3A_323 : vector<1x128x128xf32> to vector<128x128xf32>
    %get3A_325 = arith.constant 0 : index
    %get3A_326 = arith.index_cast %arg0 : i32 to index
    %get3A_327 = arith.constant 19 : index
    %get3A_328 = memref.load %arg1[%get3A_325, %get3A_326, %get3A_327] : memref<1x30x128xf32, #tpu.memory_space<smem>>
    %mul3A_329 = vector.broadcast %get3A_328 : f32 to vector<128x128xf32>
    %mul3A_330 = arith.mulf %get3A_324, %mul3A_329 : vector<128x128xf32>
    %swap3A_331 = arith.constant 19 : index
    %swap3A_332 = arith.constant 0 : index
    %swap3A_333 = arith.constant 0 : index
    %swap3A_334 = vector.load %arg4[%swap3A_331, %swap3A_332, %swap3A_333] : memref<128x128x128xf32, #tpu.memory_space<vmem>>, vector<1x128x128xf32>
    %swap3A_335 = vector.shape_cast %swap3A_334 : vector<1x128x128xf32> to vector<128x128xf32>
    %swap3A_336 = vector.shape_cast %mul3A_330 : vector<128x128xf32> to vector<1x128x128xf32>
    tpu.vector_store %arg4[%swap3A_331, %swap3A_332, %swap3A_333], %swap3A_336 {strides = array<i32>} : memref<128x128x128xf32, #tpu.memory_space<vmem>>, vector<1x128x128xf32>,
    %get3A_337 = arith.constant 20 : index
    %get3A_338 = arith.constant 0 : index
    %get3A_339 = arith.constant 0 : index
    %get3A_340 = vector.load %arg2[%get3A_337, %get3A_338, %get3A_339] : memref<128x128x128xf32, #tpu.memory_space<vmem>>, vector<1x128x128xf32>
    %get3A_341 = vector.shape_cast %get3A_340 : vector<1x128x128xf32> to vector<128x128xf32>
    %get3A_342 = arith.constant 0 : index
    %get3A_343 = arith.index_cast %arg0 : i32 to index
    %get3A_344 = arith.constant 20 : index
    %get3A_345 = memref.load %arg1[%get3A_342, %get3A_343, %get3A_344] : memref<1x30x128xf32, #tpu.memory_space<smem>>
    %mul3A_346 = vector.broadcast %get3A_345 : f32 to vector<128x128xf32>
    %mul3A_347 = arith.mulf %get3A_341, %mul3A_346 : vector<128x128xf32>
    %swap3A_348 = arith.constant 20 : index
    %swap3A_349 = arith.constant 0 : index
    %swap3A_350 = arith.constant 0 : index
    %swap3A_351 = vector.load %arg4[%swap3A_348, %swap3A_349, %swap3A_350] : memref<128x128x128xf32, #tpu.memory_space<vmem>>, vector<1x128x128xf32>
    %swap3A_352 = vector.shape_cast %swap3A_351 : vector<1x128x128xf32> to vector<128x128xf32>
    %swap3A_353 = vector.shape_cast %mul3A_347 : vector<128x128xf32> to vector<1x128x128xf32>
    tpu.vector_store %arg4[%swap3A_348, %swap3A_349, %swap3A_350], %swap3A_353 {strides = array<i32>} : memref<128x128x128xf32, #tpu.memory_space<vmem>>, vector<1x128x128xf32>,
    %get3A_354 = arith.constant 21 : index
    %get3A_355 = arith.constant 0 : index
    %get3A_356 = arith.constant 0 : index
    %get3A_357 = vector.load %arg2[%get3A_354, %get3A_355, %get3A_356] : memref<128x128x128xf32, #tpu.memory_space<vmem>>, vector<1x128x128xf32>
    %get3A_358 = vector.shape_cast %get3A_357 : vector<1x128x128xf32> to vector<128x128xf32>
    %get3A_359 = arith.constant 0 : index
    %get3A_360 = arith.index_cast %arg0 : i32 to index
    %get3A_361 = arith.constant 21 : index
    %get3A_362 = memref.load %arg1[%get3A_359, %get3A_360, %get3A_361] : memref<1x30x128xf32, #tpu.memory_space<smem>>
    %mul3A_363 = vector.broadcast %get3A_362 : f32 to vector<128x128xf32>
    %mul3A_364 = arith.mulf %get3A_358, %mul3A_363 : vector<128x128xf32>
    %swap3A_365 = arith.constant 21 : index
    %swap3A_366 = arith.constant 0 : index
    %swap3A_367 = arith.constant 0 : index
    %swap3A_368 = vector.load %arg4[%swap3A_365, %swap3A_366, %swap3A_367] : memref<128x128x128xf32, #tpu.memory_space<vmem>>, vector<1x128x128xf32>
    %swap3A_369 = vector.shape_cast %swap3A_368 : vector<1x128x128xf32> to vector<128x128xf32>
    %swap3A_370 = vector.shape_cast %mul3A_364 : vector<128x128xf32> to vector<1x128x128xf32>
    tpu.vector_store %arg4[%swap3A_365, %swap3A_366, %swap3A_367], %swap3A_370 {strides = array<i32>} : memref<128x128x128xf32, #tpu.memory_space<vmem>>, vector<1x128x128xf32>,
    %get3A_371 = arith.constant 22 : index
    %get3A_372 = arith.constant 0 : index
    %get3A_373 = arith.constant 0 : index
    %get3A_374 = vector.load %arg2[%get3A_371, %get3A_372, %get3A_373] : memref<128x128x128xf32, #tpu.memory_space<vmem>>, vector<1x128x128xf32>
    %get3A_375 = vector.shape_cast %get3A_374 : vector<1x128x128xf32> to vector<128x128xf32>
    %get3A_376 = arith.constant 0 : index
    %get3A_377 = arith.index_cast %arg0 : i32 to index
    %get3A_378 = arith.constant 22 : index
    %get3A_379 = memref.load %arg1[%get3A_376, %get3A_377, %get3A_378] : memref<1x30x128xf32, #tpu.memory_space<smem>>
    %mul3A_380 = vector.broadcast %get3A_379 : f32 to vector<128x128xf32>
    %mul3A_381 = arith.mulf %get3A_375, %mul3A_380 : vector<128x128xf32>
    %swap3A_382 = arith.constant 22 : index
    %swap3A_383 = arith.constant 0 : index
    %swap3A_384 = arith.constant 0 : index
    %swap3A_385 = vector.load %arg4[%swap3A_382, %swap3A_383, %swap3A_384] : memref<128x128x128xf32, #tpu.memory_space<vmem>>, vector<1x128x128xf32>
    %swap3A_386 = vector.shape_cast %swap3A_385 : vector<1x128x128xf32> to vector<128x128xf32>
    %swap3A_387 = vector.shape_cast %mul3A_381 : vector<128x128xf32> to vector<1x128x128xf32>
    tpu.vector_store %arg4[%swap3A_382, %swap3A_383, %swap3A_384], %swap3A_387 {strides = array<i32>} : memref<128x128x128xf32, #tpu.memory_space<vmem>>, vector<1x128x128xf32>,
    %get3A_388 = arith.constant 23 : index
    %get3A_389 = arith.constant 0 : index
    %get3A_390 = arith.constant 0 : index
    %get3A_391 = vector.load %arg2[%get3A_388, %get3A_389, %get3A_390] : memref<128x128x128xf32, #tpu.memory_space<vmem>>, vector<1x128x128xf32>
    %get3A_392 = vector.shape_cast %get3A_391 : vector<1x128x128xf32> to vector<128x128xf32>
    %get3A_393 = arith.constant 0 : index
    %get3A_394 = arith.index_cast %arg0 : i32 to index
    %get3A_395 = arith.constant 23 : index
    %get3A_396 = memref.load %arg1[%get3A_393, %get3A_394, %get3A_395] : memref<1x30x128xf32, #tpu.memory_space<smem>>
    %mul3A_397 = vector.broadcast %get3A_396 : f32 to vector<128x128xf32>
    %mul3A_398 = arith.mulf %get3A_392, %mul3A_397 : vector<128x128xf32>
    %swap3A_399 = arith.constant 23 : index
    %swap3A_400 = arith.constant 0 : index
    %swap3A_401 = arith.constant 0 : index
    %swap3A_402 = vector.load %arg4[%swap3A_399, %swap3A_400, %swap3A_401] : memref<128x128x128xf32, #tpu.memory_space<vmem>>, vector<1x128x128xf32>
    %swap3A_403 = vector.shape_cast %swap3A_402 : vector<1x128x128xf32> to vector<128x128xf32>
    %swap3A_404 = vector.shape_cast %mul3A_398 : vector<128x128xf32> to vector<1x128x128xf32>
    tpu.vector_store %arg4[%swap3A_399, %swap3A_400, %swap3A_401], %swap3A_404 {strides = array<i32>} : memref<128x128x128xf32, #tpu.memory_space<vmem>>, vector<1x128x128xf32>,
    %get3A_405 = arith.constant 24 : index
    %get3A_406 = arith.constant 0 : index
    %get3A_407 = arith.constant 0 : index
    %get3A_408 = vector.load %arg2[%get3A_405, %get3A_406, %get3A_407] : memref<128x128x128xf32, #tpu.memory_space<vmem>>, vector<1x128x128xf32>
    %get3A_409 = vector.shape_cast %get3A_408 : vector<1x128x128xf32> to vector<128x128xf32>
    %get3A_410 = arith.constant 0 : index
    %get3A_411 = arith.index_cast %arg0 : i32 to index
    %get3A_412 = arith.constant 24 : index
    %get3A_413 = memref.load %arg1[%get3A_410, %get3A_411, %get3A_412] : memref<1x30x128xf32, #tpu.memory_space<smem>>
    %mul3A_414 = vector.broadcast %get3A_413 : f32 to vector<128x128xf32>
    %mul3A_415 = arith.mulf %get3A_409, %mul3A_414 : vector<128x128xf32>
    %swap3A_416 = arith.constant 24 : index
    %swap3A_417 = arith.constant 0 : index
    %swap3A_418 = arith.constant 0 : index
    %swap3A_419 = vector.load %arg4[%swap3A_416, %swap3A_417, %swap3A_418] : memref<128x128x128xf32, #tpu.memory_space<vmem>>, vector<1x128x128xf32>
    %swap3A_420 = vector.shape_cast %swap3A_419 : vector<1x128x128xf32> to vector<128x128xf32>
    %swap3A_421 = vector.shape_cast %mul3A_415 : vector<128x128xf32> to vector<1x128x128xf32>
    tpu.vector_store %arg4[%swap3A_416, %swap3A_417, %swap3A_418], %swap3A_421 {strides = array<i32>} : memref<128x128x128xf32, #tpu.memory_space<vmem>>, vector<1x128x128xf32>,
    %get3A_422 = arith.constant 25 : index
    %get3A_423 = arith.constant 0 : index
    %get3A_424 = arith.constant 0 : index
    %get3A_425 = vector.load %arg2[%get3A_422, %get3A_423, %get3A_424] : memref<128x128x128xf32, #tpu.memory_space<vmem>>, vector<1x128x128xf32>
    %get3A_426 = vector.shape_cast %get3A_425 : vector<1x128x128xf32> to vector<128x128xf32>
    %get3A_427 = arith.constant 0 : index
    %get3A_428 = arith.index_cast %arg0 : i32 to index
    %get3A_429 = arith.constant 25 : index
    %get3A_430 = memref.load %arg1[%get3A_427, %get3A_428, %get3A_429] : memref<1x30x128xf32, #tpu.memory_space<smem>>
    %mul3A_431 = vector.broadcast %get3A_430 : f32 to vector<128x128xf32>
    %mul3A_432 = arith.mulf %get3A_426, %mul3A_431 : vector<128x128xf32>
    %swap3A_433 = arith.constant 25 : index
    %swap3A_434 = arith.constant 0 : index
    %swap3A_435 = arith.constant 0 : index
    %swap3A_436 = vector.load %arg4[%swap3A_433, %swap3A_434, %swap3A_435] : memref<128x128x128xf32, #tpu.memory_space<vmem>>, vector<1x128x128xf32>
    %swap3A_437 = vector.shape_cast %swap3A_436 : vector<1x128x128xf32> to vector<128x128xf32>
    %swap3A_438 = vector.shape_cast %mul3A_432 : vector<128x128xf32> to vector<1x128x128xf32>
    tpu.vector_store %arg4[%swap3A_433, %swap3A_434, %swap3A_435], %swap3A_438 {strides = array<i32>} : memref<128x128x128xf32, #tpu.memory_space<vmem>>, vector<1x128x128xf32>,
    %get3A_439 = arith.constant 26 : index
    %get3A_440 = arith.constant 0 : index
    %get3A_441 = arith.constant 0 : index
    %get3A_442 = vector.load %arg2[%get3A_439, %get3A_440, %get3A_441] : memref<128x128x128xf32, #tpu.memory_space<vmem>>, vector<1x128x128xf32>
    %get3A_443 = vector.shape_cast %get3A_442 : vector<1x128x128xf32> to vector<128x128xf32>
    %get3A_444 = arith.constant 0 : index
    %get3A_445 = arith.index_cast %arg0 : i32 to index
    %get3A_446 = arith.constant 26 : index
    %get3A_447 = memref.load %arg1[%get3A_444, %get3A_445, %get3A_446] : memref<1x30x128xf32, #tpu.memory_space<smem>>
    %mul3A_448 = vector.broadcast %get3A_447 : f32 to vector<128x128xf32>
    %mul3A_449 = arith.mulf %get3A_443, %mul3A_448 : vector<128x128xf32>
    %swap3A_450 = arith.constant 26 : index
    %swap3A_451 = arith.constant 0 : index
    %swap3A_452 = arith.constant 0 : index
    %swap3A_453 = vector.load %arg4[%swap3A_450, %swap3A_451, %swap3A_452] : memref<128x128x128xf32, #tpu.memory_space<vmem>>, vector<1x128x128xf32>
    %swap3A_454 = vector.shape_cast %swap3A_453 : vector<1x128x128xf32> to vector<128x128xf32>
    %swap3A_455 = vector.shape_cast %mul3A_449 : vector<128x128xf32> to vector<1x128x128xf32>
    tpu.vector_store %arg4[%swap3A_450, %swap3A_451, %swap3A_452], %swap3A_455 {strides = array<i32>} : memref<128x128x128xf32, #tpu.memory_space<vmem>>, vector<1x128x128xf32>,
    %get3A_456 = arith.constant 27 : index
    %get3A_457 = arith.constant 0 : index
    %get3A_458 = arith.constant 0 : index
    %get3A_459 = vector.load %arg2[%get3A_456, %get3A_457, %get3A_458] : memref<128x128x128xf32, #tpu.memory_space<vmem>>, vector<1x128x128xf32>
    %get3A_460 = vector.shape_cast %get3A_459 : vector<1x128x128xf32> to vector<128x128xf32>
    %get3A_461 = arith.constant 0 : index
    %get3A_462 = arith.index_cast %arg0 : i32 to index
    %get3A_463 = arith.constant 27 : index
    %get3A_464 = memref.load %arg1[%get3A_461, %get3A_462, %get3A_463] : memref<1x30x128xf32, #tpu.memory_space<smem>>
    %mul3A_465 = vector.broadcast %get3A_464 : f32 to vector<128x128xf32>
    %mul3A_466 = arith.mulf %get3A_460, %mul3A_465 : vector<128x128xf32>
    %swap3A_467 = arith.constant 27 : index
    %swap3A_468 = arith.constant 0 : index
    %swap3A_469 = arith.constant 0 : index
    %swap3A_470 = vector.load %arg4[%swap3A_467, %swap3A_468, %swap3A_469] : memref<128x128x128xf32, #tpu.memory_space<vmem>>, vector<1x128x128xf32>
    %swap3A_471 = vector.shape_cast %swap3A_470 : vector<1x128x128xf32> to vector<128x128xf32>
    %swap3A_472 = vector.shape_cast %mul3A_466 : vector<128x128xf32> to vector<1x128x128xf32>
    tpu.vector_store %arg4[%swap3A_467, %swap3A_468, %swap3A_469], %swap3A_472 {strides = array<i32>} : memref<128x128x128xf32, #tpu.memory_space<vmem>>, vector<1x128x128xf32>,
    %get3A_473 = arith.constant 28 : index
    %get3A_474 = arith.constant 0 : index
    %get3A_475 = arith.constant 0 : index
    %get3A_476 = vector.load %arg2[%get3A_473, %get3A_474, %get3A_475] : memref<128x128x128xf32, #tpu.memory_space<vmem>>, vector<1x128x128xf32>
    %get3A_477 = vector.shape_cast %get3A_476 : vector<1x128x128xf32> to vector<128x128xf32>
    %get3A_478 = arith.constant 0 : index
    %get3A_479 = arith.index_cast %arg0 : i32 to index
    %get3A_480 = arith.constant 28 : index
    %get3A_481 = memref.load %arg1[%get3A_478, %get3A_479, %get3A_480] : memref<1x30x128xf32, #tpu.memory_space<smem>>
    %mul3A_482 = vector.broadcast %get3A_481 : f32 to vector<128x128xf32>
    %mul3A_483 = arith.mulf %get3A_477, %mul3A_482 : vector<128x128xf32>
    %swap3A_484 = arith.constant 28 : index
    %swap3A_485 = arith.constant 0 : index
    %swap3A_486 = arith.constant 0 : index
    %swap3A_487 = vector.load %arg4[%swap3A_484, %swap3A_485, %swap3A_486] : memref<128x128x128xf32, #tpu.memory_space<vmem>>, vector<1x128x128xf32>
    %swap3A_488 = vector.shape_cast %swap3A_487 : vector<1x128x128xf32> to vector<128x128xf32>
    %swap3A_489 = vector.shape_cast %mul3A_483 : vector<128x128xf32> to vector<1x128x128xf32>
    tpu.vector_store %arg4[%swap3A_484, %swap3A_485, %swap3A_486], %swap3A_489 {strides = array<i32>} : memref<128x128x128xf32, #tpu.memory_space<vmem>>, vector<1x128x128xf32>,
    %get3A_490 = arith.constant 29 : index
    %get3A_491 = arith.constant 0 : index
    %get3A_492 = arith.constant 0 : index
    %get3A_493 = vector.load %arg2[%get3A_490, %get3A_491, %get3A_492] : memref<128x128x128xf32, #tpu.memory_space<vmem>>, vector<1x128x128xf32>
    %get3A_494 = vector.shape_cast %get3A_493 : vector<1x128x128xf32> to vector<128x128xf32>
    %get3A_495 = arith.constant 0 : index
    %get3A_496 = arith.index_cast %arg0 : i32 to index
    %get3A_497 = arith.constant 29 : index
    %get3A_498 = memref.load %arg1[%get3A_495, %get3A_496, %get3A_497] : memref<1x30x128xf32, #tpu.memory_space<smem>>
    %mul3A_499 = vector.broadcast %get3A_498 : f32 to vector<128x128xf32>
    %mul3A_500 = arith.mulf %get3A_494, %mul3A_499 : vector<128x128xf32>
    %swap3A_501 = arith.constant 29 : index
    %swap3A_502 = arith.constant 0 : index
    %swap3A_503 = arith.constant 0 : index
    %swap3A_504 = vector.load %arg4[%swap3A_501, %swap3A_502, %swap3A_503] : memref<128x128x128xf32, #tpu.memory_space<vmem>>, vector<1x128x128xf32>
    %swap3A_505 = vector.shape_cast %swap3A_504 : vector<1x128x128xf32> to vector<128x128xf32>
    %swap3A_506 = vector.shape_cast %mul3A_500 : vector<128x128xf32> to vector<1x128x128xf32>
    tpu.vector_store %arg4[%swap3A_501, %swap3A_502, %swap3A_503], %swap3A_506 {strides = array<i32>} : memref<128x128x128xf32, #tpu.memory_space<vmem>>, vector<1x128x128xf32>,
    %get3A_507 = arith.constant 30 : index
    %get3A_508 = arith.constant 0 : index
    %get3A_509 = arith.constant 0 : index
    %get3A_510 = vector.load %arg2[%get3A_507, %get3A_508, %get3A_509] : memref<128x128x128xf32, #tpu.memory_space<vmem>>, vector<1x128x128xf32>
    %get3A_511 = vector.shape_cast %get3A_510 : vector<1x128x128xf32> to vector<128x128xf32>
    %get3A_512 = arith.constant 0 : index
    %get3A_513 = arith.index_cast %arg0 : i32 to index
    %get3A_514 = arith.constant 30 : index
    %get3A_515 = memref.load %arg1[%get3A_512, %get3A_513, %get3A_514] : memref<1x30x128xf32, #tpu.memory_space<smem>>
    %mul3A_516 = vector.broadcast %get3A_515 : f32 to vector<128x128xf32>
    %mul3A_517 = arith.mulf %get3A_511, %mul3A_516 : vector<128x128xf32>
    %swap3A_518 = arith.constant 30 : index
    %swap3A_519 = arith.constant 0 : index
    %swap3A_520 = arith.constant 0 : index
    %swap3A_521 = vector.load %arg4[%swap3A_518, %swap3A_519, %swap3A_520] : memref<128x128x128xf32, #tpu.memory_space<vmem>>, vector<1x128x128xf32>
    %swap3A_522 = vector.shape_cast %swap3A_521 : vector<1x128x128xf32> to vector<128x128xf32>
    %swap3A_523 = vector.shape_cast %mul3A_517 : vector<128x128xf32> to vector<1x128x128xf32>
    tpu.vector_store %arg4[%swap3A_518, %swap3A_519, %swap3A_520], %swap3A_523 {strides = array<i32>} : memref<128x128x128xf32, #tpu.memory_space<vmem>>, vector<1x128x128xf32>,
    %get3A_524 = arith.constant 31 : index
    %get3A_525 = arith.constant 0 : index
    %get3A_526 = arith.constant 0 : index
    %get3A_527 = vector.load %arg2[%get3A_524, %get3A_525, %get3A_526] : memref<128x128x128xf32, #tpu.memory_space<vmem>>, vector<1x128x128xf32>
    %get3A_528 = vector.shape_cast %get3A_527 : vector<1x128x128xf32> to vector<128x128xf32>
    %get3A_529 = arith.constant 0 : index
    %get3A_530 = arith.index_cast %arg0 : i32 to index
    %get3A_531 = arith.constant 31 : index
    %get3A_532 = memref.load %arg1[%get3A_529, %get3A_530, %get3A_531] : memref<1x30x128xf32, #tpu.memory_space<smem>>
    %mul3A_533 = vector.broadcast %get3A_532 : f32 to vector<128x128xf32>
    %mul3A_534 = arith.mulf %get3A_528, %mul3A_533 : vector<128x128xf32>
    %swap3A_535 = arith.constant 31 : index
    %swap3A_536 = arith.constant 0 : index
    %swap3A_537 = arith.constant 0 : index
    %swap3A_538 = vector.load %arg4[%swap3A_535, %swap3A_536, %swap3A_537] : memref<128x128x128xf32, #tpu.memory_space<vmem>>, vector<1x128x128xf32>
    %swap3A_539 = vector.shape_cast %swap3A_538 : vector<1x128x128xf32> to vector<128x128xf32>
    %swap3A_540 = vector.shape_cast %mul3A_534 : vector<128x128xf32> to vector<1x128x128xf32>
    tpu.vector_store %arg4[%swap3A_535, %swap3A_536, %swap3A_537], %swap3A_540 {strides = array<i32>} : memref<128x128x128xf32, #tpu.memory_space<vmem>>, vector<1x128x128xf32>,
    %get3A_541 = arith.constant 32 : index
    %get3A_542 = arith.constant 0 : index
    %get3A_543 = arith.constant 0 : index
    %get3A_544 = vector.load %arg2[%get3A_541, %get3A_542, %get3A_543] : memref<128x128x128xf32, #tpu.memory_space<vmem>>, vector<1x128x128xf32>
    %get3A_545 = vector.shape_cast %get3A_544 : vector<1x128x128xf32> to vector<128x128xf32>
    %get3A_546 = arith.constant 0 : index
    %get3A_547 = arith.index_cast %arg0 : i32 to index
    %get3A_548 = arith.constant 32 : index
    %get3A_549 = memref.load %arg1[%get3A_546, %get3A_547, %get3A_548] : memref<1x30x128xf32, #tpu.memory_space<smem>>
    %mul3A_550 = vector.broadcast %get3A_549 : f32 to vector<128x128xf32>
    %mul3A_551 = arith.mulf %get3A_545, %mul3A_550 : vector<128x128xf32>
    %swap3A_552 = arith.constant 32 : index
    %swap3A_553 = arith.constant 0 : index
    %swap3A_554 = arith.constant 0 : index
    %swap3A_555 = vector.load %arg4[%swap3A_552, %swap3A_553, %swap3A_554] : memref<128x128x128xf32, #tpu.memory_space<vmem>>, vector<1x128x128xf32>
    %swap3A_556 = vector.shape_cast %swap3A_555 : vector<1x128x128xf32> to vector<128x128xf32>
    %swap3A_557 = vector.shape_cast %mul3A_551 : vector<128x128xf32> to vector<1x128x128xf32>
    tpu.vector_store %arg4[%swap3A_552, %swap3A_553, %swap3A_554], %swap3A_557 {strides = array<i32>} : memref<128x128x128xf32, #tpu.memory_space<vmem>>, vector<1x128x128xf32>,
    %get3A_558 = arith.constant 33 : index
    %get3A_559 = arith.constant 0 : index
    %get3A_560 = arith.constant 0 : index
    %get3A_561 = vector.load %arg2[%get3A_558, %get3A_559, %get3A_560] : memref<128x128x128xf32, #tpu.memory_space<vmem>>, vector<1x128x128xf32>
    %get3A_562 = vector.shape_cast %get3A_561 : vector<1x128x128xf32> to vector<128x128xf32>
    %get3A_563 = arith.constant 0 : index
    %get3A_564 = arith.index_cast %arg0 : i32 to index
    %get3A_565 = arith.constant 33 : index
    %get3A_566 = memref.load %arg1[%get3A_563, %get3A_564, %get3A_565] : memref<1x30x128xf32, #tpu.memory_space<smem>>
    %mul3A_567 = vector.broadcast %get3A_566 : f32 to vector<128x128xf32>
    %mul3A_568 = arith.mulf %get3A_562, %mul3A_567 : vector<128x128xf32>
    %swap3A_569 = arith.constant 33 : index
    %swap3A_570 = arith.constant 0 : index
    %swap3A_571 = arith.constant 0 : index
    %swap3A_572 = vector.load %arg4[%swap3A_569, %swap3A_570, %swap3A_571] : memref<128x128x128xf32, #tpu.memory_space<vmem>>, vector<1x128x128xf32>
    %swap3A_573 = vector.shape_cast %swap3A_572 : vector<1x128x128xf32> to vector<128x128xf32>
    %swap3A_574 = vector.shape_cast %mul3A_568 : vector<128x128xf32> to vector<1x128x128xf32>
    tpu.vector_store %arg4[%swap3A_569, %swap3A_570, %swap3A_571], %swap3A_574 {strides = array<i32>} : memref<128x128x128xf32, #tpu.memory_space<vmem>>, vector<1x128x128xf32>,
    %get3A_575 = arith.constant 34 : index
    %get3A_576 = arith.constant 0 : index
    %get3A_577 = arith.constant 0 : index
    %get3A_578 = vector.load %arg2[%get3A_575, %get3A_576, %get3A_577] : memref<128x128x128xf32, #tpu.memory_space<vmem>>, vector<1x128x128xf32>
    %get3A_579 = vector.shape_cast %get3A_578 : vector<1x128x128xf32> to vector<128x128xf32>
    %get3A_580 = arith.constant 0 : index
    %get3A_581 = arith.index_cast %arg0 : i32 to index
    %get3A_582 = arith.constant 34 : index
    %get3A_583 = memref.load %arg1[%get3A_580, %get3A_581, %get3A_582] : memref<1x30x128xf32, #tpu.memory_space<smem>>
    %mul3A_584 = vector.broadcast %get3A_583 : f32 to vector<128x128xf32>
    %mul3A_585 = arith.mulf %get3A_579, %mul3A_584 : vector<128x128xf32>
    %swap3A_586 = arith.constant 34 : index
    %swap3A_587 = arith.constant 0 : index
    %swap3A_588 = arith.constant 0 : index
    %swap3A_589 = vector.load %arg4[%swap3A_586, %swap3A_587, %swap3A_588] : memref<128x128x128xf32, #tpu.memory_space<vmem>>, vector<1x128x128xf32>
    %swap3A_590 = vector.shape_cast %swap3A_589 : vector<1x128x128xf32> to vector<128x128xf32>
    %swap3A_591 = vector.shape_cast %mul3A_585 : vector<128x128xf32> to vector<1x128x128xf32>
    tpu.vector_store %arg4[%swap3A_586, %swap3A_587, %swap3A_588], %swap3A_591 {strides = array<i32>} : memref<128x128x128xf32, #tpu.memory_space<vmem>>, vector<1x128x128xf32>,
    %get3A_592 = arith.constant 35 : index
    %get3A_593 = arith.constant 0 : index
    %get3A_594 = arith.constant 0 : index
    %get3A_595 = vector.load %arg2[%get3A_592, %get3A_593, %get3A_594] : memref<128x128x128xf32, #tpu.memory_space<vmem>>, vector<1x128x128xf32>
    %get3A_596 = vector.shape_cast %get3A_595 : vector<1x128x128xf32> to vector<128x128xf32>
    %get3A_597 = arith.constant 0 : index
    %get3A_598 = arith.index_cast %arg0 : i32 to index
    %get3A_599 = arith.constant 35 : index
    %get3A_600 = memref.load %arg1[%get3A_597, %get3A_598, %get3A_599] : memref<1x30x128xf32, #tpu.memory_space<smem>>
    %mul3A_601 = vector.broadcast %get3A_600 : f32 to vector<128x128xf32>
    %mul3A_602 = arith.mulf %get3A_596, %mul3A_601 : vector<128x128xf32>
    %swap3A_603 = arith.constant 35 : index
    %swap3A_604 = arith.constant 0 : index
    %swap3A_605 = arith.constant 0 : index
    %swap3A_606 = vector.load %arg4[%swap3A_603, %swap3A_604, %swap3A_605] : memref<128x128x128xf32, #tpu.memory_space<vmem>>, vector<1x128x128xf32>
    %swap3A_607 = vector.shape_cast %swap3A_606 : vector<1x128x128xf32> to vector<128x128xf32>
    %swap3A_608 = vector.shape_cast %mul3A_602 : vector<128x128xf32> to vector<1x128x128xf32>
    tpu.vector_store %arg4[%swap3A_603, %swap3A_604, %swap3A_605], %swap3A_608 {strides = array<i32>} : memref<128x128x128xf32, #tpu.memory_space<vmem>>, vector<1x128x128xf32>,
    %get3A_609 = arith.constant 36 : index
    %get3A_610 = arith.constant 0 : index
    %get3A_611 = arith.constant 0 : index
    %get3A_612 = vector.load %arg2[%get3A_609, %get3A_610, %get3A_611] : memref<128x128x128xf32, #tpu.memory_space<vmem>>, vector<1x128x128xf32>
    %get3A_613 = vector.shape_cast %get3A_612 : vector<1x128x128xf32> to vector<128x128xf32>
    %get3A_614 = arith.constant 0 : index
    %get3A_615 = arith.index_cast %arg0 : i32 to index
    %get3A_616 = arith.constant 36 : index
    %get3A_617 = memref.load %arg1[%get3A_614, %get3A_615, %get3A_616] : memref<1x30x128xf32, #tpu.memory_space<smem>>
    %mul3A_618 = vector.broadcast %get3A_617 : f32 to vector<128x128xf32>
    %mul3A_619 = arith.mulf %get3A_613, %mul3A_618 : vector<128x128xf32>
    %swap3A_620 = arith.constant 36 : index
    %swap3A_621 = arith.constant 0 : index
    %swap3A_622 = arith.constant 0 : index
    %swap3A_623 = vector.load %arg4[%swap3A_620, %swap3A_621, %swap3A_622] : memref<128x128x128xf32, #tpu.memory_space<vmem>>, vector<1x128x128xf32>
    %swap3A_624 = vector.shape_cast %swap3A_623 : vector<1x128x128xf32> to vector<128x128xf32>
    %swap3A_625 = vector.shape_cast %mul3A_619 : vector<128x128xf32> to vector<1x128x128xf32>
    tpu.vector_store %arg4[%swap3A_620, %swap3A_621, %swap3A_622], %swap3A_625 {strides = array<i32>} : memref<128x128x128xf32, #tpu.memory_space<vmem>>, vector<1x128x128xf32>,
    %get3A_626 = arith.constant 37 : index
    %get3A_627 = arith.constant 0 : index
    %get3A_628 = arith.constant 0 : index
    %get3A_629 = vector.load %arg2[%get3A_626, %get3A_627, %get3A_628] : memref<128x128x128xf32, #tpu.memory_space<vmem>>, vector<1x128x128xf32>
    %get3A_630 = vector.shape_cast %get3A_629 : vector<1x128x128xf32> to vector<128x128xf32>
    %get3A_631 = arith.constant 0 : index
    %get3A_632 = arith.index_cast %arg0 : i32 to index
    %get3A_633 = arith.constant 37 : index
    %get3A_634 = memref.load %arg1[%get3A_631, %get3A_632, %get3A_633] : memref<1x30x128xf32, #tpu.memory_space<smem>>
    %mul3A_635 = vector.broadcast %get3A_634 : f32 to vector<128x128xf32>
    %mul3A_636 = arith.mulf %get3A_630, %mul3A_635 : vector<128x128xf32>
    %swap3A_637 = arith.constant 37 : index
    %swap3A_638 = arith.constant 0 : index
    %swap3A_639 = arith.constant 0 : index
    %swap3A_640 = vector.load %arg4[%swap3A_637, %swap3A_638, %swap3A_639] : memref<128x128x128xf32, #tpu.memory_space<vmem>>, vector<1x128x128xf32>
    %swap3A_641 = vector.shape_cast %swap3A_640 : vector<1x128x128xf32> to vector<128x128xf32>
    %swap3A_642 = vector.shape_cast %mul3A_636 : vector<128x128xf32> to vector<1x128x128xf32>
    tpu.vector_store %arg4[%swap3A_637, %swap3A_638, %swap3A_639], %swap3A_642 {strides = array<i32>} : memref<128x128x128xf32, #tpu.memory_space<vmem>>, vector<1x128x128xf32>,
    %get3A_643 = arith.constant 38 : index
    %get3A_644 = arith.constant 0 : index
    %get3A_645 = arith.constant 0 : index
    %get3A_646 = vector.load %arg2[%get3A_643, %get3A_644, %get3A_645] : memref<128x128x128xf32, #tpu.memory_space<vmem>>, vector<1x128x128xf32>
    %get3A_647 = vector.shape_cast %get3A_646 : vector<1x128x128xf32> to vector<128x128xf32>
    %get3A_648 = arith.constant 0 : index
    %get3A_649 = arith.index_cast %arg0 : i32 to index
    %get3A_650 = arith.constant 38 : index
    %get3A_651 = memref.load %arg1[%get3A_648, %get3A_649, %get3A_650] : memref<1x30x128xf32, #tpu.memory_space<smem>>
    %mul3A_652 = vector.broadcast %get3A_651 : f32 to vector<128x128xf32>
    %mul3A_653 = arith.mulf %get3A_647, %mul3A_652 : vector<128x128xf32>
    %swap3A_654 = arith.constant 38 : index
    %swap3A_655 = arith.constant 0 : index
    %swap3A_656 = arith.constant 0 : index
    %swap3A_657 = vector.load %arg4[%swap3A_654, %swap3A_655, %swap3A_656] : memref<128x128x128xf32, #tpu.memory_space<vmem>>, vector<1x128x128xf32>
    %swap3A_658 = vector.shape_cast %swap3A_657 : vector<1x128x128xf32> to vector<128x128xf32>
    %swap3A_659 = vector.shape_cast %mul3A_653 : vector<128x128xf32> to vector<1x128x128xf32>
    tpu.vector_store %arg4[%swap3A_654, %swap3A_655, %swap3A_656], %swap3A_659 {strides = array<i32>} : memref<128x128x128xf32, #tpu.memory_space<vmem>>, vector<1x128x128xf32>,
    %get3A_660 = arith.constant 39 : index
    %get3A_661 = arith.constant 0 : index
    %get3A_662 = arith.constant 0 : index
    %get3A_663 = vector.load %arg2[%get3A_660, %get3A_661, %get3A_662] : memref<128x128x128xf32, #tpu.memory_space<vmem>>, vector<1x128x128xf32>
    %get3A_664 = vector.shape_cast %get3A_663 : vector<1x128x128xf32> to vector<128x128xf32>
    %get3A_665 = arith.constant 0 : index
    %get3A_666 = arith.index_cast %arg0 : i32 to index
    %get3A_667 = arith.constant 39 : index
    %get3A_668 = memref.load %arg1[%get3A_665, %get3A_666, %get3A_667] : memref<1x30x128xf32, #tpu.memory_space<smem>>
    %mul3A_669 = vector.broadcast %get3A_668 : f32 to vector<128x128xf32>
    %mul3A_670 = arith.mulf %get3A_664, %mul3A_669 : vector<128x128xf32>
    %swap3A_671 = arith.constant 39 : index
    %swap3A_672 = arith.constant 0 : index
    %swap3A_673 = arith.constant 0 : index
    %swap3A_674 = vector.load %arg4[%swap3A_671, %swap3A_672, %swap3A_673] : memref<128x128x128xf32, #tpu.memory_space<vmem>>, vector<1x128x128xf32>
    %swap3A_675 = vector.shape_cast %swap3A_674 : vector<1x128x128xf32> to vector<128x128xf32>
    %swap3A_676 = vector.shape_cast %mul3A_670 : vector<128x128xf32> to vector<1x128x128xf32>
    tpu.vector_store %arg4[%swap3A_671, %swap3A_672, %swap3A_673], %swap3A_676 {strides = array<i32>} : memref<128x128x128xf32, #tpu.memory_space<vmem>>, vector<1x128x128xf32>,
    %get3A_677 = arith.constant 40 : index
    %get3A_678 = arith.constant 0 : index
    %get3A_679 = arith.constant 0 : index
    %get3A_680 = vector.load %arg2[%get3A_677, %get3A_678, %get3A_679] : memref<128x128x128xf32, #tpu.memory_space<vmem>>, vector<1x128x128xf32>
    %get3A_681 = vector.shape_cast %get3A_680 : vector<1x128x128xf32> to vector<128x128xf32>
    %get3A_682 = arith.constant 0 : index
    %get3A_683 = arith.index_cast %arg0 : i32 to index
    %get3A_684 = arith.constant 40 : index
    %get3A_685 = memref.load %arg1[%get3A_682, %get3A_683, %get3A_684] : memref<1x30x128xf32, #tpu.memory_space<smem>>
    %mul3A_686 = vector.broadcast %get3A_685 : f32 to vector<128x128xf32>
    %mul3A_687 = arith.mulf %get3A_681, %mul3A_686 : vector<128x128xf32>
    %swap3A_688 = arith.constant 40 : index
    %swap3A_689 = arith.constant 0 : index
    %swap3A_690 = arith.constant 0 : index
    %swap3A_691 = vector.load %arg4[%swap3A_688, %swap3A_689, %swap3A_690] : memref<128x128x128xf32, #tpu.memory_space<vmem>>, vector<1x128x128xf32>
    %swap3A_692 = vector.shape_cast %swap3A_691 : vector<1x128x128xf32> to vector<128x128xf32>
    %swap3A_693 = vector.shape_cast %mul3A_687 : vector<128x128xf32> to vector<1x128x128xf32>
    tpu.vector_store %arg4[%swap3A_688, %swap3A_689, %swap3A_690], %swap3A_693 {strides = array<i32>} : memref<128x128x128xf32, #tpu.memory_space<vmem>>, vector<1x128x128xf32>,
    %get3A_694 = arith.constant 41 : index
    %get3A_695 = arith.constant 0 : index
    %get3A_696 = arith.constant 0 : index
    %get3A_697 = vector.load %arg2[%get3A_694, %get3A_695, %get3A_696] : memref<128x128x128xf32, #tpu.memory_space<vmem>>, vector<1x128x128xf32>
    %get3A_698 = vector.shape_cast %get3A_697 : vector<1x128x128xf32> to vector<128x128xf32>
    %get3A_699 = arith.constant 0 : index
    %get3A_700 = arith.index_cast %arg0 : i32 to index
    %get3A_701 = arith.constant 41 : index
    %get3A_702 = memref.load %arg1[%get3A_699, %get3A_700, %get3A_701] : memref<1x30x128xf32, #tpu.memory_space<smem>>
    %mul3A_703 = vector.broadcast %get3A_702 : f32 to vector<128x128xf32>
    %mul3A_704 = arith.mulf %get3A_698, %mul3A_703 : vector<128x128xf32>
    %swap3A_705 = arith.constant 41 : index
    %swap3A_706 = arith.constant 0 : index
    %swap3A_707 = arith.constant 0 : index
    %swap3A_708 = vector.load %arg4[%swap3A_705, %swap3A_706, %swap3A_707] : memref<128x128x128xf32, #tpu.memory_space<vmem>>, vector<1x128x128xf32>
    %swap3A_709 = vector.shape_cast %swap3A_708 : vector<1x128x128xf32> to vector<128x128xf32>
    %swap3A_710 = vector.shape_cast %mul3A_704 : vector<128x128xf32> to vector<1x128x128xf32>
    tpu.vector_store %arg4[%swap3A_705, %swap3A_706, %swap3A_707], %swap3A_710 {strides = array<i32>} : memref<128x128x128xf32, #tpu.memory_space<vmem>>, vector<1x128x128xf32>,
    %get3A_711 = arith.constant 42 : index
    %get3A_712 = arith.constant 0 : index
    %get3A_713 = arith.constant 0 : index
    %get3A_714 = vector.load %arg2[%get3A_711, %get3A_712, %get3A_713] : memref<128x128x128xf32, #tpu.memory_space<vmem>>, vector<1x128x128xf32>
    %get3A_715 = vector.shape_cast %get3A_714 : vector<1x128x128xf32> to vector<128x128xf32>
    %get3A_716 = arith.constant 0 : index
    %get3A_717 = arith.index_cast %arg0 : i32 to index
    %get3A_718 = arith.constant 42 : index
    %get3A_719 = memref.load %arg1[%get3A_716, %get3A_717, %get3A_718] : memref<1x30x128xf32, #tpu.memory_space<smem>>
    %mul3A_720 = vector.broadcast %get3A_719 : f32 to vector<128x128xf32>
    %mul3A_721 = arith.mulf %get3A_715, %mul3A_720 : vector<128x128xf32>
    %swap3A_722 = arith.constant 42 : index
    %swap3A_723 = arith.constant 0 : index
    %swap3A_724 = arith.constant 0 : index
    %swap3A_725 = vector.load %arg4[%swap3A_722, %swap3A_723, %swap3A_724] : memref<128x128x128xf32, #tpu.memory_space<vmem>>, vector<1x128x128xf32>
    %swap3A_726 = vector.shape_cast %swap3A_725 : vector<1x128x128xf32> to vector<128x128xf32>
    %swap3A_727 = vector.shape_cast %mul3A_721 : vector<128x128xf32> to vector<1x128x128xf32>
    tpu.vector_store %arg4[%swap3A_722, %swap3A_723, %swap3A_724], %swap3A_727 {strides = array<i32>} : memref<128x128x128xf32, #tpu.memory_space<vmem>>, vector<1x128x128xf32>,
    %get3A_728 = arith.constant 43 : index
    %get3A_729 = arith.constant 0 : index
    %get3A_730 = arith.constant 0 : index
    %get3A_731 = vector.load %arg2[%get3A_728, %get3A_729, %get3A_730] : memref<128x128x128xf32, #tpu.memory_space<vmem>>, vector<1x128x128xf32>
    %get3A_732 = vector.shape_cast %get3A_731 : vector<1x128x128xf32> to vector<128x128xf32>
    %get3A_733 = arith.constant 0 : index
    %get3A_734 = arith.index_cast %arg0 : i32 to index
    %get3A_735 = arith.constant 43 : index
    %get3A_736 = memref.load %arg1[%get3A_733, %get3A_734, %get3A_735] : memref<1x30x128xf32, #tpu.memory_space<smem>>
    %mul3A_737 = vector.broadcast %get3A_736 : f32 to vector<128x128xf32>
    %mul3A_738 = arith.mulf %get3A_732, %mul3A_737 : vector<128x128xf32>
    %swap3A_739 = arith.constant 43 : index
    %swap3A_740 = arith.constant 0 : index
    %swap3A_741 = arith.constant 0 : index
    %swap3A_742 = vector.load %arg4[%swap3A_739, %swap3A_740, %swap3A_741] : memref<128x128x128xf32, #tpu.memory_space<vmem>>, vector<1x128x128xf32>
    %swap3A_743 = vector.shape_cast %swap3A_742 : vector<1x128x128xf32> to vector<128x128xf32>
    %swap3A_744 = vector.shape_cast %mul3A_738 : vector<128x128xf32> to vector<1x128x128xf32>
    tpu.vector_store %arg4[%swap3A_739, %swap3A_740, %swap3A_741], %swap3A_744 {strides = array<i32>} : memref<128x128x128xf32, #tpu.memory_space<vmem>>, vector<1x128x128xf32>,
    %get3A_745 = arith.constant 44 : index
    %get3A_746 = arith.constant 0 : index
    %get3A_747 = arith.constant 0 : index
    %get3A_748 = vector.load %arg2[%get3A_745, %get3A_746, %get3A_747] : memref<128x128x128xf32, #tpu.memory_space<vmem>>, vector<1x128x128xf32>
    %get3A_749 = vector.shape_cast %get3A_748 : vector<1x128x128xf32> to vector<128x128xf32>
    %get3A_750 = arith.constant 0 : index
    %get3A_751 = arith.index_cast %arg0 : i32 to index
    %get3A_752 = arith.constant 44 : index
    %get3A_753 = memref.load %arg1[%get3A_750, %get3A_751, %get3A_752] : memref<1x30x128xf32, #tpu.memory_space<smem>>
    %mul3A_754 = vector.broadcast %get3A_753 : f32 to vector<128x128xf32>
    %mul3A_755 = arith.mulf %get3A_749, %mul3A_754 : vector<128x128xf32>
    %swap3A_756 = arith.constant 44 : index
    %swap3A_757 = arith.constant 0 : index
    %swap3A_758 = arith.constant 0 : index
    %swap3A_759 = vector.load %arg4[%swap3A_756, %swap3A_757, %swap3A_758] : memref<128x128x128xf32, #tpu.memory_space<vmem>>, vector<1x128x128xf32>
    %swap3A_760 = vector.shape_cast %swap3A_759 : vector<1x128x128xf32> to vector<128x128xf32>
    %swap3A_761 = vector.shape_cast %mul3A_755 : vector<128x128xf32> to vector<1x128x128xf32>
    tpu.vector_store %arg4[%swap3A_756, %swap3A_757, %swap3A_758], %swap3A_761 {strides = array<i32>} : memref<128x128x128xf32, #tpu.memory_space<vmem>>, vector<1x128x128xf32>,
    %get3A_762 = arith.constant 45 : index
    %get3A_763 = arith.constant 0 : index
    %get3A_764 = arith.constant 0 : index
    %get3A_765 = vector.load %arg2[%get3A_762, %get3A_763, %get3A_764] : memref<128x128x128xf32, #tpu.memory_space<vmem>>, vector<1x128x128xf32>
    %get3A_766 = vector.shape_cast %get3A_765 : vector<1x128x128xf32> to vector<128x128xf32>
    %get3A_767 = arith.constant 0 : index
    %get3A_768 = arith.index_cast %arg0 : i32 to index
    %get3A_769 = arith.constant 45 : index
    %get3A_770 = memref.load %arg1[%get3A_767, %get3A_768, %get3A_769] : memref<1x30x128xf32, #tpu.memory_space<smem>>
    %mul3A_771 = vector.broadcast %get3A_770 : f32 to vector<128x128xf32>
    %mul3A_772 = arith.mulf %get3A_766, %mul3A_771 : vector<128x128xf32>
    %swap3A_773 = arith.constant 45 : index
    %swap3A_774 = arith.constant 0 : index
    %swap3A_775 = arith.constant 0 : index
    %swap3A_776 = vector.load %arg4[%swap3A_773, %swap3A_774, %swap3A_775] : memref<128x128x128xf32, #tpu.memory_space<vmem>>, vector<1x128x128xf32>
    %swap3A_777 = vector.shape_cast %swap3A_776 : vector<1x128x128xf32> to vector<128x128xf32>
    %swap3A_778 = vector.shape_cast %mul3A_772 : vector<128x128xf32> to vector<1x128x128xf32>
    tpu.vector_store %arg4[%swap3A_773, %swap3A_774, %swap3A_775], %swap3A_778 {strides = array<i32>} : memref<128x128x128xf32, #tpu.memory_space<vmem>>, vector<1x128x128xf32>,
    %get3A_779 = arith.constant 46 : index
    %get3A_780 = arith.constant 0 : index
    %get3A_781 = arith.constant 0 : index
    %get3A_782 = vector.load %arg2[%get3A_779, %get3A_780, %get3A_781] : memref<128x128x128xf32, #tpu.memory_space<vmem>>, vector<1x128x128xf32>
    %get3A_783 = vector.shape_cast %get3A_782 : vector<1x128x128xf32> to vector<128x128xf32>
    %get3A_784 = arith.constant 0 : index
    %get3A_785 = arith.index_cast %arg0 : i32 to index
    %get3A_786 = arith.constant 46 : index
    %get3A_787 = memref.load %arg1[%get3A_784, %get3A_785, %get3A_786] : memref<1x30x128xf32, #tpu.memory_space<smem>>
    %mul3A_788 = vector.broadcast %get3A_787 : f32 to vector<128x128xf32>
    %mul3A_789 = arith.mulf %get3A_783, %mul3A_788 : vector<128x128xf32>
    %swap3A_790 = arith.constant 46 : index
    %swap3A_791 = arith.constant 0 : index
    %swap3A_792 = arith.constant 0 : index
    %swap3A_793 = vector.load %arg4[%swap3A_790, %swap3A_791, %swap3A_792] : memref<128x128x128xf32, #tpu.memory_space<vmem>>, vector<1x128x128xf32>
    %swap3A_794 = vector.shape_cast %swap3A_793 : vector<1x128x128xf32> to vector<128x128xf32>
    %swap3A_795 = vector.shape_cast %mul3A_789 : vector<128x128xf32> to vector<1x128x128xf32>
    tpu.vector_store %arg4[%swap3A_790, %swap3A_791, %swap3A_792], %swap3A_795 {strides = array<i32>} : memref<128x128x128xf32, #tpu.memory_space<vmem>>, vector<1x128x128xf32>,
    %get3A_796 = arith.constant 47 : index
    %get3A_797 = arith.constant 0 : index
    %get3A_798 = arith.constant 0 : index
    %get3A_799 = vector.load %arg2[%get3A_796, %get3A_797, %get3A_798] : memref<128x128x128xf32, #tpu.memory_space<vmem>>, vector<1x128x128xf32>
    %get3A_800 = vector.shape_cast %get3A_799 : vector<1x128x128xf32> to vector<128x128xf32>
    %get3A_801 = arith.constant 0 : index
    %get3A_802 = arith.index_cast %arg0 : i32 to index
    %get3A_803 = arith.constant 47 : index
    %get3A_804 = memref.load %arg1[%get3A_801, %get3A_802, %get3A_803] : memref<1x30x128xf32, #tpu.memory_space<smem>>
    %mul3A_805 = vector.broadcast %get3A_804 : f32 to vector<128x128xf32>
    %mul3A_806 = arith.mulf %get3A_800, %mul3A_805 : vector<128x128xf32>
    %swap3A_807 = arith.constant 47 : index
    %swap3A_808 = arith.constant 0 : index
    %swap3A_809 = arith.constant 0 : index
    %swap3A_810 = vector.load %arg4[%swap3A_807, %swap3A_808, %swap3A_809] : memref<128x128x128xf32, #tpu.memory_space<vmem>>, vector<1x128x128xf32>
    %swap3A_811 = vector.shape_cast %swap3A_810 : vector<1x128x128xf32> to vector<128x128xf32>
    %swap3A_812 = vector.shape_cast %mul3A_806 : vector<128x128xf32> to vector<1x128x128xf32>
    tpu.vector_store %arg4[%swap3A_807, %swap3A_808, %swap3A_809], %swap3A_812 {strides = array<i32>} : memref<128x128x128xf32, #tpu.memory_space<vmem>>, vector<1x128x128xf32>,
    %get3A_813 = arith.constant 48 : index
    %get3A_814 = arith.constant 0 : index
    %get3A_815 = arith.constant 0 : index
    %get3A_816 = vector.load %arg2[%get3A_813, %get3A_814, %get3A_815] : memref<128x128x128xf32, #tpu.memory_space<vmem>>, vector<1x128x128xf32>
    %get3A_817 = vector.shape_cast %get3A_816 : vector<1x128x128xf32> to vector<128x128xf32>
    %get3A_818 = arith.constant 0 : index
    %get3A_819 = arith.index_cast %arg0 : i32 to index
    %get3A_820 = arith.constant 48 : index
    %get3A_821 = memref.load %arg1[%get3A_818, %get3A_819, %get3A_820] : memref<1x30x128xf32, #tpu.memory_space<smem>>
    %mul3A_822 = vector.broadcast %get3A_821 : f32 to vector<128x128xf32>
    %mul3A_823 = arith.mulf %get3A_817, %mul3A_822 : vector<128x128xf32>
    %swap3A_824 = arith.constant 48 : index
    %swap3A_825 = arith.constant 0 : index
    %swap3A_826 = arith.constant 0 : index
    %swap3A_827 = vector.load %arg4[%swap3A_824, %swap3A_825, %swap3A_826] : memref<128x128x128xf32, #tpu.memory_space<vmem>>, vector<1x128x128xf32>
    %swap3A_828 = vector.shape_cast %swap3A_827 : vector<1x128x128xf32> to vector<128x128xf32>
    %swap3A_829 = vector.shape_cast %mul3A_823 : vector<128x128xf32> to vector<1x128x128xf32>
    tpu.vector_store %arg4[%swap3A_824, %swap3A_825, %swap3A_826], %swap3A_829 {strides = array<i32>} : memref<128x128x128xf32, #tpu.memory_space<vmem>>, vector<1x128x128xf32>,
    %get3A_830 = arith.constant 49 : index
    %get3A_831 = arith.constant 0 : index
    %get3A_832 = arith.constant 0 : index
    %get3A_833 = vector.load %arg2[%get3A_830, %get3A_831, %get3A_832] : memref<128x128x128xf32, #tpu.memory_space<vmem>>, vector<1x128x128xf32>
    %get3A_834 = vector.shape_cast %get3A_833 : vector<1x128x128xf32> to vector<128x128xf32>
    %get3A_835 = arith.constant 0 : index
    %get3A_836 = arith.index_cast %arg0 : i32 to index
    %get3A_837 = arith.constant 49 : index
    %get3A_838 = memref.load %arg1[%get3A_835, %get3A_836, %get3A_837] : memref<1x30x128xf32, #tpu.memory_space<smem>>
    %mul3A_839 = vector.broadcast %get3A_838 : f32 to vector<128x128xf32>
    %mul3A_840 = arith.mulf %get3A_834, %mul3A_839 : vector<128x128xf32>
    %swap3A_841 = arith.constant 49 : index
    %swap3A_842 = arith.constant 0 : index
    %swap3A_843 = arith.constant 0 : index
    %swap3A_844 = vector.load %arg4[%swap3A_841, %swap3A_842, %swap3A_843] : memref<128x128x128xf32, #tpu.memory_space<vmem>>, vector<1x128x128xf32>
    %swap3A_845 = vector.shape_cast %swap3A_844 : vector<1x128x128xf32> to vector<128x128xf32>
    %swap3A_846 = vector.shape_cast %mul3A_840 : vector<128x128xf32> to vector<1x128x128xf32>
    tpu.vector_store %arg4[%swap3A_841, %swap3A_842, %swap3A_843], %swap3A_846 {strides = array<i32>} : memref<128x128x128xf32, #tpu.memory_space<vmem>>, vector<1x128x128xf32>,
    %get3A_847 = arith.constant 50 : index
    %get3A_848 = arith.constant 0 : index
    %get3A_849 = arith.constant 0 : index
    %get3A_850 = vector.load %arg2[%get3A_847, %get3A_848, %get3A_849] : memref<128x128x128xf32, #tpu.memory_space<vmem>>, vector<1x128x128xf32>
    %get3A_851 = vector.shape_cast %get3A_850 : vector<1x128x128xf32> to vector<128x128xf32>
    %get3A_852 = arith.constant 0 : index
    %get3A_853 = arith.index_cast %arg0 : i32 to index
    %get3A_854 = arith.constant 50 : index
    %get3A_855 = memref.load %arg1[%get3A_852, %get3A_853, %get3A_854] : memref<1x30x128xf32, #tpu.memory_space<smem>>
    %mul3A_856 = vector.broadcast %get3A_855 : f32 to vector<128x128xf32>
    %mul3A_857 = arith.mulf %get3A_851, %mul3A_856 : vector<128x128xf32>
    %swap3A_858 = arith.constant 50 : index
    %swap3A_859 = arith.constant 0 : index
    %swap3A_860 = arith.constant 0 : index
    %swap3A_861 = vector.load %arg4[%swap3A_858, %swap3A_859, %swap3A_860] : memref<128x128x128xf32, #tpu.memory_space<vmem>>, vector<1x128x128xf32>
    %swap3A_862 = vector.shape_cast %swap3A_861 : vector<1x128x128xf32> to vector<128x128xf32>
    %swap3A_863 = vector.shape_cast %mul3A_857 : vector<128x128xf32> to vector<1x128x128xf32>
    tpu.vector_store %arg4[%swap3A_858, %swap3A_859, %swap3A_860], %swap3A_863 {strides = array<i32>} : memref<128x128x128xf32, #tpu.memory_space<vmem>>, vector<1x128x128xf32>,
    %get3A_864 = arith.constant 51 : index
    %get3A_865 = arith.constant 0 : index
    %get3A_866 = arith.constant 0 : index
    %get3A_867 = vector.load %arg2[%get3A_864, %get3A_865, %get3A_866] : memref<128x128x128xf32, #tpu.memory_space<vmem>>, vector<1x128x128xf32>
    %get3A_868 = vector.shape_cast %get3A_867 : vector<1x128x128xf32> to vector<128x128xf32>
    %get3A_869 = arith.constant 0 : index
    %get3A_870 = arith.index_cast %arg0 : i32 to index
    %get3A_871 = arith.constant 51 : index
    %get3A_872 = memref.load %arg1[%get3A_869, %get3A_870, %get3A_871] : memref<1x30x128xf32, #tpu.memory_space<smem>>
    %mul3A_873 = vector.broadcast %get3A_872 : f32 to vector<128x128xf32>
    %mul3A_874 = arith.mulf %get3A_868, %mul3A_873 : vector<128x128xf32>
    %swap3A_875 = arith.constant 51 : index
    %swap3A_876 = arith.constant 0 : index
    %swap3A_877 = arith.constant 0 : index
    %swap3A_878 = vector.load %arg4[%swap3A_875, %swap3A_876, %swap3A_877] : memref<128x128x128xf32, #tpu.memory_space<vmem>>, vector<1x128x128xf32>
    %swap3A_879 = vector.shape_cast %swap3A_878 : vector<1x128x128xf32> to vector<128x128xf32>
    %swap3A_880 = vector.shape_cast %mul3A_874 : vector<128x128xf32> to vector<1x128x128xf32>
    tpu.vector_store %arg4[%swap3A_875, %swap3A_876, %swap3A_877], %swap3A_880 {strides = array<i32>} : memref<128x128x128xf32, #tpu.memory_space<vmem>>, vector<1x128x128xf32>,
    %get3A_881 = arith.constant 52 : index
    %get3A_882 = arith.constant 0 : index
    %get3A_883 = arith.constant 0 : index
    %get3A_884 = vector.load %arg2[%get3A_881, %get3A_882, %get3A_883] : memref<128x128x128xf32, #tpu.memory_space<vmem>>, vector<1x128x128xf32>
    %get3A_885 = vector.shape_cast %get3A_884 : vector<1x128x128xf32> to vector<128x128xf32>
    %get3A_886 = arith.constant 0 : index
    %get3A_887 = arith.index_cast %arg0 : i32 to index
    %get3A_888 = arith.constant 52 : index
    %get3A_889 = memref.load %arg1[%get3A_886, %get3A_887, %get3A_888] : memref<1x30x128xf32, #tpu.memory_space<smem>>
    %mul3A_890 = vector.broadcast %get3A_889 : f32 to vector<128x128xf32>
    %mul3A_891 = arith.mulf %get3A_885, %mul3A_890 : vector<128x128xf32>
    %swap3A_892 = arith.constant 52 : index
    %swap3A_893 = arith.constant 0 : index
    %swap3A_894 = arith.constant 0 : index
    %swap3A_895 = vector.load %arg4[%swap3A_892, %swap3A_893, %swap3A_894] : memref<128x128x128xf32, #tpu.memory_space<vmem>>, vector<1x128x128xf32>
    %swap3A_896 = vector.shape_cast %swap3A_895 : vector<1x128x128xf32> to vector<128x128xf32>
    %swap3A_897 = vector.shape_cast %mul3A_891 : vector<128x128xf32> to vector<1x128x128xf32>
    tpu.vector_store %arg4[%swap3A_892, %swap3A_893, %swap3A_894], %swap3A_897 {strides = array<i32>} : memref<128x128x128xf32, #tpu.memory_space<vmem>>, vector<1x128x128xf32>,
    %get3A_898 = arith.constant 53 : index
    %get3A_899 = arith.constant 0 : index
    %get3A_900 = arith.constant 0 : index
    %get3A_901 = vector.load %arg2[%get3A_898, %get3A_899, %get3A_900] : memref<128x128x128xf32, #tpu.memory_space<vmem>>, vector<1x128x128xf32>
    %get3A_902 = vector.shape_cast %get3A_901 : vector<1x128x128xf32> to vector<128x128xf32>
    %get3A_903 = arith.constant 0 : index
    %get3A_904 = arith.index_cast %arg0 : i32 to index
    %get3A_905 = arith.constant 53 : index
    %get3A_906 = memref.load %arg1[%get3A_903, %get3A_904, %get3A_905] : memref<1x30x128xf32, #tpu.memory_space<smem>>
    %mul3A_907 = vector.broadcast %get3A_906 : f32 to vector<128x128xf32>
    %mul3A_908 = arith.mulf %get3A_902, %mul3A_907 : vector<128x128xf32>
    %swap3A_909 = arith.constant 53 : index
    %swap3A_910 = arith.constant 0 : index
    %swap3A_911 = arith.constant 0 : index
    %swap3A_912 = vector.load %arg4[%swap3A_909, %swap3A_910, %swap3A_911] : memref<128x128x128xf32, #tpu.memory_space<vmem>>, vector<1x128x128xf32>
    %swap3A_913 = vector.shape_cast %swap3A_912 : vector<1x128x128xf32> to vector<128x128xf32>
    %swap3A_914 = vector.shape_cast %mul3A_908 : vector<128x128xf32> to vector<1x128x128xf32>
    tpu.vector_store %arg4[%swap3A_909, %swap3A_910, %swap3A_911], %swap3A_914 {strides = array<i32>} : memref<128x128x128xf32, #tpu.memory_space<vmem>>, vector<1x128x128xf32>,
    %get3A_915 = arith.constant 54 : index
    %get3A_916 = arith.constant 0 : index
    %get3A_917 = arith.constant 0 : index
    %get3A_918 = vector.load %arg2[%get3A_915, %get3A_916, %get3A_917] : memref<128x128x128xf32, #tpu.memory_space<vmem>>, vector<1x128x128xf32>
    %get3A_919 = vector.shape_cast %get3A_918 : vector<1x128x128xf32> to vector<128x128xf32>
    %get3A_920 = arith.constant 0 : index
    %get3A_921 = arith.index_cast %arg0 : i32 to index
    %get3A_922 = arith.constant 54 : index
    %get3A_923 = memref.load %arg1[%get3A_920, %get3A_921, %get3A_922] : memref<1x30x128xf32, #tpu.memory_space<smem>>
    %mul3A_924 = vector.broadcast %get3A_923 : f32 to vector<128x128xf32>
    %mul3A_925 = arith.mulf %get3A_919, %mul3A_924 : vector<128x128xf32>
    %swap3A_926 = arith.constant 54 : index
    %swap3A_927 = arith.constant 0 : index
    %swap3A_928 = arith.constant 0 : index
    %swap3A_929 = vector.load %arg4[%swap3A_926, %swap3A_927, %swap3A_928] : memref<128x128x128xf32, #tpu.memory_space<vmem>>, vector<1x128x128xf32>
    %swap3A_930 = vector.shape_cast %swap3A_929 : vector<1x128x128xf32> to vector<128x128xf32>
    %swap3A_931 = vector.shape_cast %mul3A_925 : vector<128x128xf32> to vector<1x128x128xf32>
    tpu.vector_store %arg4[%swap3A_926, %swap3A_927, %swap3A_928], %swap3A_931 {strides = array<i32>} : memref<128x128x128xf32, #tpu.memory_space<vmem>>, vector<1x128x128xf32>,
    %get3A_932 = arith.constant 55 : index
    %get3A_933 = arith.constant 0 : index
    %get3A_934 = arith.constant 0 : index
    %get3A_935 = vector.load %arg2[%get3A_932, %get3A_933, %get3A_934] : memref<128x128x128xf32, #tpu.memory_space<vmem>>, vector<1x128x128xf32>
    %get3A_936 = vector.shape_cast %get3A_935 : vector<1x128x128xf32> to vector<128x128xf32>
    %get3A_937 = arith.constant 0 : index
    %get3A_938 = arith.index_cast %arg0 : i32 to index
    %get3A_939 = arith.constant 55 : index
    %get3A_940 = memref.load %arg1[%get3A_937, %get3A_938, %get3A_939] : memref<1x30x128xf32, #tpu.memory_space<smem>>
    %mul3A_941 = vector.broadcast %get3A_940 : f32 to vector<128x128xf32>
    %mul3A_942 = arith.mulf %get3A_936, %mul3A_941 : vector<128x128xf32>
    %swap3A_943 = arith.constant 55 : index
    %swap3A_944 = arith.constant 0 : index
    %swap3A_945 = arith.constant 0 : index
    %swap3A_946 = vector.load %arg4[%swap3A_943, %swap3A_944, %swap3A_945] : memref<128x128x128xf32, #tpu.memory_space<vmem>>, vector<1x128x128xf32>
    %swap3A_947 = vector.shape_cast %swap3A_946 : vector<1x128x128xf32> to vector<128x128xf32>
    %swap3A_948 = vector.shape_cast %mul3A_942 : vector<128x128xf32> to vector<1x128x128xf32>
    tpu.vector_store %arg4[%swap3A_943, %swap3A_944, %swap3A_945], %swap3A_948 {strides = array<i32>} : memref<128x128x128xf32, #tpu.memory_space<vmem>>, vector<1x128x128xf32>,
    %get3A_949 = arith.constant 56 : index
    %get3A_950 = arith.constant 0 : index
    %get3A_951 = arith.constant 0 : index
    %get3A_952 = vector.load %arg2[%get3A_949, %get3A_950, %get3A_951] : memref<128x128x128xf32, #tpu.memory_space<vmem>>, vector<1x128x128xf32>
    %get3A_953 = vector.shape_cast %get3A_952 : vector<1x128x128xf32> to vector<128x128xf32>
    %get3A_954 = arith.constant 0 : index
    %get3A_955 = arith.index_cast %arg0 : i32 to index
    %get3A_956 = arith.constant 56 : index
    %get3A_957 = memref.load %arg1[%get3A_954, %get3A_955, %get3A_956] : memref<1x30x128xf32, #tpu.memory_space<smem>>
    %mul3A_958 = vector.broadcast %get3A_957 : f32 to vector<128x128xf32>
    %mul3A_959 = arith.mulf %get3A_953, %mul3A_958 : vector<128x128xf32>
    %swap3A_960 = arith.constant 56 : index
    %swap3A_961 = arith.constant 0 : index
    %swap3A_962 = arith.constant 0 : index
    %swap3A_963 = vector.load %arg4[%swap3A_960, %swap3A_961, %swap3A_962] : memref<128x128x128xf32, #tpu.memory_space<vmem>>, vector<1x128x128xf32>
    %swap3A_964 = vector.shape_cast %swap3A_963 : vector<1x128x128xf32> to vector<128x128xf32>
    %swap3A_965 = vector.shape_cast %mul3A_959 : vector<128x128xf32> to vector<1x128x128xf32>
    tpu.vector_store %arg4[%swap3A_960, %swap3A_961, %swap3A_962], %swap3A_965 {strides = array<i32>} : memref<128x128x128xf32, #tpu.memory_space<vmem>>, vector<1x128x128xf32>,
    %get3A_966 = arith.constant 57 : index
    %get3A_967 = arith.constant 0 : index
    %get3A_968 = arith.constant 0 : index
    %get3A_969 = vector.load %arg2[%get3A_966, %get3A_967, %get3A_968] : memref<128x128x128xf32, #tpu.memory_space<vmem>>, vector<1x128x128xf32>
    %get3A_970 = vector.shape_cast %get3A_969 : vector<1x128x128xf32> to vector<128x128xf32>
    %get3A_971 = arith.constant 0 : index
    %get3A_972 = arith.index_cast %arg0 : i32 to index
    %get3A_973 = arith.constant 57 : index
    %get3A_974 = memref.load %arg1[%get3A_971, %get3A_972, %get3A_973] : memref<1x30x128xf32, #tpu.memory_space<smem>>
    %mul3A_975 = vector.broadcast %get3A_974 : f32 to vector<128x128xf32>
    %mul3A_976 = arith.mulf %get3A_970, %mul3A_975 : vector<128x128xf32>
    %swap3A_977 = arith.constant 57 : index
    %swap3A_978 = arith.constant 0 : index
    %swap3A_979 = arith.constant 0 : index
    %swap3A_980 = vector.load %arg4[%swap3A_977, %swap3A_978, %swap3A_979] : memref<128x128x128xf32, #tpu.memory_space<vmem>>, vector<1x128x128xf32>
    %swap3A_981 = vector.shape_cast %swap3A_980 : vector<1x128x128xf32> to vector<128x128xf32>
    %swap3A_982 = vector.shape_cast %mul3A_976 : vector<128x128xf32> to vector<1x128x128xf32>
    tpu.vector_store %arg4[%swap3A_977, %swap3A_978, %swap3A_979], %swap3A_982 {strides = array<i32>} : memref<128x128x128xf32, #tpu.memory_space<vmem>>, vector<1x128x128xf32>,
    %get3A_983 = arith.constant 58 : index
    %get3A_984 = arith.constant 0 : index
    %get3A_985 = arith.constant 0 : index
    %get3A_986 = vector.load %arg2[%get3A_983, %get3A_984, %get3A_985] : memref<128x128x128xf32, #tpu.memory_space<vmem>>, vector<1x128x128xf32>
    %get3A_987 = vector.shape_cast %get3A_986 : vector<1x128x128xf32> to vector<128x128xf32>
    %get3A_988 = arith.constant 0 : index
    %get3A_989 = arith.index_cast %arg0 : i32 to index
    %get3A_990 = arith.constant 58 : index
    %get3A_991 = memref.load %arg1[%get3A_988, %get3A_989, %get3A_990] : memref<1x30x128xf32, #tpu.memory_space<smem>>
    %mul3A_992 = vector.broadcast %get3A_991 : f32 to vector<128x128xf32>
    %mul3A_993 = arith.mulf %get3A_987, %mul3A_992 : vector<128x128xf32>
    %swap3A_994 = arith.constant 58 : index
    %swap3A_995 = arith.constant 0 : index
    %swap3A_996 = arith.constant 0 : index
    %swap3A_997 = vector.load %arg4[%swap3A_994, %swap3A_995, %swap3A_996] : memref<128x128x128xf32, #tpu.memory_space<vmem>>, vector<1x128x128xf32>
    %swap3A_998 = vector.shape_cast %swap3A_997 : vector<1x128x128xf32> to vector<128x128xf32>
    %swap3A_999 = vector.shape_cast %mul3A_993 : vector<128x128xf32> to vector<1x128x128xf32>
    tpu.vector_store %arg4[%swap3A_994, %swap3A_995, %swap3A_996], %swap3A_999 {strides = array<i32>} : memref<128x128x128xf32, #tpu.memory_space<vmem>>, vector<1x128x128xf32>,
    %get3A_1000 = arith.constant 59 : index
    %get3A_1001 = arith.constant 0 : index
    %get3A_1002 = arith.constant 0 : index
    %get3A_1003 = vector.load %arg2[%get3A_1000, %get3A_1001, %get3A_1002] : memref<128x128x128xf32, #tpu.memory_space<vmem>>, vector<1x128x128xf32>
    %get3A_1004 = vector.shape_cast %get3A_1003 : vector<1x128x128xf32> to vector<128x128xf32>
    %get3A_1005 = arith.constant 0 : index
    %get3A_1006 = arith.index_cast %arg0 : i32 to index
    %get3A_1007 = arith.constant 59 : index
    %get3A_1008 = memref.load %arg1[%get3A_1005, %get3A_1006, %get3A_1007] : memref<1x30x128xf32, #tpu.memory_space<smem>>
    %mul3A_1009 = vector.broadcast %get3A_1008 : f32 to vector<128x128xf32>
    %mul3A_1010 = arith.mulf %get3A_1004, %mul3A_1009 : vector<128x128xf32>
    %swap3A_1011 = arith.constant 59 : index
    %swap3A_1012 = arith.constant 0 : index
    %swap3A_1013 = arith.constant 0 : index
    %swap3A_1014 = vector.load %arg4[%swap3A_1011, %swap3A_1012, %swap3A_1013] : memref<128x128x128xf32, #tpu.memory_space<vmem>>, vector<1x128x128xf32>
    %swap3A_1015 = vector.shape_cast %swap3A_1014 : vector<1x128x128xf32> to vector<128x128xf32>
    %swap3A_1016 = vector.shape_cast %mul3A_1010 : vector<128x128xf32> to vector<1x128x128xf32>
    tpu.vector_store %arg4[%swap3A_1011, %swap3A_1012, %swap3A_1013], %swap3A_1016 {strides = array<i32>} : memref<128x128x128xf32, #tpu.memory_space<vmem>>, vector<1x128x128xf32>,
    %get3A_1017 = arith.constant 60 : index
    %get3A_1018 = arith.constant 0 : index
    %get3A_1019 = arith.constant 0 : index
    %get3A_1020 = vector.load %arg2[%get3A_1017, %get3A_1018, %get3A_1019] : memref<128x128x128xf32, #tpu.memory_space<vmem>>, vector<1x128x128xf32>
    %get3A_1021 = vector.shape_cast %get3A_1020 : vector<1x128x128xf32> to vector<128x128xf32>
    %get3A_1022 = arith.constant 0 : index
    %get3A_1023 = arith.index_cast %arg0 : i32 to index
    %get3A_1024 = arith.constant 60 : index
    %get3A_1025 = memref.load %arg1[%get3A_1022, %get3A_1023, %get3A_1024] : memref<1x30x128xf32, #tpu.memory_space<smem>>
    %mul3A_1026 = vector.broadcast %get3A_1025 : f32 to vector<128x128xf32>
    %mul3A_1027 = arith.mulf %get3A_1021, %mul3A_1026 : vector<128x128xf32>
    %swap3A_1028 = arith.constant 60 : index
    %swap3A_1029 = arith.constant 0 : index
    %swap3A_1030 = arith.constant 0 : index
    %swap3A_1031 = vector.load %arg4[%swap3A_1028, %swap3A_1029, %swap3A_1030] : memref<128x128x128xf32, #tpu.memory_space<vmem>>, vector<1x128x128xf32>
    %swap3A_1032 = vector.shape_cast %swap3A_1031 : vector<1x128x128xf32> to vector<128x128xf32>
    %swap3A_1033 = vector.shape_cast %mul3A_1027 : vector<128x128xf32> to vector<1x128x128xf32>
    tpu.vector_store %arg4[%swap3A_1028, %swap3A_1029, %swap3A_1030], %swap3A_1033 {strides = array<i32>} : memref<128x128x128xf32, #tpu.memory_space<vmem>>, vector<1x128x128xf32>,
    %get3A_1034 = arith.constant 61 : index
    %get3A_1035 = arith.constant 0 : index
    %get3A_1036 = arith.constant 0 : index
    %get3A_1037 = vector.load %arg2[%get3A_1034, %get3A_1035, %get3A_1036] : memref<128x128x128xf32, #tpu.memory_space<vmem>>, vector<1x128x128xf32>
    %get3A_1038 = vector.shape_cast %get3A_1037 : vector<1x128x128xf32> to vector<128x128xf32>
    %get3A_1039 = arith.constant 0 : index
    %get3A_1040 = arith.index_cast %arg0 : i32 to index
    %get3A_1041 = arith.constant 61 : index
    %get3A_1042 = memref.load %arg1[%get3A_1039, %get3A_1040, %get3A_1041] : memref<1x30x128xf32, #tpu.memory_space<smem>>
    %mul3A_1043 = vector.broadcast %get3A_1042 : f32 to vector<128x128xf32>
    %mul3A_1044 = arith.mulf %get3A_1038, %mul3A_1043 : vector<128x128xf32>
    %swap3A_1045 = arith.constant 61 : index
    %swap3A_1046 = arith.constant 0 : index
    %swap3A_1047 = arith.constant 0 : index
    %swap3A_1048 = vector.load %arg4[%swap3A_1045, %swap3A_1046, %swap3A_1047] : memref<128x128x128xf32, #tpu.memory_space<vmem>>, vector<1x128x128xf32>
    %swap3A_1049 = vector.shape_cast %swap3A_1048 : vector<1x128x128xf32> to vector<128x128xf32>
    %swap3A_1050 = vector.shape_cast %mul3A_1044 : vector<128x128xf32> to vector<1x128x128xf32>
    tpu.vector_store %arg4[%swap3A_1045, %swap3A_1046, %swap3A_1047], %swap3A_1050 {strides = array<i32>} : memref<128x128x128xf32, #tpu.memory_space<vmem>>, vector<1x128x128xf32>,
    %get3A_1051 = arith.constant 62 : index
    %get3A_1052 = arith.constant 0 : index
    %get3A_1053 = arith.constant 0 : index
    %get3A_1054 = vector.load %arg2[%get3A_1051, %get3A_1052, %get3A_1053] : memref<128x128x128xf32, #tpu.memory_space<vmem>>, vector<1x128x128xf32>
    %get3A_1055 = vector.shape_cast %get3A_1054 : vector<1x128x128xf32> to vector<128x128xf32>
    %get3A_1056 = arith.constant 0 : index
    %get3A_1057 = arith.index_cast %arg0 : i32 to index
    %get3A_1058 = arith.constant 62 : index
    %get3A_1059 = memref.load %arg1[%get3A_1056, %get3A_1057, %get3A_1058] : memref<1x30x128xf32, #tpu.memory_space<smem>>
    %mul3A_1060 = vector.broadcast %get3A_1059 : f32 to vector<128x128xf32>
    %mul3A_1061 = arith.mulf %get3A_1055, %mul3A_1060 : vector<128x128xf32>
    %swap3A_1062 = arith.constant 62 : index
    %swap3A_1063 = arith.constant 0 : index
    %swap3A_1064 = arith.constant 0 : index
    %swap3A_1065 = vector.load %arg4[%swap3A_1062, %swap3A_1063, %swap3A_1064] : memref<128x128x128xf32, #tpu.memory_space<vmem>>, vector<1x128x128xf32>
    %swap3A_1066 = vector.shape_cast %swap3A_1065 : vector<1x128x128xf32> to vector<128x128xf32>
    %swap3A_1067 = vector.shape_cast %mul3A_1061 : vector<128x128xf32> to vector<1x128x128xf32>
    tpu.vector_store %arg4[%swap3A_1062, %swap3A_1063, %swap3A_1064], %swap3A_1067 {strides = array<i32>} : memref<128x128x128xf32, #tpu.memory_space<vmem>>, vector<1x128x128xf32>,
    %get3A_1068 = arith.constant 63 : index
    %get3A_1069 = arith.constant 0 : index
    %get3A_1070 = arith.constant 0 : index
    %get3A_1071 = vector.load %arg2[%get3A_1068, %get3A_1069, %get3A_1070] : memref<128x128x128xf32, #tpu.memory_space<vmem>>, vector<1x128x128xf32>
    %get3A_1072 = vector.shape_cast %get3A_1071 : vector<1x128x128xf32> to vector<128x128xf32>
    %get3A_1073 = arith.constant 0 : index
    %get3A_1074 = arith.index_cast %arg0 : i32 to index
    %get3A_1075 = arith.constant 63 : index
    %get3A_1076 = memref.load %arg1[%get3A_1073, %get3A_1074, %get3A_1075] : memref<1x30x128xf32, #tpu.memory_space<smem>>
    %mul3A_1077 = vector.broadcast %get3A_1076 : f32 to vector<128x128xf32>
    %mul3A_1078 = arith.mulf %get3A_1072, %mul3A_1077 : vector<128x128xf32>
    %swap3A_1079 = arith.constant 63 : index
    %swap3A_1080 = arith.constant 0 : index
    %swap3A_1081 = arith.constant 0 : index
    %swap3A_1082 = vector.load %arg4[%swap3A_1079, %swap3A_1080, %swap3A_1081] : memref<128x128x128xf32, #tpu.memory_space<vmem>>, vector<1x128x128xf32>
    %swap3A_1083 = vector.shape_cast %swap3A_1082 : vector<1x128x128xf32> to vector<128x128xf32>
    %swap3A_1084 = vector.shape_cast %mul3A_1078 : vector<128x128xf32> to vector<1x128x128xf32>
    tpu.vector_store %arg4[%swap3A_1079, %swap3A_1080, %swap3A_1081], %swap3A_1084 {strides = array<i32>} : memref<128x128x128xf32, #tpu.memory_space<vmem>>, vector<1x128x128xf32>,
    %get3A_1085 = arith.constant 64 : index
    %get3A_1086 = arith.constant 0 : index
    %get3A_1087 = arith.constant 0 : index
    %get3A_1088 = vector.load %arg2[%get3A_1085, %get3A_1086, %get3A_1087] : memref<128x128x128xf32, #tpu.memory_space<vmem>>, vector<1x128x128xf32>
    %get3A_1089 = vector.shape_cast %get3A_1088 : vector<1x128x128xf32> to vector<128x128xf32>
    %get3A_1090 = arith.constant 0 : index
    %get3A_1091 = arith.index_cast %arg0 : i32 to index
    %get3A_1092 = arith.constant 64 : index
    %get3A_1093 = memref.load %arg1[%get3A_1090, %get3A_1091, %get3A_1092] : memref<1x30x128xf32, #tpu.memory_space<smem>>
    %mul3A_1094 = vector.broadcast %get3A_1093 : f32 to vector<128x128xf32>
    %mul3A_1095 = arith.mulf %get3A_1089, %mul3A_1094 : vector<128x128xf32>
    %swap3A_1096 = arith.constant 64 : index
    %swap3A_1097 = arith.constant 0 : index
    %swap3A_1098 = arith.constant 0 : index
    %swap3A_1099 = vector.load %arg4[%swap3A_1096, %swap3A_1097, %swap3A_1098] : memref<128x128x128xf32, #tpu.memory_space<vmem>>, vector<1x128x128xf32>
    %swap3A_1100 = vector.shape_cast %swap3A_1099 : vector<1x128x128xf32> to vector<128x128xf32>
    %swap3A_1101 = vector.shape_cast %mul3A_1095 : vector<128x128xf32> to vector<1x128x128xf32>
    tpu.vector_store %arg4[%swap3A_1096, %swap3A_1097, %swap3A_1098], %swap3A_1101 {strides = array<i32>} : memref<128x128x128xf32, #tpu.memory_space<vmem>>, vector<1x128x128xf32>,
    %get3A_1102 = arith.constant 65 : index
    %get3A_1103 = arith.constant 0 : index
    %get3A_1104 = arith.constant 0 : index
    %get3A_1105 = vector.load %arg2[%get3A_1102, %get3A_1103, %get3A_1104] : memref<128x128x128xf32, #tpu.memory_space<vmem>>, vector<1x128x128xf32>
    %get3A_1106 = vector.shape_cast %get3A_1105 : vector<1x128x128xf32> to vector<128x128xf32>
    %get3A_1107 = arith.constant 0 : index
    %get3A_1108 = arith.index_cast %arg0 : i32 to index
    %get3A_1109 = arith.constant 65 : index
    %get3A_1110 = memref.load %arg1[%get3A_1107, %get3A_1108, %get3A_1109] : memref<1x30x128xf32, #tpu.memory_space<smem>>
    %mul3A_1111 = vector.broadcast %get3A_1110 : f32 to vector<128x128xf32>
    %mul3A_1112 = arith.mulf %get3A_1106, %mul3A_1111 : vector<128x128xf32>
    %swap3A_1113 = arith.constant 65 : index
    %swap3A_1114 = arith.constant 0 : index
    %swap3A_1115 = arith.constant 0 : index
    %swap3A_1116 = vector.load %arg4[%swap3A_1113, %swap3A_1114, %swap3A_1115] : memref<128x128x128xf32, #tpu.memory_space<vmem>>, vector<1x128x128xf32>
    %swap3A_1117 = vector.shape_cast %swap3A_1116 : vector<1x128x128xf32> to vector<128x128xf32>
    %swap3A_1118 = vector.shape_cast %mul3A_1112 : vector<128x128xf32> to vector<1x128x128xf32>
    tpu.vector_store %arg4[%swap3A_1113, %swap3A_1114, %swap3A_1115], %swap3A_1118 {strides = array<i32>} : memref<128x128x128xf32, #tpu.memory_space<vmem>>, vector<1x128x128xf32>,
    %get3A_1119 = arith.constant 66 : index
    %get3A_1120 = arith.constant 0 : index
    %get3A_1121 = arith.constant 0 : index
    %get3A_1122 = vector.load %arg2[%get3A_1119, %get3A_1120, %get3A_1121] : memref<128x128x128xf32, #tpu.memory_space<vmem>>, vector<1x128x128xf32>
    %get3A_1123 = vector.shape_cast %get3A_1122 : vector<1x128x128xf32> to vector<128x128xf32>
    %get3A_1124 = arith.constant 0 : index
    %get3A_1125 = arith.index_cast %arg0 : i32 to index
    %get3A_1126 = arith.constant 66 : index
    %get3A_1127 = memref.load %arg1[%get3A_1124, %get3A_1125, %get3A_1126] : memref<1x30x128xf32, #tpu.memory_space<smem>>
    %mul3A_1128 = vector.broadcast %get3A_1127 : f32 to vector<128x128xf32>
    %mul3A_1129 = arith.mulf %get3A_1123, %mul3A_1128 : vector<128x128xf32>
    %swap3A_1130 = arith.constant 66 : index
    %swap3A_1131 = arith.constant 0 : index
    %swap3A_1132 = arith.constant 0 : index
    %swap3A_1133 = vector.load %arg4[%swap3A_1130, %swap3A_1131, %swap3A_1132] : memref<128x128x128xf32, #tpu.memory_space<vmem>>, vector<1x128x128xf32>
    %swap3A_1134 = vector.shape_cast %swap3A_1133 : vector<1x128x128xf32> to vector<128x128xf32>
    %swap3A_1135 = vector.shape_cast %mul3A_1129 : vector<128x128xf32> to vector<1x128x128xf32>
    tpu.vector_store %arg4[%swap3A_1130, %swap3A_1131, %swap3A_1132], %swap3A_1135 {strides = array<i32>} : memref<128x128x128xf32, #tpu.memory_space<vmem>>, vector<1x128x128xf32>,
    %get3A_1136 = arith.constant 67 : index
    %get3A_1137 = arith.constant 0 : index
    %get3A_1138 = arith.constant 0 : index
    %get3A_1139 = vector.load %arg2[%get3A_1136, %get3A_1137, %get3A_1138] : memref<128x128x128xf32, #tpu.memory_space<vmem>>, vector<1x128x128xf32>
    %get3A_1140 = vector.shape_cast %get3A_1139 : vector<1x128x128xf32> to vector<128x128xf32>
    %get3A_1141 = arith.constant 0 : index
    %get3A_1142 = arith.index_cast %arg0 : i32 to index
    %get3A_1143 = arith.constant 67 : index
    %get3A_1144 = memref.load %arg1[%get3A_1141, %get3A_1142, %get3A_1143] : memref<1x30x128xf32, #tpu.memory_space<smem>>
    %mul3A_1145 = vector.broadcast %get3A_1144 : f32 to vector<128x128xf32>
    %mul3A_1146 = arith.mulf %get3A_1140, %mul3A_1145 : vector<128x128xf32>
    %swap3A_1147 = arith.constant 67 : index
    %swap3A_1148 = arith.constant 0 : index
    %swap3A_1149 = arith.constant 0 : index
    %swap3A_1150 = vector.load %arg4[%swap3A_1147, %swap3A_1148, %swap3A_1149] : memref<128x128x128xf32, #tpu.memory_space<vmem>>, vector<1x128x128xf32>
    %swap3A_1151 = vector.shape_cast %swap3A_1150 : vector<1x128x128xf32> to vector<128x128xf32>
    %swap3A_1152 = vector.shape_cast %mul3A_1146 : vector<128x128xf32> to vector<1x128x128xf32>
    tpu.vector_store %arg4[%swap3A_1147, %swap3A_1148, %swap3A_1149], %swap3A_1152 {strides = array<i32>} : memref<128x128x128xf32, #tpu.memory_space<vmem>>, vector<1x128x128xf32>,
    %get3A_1153 = arith.constant 68 : index
    %get3A_1154 = arith.constant 0 : index
    %get3A_1155 = arith.constant 0 : index
    %get3A_1156 = vector.load %arg2[%get3A_1153, %get3A_1154, %get3A_1155] : memref<128x128x128xf32, #tpu.memory_space<vmem>>, vector<1x128x128xf32>
    %get3A_1157 = vector.shape_cast %get3A_1156 : vector<1x128x128xf32> to vector<128x128xf32>
    %get3A_1158 = arith.constant 0 : index
    %get3A_1159 = arith.index_cast %arg0 : i32 to index
    %get3A_1160 = arith.constant 68 : index
    %get3A_1161 = memref.load %arg1[%get3A_1158, %get3A_1159, %get3A_1160] : memref<1x30x128xf32, #tpu.memory_space<smem>>
    %mul3A_1162 = vector.broadcast %get3A_1161 : f32 to vector<128x128xf32>
    %mul3A_1163 = arith.mulf %get3A_1157, %mul3A_1162 : vector<128x128xf32>
    %swap3A_1164 = arith.constant 68 : index
    %swap3A_1165 = arith.constant 0 : index
    %swap3A_1166 = arith.constant 0 : index
    %swap3A_1167 = vector.load %arg4[%swap3A_1164, %swap3A_1165, %swap3A_1166] : memref<128x128x128xf32, #tpu.memory_space<vmem>>, vector<1x128x128xf32>
    %swap3A_1168 = vector.shape_cast %swap3A_1167 : vector<1x128x128xf32> to vector<128x128xf32>
    %swap3A_1169 = vector.shape_cast %mul3A_1163 : vector<128x128xf32> to vector<1x128x128xf32>
    tpu.vector_store %arg4[%swap3A_1164, %swap3A_1165, %swap3A_1166], %swap3A_1169 {strides = array<i32>} : memref<128x128x128xf32, #tpu.memory_space<vmem>>, vector<1x128x128xf32>,
    %get3A_1170 = arith.constant 69 : index
    %get3A_1171 = arith.constant 0 : index
    %get3A_1172 = arith.constant 0 : index
    %get3A_1173 = vector.load %arg2[%get3A_1170, %get3A_1171, %get3A_1172] : memref<128x128x128xf32, #tpu.memory_space<vmem>>, vector<1x128x128xf32>
    %get3A_1174 = vector.shape_cast %get3A_1173 : vector<1x128x128xf32> to vector<128x128xf32>
    %get3A_1175 = arith.constant 0 : index
    %get3A_1176 = arith.index_cast %arg0 : i32 to index
    %get3A_1177 = arith.constant 69 : index
    %get3A_1178 = memref.load %arg1[%get3A_1175, %get3A_1176, %get3A_1177] : memref<1x30x128xf32, #tpu.memory_space<smem>>
    %mul3A_1179 = vector.broadcast %get3A_1178 : f32 to vector<128x128xf32>
    %mul3A_1180 = arith.mulf %get3A_1174, %mul3A_1179 : vector<128x128xf32>
    %swap3A_1181 = arith.constant 69 : index
    %swap3A_1182 = arith.constant 0 : index
    %swap3A_1183 = arith.constant 0 : index
    %swap3A_1184 = vector.load %arg4[%swap3A_1181, %swap3A_1182, %swap3A_1183] : memref<128x128x128xf32, #tpu.memory_space<vmem>>, vector<1x128x128xf32>
    %swap3A_1185 = vector.shape_cast %swap3A_1184 : vector<1x128x128xf32> to vector<128x128xf32>
    %swap3A_1186 = vector.shape_cast %mul3A_1180 : vector<128x128xf32> to vector<1x128x128xf32>
    tpu.vector_store %arg4[%swap3A_1181, %swap3A_1182, %swap3A_1183], %swap3A_1186 {strides = array<i32>} : memref<128x128x128xf32, #tpu.memory_space<vmem>>, vector<1x128x128xf32>,
    %get3A_1187 = arith.constant 70 : index
    %get3A_1188 = arith.constant 0 : index
    %get3A_1189 = arith.constant 0 : index
    %get3A_1190 = vector.load %arg2[%get3A_1187, %get3A_1188, %get3A_1189] : memref<128x128x128xf32, #tpu.memory_space<vmem>>, vector<1x128x128xf32>
    %get3A_1191 = vector.shape_cast %get3A_1190 : vector<1x128x128xf32> to vector<128x128xf32>
    %get3A_1192 = arith.constant 0 : index
    %get3A_1193 = arith.index_cast %arg0 : i32 to index
    %get3A_1194 = arith.constant 70 : index
    %get3A_1195 = memref.load %arg1[%get3A_1192, %get3A_1193, %get3A_1194] : memref<1x30x128xf32, #tpu.memory_space<smem>>
    %mul3A_1196 = vector.broadcast %get3A_1195 : f32 to vector<128x128xf32>
    %mul3A_1197 = arith.mulf %get3A_1191, %mul3A_1196 : vector<128x128xf32>
    %swap3A_1198 = arith.constant 70 : index
    %swap3A_1199 = arith.constant 0 : index
    %swap3A_1200 = arith.constant 0 : index
    %swap3A_1201 = vector.load %arg4[%swap3A_1198, %swap3A_1199, %swap3A_1200] : memref<128x128x128xf32, #tpu.memory_space<vmem>>, vector<1x128x128xf32>
    %swap3A_1202 = vector.shape_cast %swap3A_1201 : vector<1x128x128xf32> to vector<128x128xf32>
    %swap3A_1203 = vector.shape_cast %mul3A_1197 : vector<128x128xf32> to vector<1x128x128xf32>
    tpu.vector_store %arg4[%swap3A_1198, %swap3A_1199, %swap3A_1200], %swap3A_1203 {strides = array<i32>} : memref<128x128x128xf32, #tpu.memory_space<vmem>>, vector<1x128x128xf32>,
    %get3A_1204 = arith.constant 71 : index
    %get3A_1205 = arith.constant 0 : index
    %get3A_1206 = arith.constant 0 : index
    %get3A_1207 = vector.load %arg2[%get3A_1204, %get3A_1205, %get3A_1206] : memref<128x128x128xf32, #tpu.memory_space<vmem>>, vector<1x128x128xf32>
    %get3A_1208 = vector.shape_cast %get3A_1207 : vector<1x128x128xf32> to vector<128x128xf32>
    %get3A_1209 = arith.constant 0 : index
    %get3A_1210 = arith.index_cast %arg0 : i32 to index
    %get3A_1211 = arith.constant 71 : index
    %get3A_1212 = memref.load %arg1[%get3A_1209, %get3A_1210, %get3A_1211] : memref<1x30x128xf32, #tpu.memory_space<smem>>
    %mul3A_1213 = vector.broadcast %get3A_1212 : f32 to vector<128x128xf32>
    %mul3A_1214 = arith.mulf %get3A_1208, %mul3A_1213 : vector<128x128xf32>
    %swap3A_1215 = arith.constant 71 : index
    %swap3A_1216 = arith.constant 0 : index
    %swap3A_1217 = arith.constant 0 : index
    %swap3A_1218 = vector.load %arg4[%swap3A_1215, %swap3A_1216, %swap3A_1217] : memref<128x128x128xf32, #tpu.memory_space<vmem>>, vector<1x128x128xf32>
    %swap3A_1219 = vector.shape_cast %swap3A_1218 : vector<1x128x128xf32> to vector<128x128xf32>
    %swap3A_1220 = vector.shape_cast %mul3A_1214 : vector<128x128xf32> to vector<1x128x128xf32>
    tpu.vector_store %arg4[%swap3A_1215, %swap3A_1216, %swap3A_1217], %swap3A_1220 {strides = array<i32>} : memref<128x128x128xf32, #tpu.memory_space<vmem>>, vector<1x128x128xf32>,
    %get3A_1221 = arith.constant 72 : index
    %get3A_1222 = arith.constant 0 : index
    %get3A_1223 = arith.constant 0 : index
    %get3A_1224 = vector.load %arg2[%get3A_1221, %get3A_1222, %get3A_1223] : memref<128x128x128xf32, #tpu.memory_space<vmem>>, vector<1x128x128xf32>
    %get3A_1225 = vector.shape_cast %get3A_1224 : vector<1x128x128xf32> to vector<128x128xf32>
    %get3A_1226 = arith.constant 0 : index
    %get3A_1227 = arith.index_cast %arg0 : i32 to index
    %get3A_1228 = arith.constant 72 : index
    %get3A_1229 = memref.load %arg1[%get3A_1226, %get3A_1227, %get3A_1228] : memref<1x30x128xf32, #tpu.memory_space<smem>>
    %mul3A_1230 = vector.broadcast %get3A_1229 : f32 to vector<128x128xf32>
    %mul3A_1231 = arith.mulf %get3A_1225, %mul3A_1230 : vector<128x128xf32>
    %swap3A_1232 = arith.constant 72 : index
    %swap3A_1233 = arith.constant 0 : index
    %swap3A_1234 = arith.constant 0 : index
    %swap3A_1235 = vector.load %arg4[%swap3A_1232, %swap3A_1233, %swap3A_1234] : memref<128x128x128xf32, #tpu.memory_space<vmem>>, vector<1x128x128xf32>
    %swap3A_1236 = vector.shape_cast %swap3A_1235 : vector<1x128x128xf32> to vector<128x128xf32>
    %swap3A_1237 = vector.shape_cast %mul3A_1231 : vector<128x128xf32> to vector<1x128x128xf32>
    tpu.vector_store %arg4[%swap3A_1232, %swap3A_1233, %swap3A_1234], %swap3A_1237 {strides = array<i32>} : memref<128x128x128xf32, #tpu.memory_space<vmem>>, vector<1x128x128xf32>,
    %get3A_1238 = arith.constant 73 : index
    %get3A_1239 = arith.constant 0 : index
    %get3A_1240 = arith.constant 0 : index
    %get3A_1241 = vector.load %arg2[%get3A_1238, %get3A_1239, %get3A_1240] : memref<128x128x128xf32, #tpu.memory_space<vmem>>, vector<1x128x128xf32>
    %get3A_1242 = vector.shape_cast %get3A_1241 : vector<1x128x128xf32> to vector<128x128xf32>
    %get3A_1243 = arith.constant 0 : index
    %get3A_1244 = arith.index_cast %arg0 : i32 to index
    %get3A_1245 = arith.constant 73 : index
    %get3A_1246 = memref.load %arg1[%get3A_1243, %get3A_1244, %get3A_1245] : memref<1x30x128xf32, #tpu.memory_space<smem>>
    %mul3A_1247 = vector.broadcast %get3A_1246 : f32 to vector<128x128xf32>
    %mul3A_1248 = arith.mulf %get3A_1242, %mul3A_1247 : vector<128x128xf32>
    %swap3A_1249 = arith.constant 73 : index
    %swap3A_1250 = arith.constant 0 : index
    %swap3A_1251 = arith.constant 0 : index
    %swap3A_1252 = vector.load %arg4[%swap3A_1249, %swap3A_1250, %swap3A_1251] : memref<128x128x128xf32, #tpu.memory_space<vmem>>, vector<1x128x128xf32>
    %swap3A_1253 = vector.shape_cast %swap3A_1252 : vector<1x128x128xf32> to vector<128x128xf32>
    %swap3A_1254 = vector.shape_cast %mul3A_1248 : vector<128x128xf32> to vector<1x128x128xf32>
    tpu.vector_store %arg4[%swap3A_1249, %swap3A_1250, %swap3A_1251], %swap3A_1254 {strides = array<i32>} : memref<128x128x128xf32, #tpu.memory_space<vmem>>, vector<1x128x128xf32>,
    %get3A_1255 = arith.constant 74 : index
    %get3A_1256 = arith.constant 0 : index
    %get3A_1257 = arith.constant 0 : index
    %get3A_1258 = vector.load %arg2[%get3A_1255, %get3A_1256, %get3A_1257] : memref<128x128x128xf32, #tpu.memory_space<vmem>>, vector<1x128x128xf32>
    %get3A_1259 = vector.shape_cast %get3A_1258 : vector<1x128x128xf32> to vector<128x128xf32>
    %get3A_1260 = arith.constant 0 : index
    %get3A_1261 = arith.index_cast %arg0 : i32 to index
    %get3A_1262 = arith.constant 74 : index
    %get3A_1263 = memref.load %arg1[%get3A_1260, %get3A_1261, %get3A_1262] : memref<1x30x128xf32, #tpu.memory_space<smem>>
    %mul3A_1264 = vector.broadcast %get3A_1263 : f32 to vector<128x128xf32>
    %mul3A_1265 = arith.mulf %get3A_1259, %mul3A_1264 : vector<128x128xf32>
    %swap3A_1266 = arith.constant 74 : index
    %swap3A_1267 = arith.constant 0 : index
    %swap3A_1268 = arith.constant 0 : index
    %swap3A_1269 = vector.load %arg4[%swap3A_1266, %swap3A_1267, %swap3A_1268] : memref<128x128x128xf32, #tpu.memory_space<vmem>>, vector<1x128x128xf32>
    %swap3A_1270 = vector.shape_cast %swap3A_1269 : vector<1x128x128xf32> to vector<128x128xf32>
    %swap3A_1271 = vector.shape_cast %mul3A_1265 : vector<128x128xf32> to vector<1x128x128xf32>
    tpu.vector_store %arg4[%swap3A_1266, %swap3A_1267, %swap3A_1268], %swap3A_1271 {strides = array<i32>} : memref<128x128x128xf32, #tpu.memory_space<vmem>>, vector<1x128x128xf32>,
    %get3A_1272 = arith.constant 75 : index
    %get3A_1273 = arith.constant 0 : index
    %get3A_1274 = arith.constant 0 : index
    %get3A_1275 = vector.load %arg2[%get3A_1272, %get3A_1273, %get3A_1274] : memref<128x128x128xf32, #tpu.memory_space<vmem>>, vector<1x128x128xf32>
    %get3A_1276 = vector.shape_cast %get3A_1275 : vector<1x128x128xf32> to vector<128x128xf32>
    %get3A_1277 = arith.constant 0 : index
    %get3A_1278 = arith.index_cast %arg0 : i32 to index
    %get3A_1279 = arith.constant 75 : index
    %get3A_1280 = memref.load %arg1[%get3A_1277, %get3A_1278, %get3A_1279] : memref<1x30x128xf32, #tpu.memory_space<smem>>
    %mul3A_1281 = vector.broadcast %get3A_1280 : f32 to vector<128x128xf32>
    %mul3A_1282 = arith.mulf %get3A_1276, %mul3A_1281 : vector<128x128xf32>
    %swap3A_1283 = arith.constant 75 : index
    %swap3A_1284 = arith.constant 0 : index
    %swap3A_1285 = arith.constant 0 : index
    %swap3A_1286 = vector.load %arg4[%swap3A_1283, %swap3A_1284, %swap3A_1285] : memref<128x128x128xf32, #tpu.memory_space<vmem>>, vector<1x128x128xf32>
    %swap3A_1287 = vector.shape_cast %swap3A_1286 : vector<1x128x128xf32> to vector<128x128xf32>
    %swap3A_1288 = vector.shape_cast %mul3A_1282 : vector<128x128xf32> to vector<1x128x128xf32>
    tpu.vector_store %arg4[%swap3A_1283, %swap3A_1284, %swap3A_1285], %swap3A_1288 {strides = array<i32>} : memref<128x128x128xf32, #tpu.memory_space<vmem>>, vector<1x128x128xf32>,
    %get3A_1289 = arith.constant 76 : index
    %get3A_1290 = arith.constant 0 : index
    %get3A_1291 = arith.constant 0 : index
    %get3A_1292 = vector.load %arg2[%get3A_1289, %get3A_1290, %get3A_1291] : memref<128x128x128xf32, #tpu.memory_space<vmem>>, vector<1x128x128xf32>
    %get3A_1293 = vector.shape_cast %get3A_1292 : vector<1x128x128xf32> to vector<128x128xf32>
    %get3A_1294 = arith.constant 0 : index
    %get3A_1295 = arith.index_cast %arg0 : i32 to index
    %get3A_1296 = arith.constant 76 : index
    %get3A_1297 = memref.load %arg1[%get3A_1294, %get3A_1295, %get3A_1296] : memref<1x30x128xf32, #tpu.memory_space<smem>>
    %mul3A_1298 = vector.broadcast %get3A_1297 : f32 to vector<128x128xf32>
    %mul3A_1299 = arith.mulf %get3A_1293, %mul3A_1298 : vector<128x128xf32>
    %swap3A_1300 = arith.constant 76 : index
    %swap3A_1301 = arith.constant 0 : index
    %swap3A_1302 = arith.constant 0 : index
    %swap3A_1303 = vector.load %arg4[%swap3A_1300, %swap3A_1301, %swap3A_1302] : memref<128x128x128xf32, #tpu.memory_space<vmem>>, vector<1x128x128xf32>
    %swap3A_1304 = vector.shape_cast %swap3A_1303 : vector<1x128x128xf32> to vector<128x128xf32>
    %swap3A_1305 = vector.shape_cast %mul3A_1299 : vector<128x128xf32> to vector<1x128x128xf32>
    tpu.vector_store %arg4[%swap3A_1300, %swap3A_1301, %swap3A_1302], %swap3A_1305 {strides = array<i32>} : memref<128x128x128xf32, #tpu.memory_space<vmem>>, vector<1x128x128xf32>,
    %get3A_1306 = arith.constant 77 : index
    %get3A_1307 = arith.constant 0 : index
    %get3A_1308 = arith.constant 0 : index
    %get3A_1309 = vector.load %arg2[%get3A_1306, %get3A_1307, %get3A_1308] : memref<128x128x128xf32, #tpu.memory_space<vmem>>, vector<1x128x128xf32>
    %get3A_1310 = vector.shape_cast %get3A_1309 : vector<1x128x128xf32> to vector<128x128xf32>
    %get3A_1311 = arith.constant 0 : index
    %get3A_1312 = arith.index_cast %arg0 : i32 to index
    %get3A_1313 = arith.constant 77 : index
    %get3A_1314 = memref.load %arg1[%get3A_1311, %get3A_1312, %get3A_1313] : memref<1x30x128xf32, #tpu.memory_space<smem>>
    %mul3A_1315 = vector.broadcast %get3A_1314 : f32 to vector<128x128xf32>
    %mul3A_1316 = arith.mulf %get3A_1310, %mul3A_1315 : vector<128x128xf32>
    %swap3A_1317 = arith.constant 77 : index
    %swap3A_1318 = arith.constant 0 : index
    %swap3A_1319 = arith.constant 0 : index
    %swap3A_1320 = vector.load %arg4[%swap3A_1317, %swap3A_1318, %swap3A_1319] : memref<128x128x128xf32, #tpu.memory_space<vmem>>, vector<1x128x128xf32>
    %swap3A_1321 = vector.shape_cast %swap3A_1320 : vector<1x128x128xf32> to vector<128x128xf32>
    %swap3A_1322 = vector.shape_cast %mul3A_1316 : vector<128x128xf32> to vector<1x128x128xf32>
    tpu.vector_store %arg4[%swap3A_1317, %swap3A_1318, %swap3A_1319], %swap3A_1322 {strides = array<i32>} : memref<128x128x128xf32, #tpu.memory_space<vmem>>, vector<1x128x128xf32>,
    %get3A_1323 = arith.constant 78 : index
    %get3A_1324 = arith.constant 0 : index
    %get3A_1325 = arith.constant 0 : index
    %get3A_1326 = vector.load %arg2[%get3A_1323, %get3A_1324, %get3A_1325] : memref<128x128x128xf32, #tpu.memory_space<vmem>>, vector<1x128x128xf32>
    %get3A_1327 = vector.shape_cast %get3A_1326 : vector<1x128x128xf32> to vector<128x128xf32>
    %get3A_1328 = arith.constant 0 : index
    %get3A_1329 = arith.index_cast %arg0 : i32 to index
    %get3A_1330 = arith.constant 78 : index
    %get3A_1331 = memref.load %arg1[%get3A_1328, %get3A_1329, %get3A_1330] : memref<1x30x128xf32, #tpu.memory_space<smem>>
    %mul3A_1332 = vector.broadcast %get3A_1331 : f32 to vector<128x128xf32>
    %mul3A_1333 = arith.mulf %get3A_1327, %mul3A_1332 : vector<128x128xf32>
    %swap3A_1334 = arith.constant 78 : index
    %swap3A_1335 = arith.constant 0 : index
    %swap3A_1336 = arith.constant 0 : index
    %swap3A_1337 = vector.load %arg4[%swap3A_1334, %swap3A_1335, %swap3A_1336] : memref<128x128x128xf32, #tpu.memory_space<vmem>>, vector<1x128x128xf32>
    %swap3A_1338 = vector.shape_cast %swap3A_1337 : vector<1x128x128xf32> to vector<128x128xf32>
    %swap3A_1339 = vector.shape_cast %mul3A_1333 : vector<128x128xf32> to vector<1x128x128xf32>
    tpu.vector_store %arg4[%swap3A_1334, %swap3A_1335, %swap3A_1336], %swap3A_1339 {strides = array<i32>} : memref<128x128x128xf32, #tpu.memory_space<vmem>>, vector<1x128x128xf32>,
    %get3A_1340 = arith.constant 79 : index
    %get3A_1341 = arith.constant 0 : index
    %get3A_1342 = arith.constant 0 : index
    %get3A_1343 = vector.load %arg2[%get3A_1340, %get3A_1341, %get3A_1342] : memref<128x128x128xf32, #tpu.memory_space<vmem>>, vector<1x128x128xf32>
    %get3A_1344 = vector.shape_cast %get3A_1343 : vector<1x128x128xf32> to vector<128x128xf32>
    %get3A_1345 = arith.constant 0 : index
    %get3A_1346 = arith.index_cast %arg0 : i32 to index
    %get3A_1347 = arith.constant 79 : index
    %get3A_1348 = memref.load %arg1[%get3A_1345, %get3A_1346, %get3A_1347] : memref<1x30x128xf32, #tpu.memory_space<smem>>
    %mul3A_1349 = vector.broadcast %get3A_1348 : f32 to vector<128x128xf32>
    %mul3A_1350 = arith.mulf %get3A_1344, %mul3A_1349 : vector<128x128xf32>
    %swap3A_1351 = arith.constant 79 : index
    %swap3A_1352 = arith.constant 0 : index
    %swap3A_1353 = arith.constant 0 : index
    %swap3A_1354 = vector.load %arg4[%swap3A_1351, %swap3A_1352, %swap3A_1353] : memref<128x128x128xf32, #tpu.memory_space<vmem>>, vector<1x128x128xf32>
    %swap3A_1355 = vector.shape_cast %swap3A_1354 : vector<1x128x128xf32> to vector<128x128xf32>
    %swap3A_1356 = vector.shape_cast %mul3A_1350 : vector<128x128xf32> to vector<1x128x128xf32>
    tpu.vector_store %arg4[%swap3A_1351, %swap3A_1352, %swap3A_1353], %swap3A_1356 {strides = array<i32>} : memref<128x128x128xf32, #tpu.memory_space<vmem>>, vector<1x128x128xf32>,
    %get3A_1357 = arith.constant 80 : index
    %get3A_1358 = arith.constant 0 : index
    %get3A_1359 = arith.constant 0 : index
    %get3A_1360 = vector.load %arg2[%get3A_1357, %get3A_1358, %get3A_1359] : memref<128x128x128xf32, #tpu.memory_space<vmem>>, vector<1x128x128xf32>
    %get3A_1361 = vector.shape_cast %get3A_1360 : vector<1x128x128xf32> to vector<128x128xf32>
    %get3A_1362 = arith.constant 0 : index
    %get3A_1363 = arith.index_cast %arg0 : i32 to index
    %get3A_1364 = arith.constant 80 : index
    %get3A_1365 = memref.load %arg1[%get3A_1362, %get3A_1363, %get3A_1364] : memref<1x30x128xf32, #tpu.memory_space<smem>>
    %mul3A_1366 = vector.broadcast %get3A_1365 : f32 to vector<128x128xf32>
    %mul3A_1367 = arith.mulf %get3A_1361, %mul3A_1366 : vector<128x128xf32>
    %swap3A_1368 = arith.constant 80 : index
    %swap3A_1369 = arith.constant 0 : index
    %swap3A_1370 = arith.constant 0 : index
    %swap3A_1371 = vector.load %arg4[%swap3A_1368, %swap3A_1369, %swap3A_1370] : memref<128x128x128xf32, #tpu.memory_space<vmem>>, vector<1x128x128xf32>
    %swap3A_1372 = vector.shape_cast %swap3A_1371 : vector<1x128x128xf32> to vector<128x128xf32>
    %swap3A_1373 = vector.shape_cast %mul3A_1367 : vector<128x128xf32> to vector<1x128x128xf32>
    tpu.vector_store %arg4[%swap3A_1368, %swap3A_1369, %swap3A_1370], %swap3A_1373 {strides = array<i32>} : memref<128x128x128xf32, #tpu.memory_space<vmem>>, vector<1x128x128xf32>,
    %get3A_1374 = arith.constant 81 : index
    %get3A_1375 = arith.constant 0 : index
    %get3A_1376 = arith.constant 0 : index
    %get3A_1377 = vector.load %arg2[%get3A_1374, %get3A_1375, %get3A_1376] : memref<128x128x128xf32, #tpu.memory_space<vmem>>, vector<1x128x128xf32>
    %get3A_1378 = vector.shape_cast %get3A_1377 : vector<1x128x128xf32> to vector<128x128xf32>
    %get3A_1379 = arith.constant 0 : index
    %get3A_1380 = arith.index_cast %arg0 : i32 to index
    %get3A_1381 = arith.constant 81 : index
    %get3A_1382 = memref.load %arg1[%get3A_1379, %get3A_1380, %get3A_1381] : memref<1x30x128xf32, #tpu.memory_space<smem>>
    %mul3A_1383 = vector.broadcast %get3A_1382 : f32 to vector<128x128xf32>
    %mul3A_1384 = arith.mulf %get3A_1378, %mul3A_1383 : vector<128x128xf32>
    %swap3A_1385 = arith.constant 81 : index
    %swap3A_1386 = arith.constant 0 : index
    %swap3A_1387 = arith.constant 0 : index
    %swap3A_1388 = vector.load %arg4[%swap3A_1385, %swap3A_1386, %swap3A_1387] : memref<128x128x128xf32, #tpu.memory_space<vmem>>, vector<1x128x128xf32>
    %swap3A_1389 = vector.shape_cast %swap3A_1388 : vector<1x128x128xf32> to vector<128x128xf32>
    %swap3A_1390 = vector.shape_cast %mul3A_1384 : vector<128x128xf32> to vector<1x128x128xf32>
    tpu.vector_store %arg4[%swap3A_1385, %swap3A_1386, %swap3A_1387], %swap3A_1390 {strides = array<i32>} : memref<128x128x128xf32, #tpu.memory_space<vmem>>, vector<1x128x128xf32>,
    %get3A_1391 = arith.constant 82 : index
    %get3A_1392 = arith.constant 0 : index
    %get3A_1393 = arith.constant 0 : index
    %get3A_1394 = vector.load %arg2[%get3A_1391, %get3A_1392, %get3A_1393] : memref<128x128x128xf32, #tpu.memory_space<vmem>>, vector<1x128x128xf32>
    %get3A_1395 = vector.shape_cast %get3A_1394 : vector<1x128x128xf32> to vector<128x128xf32>
    %get3A_1396 = arith.constant 0 : index
    %get3A_1397 = arith.index_cast %arg0 : i32 to index
    %get3A_1398 = arith.constant 82 : index
    %get3A_1399 = memref.load %arg1[%get3A_1396, %get3A_1397, %get3A_1398] : memref<1x30x128xf32, #tpu.memory_space<smem>>
    %mul3A_1400 = vector.broadcast %get3A_1399 : f32 to vector<128x128xf32>
    %mul3A_1401 = arith.mulf %get3A_1395, %mul3A_1400 : vector<128x128xf32>
    %swap3A_1402 = arith.constant 82 : index
    %swap3A_1403 = arith.constant 0 : index
    %swap3A_1404 = arith.constant 0 : index
    %swap3A_1405 = vector.load %arg4[%swap3A_1402, %swap3A_1403, %swap3A_1404] : memref<128x128x128xf32, #tpu.memory_space<vmem>>, vector<1x128x128xf32>
    %swap3A_1406 = vector.shape_cast %swap3A_1405 : vector<1x128x128xf32> to vector<128x128xf32>
    %swap3A_1407 = vector.shape_cast %mul3A_1401 : vector<128x128xf32> to vector<1x128x128xf32>
    tpu.vector_store %arg4[%swap3A_1402, %swap3A_1403, %swap3A_1404], %swap3A_1407 {strides = array<i32>} : memref<128x128x128xf32, #tpu.memory_space<vmem>>, vector<1x128x128xf32>,
    %get3A_1408 = arith.constant 83 : index
    %get3A_1409 = arith.constant 0 : index
    %get3A_1410 = arith.constant 0 : index
    %get3A_1411 = vector.load %arg2[%get3A_1408, %get3A_1409, %get3A_1410] : memref<128x128x128xf32, #tpu.memory_space<vmem>>, vector<1x128x128xf32>
    %get3A_1412 = vector.shape_cast %get3A_1411 : vector<1x128x128xf32> to vector<128x128xf32>
    %get3A_1413 = arith.constant 0 : index
    %get3A_1414 = arith.index_cast %arg0 : i32 to index
    %get3A_1415 = arith.constant 83 : index
    %get3A_1416 = memref.load %arg1[%get3A_1413, %get3A_1414, %get3A_1415] : memref<1x30x128xf32, #tpu.memory_space<smem>>
    %mul3A_1417 = vector.broadcast %get3A_1416 : f32 to vector<128x128xf32>
    %mul3A_1418 = arith.mulf %get3A_1412, %mul3A_1417 : vector<128x128xf32>
    %swap3A_1419 = arith.constant 83 : index
    %swap3A_1420 = arith.constant 0 : index
    %swap3A_1421 = arith.constant 0 : index
    %swap3A_1422 = vector.load %arg4[%swap3A_1419, %swap3A_1420, %swap3A_1421] : memref<128x128x128xf32, #tpu.memory_space<vmem>>, vector<1x128x128xf32>
    %swap3A_1423 = vector.shape_cast %swap3A_1422 : vector<1x128x128xf32> to vector<128x128xf32>
    %swap3A_1424 = vector.shape_cast %mul3A_1418 : vector<128x128xf32> to vector<1x128x128xf32>
    tpu.vector_store %arg4[%swap3A_1419, %swap3A_1420, %swap3A_1421], %swap3A_1424 {strides = array<i32>} : memref<128x128x128xf32, #tpu.memory_space<vmem>>, vector<1x128x128xf32>,
    %get3A_1425 = arith.constant 84 : index
    %get3A_1426 = arith.constant 0 : index
    %get3A_1427 = arith.constant 0 : index
    %get3A_1428 = vector.load %arg2[%get3A_1425, %get3A_1426, %get3A_1427] : memref<128x128x128xf32, #tpu.memory_space<vmem>>, vector<1x128x128xf32>
    %get3A_1429 = vector.shape_cast %get3A_1428 : vector<1x128x128xf32> to vector<128x128xf32>
    %get3A_1430 = arith.constant 0 : index
    %get3A_1431 = arith.index_cast %arg0 : i32 to index
    %get3A_1432 = arith.constant 84 : index
    %get3A_1433 = memref.load %arg1[%get3A_1430, %get3A_1431, %get3A_1432] : memref<1x30x128xf32, #tpu.memory_space<smem>>
    %mul3A_1434 = vector.broadcast %get3A_1433 : f32 to vector<128x128xf32>
    %mul3A_1435 = arith.mulf %get3A_1429, %mul3A_1434 : vector<128x128xf32>
    %swap3A_1436 = arith.constant 84 : index
    %swap3A_1437 = arith.constant 0 : index
    %swap3A_1438 = arith.constant 0 : index
    %swap3A_1439 = vector.load %arg4[%swap3A_1436, %swap3A_1437, %swap3A_1438] : memref<128x128x128xf32, #tpu.memory_space<vmem>>, vector<1x128x128xf32>
    %swap3A_1440 = vector.shape_cast %swap3A_1439 : vector<1x128x128xf32> to vector<128x128xf32>
    %swap3A_1441 = vector.shape_cast %mul3A_1435 : vector<128x128xf32> to vector<1x128x128xf32>
    tpu.vector_store %arg4[%swap3A_1436, %swap3A_1437, %swap3A_1438], %swap3A_1441 {strides = array<i32>} : memref<128x128x128xf32, #tpu.memory_space<vmem>>, vector<1x128x128xf32>,
    %get3A_1442 = arith.constant 85 : index
    %get3A_1443 = arith.constant 0 : index
    %get3A_1444 = arith.constant 0 : index
    %get3A_1445 = vector.load %arg2[%get3A_1442, %get3A_1443, %get3A_1444] : memref<128x128x128xf32, #tpu.memory_space<vmem>>, vector<1x128x128xf32>
    %get3A_1446 = vector.shape_cast %get3A_1445 : vector<1x128x128xf32> to vector<128x128xf32>
    %get3A_1447 = arith.constant 0 : index
    %get3A_1448 = arith.index_cast %arg0 : i32 to index
    %get3A_1449 = arith.constant 85 : index
    %get3A_1450 = memref.load %arg1[%get3A_1447, %get3A_1448, %get3A_1449] : memref<1x30x128xf32, #tpu.memory_space<smem>>
    %mul3A_1451 = vector.broadcast %get3A_1450 : f32 to vector<128x128xf32>
    %mul3A_1452 = arith.mulf %get3A_1446, %mul3A_1451 : vector<128x128xf32>
    %swap3A_1453 = arith.constant 85 : index
    %swap3A_1454 = arith.constant 0 : index
    %swap3A_1455 = arith.constant 0 : index
    %swap3A_1456 = vector.load %arg4[%swap3A_1453, %swap3A_1454, %swap3A_1455] : memref<128x128x128xf32, #tpu.memory_space<vmem>>, vector<1x128x128xf32>
    %swap3A_1457 = vector.shape_cast %swap3A_1456 : vector<1x128x128xf32> to vector<128x128xf32>
    %swap3A_1458 = vector.shape_cast %mul3A_1452 : vector<128x128xf32> to vector<1x128x128xf32>
    tpu.vector_store %arg4[%swap3A_1453, %swap3A_1454, %swap3A_1455], %swap3A_1458 {strides = array<i32>} : memref<128x128x128xf32, #tpu.memory_space<vmem>>, vector<1x128x128xf32>,
    %get3A_1459 = arith.constant 86 : index
    %get3A_1460 = arith.constant 0 : index
    %get3A_1461 = arith.constant 0 : index
    %get3A_1462 = vector.load %arg2[%get3A_1459, %get3A_1460, %get3A_1461] : memref<128x128x128xf32, #tpu.memory_space<vmem>>, vector<1x128x128xf32>
    %get3A_1463 = vector.shape_cast %get3A_1462 : vector<1x128x128xf32> to vector<128x128xf32>
    %get3A_1464 = arith.constant 0 : index
    %get3A_1465 = arith.index_cast %arg0 : i32 to index
    %get3A_1466 = arith.constant 86 : index
    %get3A_1467 = memref.load %arg1[%get3A_1464, %get3A_1465, %get3A_1466] : memref<1x30x128xf32, #tpu.memory_space<smem>>
    %mul3A_1468 = vector.broadcast %get3A_1467 : f32 to vector<128x128xf32>
    %mul3A_1469 = arith.mulf %get3A_1463, %mul3A_1468 : vector<128x128xf32>
    %swap3A_1470 = arith.constant 86 : index
    %swap3A_1471 = arith.constant 0 : index
    %swap3A_1472 = arith.constant 0 : index
    %swap3A_1473 = vector.load %arg4[%swap3A_1470, %swap3A_1471, %swap3A_1472] : memref<128x128x128xf32, #tpu.memory_space<vmem>>, vector<1x128x128xf32>
    %swap3A_1474 = vector.shape_cast %swap3A_1473 : vector<1x128x128xf32> to vector<128x128xf32>
    %swap3A_1475 = vector.shape_cast %mul3A_1469 : vector<128x128xf32> to vector<1x128x128xf32>
    tpu.vector_store %arg4[%swap3A_1470, %swap3A_1471, %swap3A_1472], %swap3A_1475 {strides = array<i32>} : memref<128x128x128xf32, #tpu.memory_space<vmem>>, vector<1x128x128xf32>,
    %get3A_1476 = arith.constant 87 : index
    %get3A_1477 = arith.constant 0 : index
    %get3A_1478 = arith.constant 0 : index
    %get3A_1479 = vector.load %arg2[%get3A_1476, %get3A_1477, %get3A_1478] : memref<128x128x128xf32, #tpu.memory_space<vmem>>, vector<1x128x128xf32>
    %get3A_1480 = vector.shape_cast %get3A_1479 : vector<1x128x128xf32> to vector<128x128xf32>
    %get3A_1481 = arith.constant 0 : index
    %get3A_1482 = arith.index_cast %arg0 : i32 to index
    %get3A_1483 = arith.constant 87 : index
    %get3A_1484 = memref.load %arg1[%get3A_1481, %get3A_1482, %get3A_1483] : memref<1x30x128xf32, #tpu.memory_space<smem>>
    %mul3A_1485 = vector.broadcast %get3A_1484 : f32 to vector<128x128xf32>
    %mul3A_1486 = arith.mulf %get3A_1480, %mul3A_1485 : vector<128x128xf32>
    %swap3A_1487 = arith.constant 87 : index
    %swap3A_1488 = arith.constant 0 : index
    %swap3A_1489 = arith.constant 0 : index
    %swap3A_1490 = vector.load %arg4[%swap3A_1487, %swap3A_1488, %swap3A_1489] : memref<128x128x128xf32, #tpu.memory_space<vmem>>, vector<1x128x128xf32>
    %swap3A_1491 = vector.shape_cast %swap3A_1490 : vector<1x128x128xf32> to vector<128x128xf32>
    %swap3A_1492 = vector.shape_cast %mul3A_1486 : vector<128x128xf32> to vector<1x128x128xf32>
    tpu.vector_store %arg4[%swap3A_1487, %swap3A_1488, %swap3A_1489], %swap3A_1492 {strides = array<i32>} : memref<128x128x128xf32, #tpu.memory_space<vmem>>, vector<1x128x128xf32>,
    %get3A_1493 = arith.constant 88 : index
    %get3A_1494 = arith.constant 0 : index
    %get3A_1495 = arith.constant 0 : index
    %get3A_1496 = vector.load %arg2[%get3A_1493, %get3A_1494, %get3A_1495] : memref<128x128x128xf32, #tpu.memory_space<vmem>>, vector<1x128x128xf32>
    %get3A_1497 = vector.shape_cast %get3A_1496 : vector<1x128x128xf32> to vector<128x128xf32>
    %get3A_1498 = arith.constant 0 : index
    %get3A_1499 = arith.index_cast %arg0 : i32 to index
    %get3A_1500 = arith.constant 88 : index
    %get3A_1501 = memref.load %arg1[%get3A_1498, %get3A_1499, %get3A_1500] : memref<1x30x128xf32, #tpu.memory_space<smem>>
    %mul3A_1502 = vector.broadcast %get3A_1501 : f32 to vector<128x128xf32>
    %mul3A_1503 = arith.mulf %get3A_1497, %mul3A_1502 : vector<128x128xf32>
    %swap3A_1504 = arith.constant 88 : index
    %swap3A_1505 = arith.constant 0 : index
    %swap3A_1506 = arith.constant 0 : index
    %swap3A_1507 = vector.load %arg4[%swap3A_1504, %swap3A_1505, %swap3A_1506] : memref<128x128x128xf32, #tpu.memory_space<vmem>>, vector<1x128x128xf32>
    %swap3A_1508 = vector.shape_cast %swap3A_1507 : vector<1x128x128xf32> to vector<128x128xf32>
    %swap3A_1509 = vector.shape_cast %mul3A_1503 : vector<128x128xf32> to vector<1x128x128xf32>
    tpu.vector_store %arg4[%swap3A_1504, %swap3A_1505, %swap3A_1506], %swap3A_1509 {strides = array<i32>} : memref<128x128x128xf32, #tpu.memory_space<vmem>>, vector<1x128x128xf32>,
    %get3A_1510 = arith.constant 89 : index
    %get3A_1511 = arith.constant 0 : index
    %get3A_1512 = arith.constant 0 : index
    %get3A_1513 = vector.load %arg2[%get3A_1510, %get3A_1511, %get3A_1512] : memref<128x128x128xf32, #tpu.memory_space<vmem>>, vector<1x128x128xf32>
    %get3A_1514 = vector.shape_cast %get3A_1513 : vector<1x128x128xf32> to vector<128x128xf32>
    %get3A_1515 = arith.constant 0 : index
    %get3A_1516 = arith.index_cast %arg0 : i32 to index
    %get3A_1517 = arith.constant 89 : index
    %get3A_1518 = memref.load %arg1[%get3A_1515, %get3A_1516, %get3A_1517] : memref<1x30x128xf32, #tpu.memory_space<smem>>
    %mul3A_1519 = vector.broadcast %get3A_1518 : f32 to vector<128x128xf32>
    %mul3A_1520 = arith.mulf %get3A_1514, %mul3A_1519 : vector<128x128xf32>
    %swap3A_1521 = arith.constant 89 : index
    %swap3A_1522 = arith.constant 0 : index
    %swap3A_1523 = arith.constant 0 : index
    %swap3A_1524 = vector.load %arg4[%swap3A_1521, %swap3A_1522, %swap3A_1523] : memref<128x128x128xf32, #tpu.memory_space<vmem>>, vector<1x128x128xf32>
    %swap3A_1525 = vector.shape_cast %swap3A_1524 : vector<1x128x128xf32> to vector<128x128xf32>
    %swap3A_1526 = vector.shape_cast %mul3A_1520 : vector<128x128xf32> to vector<1x128x128xf32>
    tpu.vector_store %arg4[%swap3A_1521, %swap3A_1522, %swap3A_1523], %swap3A_1526 {strides = array<i32>} : memref<128x128x128xf32, #tpu.memory_space<vmem>>, vector<1x128x128xf32>,
    %get3A_1527 = arith.constant 90 : index
    %get3A_1528 = arith.constant 0 : index
    %get3A_1529 = arith.constant 0 : index
    %get3A_1530 = vector.load %arg2[%get3A_1527, %get3A_1528, %get3A_1529] : memref<128x128x128xf32, #tpu.memory_space<vmem>>, vector<1x128x128xf32>
    %get3A_1531 = vector.shape_cast %get3A_1530 : vector<1x128x128xf32> to vector<128x128xf32>
    %get3A_1532 = arith.constant 0 : index
    %get3A_1533 = arith.index_cast %arg0 : i32 to index
    %get3A_1534 = arith.constant 90 : index
    %get3A_1535 = memref.load %arg1[%get3A_1532, %get3A_1533, %get3A_1534] : memref<1x30x128xf32, #tpu.memory_space<smem>>
    %mul3A_1536 = vector.broadcast %get3A_1535 : f32 to vector<128x128xf32>
    %mul3A_1537 = arith.mulf %get3A_1531, %mul3A_1536 : vector<128x128xf32>
    %swap3A_1538 = arith.constant 90 : index
    %swap3A_1539 = arith.constant 0 : index
    %swap3A_1540 = arith.constant 0 : index
    %swap3A_1541 = vector.load %arg4[%swap3A_1538, %swap3A_1539, %swap3A_1540] : memref<128x128x128xf32, #tpu.memory_space<vmem>>, vector<1x128x128xf32>
    %swap3A_1542 = vector.shape_cast %swap3A_1541 : vector<1x128x128xf32> to vector<128x128xf32>
    %swap3A_1543 = vector.shape_cast %mul3A_1537 : vector<128x128xf32> to vector<1x128x128xf32>
    tpu.vector_store %arg4[%swap3A_1538, %swap3A_1539, %swap3A_1540], %swap3A_1543 {strides = array<i32>} : memref<128x128x128xf32, #tpu.memory_space<vmem>>, vector<1x128x128xf32>,
    %get3A_1544 = arith.constant 91 : index
    %get3A_1545 = arith.constant 0 : index
    %get3A_1546 = arith.constant 0 : index
    %get3A_1547 = vector.load %arg2[%get3A_1544, %get3A_1545, %get3A_1546] : memref<128x128x128xf32, #tpu.memory_space<vmem>>, vector<1x128x128xf32>
    %get3A_1548 = vector.shape_cast %get3A_1547 : vector<1x128x128xf32> to vector<128x128xf32>
    %get3A_1549 = arith.constant 0 : index
    %get3A_1550 = arith.index_cast %arg0 : i32 to index
    %get3A_1551 = arith.constant 91 : index
    %get3A_1552 = memref.load %arg1[%get3A_1549, %get3A_1550, %get3A_1551] : memref<1x30x128xf32, #tpu.memory_space<smem>>
    %mul3A_1553 = vector.broadcast %get3A_1552 : f32 to vector<128x128xf32>
    %mul3A_1554 = arith.mulf %get3A_1548, %mul3A_1553 : vector<128x128xf32>
    %swap3A_1555 = arith.constant 91 : index
    %swap3A_1556 = arith.constant 0 : index
    %swap3A_1557 = arith.constant 0 : index
    %swap3A_1558 = vector.load %arg4[%swap3A_1555, %swap3A_1556, %swap3A_1557] : memref<128x128x128xf32, #tpu.memory_space<vmem>>, vector<1x128x128xf32>
    %swap3A_1559 = vector.shape_cast %swap3A_1558 : vector<1x128x128xf32> to vector<128x128xf32>
    %swap3A_1560 = vector.shape_cast %mul3A_1554 : vector<128x128xf32> to vector<1x128x128xf32>
    tpu.vector_store %arg4[%swap3A_1555, %swap3A_1556, %swap3A_1557], %swap3A_1560 {strides = array<i32>} : memref<128x128x128xf32, #tpu.memory_space<vmem>>, vector<1x128x128xf32>,
    %get3A_1561 = arith.constant 92 : index
    %get3A_1562 = arith.constant 0 : index
    %get3A_1563 = arith.constant 0 : index
    %get3A_1564 = vector.load %arg2[%get3A_1561, %get3A_1562, %get3A_1563] : memref<128x128x128xf32, #tpu.memory_space<vmem>>, vector<1x128x128xf32>
    %get3A_1565 = vector.shape_cast %get3A_1564 : vector<1x128x128xf32> to vector<128x128xf32>
    %get3A_1566 = arith.constant 0 : index
    %get3A_1567 = arith.index_cast %arg0 : i32 to index
    %get3A_1568 = arith.constant 92 : index
    %get3A_1569 = memref.load %arg1[%get3A_1566, %get3A_1567, %get3A_1568] : memref<1x30x128xf32, #tpu.memory_space<smem>>
    %mul3A_1570 = vector.broadcast %get3A_1569 : f32 to vector<128x128xf32>
    %mul3A_1571 = arith.mulf %get3A_1565, %mul3A_1570 : vector<128x128xf32>
    %swap3A_1572 = arith.constant 92 : index
    %swap3A_1573 = arith.constant 0 : index
    %swap3A_1574 = arith.constant 0 : index
    %swap3A_1575 = vector.load %arg4[%swap3A_1572, %swap3A_1573, %swap3A_1574] : memref<128x128x128xf32, #tpu.memory_space<vmem>>, vector<1x128x128xf32>
    %swap3A_1576 = vector.shape_cast %swap3A_1575 : vector<1x128x128xf32> to vector<128x128xf32>
    %swap3A_1577 = vector.shape_cast %mul3A_1571 : vector<128x128xf32> to vector<1x128x128xf32>
    tpu.vector_store %arg4[%swap3A_1572, %swap3A_1573, %swap3A_1574], %swap3A_1577 {strides = array<i32>} : memref<128x128x128xf32, #tpu.memory_space<vmem>>, vector<1x128x128xf32>,
    %get3A_1578 = arith.constant 93 : index
    %get3A_1579 = arith.constant 0 : index
    %get3A_1580 = arith.constant 0 : index
    %get3A_1581 = vector.load %arg2[%get3A_1578, %get3A_1579, %get3A_1580] : memref<128x128x128xf32, #tpu.memory_space<vmem>>, vector<1x128x128xf32>
    %get3A_1582 = vector.shape_cast %get3A_1581 : vector<1x128x128xf32> to vector<128x128xf32>
    %get3A_1583 = arith.constant 0 : index
    %get3A_1584 = arith.index_cast %arg0 : i32 to index
    %get3A_1585 = arith.constant 93 : index
    %get3A_1586 = memref.load %arg1[%get3A_1583, %get3A_1584, %get3A_1585] : memref<1x30x128xf32, #tpu.memory_space<smem>>
    %mul3A_1587 = vector.broadcast %get3A_1586 : f32 to vector<128x128xf32>
    %mul3A_1588 = arith.mulf %get3A_1582, %mul3A_1587 : vector<128x128xf32>
    %swap3A_1589 = arith.constant 93 : index
    %swap3A_1590 = arith.constant 0 : index
    %swap3A_1591 = arith.constant 0 : index
    %swap3A_1592 = vector.load %arg4[%swap3A_1589, %swap3A_1590, %swap3A_1591] : memref<128x128x128xf32, #tpu.memory_space<vmem>>, vector<1x128x128xf32>
    %swap3A_1593 = vector.shape_cast %swap3A_1592 : vector<1x128x128xf32> to vector<128x128xf32>
    %swap3A_1594 = vector.shape_cast %mul3A_1588 : vector<128x128xf32> to vector<1x128x128xf32>
    tpu.vector_store %arg4[%swap3A_1589, %swap3A_1590, %swap3A_1591], %swap3A_1594 {strides = array<i32>} : memref<128x128x128xf32, #tpu.memory_space<vmem>>, vector<1x128x128xf32>,
    %get3A_1595 = arith.constant 94 : index
    %get3A_1596 = arith.constant 0 : index
    %get3A_1597 = arith.constant 0 : index
    %get3A_1598 = vector.load %arg2[%get3A_1595, %get3A_1596, %get3A_1597] : memref<128x128x128xf32, #tpu.memory_space<vmem>>, vector<1x128x128xf32>
    %get3A_1599 = vector.shape_cast %get3A_1598 : vector<1x128x128xf32> to vector<128x128xf32>
    %get3A_1600 = arith.constant 0 : index
    %get3A_1601 = arith.index_cast %arg0 : i32 to index
    %get3A_1602 = arith.constant 94 : index
    %get3A_1603 = memref.load %arg1[%get3A_1600, %get3A_1601, %get3A_1602] : memref<1x30x128xf32, #tpu.memory_space<smem>>
    %mul3A_1604 = vector.broadcast %get3A_1603 : f32 to vector<128x128xf32>
    %mul3A_1605 = arith.mulf %get3A_1599, %mul3A_1604 : vector<128x128xf32>
    %swap3A_1606 = arith.constant 94 : index
    %swap3A_1607 = arith.constant 0 : index
    %swap3A_1608 = arith.constant 0 : index
    %swap3A_1609 = vector.load %arg4[%swap3A_1606, %swap3A_1607, %swap3A_1608] : memref<128x128x128xf32, #tpu.memory_space<vmem>>, vector<1x128x128xf32>
    %swap3A_1610 = vector.shape_cast %swap3A_1609 : vector<1x128x128xf32> to vector<128x128xf32>
    %swap3A_1611 = vector.shape_cast %mul3A_1605 : vector<128x128xf32> to vector<1x128x128xf32>
    tpu.vector_store %arg4[%swap3A_1606, %swap3A_1607, %swap3A_1608], %swap3A_1611 {strides = array<i32>} : memref<128x128x128xf32, #tpu.memory_space<vmem>>, vector<1x128x128xf32>,
    %get3A_1612 = arith.constant 95 : index
    %get3A_1613 = arith.constant 0 : index
    %get3A_1614 = arith.constant 0 : index
    %get3A_1615 = vector.load %arg2[%get3A_1612, %get3A_1613, %get3A_1614] : memref<128x128x128xf32, #tpu.memory_space<vmem>>, vector<1x128x128xf32>
    %get3A_1616 = vector.shape_cast %get3A_1615 : vector<1x128x128xf32> to vector<128x128xf32>
    %get3A_1617 = arith.constant 0 : index
    %get3A_1618 = arith.index_cast %arg0 : i32 to index
    %get3A_1619 = arith.constant 95 : index
    %get3A_1620 = memref.load %arg1[%get3A_1617, %get3A_1618, %get3A_1619] : memref<1x30x128xf32, #tpu.memory_space<smem>>
    %mul3A_1621 = vector.broadcast %get3A_1620 : f32 to vector<128x128xf32>
    %mul3A_1622 = arith.mulf %get3A_1616, %mul3A_1621 : vector<128x128xf32>
    %swap3A_1623 = arith.constant 95 : index
    %swap3A_1624 = arith.constant 0 : index
    %swap3A_1625 = arith.constant 0 : index
    %swap3A_1626 = vector.load %arg4[%swap3A_1623, %swap3A_1624, %swap3A_1625] : memref<128x128x128xf32, #tpu.memory_space<vmem>>, vector<1x128x128xf32>
    %swap3A_1627 = vector.shape_cast %swap3A_1626 : vector<1x128x128xf32> to vector<128x128xf32>
    %swap3A_1628 = vector.shape_cast %mul3A_1622 : vector<128x128xf32> to vector<1x128x128xf32>
    tpu.vector_store %arg4[%swap3A_1623, %swap3A_1624, %swap3A_1625], %swap3A_1628 {strides = array<i32>} : memref<128x128x128xf32, #tpu.memory_space<vmem>>, vector<1x128x128xf32>,
    %get3A_1629 = arith.constant 96 : index
    %get3A_1630 = arith.constant 0 : index
    %get3A_1631 = arith.constant 0 : index
    %get3A_1632 = vector.load %arg2[%get3A_1629, %get3A_1630, %get3A_1631] : memref<128x128x128xf32, #tpu.memory_space<vmem>>, vector<1x128x128xf32>
    %get3A_1633 = vector.shape_cast %get3A_1632 : vector<1x128x128xf32> to vector<128x128xf32>
    %get3A_1634 = arith.constant 0 : index
    %get3A_1635 = arith.index_cast %arg0 : i32 to index
    %get3A_1636 = arith.constant 96 : index
    %get3A_1637 = memref.load %arg1[%get3A_1634, %get3A_1635, %get3A_1636] : memref<1x30x128xf32, #tpu.memory_space<smem>>
    %mul3A_1638 = vector.broadcast %get3A_1637 : f32 to vector<128x128xf32>
    %mul3A_1639 = arith.mulf %get3A_1633, %mul3A_1638 : vector<128x128xf32>
    %swap3A_1640 = arith.constant 96 : index
    %swap3A_1641 = arith.constant 0 : index
    %swap3A_1642 = arith.constant 0 : index
    %swap3A_1643 = vector.load %arg4[%swap3A_1640, %swap3A_1641, %swap3A_1642] : memref<128x128x128xf32, #tpu.memory_space<vmem>>, vector<1x128x128xf32>
    %swap3A_1644 = vector.shape_cast %swap3A_1643 : vector<1x128x128xf32> to vector<128x128xf32>
    %swap3A_1645 = vector.shape_cast %mul3A_1639 : vector<128x128xf32> to vector<1x128x128xf32>
    tpu.vector_store %arg4[%swap3A_1640, %swap3A_1641, %swap3A_1642], %swap3A_1645 {strides = array<i32>} : memref<128x128x128xf32, #tpu.memory_space<vmem>>, vector<1x128x128xf32>,
    %get3A_1646 = arith.constant 97 : index
    %get3A_1647 = arith.constant 0 : index
    %get3A_1648 = arith.constant 0 : index
    %get3A_1649 = vector.load %arg2[%get3A_1646, %get3A_1647, %get3A_1648] : memref<128x128x128xf32, #tpu.memory_space<vmem>>, vector<1x128x128xf32>
    %get3A_1650 = vector.shape_cast %get3A_1649 : vector<1x128x128xf32> to vector<128x128xf32>
    %get3A_1651 = arith.constant 0 : index
    %get3A_1652 = arith.index_cast %arg0 : i32 to index
    %get3A_1653 = arith.constant 97 : index
    %get3A_1654 = memref.load %arg1[%get3A_1651, %get3A_1652, %get3A_1653] : memref<1x30x128xf32, #tpu.memory_space<smem>>
    %mul3A_1655 = vector.broadcast %get3A_1654 : f32 to vector<128x128xf32>
    %mul3A_1656 = arith.mulf %get3A_1650, %mul3A_1655 : vector<128x128xf32>
    %swap3A_1657 = arith.constant 97 : index
    %swap3A_1658 = arith.constant 0 : index
    %swap3A_1659 = arith.constant 0 : index
    %swap3A_1660 = vector.load %arg4[%swap3A_1657, %swap3A_1658, %swap3A_1659] : memref<128x128x128xf32, #tpu.memory_space<vmem>>, vector<1x128x128xf32>
    %swap3A_1661 = vector.shape_cast %swap3A_1660 : vector<1x128x128xf32> to vector<128x128xf32>
    %swap3A_1662 = vector.shape_cast %mul3A_1656 : vector<128x128xf32> to vector<1x128x128xf32>
    tpu.vector_store %arg4[%swap3A_1657, %swap3A_1658, %swap3A_1659], %swap3A_1662 {strides = array<i32>} : memref<128x128x128xf32, #tpu.memory_space<vmem>>, vector<1x128x128xf32>,
    %get3A_1663 = arith.constant 98 : index
    %get3A_1664 = arith.constant 0 : index
    %get3A_1665 = arith.constant 0 : index
    %get3A_1666 = vector.load %arg2[%get3A_1663, %get3A_1664, %get3A_1665] : memref<128x128x128xf32, #tpu.memory_space<vmem>>, vector<1x128x128xf32>
    %get3A_1667 = vector.shape_cast %get3A_1666 : vector<1x128x128xf32> to vector<128x128xf32>
    %get3A_1668 = arith.constant 0 : index
    %get3A_1669 = arith.index_cast %arg0 : i32 to index
    %get3A_1670 = arith.constant 98 : index
    %get3A_1671 = memref.load %arg1[%get3A_1668, %get3A_1669, %get3A_1670] : memref<1x30x128xf32, #tpu.memory_space<smem>>
    %mul3A_1672 = vector.broadcast %get3A_1671 : f32 to vector<128x128xf32>
    %mul3A_1673 = arith.mulf %get3A_1667, %mul3A_1672 : vector<128x128xf32>
    %swap3A_1674 = arith.constant 98 : index
    %swap3A_1675 = arith.constant 0 : index
    %swap3A_1676 = arith.constant 0 : index
    %swap3A_1677 = vector.load %arg4[%swap3A_1674, %swap3A_1675, %swap3A_1676] : memref<128x128x128xf32, #tpu.memory_space<vmem>>, vector<1x128x128xf32>
    %swap3A_1678 = vector.shape_cast %swap3A_1677 : vector<1x128x128xf32> to vector<128x128xf32>
    %swap3A_1679 = vector.shape_cast %mul3A_1673 : vector<128x128xf32> to vector<1x128x128xf32>
    tpu.vector_store %arg4[%swap3A_1674, %swap3A_1675, %swap3A_1676], %swap3A_1679 {strides = array<i32>} : memref<128x128x128xf32, #tpu.memory_space<vmem>>, vector<1x128x128xf32>,
    %get3A_1680 = arith.constant 99 : index
    %get3A_1681 = arith.constant 0 : index
    %get3A_1682 = arith.constant 0 : index
    %get3A_1683 = vector.load %arg2[%get3A_1680, %get3A_1681, %get3A_1682] : memref<128x128x128xf32, #tpu.memory_space<vmem>>, vector<1x128x128xf32>
    %get3A_1684 = vector.shape_cast %get3A_1683 : vector<1x128x128xf32> to vector<128x128xf32>
    %get3A_1685 = arith.constant 0 : index
    %get3A_1686 = arith.index_cast %arg0 : i32 to index
    %get3A_1687 = arith.constant 99 : index
    %get3A_1688 = memref.load %arg1[%get3A_1685, %get3A_1686, %get3A_1687] : memref<1x30x128xf32, #tpu.memory_space<smem>>
    %mul3A_1689 = vector.broadcast %get3A_1688 : f32 to vector<128x128xf32>
    %mul3A_1690 = arith.mulf %get3A_1684, %mul3A_1689 : vector<128x128xf32>
    %swap3A_1691 = arith.constant 99 : index
    %swap3A_1692 = arith.constant 0 : index
    %swap3A_1693 = arith.constant 0 : index
    %swap3A_1694 = vector.load %arg4[%swap3A_1691, %swap3A_1692, %swap3A_1693] : memref<128x128x128xf32, #tpu.memory_space<vmem>>, vector<1x128x128xf32>
    %swap3A_1695 = vector.shape_cast %swap3A_1694 : vector<1x128x128xf32> to vector<128x128xf32>
    %swap3A_1696 = vector.shape_cast %mul3A_1690 : vector<128x128xf32> to vector<1x128x128xf32>
    tpu.vector_store %arg4[%swap3A_1691, %swap3A_1692, %swap3A_1693], %swap3A_1696 {strides = array<i32>} : memref<128x128x128xf32, #tpu.memory_space<vmem>>, vector<1x128x128xf32>,
    %get3A_1697 = arith.constant 100 : index
    %get3A_1698 = arith.constant 0 : index
    %get3A_1699 = arith.constant 0 : index
    %get3A_1700 = vector.load %arg2[%get3A_1697, %get3A_1698, %get3A_1699] : memref<128x128x128xf32, #tpu.memory_space<vmem>>, vector<1x128x128xf32>
    %get3A_1701 = vector.shape_cast %get3A_1700 : vector<1x128x128xf32> to vector<128x128xf32>
    %get3A_1702 = arith.constant 0 : index
    %get3A_1703 = arith.index_cast %arg0 : i32 to index
    %get3A_1704 = arith.constant 100 : index
    %get3A_1705 = memref.load %arg1[%get3A_1702, %get3A_1703, %get3A_1704] : memref<1x30x128xf32, #tpu.memory_space<smem>>
    %mul3A_1706 = vector.broadcast %get3A_1705 : f32 to vector<128x128xf32>
    %mul3A_1707 = arith.mulf %get3A_1701, %mul3A_1706 : vector<128x128xf32>
    %swap3A_1708 = arith.constant 100 : index
    %swap3A_1709 = arith.constant 0 : index
    %swap3A_1710 = arith.constant 0 : index
    %swap3A_1711 = vector.load %arg4[%swap3A_1708, %swap3A_1709, %swap3A_1710] : memref<128x128x128xf32, #tpu.memory_space<vmem>>, vector<1x128x128xf32>
    %swap3A_1712 = vector.shape_cast %swap3A_1711 : vector<1x128x128xf32> to vector<128x128xf32>
    %swap3A_1713 = vector.shape_cast %mul3A_1707 : vector<128x128xf32> to vector<1x128x128xf32>
    tpu.vector_store %arg4[%swap3A_1708, %swap3A_1709, %swap3A_1710], %swap3A_1713 {strides = array<i32>} : memref<128x128x128xf32, #tpu.memory_space<vmem>>, vector<1x128x128xf32>,
    %get3A_1714 = arith.constant 101 : index
    %get3A_1715 = arith.constant 0 : index
    %get3A_1716 = arith.constant 0 : index
    %get3A_1717 = vector.load %arg2[%get3A_1714, %get3A_1715, %get3A_1716] : memref<128x128x128xf32, #tpu.memory_space<vmem>>, vector<1x128x128xf32>
    %get3A_1718 = vector.shape_cast %get3A_1717 : vector<1x128x128xf32> to vector<128x128xf32>
    %get3A_1719 = arith.constant 0 : index
    %get3A_1720 = arith.index_cast %arg0 : i32 to index
    %get3A_1721 = arith.constant 101 : index
    %get3A_1722 = memref.load %arg1[%get3A_1719, %get3A_1720, %get3A_1721] : memref<1x30x128xf32, #tpu.memory_space<smem>>
    %mul3A_1723 = vector.broadcast %get3A_1722 : f32 to vector<128x128xf32>
    %mul3A_1724 = arith.mulf %get3A_1718, %mul3A_1723 : vector<128x128xf32>
    %swap3A_1725 = arith.constant 101 : index
    %swap3A_1726 = arith.constant 0 : index
    %swap3A_1727 = arith.constant 0 : index
    %swap3A_1728 = vector.load %arg4[%swap3A_1725, %swap3A_1726, %swap3A_1727] : memref<128x128x128xf32, #tpu.memory_space<vmem>>, vector<1x128x128xf32>
    %swap3A_1729 = vector.shape_cast %swap3A_1728 : vector<1x128x128xf32> to vector<128x128xf32>
    %swap3A_1730 = vector.shape_cast %mul3A_1724 : vector<128x128xf32> to vector<1x128x128xf32>
    tpu.vector_store %arg4[%swap3A_1725, %swap3A_1726, %swap3A_1727], %swap3A_1730 {strides = array<i32>} : memref<128x128x128xf32, #tpu.memory_space<vmem>>, vector<1x128x128xf32>,
    %get3A_1731 = arith.constant 102 : index
    %get3A_1732 = arith.constant 0 : index
    %get3A_1733 = arith.constant 0 : index
    %get3A_1734 = vector.load %arg2[%get3A_1731, %get3A_1732, %get3A_1733] : memref<128x128x128xf32, #tpu.memory_space<vmem>>, vector<1x128x128xf32>
    %get3A_1735 = vector.shape_cast %get3A_1734 : vector<1x128x128xf32> to vector<128x128xf32>
    %get3A_1736 = arith.constant 0 : index
    %get3A_1737 = arith.index_cast %arg0 : i32 to index
    %get3A_1738 = arith.constant 102 : index
    %get3A_1739 = memref.load %arg1[%get3A_1736, %get3A_1737, %get3A_1738] : memref<1x30x128xf32, #tpu.memory_space<smem>>
    %mul3A_1740 = vector.broadcast %get3A_1739 : f32 to vector<128x128xf32>
    %mul3A_1741 = arith.mulf %get3A_1735, %mul3A_1740 : vector<128x128xf32>
    %swap3A_1742 = arith.constant 102 : index
    %swap3A_1743 = arith.constant 0 : index
    %swap3A_1744 = arith.constant 0 : index
    %swap3A_1745 = vector.load %arg4[%swap3A_1742, %swap3A_1743, %swap3A_1744] : memref<128x128x128xf32, #tpu.memory_space<vmem>>, vector<1x128x128xf32>
    %swap3A_1746 = vector.shape_cast %swap3A_1745 : vector<1x128x128xf32> to vector<128x128xf32>
    %swap3A_1747 = vector.shape_cast %mul3A_1741 : vector<128x128xf32> to vector<1x128x128xf32>
    tpu.vector_store %arg4[%swap3A_1742, %swap3A_1743, %swap3A_1744], %swap3A_1747 {strides = array<i32>} : memref<128x128x128xf32, #tpu.memory_space<vmem>>, vector<1x128x128xf32>,
    %get3A_1748 = arith.constant 103 : index
    %get3A_1749 = arith.constant 0 : index
    %get3A_1750 = arith.constant 0 : index
    %get3A_1751 = vector.load %arg2[%get3A_1748, %get3A_1749, %get3A_1750] : memref<128x128x128xf32, #tpu.memory_space<vmem>>, vector<1x128x128xf32>
    %get3A_1752 = vector.shape_cast %get3A_1751 : vector<1x128x128xf32> to vector<128x128xf32>
    %get3A_1753 = arith.constant 0 : index
    %get3A_1754 = arith.index_cast %arg0 : i32 to index
    %get3A_1755 = arith.constant 103 : index
    %get3A_1756 = memref.load %arg1[%get3A_1753, %get3A_1754, %get3A_1755] : memref<1x30x128xf32, #tpu.memory_space<smem>>
    %mul3A_1757 = vector.broadcast %get3A_1756 : f32 to vector<128x128xf32>
    %mul3A_1758 = arith.mulf %get3A_1752, %mul3A_1757 : vector<128x128xf32>
    %swap3A_1759 = arith.constant 103 : index
    %swap3A_1760 = arith.constant 0 : index
    %swap3A_1761 = arith.constant 0 : index
    %swap3A_1762 = vector.load %arg4[%swap3A_1759, %swap3A_1760, %swap3A_1761] : memref<128x128x128xf32, #tpu.memory_space<vmem>>, vector<1x128x128xf32>
    %swap3A_1763 = vector.shape_cast %swap3A_1762 : vector<1x128x128xf32> to vector<128x128xf32>
    %swap3A_1764 = vector.shape_cast %mul3A_1758 : vector<128x128xf32> to vector<1x128x128xf32>
    tpu.vector_store %arg4[%swap3A_1759, %swap3A_1760, %swap3A_1761], %swap3A_1764 {strides = array<i32>} : memref<128x128x128xf32, #tpu.memory_space<vmem>>, vector<1x128x128xf32>,
    %get3A_1765 = arith.constant 104 : index
    %get3A_1766 = arith.constant 0 : index
    %get3A_1767 = arith.constant 0 : index
    %get3A_1768 = vector.load %arg2[%get3A_1765, %get3A_1766, %get3A_1767] : memref<128x128x128xf32, #tpu.memory_space<vmem>>, vector<1x128x128xf32>
    %get3A_1769 = vector.shape_cast %get3A_1768 : vector<1x128x128xf32> to vector<128x128xf32>
    %get3A_1770 = arith.constant 0 : index
    %get3A_1771 = arith.index_cast %arg0 : i32 to index
    %get3A_1772 = arith.constant 104 : index
    %get3A_1773 = memref.load %arg1[%get3A_1770, %get3A_1771, %get3A_1772] : memref<1x30x128xf32, #tpu.memory_space<smem>>
    %mul3A_1774 = vector.broadcast %get3A_1773 : f32 to vector<128x128xf32>
    %mul3A_1775 = arith.mulf %get3A_1769, %mul3A_1774 : vector<128x128xf32>
    %swap3A_1776 = arith.constant 104 : index
    %swap3A_1777 = arith.constant 0 : index
    %swap3A_1778 = arith.constant 0 : index
    %swap3A_1779 = vector.load %arg4[%swap3A_1776, %swap3A_1777, %swap3A_1778] : memref<128x128x128xf32, #tpu.memory_space<vmem>>, vector<1x128x128xf32>
    %swap3A_1780 = vector.shape_cast %swap3A_1779 : vector<1x128x128xf32> to vector<128x128xf32>
    %swap3A_1781 = vector.shape_cast %mul3A_1775 : vector<128x128xf32> to vector<1x128x128xf32>
    tpu.vector_store %arg4[%swap3A_1776, %swap3A_1777, %swap3A_1778], %swap3A_1781 {strides = array<i32>} : memref<128x128x128xf32, #tpu.memory_space<vmem>>, vector<1x128x128xf32>,
    %get3A_1782 = arith.constant 105 : index
    %get3A_1783 = arith.constant 0 : index
    %get3A_1784 = arith.constant 0 : index
    %get3A_1785 = vector.load %arg2[%get3A_1782, %get3A_1783, %get3A_1784] : memref<128x128x128xf32, #tpu.memory_space<vmem>>, vector<1x128x128xf32>
    %get3A_1786 = vector.shape_cast %get3A_1785 : vector<1x128x128xf32> to vector<128x128xf32>
    %get3A_1787 = arith.constant 0 : index
    %get3A_1788 = arith.index_cast %arg0 : i32 to index
    %get3A_1789 = arith.constant 105 : index
    %get3A_1790 = memref.load %arg1[%get3A_1787, %get3A_1788, %get3A_1789] : memref<1x30x128xf32, #tpu.memory_space<smem>>
    %mul3A_1791 = vector.broadcast %get3A_1790 : f32 to vector<128x128xf32>
    %mul3A_1792 = arith.mulf %get3A_1786, %mul3A_1791 : vector<128x128xf32>
    %swap3A_1793 = arith.constant 105 : index
    %swap3A_1794 = arith.constant 0 : index
    %swap3A_1795 = arith.constant 0 : index
    %swap3A_1796 = vector.load %arg4[%swap3A_1793, %swap3A_1794, %swap3A_1795] : memref<128x128x128xf32, #tpu.memory_space<vmem>>, vector<1x128x128xf32>
    %swap3A_1797 = vector.shape_cast %swap3A_1796 : vector<1x128x128xf32> to vector<128x128xf32>
    %swap3A_1798 = vector.shape_cast %mul3A_1792 : vector<128x128xf32> to vector<1x128x128xf32>
    tpu.vector_store %arg4[%swap3A_1793, %swap3A_1794, %swap3A_1795], %swap3A_1798 {strides = array<i32>} : memref<128x128x128xf32, #tpu.memory_space<vmem>>, vector<1x128x128xf32>,
    %get3A_1799 = arith.constant 106 : index
    %get3A_1800 = arith.constant 0 : index
    %get3A_1801 = arith.constant 0 : index
    %get3A_1802 = vector.load %arg2[%get3A_1799, %get3A_1800, %get3A_1801] : memref<128x128x128xf32, #tpu.memory_space<vmem>>, vector<1x128x128xf32>
    %get3A_1803 = vector.shape_cast %get3A_1802 : vector<1x128x128xf32> to vector<128x128xf32>
    %get3A_1804 = arith.constant 0 : index
    %get3A_1805 = arith.index_cast %arg0 : i32 to index
    %get3A_1806 = arith.constant 106 : index
    %get3A_1807 = memref.load %arg1[%get3A_1804, %get3A_1805, %get3A_1806] : memref<1x30x128xf32, #tpu.memory_space<smem>>
    %mul3A_1808 = vector.broadcast %get3A_1807 : f32 to vector<128x128xf32>
    %mul3A_1809 = arith.mulf %get3A_1803, %mul3A_1808 : vector<128x128xf32>
    %swap3A_1810 = arith.constant 106 : index
    %swap3A_1811 = arith.constant 0 : index
    %swap3A_1812 = arith.constant 0 : index
    %swap3A_1813 = vector.load %arg4[%swap3A_1810, %swap3A_1811, %swap3A_1812] : memref<128x128x128xf32, #tpu.memory_space<vmem>>, vector<1x128x128xf32>
    %swap3A_1814 = vector.shape_cast %swap3A_1813 : vector<1x128x128xf32> to vector<128x128xf32>
    %swap3A_1815 = vector.shape_cast %mul3A_1809 : vector<128x128xf32> to vector<1x128x128xf32>
    tpu.vector_store %arg4[%swap3A_1810, %swap3A_1811, %swap3A_1812], %swap3A_1815 {strides = array<i32>} : memref<128x128x128xf32, #tpu.memory_space<vmem>>, vector<1x128x128xf32>,
    %get3A_1816 = arith.constant 107 : index
    %get3A_1817 = arith.constant 0 : index
    %get3A_1818 = arith.constant 0 : index
    %get3A_1819 = vector.load %arg2[%get3A_1816, %get3A_1817, %get3A_1818] : memref<128x128x128xf32, #tpu.memory_space<vmem>>, vector<1x128x128xf32>
    %get3A_1820 = vector.shape_cast %get3A_1819 : vector<1x128x128xf32> to vector<128x128xf32>
    %get3A_1821 = arith.constant 0 : index
    %get3A_1822 = arith.index_cast %arg0 : i32 to index
    %get3A_1823 = arith.constant 107 : index
    %get3A_1824 = memref.load %arg1[%get3A_1821, %get3A_1822, %get3A_1823] : memref<1x30x128xf32, #tpu.memory_space<smem>>
    %mul3A_1825 = vector.broadcast %get3A_1824 : f32 to vector<128x128xf32>
    %mul3A_1826 = arith.mulf %get3A_1820, %mul3A_1825 : vector<128x128xf32>
    %swap3A_1827 = arith.constant 107 : index
    %swap3A_1828 = arith.constant 0 : index
    %swap3A_1829 = arith.constant 0 : index
    %swap3A_1830 = vector.load %arg4[%swap3A_1827, %swap3A_1828, %swap3A_1829] : memref<128x128x128xf32, #tpu.memory_space<vmem>>, vector<1x128x128xf32>
    %swap3A_1831 = vector.shape_cast %swap3A_1830 : vector<1x128x128xf32> to vector<128x128xf32>
    %swap3A_1832 = vector.shape_cast %mul3A_1826 : vector<128x128xf32> to vector<1x128x128xf32>
    tpu.vector_store %arg4[%swap3A_1827, %swap3A_1828, %swap3A_1829], %swap3A_1832 {strides = array<i32>} : memref<128x128x128xf32, #tpu.memory_space<vmem>>, vector<1x128x128xf32>,
    %get3A_1833 = arith.constant 108 : index
    %get3A_1834 = arith.constant 0 : index
    %get3A_1835 = arith.constant 0 : index
    %get3A_1836 = vector.load %arg2[%get3A_1833, %get3A_1834, %get3A_1835] : memref<128x128x128xf32, #tpu.memory_space<vmem>>, vector<1x128x128xf32>
    %get3A_1837 = vector.shape_cast %get3A_1836 : vector<1x128x128xf32> to vector<128x128xf32>
    %get3A_1838 = arith.constant 0 : index
    %get3A_1839 = arith.index_cast %arg0 : i32 to index
    %get3A_1840 = arith.constant 108 : index
    %get3A_1841 = memref.load %arg1[%get3A_1838, %get3A_1839, %get3A_1840] : memref<1x30x128xf32, #tpu.memory_space<smem>>
    %mul3A_1842 = vector.broadcast %get3A_1841 : f32 to vector<128x128xf32>
    %mul3A_1843 = arith.mulf %get3A_1837, %mul3A_1842 : vector<128x128xf32>
    %swap3A_1844 = arith.constant 108 : index
    %swap3A_1845 = arith.constant 0 : index
    %swap3A_1846 = arith.constant 0 : index
    %swap3A_1847 = vector.load %arg4[%swap3A_1844, %swap3A_1845, %swap3A_1846] : memref<128x128x128xf32, #tpu.memory_space<vmem>>, vector<1x128x128xf32>
    %swap3A_1848 = vector.shape_cast %swap3A_1847 : vector<1x128x128xf32> to vector<128x128xf32>
    %swap3A_1849 = vector.shape_cast %mul3A_1843 : vector<128x128xf32> to vector<1x128x128xf32>
    tpu.vector_store %arg4[%swap3A_1844, %swap3A_1845, %swap3A_1846], %swap3A_1849 {strides = array<i32>} : memref<128x128x128xf32, #tpu.memory_space<vmem>>, vector<1x128x128xf32>,
    %get3A_1850 = arith.constant 109 : index
    %get3A_1851 = arith.constant 0 : index
    %get3A_1852 = arith.constant 0 : index
    %get3A_1853 = vector.load %arg2[%get3A_1850, %get3A_1851, %get3A_1852] : memref<128x128x128xf32, #tpu.memory_space<vmem>>, vector<1x128x128xf32>
    %get3A_1854 = vector.shape_cast %get3A_1853 : vector<1x128x128xf32> to vector<128x128xf32>
    %get3A_1855 = arith.constant 0 : index
    %get3A_1856 = arith.index_cast %arg0 : i32 to index
    %get3A_1857 = arith.constant 109 : index
    %get3A_1858 = memref.load %arg1[%get3A_1855, %get3A_1856, %get3A_1857] : memref<1x30x128xf32, #tpu.memory_space<smem>>
    %mul3A_1859 = vector.broadcast %get3A_1858 : f32 to vector<128x128xf32>
    %mul3A_1860 = arith.mulf %get3A_1854, %mul3A_1859 : vector<128x128xf32>
    %swap3A_1861 = arith.constant 109 : index
    %swap3A_1862 = arith.constant 0 : index
    %swap3A_1863 = arith.constant 0 : index
    %swap3A_1864 = vector.load %arg4[%swap3A_1861, %swap3A_1862, %swap3A_1863] : memref<128x128x128xf32, #tpu.memory_space<vmem>>, vector<1x128x128xf32>
    %swap3A_1865 = vector.shape_cast %swap3A_1864 : vector<1x128x128xf32> to vector<128x128xf32>
    %swap3A_1866 = vector.shape_cast %mul3A_1860 : vector<128x128xf32> to vector<1x128x128xf32>
    tpu.vector_store %arg4[%swap3A_1861, %swap3A_1862, %swap3A_1863], %swap3A_1866 {strides = array<i32>} : memref<128x128x128xf32, #tpu.memory_space<vmem>>, vector<1x128x128xf32>,
    %get3A_1867 = arith.constant 110 : index
    %get3A_1868 = arith.constant 0 : index
    %get3A_1869 = arith.constant 0 : index
    %get3A_1870 = vector.load %arg2[%get3A_1867, %get3A_1868, %get3A_1869] : memref<128x128x128xf32, #tpu.memory_space<vmem>>, vector<1x128x128xf32>
    %get3A_1871 = vector.shape_cast %get3A_1870 : vector<1x128x128xf32> to vector<128x128xf32>
    %get3A_1872 = arith.constant 0 : index
    %get3A_1873 = arith.index_cast %arg0 : i32 to index
    %get3A_1874 = arith.constant 110 : index
    %get3A_1875 = memref.load %arg1[%get3A_1872, %get3A_1873, %get3A_1874] : memref<1x30x128xf32, #tpu.memory_space<smem>>
    %mul3A_1876 = vector.broadcast %get3A_1875 : f32 to vector<128x128xf32>
    %mul3A_1877 = arith.mulf %get3A_1871, %mul3A_1876 : vector<128x128xf32>
    %swap3A_1878 = arith.constant 110 : index
    %swap3A_1879 = arith.constant 0 : index
    %swap3A_1880 = arith.constant 0 : index
    %swap3A_1881 = vector.load %arg4[%swap3A_1878, %swap3A_1879, %swap3A_1880] : memref<128x128x128xf32, #tpu.memory_space<vmem>>, vector<1x128x128xf32>
    %swap3A_1882 = vector.shape_cast %swap3A_1881 : vector<1x128x128xf32> to vector<128x128xf32>
    %swap3A_1883 = vector.shape_cast %mul3A_1877 : vector<128x128xf32> to vector<1x128x128xf32>
    tpu.vector_store %arg4[%swap3A_1878, %swap3A_1879, %swap3A_1880], %swap3A_1883 {strides = array<i32>} : memref<128x128x128xf32, #tpu.memory_space<vmem>>, vector<1x128x128xf32>,
    %get3A_1884 = arith.constant 111 : index
    %get3A_1885 = arith.constant 0 : index
    %get3A_1886 = arith.constant 0 : index
    %get3A_1887 = vector.load %arg2[%get3A_1884, %get3A_1885, %get3A_1886] : memref<128x128x128xf32, #tpu.memory_space<vmem>>, vector<1x128x128xf32>
    %get3A_1888 = vector.shape_cast %get3A_1887 : vector<1x128x128xf32> to vector<128x128xf32>
    %get3A_1889 = arith.constant 0 : index
    %get3A_1890 = arith.index_cast %arg0 : i32 to index
    %get3A_1891 = arith.constant 111 : index
    %get3A_1892 = memref.load %arg1[%get3A_1889, %get3A_1890, %get3A_1891] : memref<1x30x128xf32, #tpu.memory_space<smem>>
    %mul3A_1893 = vector.broadcast %get3A_1892 : f32 to vector<128x128xf32>
    %mul3A_1894 = arith.mulf %get3A_1888, %mul3A_1893 : vector<128x128xf32>
    %swap3A_1895 = arith.constant 111 : index
    %swap3A_1896 = arith.constant 0 : index
    %swap3A_1897 = arith.constant 0 : index
    %swap3A_1898 = vector.load %arg4[%swap3A_1895, %swap3A_1896, %swap3A_1897] : memref<128x128x128xf32, #tpu.memory_space<vmem>>, vector<1x128x128xf32>
    %swap3A_1899 = vector.shape_cast %swap3A_1898 : vector<1x128x128xf32> to vector<128x128xf32>
    %swap3A_1900 = vector.shape_cast %mul3A_1894 : vector<128x128xf32> to vector<1x128x128xf32>
    tpu.vector_store %arg4[%swap3A_1895, %swap3A_1896, %swap3A_1897], %swap3A_1900 {strides = array<i32>} : memref<128x128x128xf32, #tpu.memory_space<vmem>>, vector<1x128x128xf32>,
    %get3A_1901 = arith.constant 112 : index
    %get3A_1902 = arith.constant 0 : index
    %get3A_1903 = arith.constant 0 : index
    %get3A_1904 = vector.load %arg2[%get3A_1901, %get3A_1902, %get3A_1903] : memref<128x128x128xf32, #tpu.memory_space<vmem>>, vector<1x128x128xf32>
    %get3A_1905 = vector.shape_cast %get3A_1904 : vector<1x128x128xf32> to vector<128x128xf32>
    %get3A_1906 = arith.constant 0 : index
    %get3A_1907 = arith.index_cast %arg0 : i32 to index
    %get3A_1908 = arith.constant 112 : index
    %get3A_1909 = memref.load %arg1[%get3A_1906, %get3A_1907, %get3A_1908] : memref<1x30x128xf32, #tpu.memory_space<smem>>
    %mul3A_1910 = vector.broadcast %get3A_1909 : f32 to vector<128x128xf32>
    %mul3A_1911 = arith.mulf %get3A_1905, %mul3A_1910 : vector<128x128xf32>
    %swap3A_1912 = arith.constant 112 : index
    %swap3A_1913 = arith.constant 0 : index
    %swap3A_1914 = arith.constant 0 : index
    %swap3A_1915 = vector.load %arg4[%swap3A_1912, %swap3A_1913, %swap3A_1914] : memref<128x128x128xf32, #tpu.memory_space<vmem>>, vector<1x128x128xf32>
    %swap3A_1916 = vector.shape_cast %swap3A_1915 : vector<1x128x128xf32> to vector<128x128xf32>
    %swap3A_1917 = vector.shape_cast %mul3A_1911 : vector<128x128xf32> to vector<1x128x128xf32>
    tpu.vector_store %arg4[%swap3A_1912, %swap3A_1913, %swap3A_1914], %swap3A_1917 {strides = array<i32>} : memref<128x128x128xf32, #tpu.memory_space<vmem>>, vector<1x128x128xf32>,
    %get3A_1918 = arith.constant 113 : index
    %get3A_1919 = arith.constant 0 : index
    %get3A_1920 = arith.constant 0 : index
    %get3A_1921 = vector.load %arg2[%get3A_1918, %get3A_1919, %get3A_1920] : memref<128x128x128xf32, #tpu.memory_space<vmem>>, vector<1x128x128xf32>
    %get3A_1922 = vector.shape_cast %get3A_1921 : vector<1x128x128xf32> to vector<128x128xf32>
    %get3A_1923 = arith.constant 0 : index
    %get3A_1924 = arith.index_cast %arg0 : i32 to index
    %get3A_1925 = arith.constant 113 : index
    %get3A_1926 = memref.load %arg1[%get3A_1923, %get3A_1924, %get3A_1925] : memref<1x30x128xf32, #tpu.memory_space<smem>>
    %mul3A_1927 = vector.broadcast %get3A_1926 : f32 to vector<128x128xf32>
    %mul3A_1928 = arith.mulf %get3A_1922, %mul3A_1927 : vector<128x128xf32>
    %swap3A_1929 = arith.constant 113 : index
    %swap3A_1930 = arith.constant 0 : index
    %swap3A_1931 = arith.constant 0 : index
    %swap3A_1932 = vector.load %arg4[%swap3A_1929, %swap3A_1930, %swap3A_1931] : memref<128x128x128xf32, #tpu.memory_space<vmem>>, vector<1x128x128xf32>
    %swap3A_1933 = vector.shape_cast %swap3A_1932 : vector<1x128x128xf32> to vector<128x128xf32>
    %swap3A_1934 = vector.shape_cast %mul3A_1928 : vector<128x128xf32> to vector<1x128x128xf32>
    tpu.vector_store %arg4[%swap3A_1929, %swap3A_1930, %swap3A_1931], %swap3A_1934 {strides = array<i32>} : memref<128x128x128xf32, #tpu.memory_space<vmem>>, vector<1x128x128xf32>,
    %get3A_1935 = arith.constant 114 : index
    %get3A_1936 = arith.constant 0 : index
    %get3A_1937 = arith.constant 0 : index
    %get3A_1938 = vector.load %arg2[%get3A_1935, %get3A_1936, %get3A_1937] : memref<128x128x128xf32, #tpu.memory_space<vmem>>, vector<1x128x128xf32>
    %get3A_1939 = vector.shape_cast %get3A_1938 : vector<1x128x128xf32> to vector<128x128xf32>
    %get3A_1940 = arith.constant 0 : index
    %get3A_1941 = arith.index_cast %arg0 : i32 to index
    %get3A_1942 = arith.constant 114 : index
    %get3A_1943 = memref.load %arg1[%get3A_1940, %get3A_1941, %get3A_1942] : memref<1x30x128xf32, #tpu.memory_space<smem>>
    %mul3A_1944 = vector.broadcast %get3A_1943 : f32 to vector<128x128xf32>
    %mul3A_1945 = arith.mulf %get3A_1939, %mul3A_1944 : vector<128x128xf32>
    %swap3A_1946 = arith.constant 114 : index
    %swap3A_1947 = arith.constant 0 : index
    %swap3A_1948 = arith.constant 0 : index
    %swap3A_1949 = vector.load %arg4[%swap3A_1946, %swap3A_1947, %swap3A_1948] : memref<128x128x128xf32, #tpu.memory_space<vmem>>, vector<1x128x128xf32>
    %swap3A_1950 = vector.shape_cast %swap3A_1949 : vector<1x128x128xf32> to vector<128x128xf32>
    %swap3A_1951 = vector.shape_cast %mul3A_1945 : vector<128x128xf32> to vector<1x128x128xf32>
    tpu.vector_store %arg4[%swap3A_1946, %swap3A_1947, %swap3A_1948], %swap3A_1951 {strides = array<i32>} : memref<128x128x128xf32, #tpu.memory_space<vmem>>, vector<1x128x128xf32>,
    %get3A_1952 = arith.constant 115 : index
    %get3A_1953 = arith.constant 0 : index
    %get3A_1954 = arith.constant 0 : index
    %get3A_1955 = vector.load %arg2[%get3A_1952, %get3A_1953, %get3A_1954] : memref<128x128x128xf32, #tpu.memory_space<vmem>>, vector<1x128x128xf32>
    %get3A_1956 = vector.shape_cast %get3A_1955 : vector<1x128x128xf32> to vector<128x128xf32>
    %get3A_1957 = arith.constant 0 : index
    %get3A_1958 = arith.index_cast %arg0 : i32 to index
    %get3A_1959 = arith.constant 115 : index
    %get3A_1960 = memref.load %arg1[%get3A_1957, %get3A_1958, %get3A_1959] : memref<1x30x128xf32, #tpu.memory_space<smem>>
    %mul3A_1961 = vector.broadcast %get3A_1960 : f32 to vector<128x128xf32>
    %mul3A_1962 = arith.mulf %get3A_1956, %mul3A_1961 : vector<128x128xf32>
    %swap3A_1963 = arith.constant 115 : index
    %swap3A_1964 = arith.constant 0 : index
    %swap3A_1965 = arith.constant 0 : index
    %swap3A_1966 = vector.load %arg4[%swap3A_1963, %swap3A_1964, %swap3A_1965] : memref<128x128x128xf32, #tpu.memory_space<vmem>>, vector<1x128x128xf32>
    %swap3A_1967 = vector.shape_cast %swap3A_1966 : vector<1x128x128xf32> to vector<128x128xf32>
    %swap3A_1968 = vector.shape_cast %mul3A_1962 : vector<128x128xf32> to vector<1x128x128xf32>
    tpu.vector_store %arg4[%swap3A_1963, %swap3A_1964, %swap3A_1965], %swap3A_1968 {strides = array<i32>} : memref<128x128x128xf32, #tpu.memory_space<vmem>>, vector<1x128x128xf32>,
    %get3A_1969 = arith.constant 116 : index
    %get3A_1970 = arith.constant 0 : index
    %get3A_1971 = arith.constant 0 : index
    %get3A_1972 = vector.load %arg2[%get3A_1969, %get3A_1970, %get3A_1971] : memref<128x128x128xf32, #tpu.memory_space<vmem>>, vector<1x128x128xf32>
    %get3A_1973 = vector.shape_cast %get3A_1972 : vector<1x128x128xf32> to vector<128x128xf32>
    %get3A_1974 = arith.constant 0 : index
    %get3A_1975 = arith.index_cast %arg0 : i32 to index
    %get3A_1976 = arith.constant 116 : index
    %get3A_1977 = memref.load %arg1[%get3A_1974, %get3A_1975, %get3A_1976] : memref<1x30x128xf32, #tpu.memory_space<smem>>
    %mul3A_1978 = vector.broadcast %get3A_1977 : f32 to vector<128x128xf32>
    %mul3A_1979 = arith.mulf %get3A_1973, %mul3A_1978 : vector<128x128xf32>
    %swap3A_1980 = arith.constant 116 : index
    %swap3A_1981 = arith.constant 0 : index
    %swap3A_1982 = arith.constant 0 : index
    %swap3A_1983 = vector.load %arg4[%swap3A_1980, %swap3A_1981, %swap3A_1982] : memref<128x128x128xf32, #tpu.memory_space<vmem>>, vector<1x128x128xf32>
    %swap3A_1984 = vector.shape_cast %swap3A_1983 : vector<1x128x128xf32> to vector<128x128xf32>
    %swap3A_1985 = vector.shape_cast %mul3A_1979 : vector<128x128xf32> to vector<1x128x128xf32>
    tpu.vector_store %arg4[%swap3A_1980, %swap3A_1981, %swap3A_1982], %swap3A_1985 {strides = array<i32>} : memref<128x128x128xf32, #tpu.memory_space<vmem>>, vector<1x128x128xf32>,
    %get3A_1986 = arith.constant 117 : index
    %get3A_1987 = arith.constant 0 : index
    %get3A_1988 = arith.constant 0 : index
    %get3A_1989 = vector.load %arg2[%get3A_1986, %get3A_1987, %get3A_1988] : memref<128x128x128xf32, #tpu.memory_space<vmem>>, vector<1x128x128xf32>
    %get3A_1990 = vector.shape_cast %get3A_1989 : vector<1x128x128xf32> to vector<128x128xf32>
    %get3A_1991 = arith.constant 0 : index
    %get3A_1992 = arith.index_cast %arg0 : i32 to index
    %get3A_1993 = arith.constant 117 : index
    %get3A_1994 = memref.load %arg1[%get3A_1991, %get3A_1992, %get3A_1993] : memref<1x30x128xf32, #tpu.memory_space<smem>>
    %mul3A_1995 = vector.broadcast %get3A_1994 : f32 to vector<128x128xf32>
    %mul3A_1996 = arith.mulf %get3A_1990, %mul3A_1995 : vector<128x128xf32>
    %swap3A_1997 = arith.constant 117 : index
    %swap3A_1998 = arith.constant 0 : index
    %swap3A_1999 = arith.constant 0 : index
    %swap3A_2000 = vector.load %arg4[%swap3A_1997, %swap3A_1998, %swap3A_1999] : memref<128x128x128xf32, #tpu.memory_space<vmem>>, vector<1x128x128xf32>
    %swap3A_2001 = vector.shape_cast %swap3A_2000 : vector<1x128x128xf32> to vector<128x128xf32>
    %swap3A_2002 = vector.shape_cast %mul3A_1996 : vector<128x128xf32> to vector<1x128x128xf32>
    tpu.vector_store %arg4[%swap3A_1997, %swap3A_1998, %swap3A_1999], %swap3A_2002 {strides = array<i32>} : memref<128x128x128xf32, #tpu.memory_space<vmem>>, vector<1x128x128xf32>,
    %get3A_2003 = arith.constant 118 : index
    %get3A_2004 = arith.constant 0 : index
    %get3A_2005 = arith.constant 0 : index
    %get3A_2006 = vector.load %arg2[%get3A_2003, %get3A_2004, %get3A_2005] : memref<128x128x128xf32, #tpu.memory_space<vmem>>, vector<1x128x128xf32>
    %get3A_2007 = vector.shape_cast %get3A_2006 : vector<1x128x128xf32> to vector<128x128xf32>
    %get3A_2008 = arith.constant 0 : index
    %get3A_2009 = arith.index_cast %arg0 : i32 to index
    %get3A_2010 = arith.constant 118 : index
    %get3A_2011 = memref.load %arg1[%get3A_2008, %get3A_2009, %get3A_2010] : memref<1x30x128xf32, #tpu.memory_space<smem>>
    %mul3A_2012 = vector.broadcast %get3A_2011 : f32 to vector<128x128xf32>
    %mul3A_2013 = arith.mulf %get3A_2007, %mul3A_2012 : vector<128x128xf32>
    %swap3A_2014 = arith.constant 118 : index
    %swap3A_2015 = arith.constant 0 : index
    %swap3A_2016 = arith.constant 0 : index
    %swap3A_2017 = vector.load %arg4[%swap3A_2014, %swap3A_2015, %swap3A_2016] : memref<128x128x128xf32, #tpu.memory_space<vmem>>, vector<1x128x128xf32>
    %swap3A_2018 = vector.shape_cast %swap3A_2017 : vector<1x128x128xf32> to vector<128x128xf32>
    %swap3A_2019 = vector.shape_cast %mul3A_2013 : vector<128x128xf32> to vector<1x128x128xf32>
    tpu.vector_store %arg4[%swap3A_2014, %swap3A_2015, %swap3A_2016], %swap3A_2019 {strides = array<i32>} : memref<128x128x128xf32, #tpu.memory_space<vmem>>, vector<1x128x128xf32>,
    %get3A_2020 = arith.constant 119 : index
    %get3A_2021 = arith.constant 0 : index
    %get3A_2022 = arith.constant 0 : index
    %get3A_2023 = vector.load %arg2[%get3A_2020, %get3A_2021, %get3A_2022] : memref<128x128x128xf32, #tpu.memory_space<vmem>>, vector<1x128x128xf32>
    %get3A_2024 = vector.shape_cast %get3A_2023 : vector<1x128x128xf32> to vector<128x128xf32>
    %get3A_2025 = arith.constant 0 : index
    %get3A_2026 = arith.index_cast %arg0 : i32 to index
    %get3A_2027 = arith.constant 119 : index
    %get3A_2028 = memref.load %arg1[%get3A_2025, %get3A_2026, %get3A_2027] : memref<1x30x128xf32, #tpu.memory_space<smem>>
    %mul3A_2029 = vector.broadcast %get3A_2028 : f32 to vector<128x128xf32>
    %mul3A_2030 = arith.mulf %get3A_2024, %mul3A_2029 : vector<128x128xf32>
    %swap3A_2031 = arith.constant 119 : index
    %swap3A_2032 = arith.constant 0 : index
    %swap3A_2033 = arith.constant 0 : index
    %swap3A_2034 = vector.load %arg4[%swap3A_2031, %swap3A_2032, %swap3A_2033] : memref<128x128x128xf32, #tpu.memory_space<vmem>>, vector<1x128x128xf32>
    %swap3A_2035 = vector.shape_cast %swap3A_2034 : vector<1x128x128xf32> to vector<128x128xf32>
    %swap3A_2036 = vector.shape_cast %mul3A_2030 : vector<128x128xf32> to vector<1x128x128xf32>
    tpu.vector_store %arg4[%swap3A_2031, %swap3A_2032, %swap3A_2033], %swap3A_2036 {strides = array<i32>} : memref<128x128x128xf32, #tpu.memory_space<vmem>>, vector<1x128x128xf32>,
    %get3A_2037 = arith.constant 120 : index
    %get3A_2038 = arith.constant 0 : index
    %get3A_2039 = arith.constant 0 : index
    %get3A_2040 = vector.load %arg2[%get3A_2037, %get3A_2038, %get3A_2039] : memref<128x128x128xf32, #tpu.memory_space<vmem>>, vector<1x128x128xf32>
    %get3A_2041 = vector.shape_cast %get3A_2040 : vector<1x128x128xf32> to vector<128x128xf32>
    %get3A_2042 = arith.constant 0 : index
    %get3A_2043 = arith.index_cast %arg0 : i32 to index
    %get3A_2044 = arith.constant 120 : index
    %get3A_2045 = memref.load %arg1[%get3A_2042, %get3A_2043, %get3A_2044] : memref<1x30x128xf32, #tpu.memory_space<smem>>
    %mul3A_2046 = vector.broadcast %get3A_2045 : f32 to vector<128x128xf32>
    %mul3A_2047 = arith.mulf %get3A_2041, %mul3A_2046 : vector<128x128xf32>
    %swap3A_2048 = arith.constant 120 : index
    %swap3A_2049 = arith.constant 0 : index
    %swap3A_2050 = arith.constant 0 : index
    %swap3A_2051 = vector.load %arg4[%swap3A_2048, %swap3A_2049, %swap3A_2050] : memref<128x128x128xf32, #tpu.memory_space<vmem>>, vector<1x128x128xf32>
    %swap3A_2052 = vector.shape_cast %swap3A_2051 : vector<1x128x128xf32> to vector<128x128xf32>
    %swap3A_2053 = vector.shape_cast %mul3A_2047 : vector<128x128xf32> to vector<1x128x128xf32>
    tpu.vector_store %arg4[%swap3A_2048, %swap3A_2049, %swap3A_2050], %swap3A_2053 {strides = array<i32>} : memref<128x128x128xf32, #tpu.memory_space<vmem>>, vector<1x128x128xf32>,
    %get3A_2054 = arith.constant 121 : index
    %get3A_2055 = arith.constant 0 : index
    %get3A_2056 = arith.constant 0 : index
    %get3A_2057 = vector.load %arg2[%get3A_2054, %get3A_2055, %get3A_2056] : memref<128x128x128xf32, #tpu.memory_space<vmem>>, vector<1x128x128xf32>
    %get3A_2058 = vector.shape_cast %get3A_2057 : vector<1x128x128xf32> to vector<128x128xf32>
    %get3A_2059 = arith.constant 0 : index
    %get3A_2060 = arith.index_cast %arg0 : i32 to index
    %get3A_2061 = arith.constant 121 : index
    %get3A_2062 = memref.load %arg1[%get3A_2059, %get3A_2060, %get3A_2061] : memref<1x30x128xf32, #tpu.memory_space<smem>>
    %mul3A_2063 = vector.broadcast %get3A_2062 : f32 to vector<128x128xf32>
    %mul3A_2064 = arith.mulf %get3A_2058, %mul3A_2063 : vector<128x128xf32>
    %swap3A_2065 = arith.constant 121 : index
    %swap3A_2066 = arith.constant 0 : index
    %swap3A_2067 = arith.constant 0 : index
    %swap3A_2068 = vector.load %arg4[%swap3A_2065, %swap3A_2066, %swap3A_2067] : memref<128x128x128xf32, #tpu.memory_space<vmem>>, vector<1x128x128xf32>
    %swap3A_2069 = vector.shape_cast %swap3A_2068 : vector<1x128x128xf32> to vector<128x128xf32>
    %swap3A_2070 = vector.shape_cast %mul3A_2064 : vector<128x128xf32> to vector<1x128x128xf32>
    tpu.vector_store %arg4[%swap3A_2065, %swap3A_2066, %swap3A_2067], %swap3A_2070 {strides = array<i32>} : memref<128x128x128xf32, #tpu.memory_space<vmem>>, vector<1x128x128xf32>,
    %get3A_2071 = arith.constant 122 : index
    %get3A_2072 = arith.constant 0 : index
    %get3A_2073 = arith.constant 0 : index
    %get3A_2074 = vector.load %arg2[%get3A_2071, %get3A_2072, %get3A_2073] : memref<128x128x128xf32, #tpu.memory_space<vmem>>, vector<1x128x128xf32>
    %get3A_2075 = vector.shape_cast %get3A_2074 : vector<1x128x128xf32> to vector<128x128xf32>
    %get3A_2076 = arith.constant 0 : index
    %get3A_2077 = arith.index_cast %arg0 : i32 to index
    %get3A_2078 = arith.constant 122 : index
    %get3A_2079 = memref.load %arg1[%get3A_2076, %get3A_2077, %get3A_2078] : memref<1x30x128xf32, #tpu.memory_space<smem>>
    %mul3A_2080 = vector.broadcast %get3A_2079 : f32 to vector<128x128xf32>
    %mul3A_2081 = arith.mulf %get3A_2075, %mul3A_2080 : vector<128x128xf32>
    %swap3A_2082 = arith.constant 122 : index
    %swap3A_2083 = arith.constant 0 : index
    %swap3A_2084 = arith.constant 0 : index
    %swap3A_2085 = vector.load %arg4[%swap3A_2082, %swap3A_2083, %swap3A_2084] : memref<128x128x128xf32, #tpu.memory_space<vmem>>, vector<1x128x128xf32>
    %swap3A_2086 = vector.shape_cast %swap3A_2085 : vector<1x128x128xf32> to vector<128x128xf32>
    %swap3A_2087 = vector.shape_cast %mul3A_2081 : vector<128x128xf32> to vector<1x128x128xf32>
    tpu.vector_store %arg4[%swap3A_2082, %swap3A_2083, %swap3A_2084], %swap3A_2087 {strides = array<i32>} : memref<128x128x128xf32, #tpu.memory_space<vmem>>, vector<1x128x128xf32>,
    %get3A_2088 = arith.constant 123 : index
    %get3A_2089 = arith.constant 0 : index
    %get3A_2090 = arith.constant 0 : index
    %get3A_2091 = vector.load %arg2[%get3A_2088, %get3A_2089, %get3A_2090] : memref<128x128x128xf32, #tpu.memory_space<vmem>>, vector<1x128x128xf32>
    %get3A_2092 = vector.shape_cast %get3A_2091 : vector<1x128x128xf32> to vector<128x128xf32>
    %get3A_2093 = arith.constant 0 : index
    %get3A_2094 = arith.index_cast %arg0 : i32 to index
    %get3A_2095 = arith.constant 123 : index
    %get3A_2096 = memref.load %arg1[%get3A_2093, %get3A_2094, %get3A_2095] : memref<1x30x128xf32, #tpu.memory_space<smem>>
    %mul3A_2097 = vector.broadcast %get3A_2096 : f32 to vector<128x128xf32>
    %mul3A_2098 = arith.mulf %get3A_2092, %mul3A_2097 : vector<128x128xf32>
    %swap3A_2099 = arith.constant 123 : index
    %swap3A_2100 = arith.constant 0 : index
    %swap3A_2101 = arith.constant 0 : index
    %swap3A_2102 = vector.load %arg4[%swap3A_2099, %swap3A_2100, %swap3A_2101] : memref<128x128x128xf32, #tpu.memory_space<vmem>>, vector<1x128x128xf32>
    %swap3A_2103 = vector.shape_cast %swap3A_2102 : vector<1x128x128xf32> to vector<128x128xf32>
    %swap3A_2104 = vector.shape_cast %mul3A_2098 : vector<128x128xf32> to vector<1x128x128xf32>
    tpu.vector_store %arg4[%swap3A_2099, %swap3A_2100, %swap3A_2101], %swap3A_2104 {strides = array<i32>} : memref<128x128x128xf32, #tpu.memory_space<vmem>>, vector<1x128x128xf32>,
    %get3A_2105 = arith.constant 124 : index
    %get3A_2106 = arith.constant 0 : index
    %get3A_2107 = arith.constant 0 : index
    %get3A_2108 = vector.load %arg2[%get3A_2105, %get3A_2106, %get3A_2107] : memref<128x128x128xf32, #tpu.memory_space<vmem>>, vector<1x128x128xf32>
    %get3A_2109 = vector.shape_cast %get3A_2108 : vector<1x128x128xf32> to vector<128x128xf32>
    %get3A_2110 = arith.constant 0 : index
    %get3A_2111 = arith.index_cast %arg0 : i32 to index
    %get3A_2112 = arith.constant 124 : index
    %get3A_2113 = memref.load %arg1[%get3A_2110, %get3A_2111, %get3A_2112] : memref<1x30x128xf32, #tpu.memory_space<smem>>
    %mul3A_2114 = vector.broadcast %get3A_2113 : f32 to vector<128x128xf32>
    %mul3A_2115 = arith.mulf %get3A_2109, %mul3A_2114 : vector<128x128xf32>
    %swap3A_2116 = arith.constant 124 : index
    %swap3A_2117 = arith.constant 0 : index
    %swap3A_2118 = arith.constant 0 : index
    %swap3A_2119 = vector.load %arg4[%swap3A_2116, %swap3A_2117, %swap3A_2118] : memref<128x128x128xf32, #tpu.memory_space<vmem>>, vector<1x128x128xf32>
    %swap3A_2120 = vector.shape_cast %swap3A_2119 : vector<1x128x128xf32> to vector<128x128xf32>
    %swap3A_2121 = vector.shape_cast %mul3A_2115 : vector<128x128xf32> to vector<1x128x128xf32>
    tpu.vector_store %arg4[%swap3A_2116, %swap3A_2117, %swap3A_2118], %swap3A_2121 {strides = array<i32>} : memref<128x128x128xf32, #tpu.memory_space<vmem>>, vector<1x128x128xf32>,
    %get3A_2122 = arith.constant 125 : index
    %get3A_2123 = arith.constant 0 : index
    %get3A_2124 = arith.constant 0 : index
    %get3A_2125 = vector.load %arg2[%get3A_2122, %get3A_2123, %get3A_2124] : memref<128x128x128xf32, #tpu.memory_space<vmem>>, vector<1x128x128xf32>
    %get3A_2126 = vector.shape_cast %get3A_2125 : vector<1x128x128xf32> to vector<128x128xf32>
    %get3A_2127 = arith.constant 0 : index
    %get3A_2128 = arith.index_cast %arg0 : i32 to index
    %get3A_2129 = arith.constant 125 : index
    %get3A_2130 = memref.load %arg1[%get3A_2127, %get3A_2128, %get3A_2129] : memref<1x30x128xf32, #tpu.memory_space<smem>>
    %mul3A_2131 = vector.broadcast %get3A_2130 : f32 to vector<128x128xf32>
    %mul3A_2132 = arith.mulf %get3A_2126, %mul3A_2131 : vector<128x128xf32>
    %swap3A_2133 = arith.constant 125 : index
    %swap3A_2134 = arith.constant 0 : index
    %swap3A_2135 = arith.constant 0 : index
    %swap3A_2136 = vector.load %arg4[%swap3A_2133, %swap3A_2134, %swap3A_2135] : memref<128x128x128xf32, #tpu.memory_space<vmem>>, vector<1x128x128xf32>
    %swap3A_2137 = vector.shape_cast %swap3A_2136 : vector<1x128x128xf32> to vector<128x128xf32>
    %swap3A_2138 = vector.shape_cast %mul3A_2132 : vector<128x128xf32> to vector<1x128x128xf32>
    tpu.vector_store %arg4[%swap3A_2133, %swap3A_2134, %swap3A_2135], %swap3A_2138 {strides = array<i32>} : memref<128x128x128xf32, #tpu.memory_space<vmem>>, vector<1x128x128xf32>,
    %get3A_2139 = arith.constant 126 : index
    %get3A_2140 = arith.constant 0 : index
    %get3A_2141 = arith.constant 0 : index
    %get3A_2142 = vector.load %arg2[%get3A_2139, %get3A_2140, %get3A_2141] : memref<128x128x128xf32, #tpu.memory_space<vmem>>, vector<1x128x128xf32>
    %get3A_2143 = vector.shape_cast %get3A_2142 : vector<1x128x128xf32> to vector<128x128xf32>
    %get3A_2144 = arith.constant 0 : index
    %get3A_2145 = arith.index_cast %arg0 : i32 to index
    %get3A_2146 = arith.constant 126 : index
    %get3A_2147 = memref.load %arg1[%get3A_2144, %get3A_2145, %get3A_2146] : memref<1x30x128xf32, #tpu.memory_space<smem>>
    %mul3A_2148 = vector.broadcast %get3A_2147 : f32 to vector<128x128xf32>
    %mul3A_2149 = arith.mulf %get3A_2143, %mul3A_2148 : vector<128x128xf32>
    %swap3A_2150 = arith.constant 126 : index
    %swap3A_2151 = arith.constant 0 : index
    %swap3A_2152 = arith.constant 0 : index
    %swap3A_2153 = vector.load %arg4[%swap3A_2150, %swap3A_2151, %swap3A_2152] : memref<128x128x128xf32, #tpu.memory_space<vmem>>, vector<1x128x128xf32>
    %swap3A_2154 = vector.shape_cast %swap3A_2153 : vector<1x128x128xf32> to vector<128x128xf32>
    %swap3A_2155 = vector.shape_cast %mul3A_2149 : vector<128x128xf32> to vector<1x128x128xf32>
    tpu.vector_store %arg4[%swap3A_2150, %swap3A_2151, %swap3A_2152], %swap3A_2155 {strides = array<i32>} : memref<128x128x128xf32, #tpu.memory_space<vmem>>, vector<1x128x128xf32>,
    %get3A_2156 = arith.constant 127 : index
    %get3A_2157 = arith.constant 0 : index
    %get3A_2158 = arith.constant 0 : index
    %get3A_2159 = vector.load %arg2[%get3A_2156, %get3A_2157, %get3A_2158] : memref<128x128x128xf32, #tpu.memory_space<vmem>>, vector<1x128x128xf32>
    %get3A_2160 = vector.shape_cast %get3A_2159 : vector<1x128x128xf32> to vector<128x128xf32>
    %get3A_2161 = arith.constant 0 : index
    %get3A_2162 = arith.index_cast %arg0 : i32 to index
    %get3A_2163 = arith.constant 127 : index
    %get3A_2164 = memref.load %arg1[%get3A_2161, %get3A_2162, %get3A_2163] : memref<1x30x128xf32, #tpu.memory_space<smem>>
    %mul3A_2165 = vector.broadcast %get3A_2164 : f32 to vector<128x128xf32>
    %mul3A_2166 = arith.mulf %get3A_2160, %mul3A_2165 : vector<128x128xf32>
    %swap3A_2167 = arith.constant 127 : index
    %swap3A_2168 = arith.constant 0 : index
    %swap3A_2169 = arith.constant 0 : index
    %swap3A_2170 = vector.load %arg4[%swap3A_2167, %swap3A_2168, %swap3A_2169] : memref<128x128x128xf32, #tpu.memory_space<vmem>>, vector<1x128x128xf32>
    %swap3A_2171 = vector.shape_cast %swap3A_2170 : vector<1x128x128xf32> to vector<128x128xf32>
    %swap3A_2172 = vector.shape_cast %mul3A_2166 : vector<128x128xf32> to vector<1x128x128xf32>
    tpu.vector_store %arg4[%swap3A_2167, %swap3A_2168, %swap3A_2169], %swap3A_2172 {strides = array<i32>} : memref<128x128x128xf32, #tpu.memory_space<vmem>>, vector<1x128x128xf32>,
    return
  }
  func.func @transform_0(%arg0: i32) -> (i32, i32, i32) {
    %c0_i32 = arith.constant 0 : i32
    %c0_i32_0 = arith.constant 0 : i32
    %c0_i32_1 = arith.constant 0 : i32
    %c0_i32_2 = arith.constant 0 : i32
    return %c0_i32, %c0_i32_0, %c0_i32_1 : i32, i32, i32
  }
  func.func @transform_1(%arg0: i32) -> (i32, i32, i32) {
    %add3A = arith.constant 2 : i32
    %add3A_0 = arith.addi %arg0, %add3A : i32
    %c0_i32 = arith.constant 0 : i32
    %c0_i32_1 = arith.constant 0 : i32
    %c0_i32_2 = arith.constant 0 : i32
    return %add3A_0, %c0_i32, %c0_i32_1 : i32, i32, i32
  }
  func.func @transform_3(%arg0: i32) -> (i32, i32, i32) {
    %add3A = arith.constant 2 : i32
    %add3A_0 = arith.addi %arg0, %add3A : i32
    %c0_i32 = arith.constant 0 : i32
    %c0_i32_1 = arith.constant 0 : i32
    %c0_i32_2 = arith.constant 0 : i32
    return %add3A_0, %c0_i32, %c0_i32_1 : i32, i32, i32
  }
}

module attributes {stable_mosaic.version = 14 : i64} {
  func.func @_mul_body(%arg0: i32, %arg1: memref<1x2x128xf32, #tpu.memory_space<smem>>, %arg2: memref<128x128x128xf32, #tpu.memory_space<vmem>>, %arg3: memref<128x128x128xf32, #tpu.memory_space<vmem>>) attributes {dimension_semantics = [#tpu.dimension_semantics<parallel>], iteration_bounds = array<i64: 2>, scalar_prefetch = 0 : i64, scratch_operands = 0 : i64, tpu.core_type = #tpu.core_type<tc>, window_params = [{transform_indices = @transform_0, window_bounds = array<i64: 1, 2, 128>}, {transform_indices = @transform_1, window_bounds = array<i64: 128, 128, 128>}, {transform_indices = @transform_2, window_bounds = array<i64: 128, 128, 128>}]} {
    %get3A = arith.constant 0 : index
    %get3A_0 = arith.constant 0 : index
    %get3A_1 = arith.constant 0 : index
    %get3A_2 = vector.load %arg2[%get3A, %get3A_0, %get3A_1] : memref<128x128x128xf32, #tpu.memory_space<vmem>>, vector<1x128x128xf32>
    %get3A_3 = vector.shape_cast %get3A_2 : vector<1x128x128xf32> to vector<128x128xf32>
    %get3A_4 = arith.constant 0 : index
    %get3A_5 = arith.index_cast %arg0 : i32 to index
    %get3A_6 = arith.constant 0 : index
    %get3A_7 = memref.load %arg1[%get3A_4, %get3A_5, %get3A_6] : memref<1x2x128xf32, #tpu.memory_space<smem>>
    %mul3A = vector.broadcast %get3A_7 : f32 to vector<128x128xf32>
    %mul3A_8 = arith.mulf %get3A_3, %mul3A : vector<128x128xf32>
    %swap3A = arith.constant 0 : index
    %swap3A_9 = arith.constant 0 : index
    %swap3A_10 = arith.constant 0 : index
    %swap3A_11 = vector.load %arg3[%swap3A, %swap3A_9, %swap3A_10] : memref<128x128x128xf32, #tpu.memory_space<vmem>>, vector<1x128x128xf32>
    %swap3A_12 = vector.shape_cast %swap3A_11 : vector<1x128x128xf32> to vector<128x128xf32>
    %swap3A_13 = vector.shape_cast %mul3A_8 : vector<128x128xf32> to vector<1x128x128xf32>
    tpu.vector_store %arg3[%swap3A, %swap3A_9, %swap3A_10], %swap3A_13 {strides = array<i32>} : memref<128x128x128xf32, #tpu.memory_space<vmem>>, vector<1x128x128xf32>,
    %get3A_14 = arith.constant 1 : index
    %get3A_15 = arith.constant 0 : index
    %get3A_16 = arith.constant 0 : index
    %get3A_17 = vector.load %arg2[%get3A_14, %get3A_15, %get3A_16] : memref<128x128x128xf32, #tpu.memory_space<vmem>>, vector<1x128x128xf32>
    %get3A_18 = vector.shape_cast %get3A_17 : vector<1x128x128xf32> to vector<128x128xf32>
    %get3A_19 = arith.constant 0 : index
    %get3A_20 = arith.index_cast %arg0 : i32 to index
    %get3A_21 = arith.constant 1 : index
    %get3A_22 = memref.load %arg1[%get3A_19, %get3A_20, %get3A_21] : memref<1x2x128xf32, #tpu.memory_space<smem>>
    %mul3A_23 = vector.broadcast %get3A_22 : f32 to vector<128x128xf32>
    %mul3A_24 = arith.mulf %get3A_18, %mul3A_23 : vector<128x128xf32>
    %swap3A_25 = arith.constant 1 : index
    %swap3A_26 = arith.constant 0 : index
    %swap3A_27 = arith.constant 0 : index
    %swap3A_28 = vector.load %arg3[%swap3A_25, %swap3A_26, %swap3A_27] : memref<128x128x128xf32, #tpu.memory_space<vmem>>, vector<1x128x128xf32>
    %swap3A_29 = vector.shape_cast %swap3A_28 : vector<1x128x128xf32> to vector<128x128xf32>
    %swap3A_30 = vector.shape_cast %mul3A_24 : vector<128x128xf32> to vector<1x128x128xf32>
    tpu.vector_store %arg3[%swap3A_25, %swap3A_26, %swap3A_27], %swap3A_30 {strides = array<i32>} : memref<128x128x128xf32, #tpu.memory_space<vmem>>, vector<1x128x128xf32>,
    %get3A_31 = arith.constant 2 : index
    %get3A_32 = arith.constant 0 : index
    %get3A_33 = arith.constant 0 : index
    %get3A_34 = vector.load %arg2[%get3A_31, %get3A_32, %get3A_33] : memref<128x128x128xf32, #tpu.memory_space<vmem>>, vector<1x128x128xf32>
    %get3A_35 = vector.shape_cast %get3A_34 : vector<1x128x128xf32> to vector<128x128xf32>
    %get3A_36 = arith.constant 0 : index
    %get3A_37 = arith.index_cast %arg0 : i32 to index
    %get3A_38 = arith.constant 2 : index
    %get3A_39 = memref.load %arg1[%get3A_36, %get3A_37, %get3A_38] : memref<1x2x128xf32, #tpu.memory_space<smem>>
    %mul3A_40 = vector.broadcast %get3A_39 : f32 to vector<128x128xf32>
    %mul3A_41 = arith.mulf %get3A_35, %mul3A_40 : vector<128x128xf32>
    %swap3A_42 = arith.constant 2 : index
    %swap3A_43 = arith.constant 0 : index
    %swap3A_44 = arith.constant 0 : index
    %swap3A_45 = vector.load %arg3[%swap3A_42, %swap3A_43, %swap3A_44] : memref<128x128x128xf32, #tpu.memory_space<vmem>>, vector<1x128x128xf32>
    %swap3A_46 = vector.shape_cast %swap3A_45 : vector<1x128x128xf32> to vector<128x128xf32>
    %swap3A_47 = vector.shape_cast %mul3A_41 : vector<128x128xf32> to vector<1x128x128xf32>
    tpu.vector_store %arg3[%swap3A_42, %swap3A_43, %swap3A_44], %swap3A_47 {strides = array<i32>} : memref<128x128x128xf32, #tpu.memory_space<vmem>>, vector<1x128x128xf32>,
    %get3A_48 = arith.constant 3 : index
    %get3A_49 = arith.constant 0 : index
    %get3A_50 = arith.constant 0 : index
    %get3A_51 = vector.load %arg2[%get3A_48, %get3A_49, %get3A_50] : memref<128x128x128xf32, #tpu.memory_space<vmem>>, vector<1x128x128xf32>
    %get3A_52 = vector.shape_cast %get3A_51 : vector<1x128x128xf32> to vector<128x128xf32>
    %get3A_53 = arith.constant 0 : index
    %get3A_54 = arith.index_cast %arg0 : i32 to index
    %get3A_55 = arith.constant 3 : index
    %get3A_56 = memref.load %arg1[%get3A_53, %get3A_54, %get3A_55] : memref<1x2x128xf32, #tpu.memory_space<smem>>
    %mul3A_57 = vector.broadcast %get3A_56 : f32 to vector<128x128xf32>
    %mul3A_58 = arith.mulf %get3A_52, %mul3A_57 : vector<128x128xf32>
    %swap3A_59 = arith.constant 3 : index
    %swap3A_60 = arith.constant 0 : index
    %swap3A_61 = arith.constant 0 : index
    %swap3A_62 = vector.load %arg3[%swap3A_59, %swap3A_60, %swap3A_61] : memref<128x128x128xf32, #tpu.memory_space<vmem>>, vector<1x128x128xf32>
    %swap3A_63 = vector.shape_cast %swap3A_62 : vector<1x128x128xf32> to vector<128x128xf32>
    %swap3A_64 = vector.shape_cast %mul3A_58 : vector<128x128xf32> to vector<1x128x128xf32>
    tpu.vector_store %arg3[%swap3A_59, %swap3A_60, %swap3A_61], %swap3A_64 {strides = array<i32>} : memref<128x128x128xf32, #tpu.memory_space<vmem>>, vector<1x128x128xf32>,
    %get3A_65 = arith.constant 4 : index
    %get3A_66 = arith.constant 0 : index
    %get3A_67 = arith.constant 0 : index
    %get3A_68 = vector.load %arg2[%get3A_65, %get3A_66, %get3A_67] : memref<128x128x128xf32, #tpu.memory_space<vmem>>, vector<1x128x128xf32>
    %get3A_69 = vector.shape_cast %get3A_68 : vector<1x128x128xf32> to vector<128x128xf32>
    %get3A_70 = arith.constant 0 : index
    %get3A_71 = arith.index_cast %arg0 : i32 to index
    %get3A_72 = arith.constant 4 : index
    %get3A_73 = memref.load %arg1[%get3A_70, %get3A_71, %get3A_72] : memref<1x2x128xf32, #tpu.memory_space<smem>>
    %mul3A_74 = vector.broadcast %get3A_73 : f32 to vector<128x128xf32>
    %mul3A_75 = arith.mulf %get3A_69, %mul3A_74 : vector<128x128xf32>
    %swap3A_76 = arith.constant 4 : index
    %swap3A_77 = arith.constant 0 : index
    %swap3A_78 = arith.constant 0 : index
    %swap3A_79 = vector.load %arg3[%swap3A_76, %swap3A_77, %swap3A_78] : memref<128x128x128xf32, #tpu.memory_space<vmem>>, vector<1x128x128xf32>
    %swap3A_80 = vector.shape_cast %swap3A_79 : vector<1x128x128xf32> to vector<128x128xf32>
    %swap3A_81 = vector.shape_cast %mul3A_75 : vector<128x128xf32> to vector<1x128x128xf32>
    tpu.vector_store %arg3[%swap3A_76, %swap3A_77, %swap3A_78], %swap3A_81 {strides = array<i32>} : memref<128x128x128xf32, #tpu.memory_space<vmem>>, vector<1x128x128xf32>,
    %get3A_82 = arith.constant 5 : index
    %get3A_83 = arith.constant 0 : index
    %get3A_84 = arith.constant 0 : index
    %get3A_85 = vector.load %arg2[%get3A_82, %get3A_83, %get3A_84] : memref<128x128x128xf32, #tpu.memory_space<vmem>>, vector<1x128x128xf32>
    %get3A_86 = vector.shape_cast %get3A_85 : vector<1x128x128xf32> to vector<128x128xf32>
    %get3A_87 = arith.constant 0 : index
    %get3A_88 = arith.index_cast %arg0 : i32 to index
    %get3A_89 = arith.constant 5 : index
    %get3A_90 = memref.load %arg1[%get3A_87, %get3A_88, %get3A_89] : memref<1x2x128xf32, #tpu.memory_space<smem>>
    %mul3A_91 = vector.broadcast %get3A_90 : f32 to vector<128x128xf32>
    %mul3A_92 = arith.mulf %get3A_86, %mul3A_91 : vector<128x128xf32>
    %swap3A_93 = arith.constant 5 : index
    %swap3A_94 = arith.constant 0 : index
    %swap3A_95 = arith.constant 0 : index
    %swap3A_96 = vector.load %arg3[%swap3A_93, %swap3A_94, %swap3A_95] : memref<128x128x128xf32, #tpu.memory_space<vmem>>, vector<1x128x128xf32>
    %swap3A_97 = vector.shape_cast %swap3A_96 : vector<1x128x128xf32> to vector<128x128xf32>
    %swap3A_98 = vector.shape_cast %mul3A_92 : vector<128x128xf32> to vector<1x128x128xf32>
    tpu.vector_store %arg3[%swap3A_93, %swap3A_94, %swap3A_95], %swap3A_98 {strides = array<i32>} : memref<128x128x128xf32, #tpu.memory_space<vmem>>, vector<1x128x128xf32>,
    %get3A_99 = arith.constant 6 : index
    %get3A_100 = arith.constant 0 : index
    %get3A_101 = arith.constant 0 : index
    %get3A_102 = vector.load %arg2[%get3A_99, %get3A_100, %get3A_101] : memref<128x128x128xf32, #tpu.memory_space<vmem>>, vector<1x128x128xf32>
    %get3A_103 = vector.shape_cast %get3A_102 : vector<1x128x128xf32> to vector<128x128xf32>
    %get3A_104 = arith.constant 0 : index
    %get3A_105 = arith.index_cast %arg0 : i32 to index
    %get3A_106 = arith.constant 6 : index
    %get3A_107 = memref.load %arg1[%get3A_104, %get3A_105, %get3A_106] : memref<1x2x128xf32, #tpu.memory_space<smem>>
    %mul3A_108 = vector.broadcast %get3A_107 : f32 to vector<128x128xf32>
    %mul3A_109 = arith.mulf %get3A_103, %mul3A_108 : vector<128x128xf32>
    %swap3A_110 = arith.constant 6 : index
    %swap3A_111 = arith.constant 0 : index
    %swap3A_112 = arith.constant 0 : index
    %swap3A_113 = vector.load %arg3[%swap3A_110, %swap3A_111, %swap3A_112] : memref<128x128x128xf32, #tpu.memory_space<vmem>>, vector<1x128x128xf32>
    %swap3A_114 = vector.shape_cast %swap3A_113 : vector<1x128x128xf32> to vector<128x128xf32>
    %swap3A_115 = vector.shape_cast %mul3A_109 : vector<128x128xf32> to vector<1x128x128xf32>
    tpu.vector_store %arg3[%swap3A_110, %swap3A_111, %swap3A_112], %swap3A_115 {strides = array<i32>} : memref<128x128x128xf32, #tpu.memory_space<vmem>>, vector<1x128x128xf32>,
    %get3A_116 = arith.constant 7 : index
    %get3A_117 = arith.constant 0 : index
    %get3A_118 = arith.constant 0 : index
    %get3A_119 = vector.load %arg2[%get3A_116, %get3A_117, %get3A_118] : memref<128x128x128xf32, #tpu.memory_space<vmem>>, vector<1x128x128xf32>
    %get3A_120 = vector.shape_cast %get3A_119 : vector<1x128x128xf32> to vector<128x128xf32>
    %get3A_121 = arith.constant 0 : index
    %get3A_122 = arith.index_cast %arg0 : i32 to index
    %get3A_123 = arith.constant 7 : index
    %get3A_124 = memref.load %arg1[%get3A_121, %get3A_122, %get3A_123] : memref<1x2x128xf32, #tpu.memory_space<smem>>
    %mul3A_125 = vector.broadcast %get3A_124 : f32 to vector<128x128xf32>
    %mul3A_126 = arith.mulf %get3A_120, %mul3A_125 : vector<128x128xf32>
    %swap3A_127 = arith.constant 7 : index
    %swap3A_128 = arith.constant 0 : index
    %swap3A_129 = arith.constant 0 : index
    %swap3A_130 = vector.load %arg3[%swap3A_127, %swap3A_128, %swap3A_129] : memref<128x128x128xf32, #tpu.memory_space<vmem>>, vector<1x128x128xf32>
    %swap3A_131 = vector.shape_cast %swap3A_130 : vector<1x128x128xf32> to vector<128x128xf32>
    %swap3A_132 = vector.shape_cast %mul3A_126 : vector<128x128xf32> to vector<1x128x128xf32>
    tpu.vector_store %arg3[%swap3A_127, %swap3A_128, %swap3A_129], %swap3A_132 {strides = array<i32>} : memref<128x128x128xf32, #tpu.memory_space<vmem>>, vector<1x128x128xf32>,
    %get3A_133 = arith.constant 8 : index
    %get3A_134 = arith.constant 0 : index
    %get3A_135 = arith.constant 0 : index
    %get3A_136 = vector.load %arg2[%get3A_133, %get3A_134, %get3A_135] : memref<128x128x128xf32, #tpu.memory_space<vmem>>, vector<1x128x128xf32>
    %get3A_137 = vector.shape_cast %get3A_136 : vector<1x128x128xf32> to vector<128x128xf32>
    %get3A_138 = arith.constant 0 : index
    %get3A_139 = arith.index_cast %arg0 : i32 to index
    %get3A_140 = arith.constant 8 : index
    %get3A_141 = memref.load %arg1[%get3A_138, %get3A_139, %get3A_140] : memref<1x2x128xf32, #tpu.memory_space<smem>>
    %mul3A_142 = vector.broadcast %get3A_141 : f32 to vector<128x128xf32>
    %mul3A_143 = arith.mulf %get3A_137, %mul3A_142 : vector<128x128xf32>
    %swap3A_144 = arith.constant 8 : index
    %swap3A_145 = arith.constant 0 : index
    %swap3A_146 = arith.constant 0 : index
    %swap3A_147 = vector.load %arg3[%swap3A_144, %swap3A_145, %swap3A_146] : memref<128x128x128xf32, #tpu.memory_space<vmem>>, vector<1x128x128xf32>
    %swap3A_148 = vector.shape_cast %swap3A_147 : vector<1x128x128xf32> to vector<128x128xf32>
    %swap3A_149 = vector.shape_cast %mul3A_143 : vector<128x128xf32> to vector<1x128x128xf32>
    tpu.vector_store %arg3[%swap3A_144, %swap3A_145, %swap3A_146], %swap3A_149 {strides = array<i32>} : memref<128x128x128xf32, #tpu.memory_space<vmem>>, vector<1x128x128xf32>,
    %get3A_150 = arith.constant 9 : index
    %get3A_151 = arith.constant 0 : index
    %get3A_152 = arith.constant 0 : index
    %get3A_153 = vector.load %arg2[%get3A_150, %get3A_151, %get3A_152] : memref<128x128x128xf32, #tpu.memory_space<vmem>>, vector<1x128x128xf32>
    %get3A_154 = vector.shape_cast %get3A_153 : vector<1x128x128xf32> to vector<128x128xf32>
    %get3A_155 = arith.constant 0 : index
    %get3A_156 = arith.index_cast %arg0 : i32 to index
    %get3A_157 = arith.constant 9 : index
    %get3A_158 = memref.load %arg1[%get3A_155, %get3A_156, %get3A_157] : memref<1x2x128xf32, #tpu.memory_space<smem>>
    %mul3A_159 = vector.broadcast %get3A_158 : f32 to vector<128x128xf32>
    %mul3A_160 = arith.mulf %get3A_154, %mul3A_159 : vector<128x128xf32>
    %swap3A_161 = arith.constant 9 : index
    %swap3A_162 = arith.constant 0 : index
    %swap3A_163 = arith.constant 0 : index
    %swap3A_164 = vector.load %arg3[%swap3A_161, %swap3A_162, %swap3A_163] : memref<128x128x128xf32, #tpu.memory_space<vmem>>, vector<1x128x128xf32>
    %swap3A_165 = vector.shape_cast %swap3A_164 : vector<1x128x128xf32> to vector<128x128xf32>
    %swap3A_166 = vector.shape_cast %mul3A_160 : vector<128x128xf32> to vector<1x128x128xf32>
    tpu.vector_store %arg3[%swap3A_161, %swap3A_162, %swap3A_163], %swap3A_166 {strides = array<i32>} : memref<128x128x128xf32, #tpu.memory_space<vmem>>, vector<1x128x128xf32>,
    %get3A_167 = arith.constant 10 : index
    %get3A_168 = arith.constant 0 : index
    %get3A_169 = arith.constant 0 : index
    %get3A_170 = vector.load %arg2[%get3A_167, %get3A_168, %get3A_169] : memref<128x128x128xf32, #tpu.memory_space<vmem>>, vector<1x128x128xf32>
    %get3A_171 = vector.shape_cast %get3A_170 : vector<1x128x128xf32> to vector<128x128xf32>
    %get3A_172 = arith.constant 0 : index
    %get3A_173 = arith.index_cast %arg0 : i32 to index
    %get3A_174 = arith.constant 10 : index
    %get3A_175 = memref.load %arg1[%get3A_172, %get3A_173, %get3A_174] : memref<1x2x128xf32, #tpu.memory_space<smem>>
    %mul3A_176 = vector.broadcast %get3A_175 : f32 to vector<128x128xf32>
    %mul3A_177 = arith.mulf %get3A_171, %mul3A_176 : vector<128x128xf32>
    %swap3A_178 = arith.constant 10 : index
    %swap3A_179 = arith.constant 0 : index
    %swap3A_180 = arith.constant 0 : index
    %swap3A_181 = vector.load %arg3[%swap3A_178, %swap3A_179, %swap3A_180] : memref<128x128x128xf32, #tpu.memory_space<vmem>>, vector<1x128x128xf32>
    %swap3A_182 = vector.shape_cast %swap3A_181 : vector<1x128x128xf32> to vector<128x128xf32>
    %swap3A_183 = vector.shape_cast %mul3A_177 : vector<128x128xf32> to vector<1x128x128xf32>
    tpu.vector_store %arg3[%swap3A_178, %swap3A_179, %swap3A_180], %swap3A_183 {strides = array<i32>} : memref<128x128x128xf32, #tpu.memory_space<vmem>>, vector<1x128x128xf32>,
    %get3A_184 = arith.constant 11 : index
    %get3A_185 = arith.constant 0 : index
    %get3A_186 = arith.constant 0 : index
    %get3A_187 = vector.load %arg2[%get3A_184, %get3A_185, %get3A_186] : memref<128x128x128xf32, #tpu.memory_space<vmem>>, vector<1x128x128xf32>
    %get3A_188 = vector.shape_cast %get3A_187 : vector<1x128x128xf32> to vector<128x128xf32>
    %get3A_189 = arith.constant 0 : index
    %get3A_190 = arith.index_cast %arg0 : i32 to index
    %get3A_191 = arith.constant 11 : index
    %get3A_192 = memref.load %arg1[%get3A_189, %get3A_190, %get3A_191] : memref<1x2x128xf32, #tpu.memory_space<smem>>
    %mul3A_193 = vector.broadcast %get3A_192 : f32 to vector<128x128xf32>
    %mul3A_194 = arith.mulf %get3A_188, %mul3A_193 : vector<128x128xf32>
    %swap3A_195 = arith.constant 11 : index
    %swap3A_196 = arith.constant 0 : index
    %swap3A_197 = arith.constant 0 : index
    %swap3A_198 = vector.load %arg3[%swap3A_195, %swap3A_196, %swap3A_197] : memref<128x128x128xf32, #tpu.memory_space<vmem>>, vector<1x128x128xf32>
    %swap3A_199 = vector.shape_cast %swap3A_198 : vector<1x128x128xf32> to vector<128x128xf32>
    %swap3A_200 = vector.shape_cast %mul3A_194 : vector<128x128xf32> to vector<1x128x128xf32>
    tpu.vector_store %arg3[%swap3A_195, %swap3A_196, %swap3A_197], %swap3A_200 {strides = array<i32>} : memref<128x128x128xf32, #tpu.memory_space<vmem>>, vector<1x128x128xf32>,
    %get3A_201 = arith.constant 12 : index
    %get3A_202 = arith.constant 0 : index
    %get3A_203 = arith.constant 0 : index
    %get3A_204 = vector.load %arg2[%get3A_201, %get3A_202, %get3A_203] : memref<128x128x128xf32, #tpu.memory_space<vmem>>, vector<1x128x128xf32>
    %get3A_205 = vector.shape_cast %get3A_204 : vector<1x128x128xf32> to vector<128x128xf32>
    %get3A_206 = arith.constant 0 : index
    %get3A_207 = arith.index_cast %arg0 : i32 to index
    %get3A_208 = arith.constant 12 : index
    %get3A_209 = memref.load %arg1[%get3A_206, %get3A_207, %get3A_208] : memref<1x2x128xf32, #tpu.memory_space<smem>>
    %mul3A_210 = vector.broadcast %get3A_209 : f32 to vector<128x128xf32>
    %mul3A_211 = arith.mulf %get3A_205, %mul3A_210 : vector<128x128xf32>
    %swap3A_212 = arith.constant 12 : index
    %swap3A_213 = arith.constant 0 : index
    %swap3A_214 = arith.constant 0 : index
    %swap3A_215 = vector.load %arg3[%swap3A_212, %swap3A_213, %swap3A_214] : memref<128x128x128xf32, #tpu.memory_space<vmem>>, vector<1x128x128xf32>
    %swap3A_216 = vector.shape_cast %swap3A_215 : vector<1x128x128xf32> to vector<128x128xf32>
    %swap3A_217 = vector.shape_cast %mul3A_211 : vector<128x128xf32> to vector<1x128x128xf32>
    tpu.vector_store %arg3[%swap3A_212, %swap3A_213, %swap3A_214], %swap3A_217 {strides = array<i32>} : memref<128x128x128xf32, #tpu.memory_space<vmem>>, vector<1x128x128xf32>,
    %get3A_218 = arith.constant 13 : index
    %get3A_219 = arith.constant 0 : index
    %get3A_220 = arith.constant 0 : index
    %get3A_221 = vector.load %arg2[%get3A_218, %get3A_219, %get3A_220] : memref<128x128x128xf32, #tpu.memory_space<vmem>>, vector<1x128x128xf32>
    %get3A_222 = vector.shape_cast %get3A_221 : vector<1x128x128xf32> to vector<128x128xf32>
    %get3A_223 = arith.constant 0 : index
    %get3A_224 = arith.index_cast %arg0 : i32 to index
    %get3A_225 = arith.constant 13 : index
    %get3A_226 = memref.load %arg1[%get3A_223, %get3A_224, %get3A_225] : memref<1x2x128xf32, #tpu.memory_space<smem>>
    %mul3A_227 = vector.broadcast %get3A_226 : f32 to vector<128x128xf32>
    %mul3A_228 = arith.mulf %get3A_222, %mul3A_227 : vector<128x128xf32>
    %swap3A_229 = arith.constant 13 : index
    %swap3A_230 = arith.constant 0 : index
    %swap3A_231 = arith.constant 0 : index
    %swap3A_232 = vector.load %arg3[%swap3A_229, %swap3A_230, %swap3A_231] : memref<128x128x128xf32, #tpu.memory_space<vmem>>, vector<1x128x128xf32>
    %swap3A_233 = vector.shape_cast %swap3A_232 : vector<1x128x128xf32> to vector<128x128xf32>
    %swap3A_234 = vector.shape_cast %mul3A_228 : vector<128x128xf32> to vector<1x128x128xf32>
    tpu.vector_store %arg3[%swap3A_229, %swap3A_230, %swap3A_231], %swap3A_234 {strides = array<i32>} : memref<128x128x128xf32, #tpu.memory_space<vmem>>, vector<1x128x128xf32>,
    %get3A_235 = arith.constant 14 : index
    %get3A_236 = arith.constant 0 : index
    %get3A_237 = arith.constant 0 : index
    %get3A_238 = vector.load %arg2[%get3A_235, %get3A_236, %get3A_237] : memref<128x128x128xf32, #tpu.memory_space<vmem>>, vector<1x128x128xf32>
    %get3A_239 = vector.shape_cast %get3A_238 : vector<1x128x128xf32> to vector<128x128xf32>
    %get3A_240 = arith.constant 0 : index
    %get3A_241 = arith.index_cast %arg0 : i32 to index
    %get3A_242 = arith.constant 14 : index
    %get3A_243 = memref.load %arg1[%get3A_240, %get3A_241, %get3A_242] : memref<1x2x128xf32, #tpu.memory_space<smem>>
    %mul3A_244 = vector.broadcast %get3A_243 : f32 to vector<128x128xf32>
    %mul3A_245 = arith.mulf %get3A_239, %mul3A_244 : vector<128x128xf32>
    %swap3A_246 = arith.constant 14 : index
    %swap3A_247 = arith.constant 0 : index
    %swap3A_248 = arith.constant 0 : index
    %swap3A_249 = vector.load %arg3[%swap3A_246, %swap3A_247, %swap3A_248] : memref<128x128x128xf32, #tpu.memory_space<vmem>>, vector<1x128x128xf32>
    %swap3A_250 = vector.shape_cast %swap3A_249 : vector<1x128x128xf32> to vector<128x128xf32>
    %swap3A_251 = vector.shape_cast %mul3A_245 : vector<128x128xf32> to vector<1x128x128xf32>
    tpu.vector_store %arg3[%swap3A_246, %swap3A_247, %swap3A_248], %swap3A_251 {strides = array<i32>} : memref<128x128x128xf32, #tpu.memory_space<vmem>>, vector<1x128x128xf32>,
    %get3A_252 = arith.constant 15 : index
    %get3A_253 = arith.constant 0 : index
    %get3A_254 = arith.constant 0 : index
    %get3A_255 = vector.load %arg2[%get3A_252, %get3A_253, %get3A_254] : memref<128x128x128xf32, #tpu.memory_space<vmem>>, vector<1x128x128xf32>
    %get3A_256 = vector.shape_cast %get3A_255 : vector<1x128x128xf32> to vector<128x128xf32>
    %get3A_257 = arith.constant 0 : index
    %get3A_258 = arith.index_cast %arg0 : i32 to index
    %get3A_259 = arith.constant 15 : index
    %get3A_260 = memref.load %arg1[%get3A_257, %get3A_258, %get3A_259] : memref<1x2x128xf32, #tpu.memory_space<smem>>
    %mul3A_261 = vector.broadcast %get3A_260 : f32 to vector<128x128xf32>
    %mul3A_262 = arith.mulf %get3A_256, %mul3A_261 : vector<128x128xf32>
    %swap3A_263 = arith.constant 15 : index
    %swap3A_264 = arith.constant 0 : index
    %swap3A_265 = arith.constant 0 : index
    %swap3A_266 = vector.load %arg3[%swap3A_263, %swap3A_264, %swap3A_265] : memref<128x128x128xf32, #tpu.memory_space<vmem>>, vector<1x128x128xf32>
    %swap3A_267 = vector.shape_cast %swap3A_266 : vector<1x128x128xf32> to vector<128x128xf32>
    %swap3A_268 = vector.shape_cast %mul3A_262 : vector<128x128xf32> to vector<1x128x128xf32>
    tpu.vector_store %arg3[%swap3A_263, %swap3A_264, %swap3A_265], %swap3A_268 {strides = array<i32>} : memref<128x128x128xf32, #tpu.memory_space<vmem>>, vector<1x128x128xf32>,
    %get3A_269 = arith.constant 16 : index
    %get3A_270 = arith.constant 0 : index
    %get3A_271 = arith.constant 0 : index
    %get3A_272 = vector.load %arg2[%get3A_269, %get3A_270, %get3A_271] : memref<128x128x128xf32, #tpu.memory_space<vmem>>, vector<1x128x128xf32>
    %get3A_273 = vector.shape_cast %get3A_272 : vector<1x128x128xf32> to vector<128x128xf32>
    %get3A_274 = arith.constant 0 : index
    %get3A_275 = arith.index_cast %arg0 : i32 to index
    %get3A_276 = arith.constant 16 : index
    %get3A_277 = memref.load %arg1[%get3A_274, %get3A_275, %get3A_276] : memref<1x2x128xf32, #tpu.memory_space<smem>>
    %mul3A_278 = vector.broadcast %get3A_277 : f32 to vector<128x128xf32>
    %mul3A_279 = arith.mulf %get3A_273, %mul3A_278 : vector<128x128xf32>
    %swap3A_280 = arith.constant 16 : index
    %swap3A_281 = arith.constant 0 : index
    %swap3A_282 = arith.constant 0 : index
    %swap3A_283 = vector.load %arg3[%swap3A_280, %swap3A_281, %swap3A_282] : memref<128x128x128xf32, #tpu.memory_space<vmem>>, vector<1x128x128xf32>
    %swap3A_284 = vector.shape_cast %swap3A_283 : vector<1x128x128xf32> to vector<128x128xf32>
    %swap3A_285 = vector.shape_cast %mul3A_279 : vector<128x128xf32> to vector<1x128x128xf32>
    tpu.vector_store %arg3[%swap3A_280, %swap3A_281, %swap3A_282], %swap3A_285 {strides = array<i32>} : memref<128x128x128xf32, #tpu.memory_space<vmem>>, vector<1x128x128xf32>,
    %get3A_286 = arith.constant 17 : index
    %get3A_287 = arith.constant 0 : index
    %get3A_288 = arith.constant 0 : index
    %get3A_289 = vector.load %arg2[%get3A_286, %get3A_287, %get3A_288] : memref<128x128x128xf32, #tpu.memory_space<vmem>>, vector<1x128x128xf32>
    %get3A_290 = vector.shape_cast %get3A_289 : vector<1x128x128xf32> to vector<128x128xf32>
    %get3A_291 = arith.constant 0 : index
    %get3A_292 = arith.index_cast %arg0 : i32 to index
    %get3A_293 = arith.constant 17 : index
    %get3A_294 = memref.load %arg1[%get3A_291, %get3A_292, %get3A_293] : memref<1x2x128xf32, #tpu.memory_space<smem>>
    %mul3A_295 = vector.broadcast %get3A_294 : f32 to vector<128x128xf32>
    %mul3A_296 = arith.mulf %get3A_290, %mul3A_295 : vector<128x128xf32>
    %swap3A_297 = arith.constant 17 : index
    %swap3A_298 = arith.constant 0 : index
    %swap3A_299 = arith.constant 0 : index
    %swap3A_300 = vector.load %arg3[%swap3A_297, %swap3A_298, %swap3A_299] : memref<128x128x128xf32, #tpu.memory_space<vmem>>, vector<1x128x128xf32>
    %swap3A_301 = vector.shape_cast %swap3A_300 : vector<1x128x128xf32> to vector<128x128xf32>
    %swap3A_302 = vector.shape_cast %mul3A_296 : vector<128x128xf32> to vector<1x128x128xf32>
    tpu.vector_store %arg3[%swap3A_297, %swap3A_298, %swap3A_299], %swap3A_302 {strides = array<i32>} : memref<128x128x128xf32, #tpu.memory_space<vmem>>, vector<1x128x128xf32>,
    %get3A_303 = arith.constant 18 : index
    %get3A_304 = arith.constant 0 : index
    %get3A_305 = arith.constant 0 : index
    %get3A_306 = vector.load %arg2[%get3A_303, %get3A_304, %get3A_305] : memref<128x128x128xf32, #tpu.memory_space<vmem>>, vector<1x128x128xf32>
    %get3A_307 = vector.shape_cast %get3A_306 : vector<1x128x128xf32> to vector<128x128xf32>
    %get3A_308 = arith.constant 0 : index
    %get3A_309 = arith.index_cast %arg0 : i32 to index
    %get3A_310 = arith.constant 18 : index
    %get3A_311 = memref.load %arg1[%get3A_308, %get3A_309, %get3A_310] : memref<1x2x128xf32, #tpu.memory_space<smem>>
    %mul3A_312 = vector.broadcast %get3A_311 : f32 to vector<128x128xf32>
    %mul3A_313 = arith.mulf %get3A_307, %mul3A_312 : vector<128x128xf32>
    %swap3A_314 = arith.constant 18 : index
    %swap3A_315 = arith.constant 0 : index
    %swap3A_316 = arith.constant 0 : index
    %swap3A_317 = vector.load %arg3[%swap3A_314, %swap3A_315, %swap3A_316] : memref<128x128x128xf32, #tpu.memory_space<vmem>>, vector<1x128x128xf32>
    %swap3A_318 = vector.shape_cast %swap3A_317 : vector<1x128x128xf32> to vector<128x128xf32>
    %swap3A_319 = vector.shape_cast %mul3A_313 : vector<128x128xf32> to vector<1x128x128xf32>
    tpu.vector_store %arg3[%swap3A_314, %swap3A_315, %swap3A_316], %swap3A_319 {strides = array<i32>} : memref<128x128x128xf32, #tpu.memory_space<vmem>>, vector<1x128x128xf32>,
    %get3A_320 = arith.constant 19 : index
    %get3A_321 = arith.constant 0 : index
    %get3A_322 = arith.constant 0 : index
    %get3A_323 = vector.load %arg2[%get3A_320, %get3A_321, %get3A_322] : memref<128x128x128xf32, #tpu.memory_space<vmem>>, vector<1x128x128xf32>
    %get3A_324 = vector.shape_cast %get3A_323 : vector<1x128x128xf32> to vector<128x128xf32>
    %get3A_325 = arith.constant 0 : index
    %get3A_326 = arith.index_cast %arg0 : i32 to index
    %get3A_327 = arith.constant 19 : index
    %get3A_328 = memref.load %arg1[%get3A_325, %get3A_326, %get3A_327] : memref<1x2x128xf32, #tpu.memory_space<smem>>
    %mul3A_329 = vector.broadcast %get3A_328 : f32 to vector<128x128xf32>
    %mul3A_330 = arith.mulf %get3A_324, %mul3A_329 : vector<128x128xf32>
    %swap3A_331 = arith.constant 19 : index
    %swap3A_332 = arith.constant 0 : index
    %swap3A_333 = arith.constant 0 : index
    %swap3A_334 = vector.load %arg3[%swap3A_331, %swap3A_332, %swap3A_333] : memref<128x128x128xf32, #tpu.memory_space<vmem>>, vector<1x128x128xf32>
    %swap3A_335 = vector.shape_cast %swap3A_334 : vector<1x128x128xf32> to vector<128x128xf32>
    %swap3A_336 = vector.shape_cast %mul3A_330 : vector<128x128xf32> to vector<1x128x128xf32>
    tpu.vector_store %arg3[%swap3A_331, %swap3A_332, %swap3A_333], %swap3A_336 {strides = array<i32>} : memref<128x128x128xf32, #tpu.memory_space<vmem>>, vector<1x128x128xf32>,
    %get3A_337 = arith.constant 20 : index
    %get3A_338 = arith.constant 0 : index
    %get3A_339 = arith.constant 0 : index
    %get3A_340 = vector.load %arg2[%get3A_337, %get3A_338, %get3A_339] : memref<128x128x128xf32, #tpu.memory_space<vmem>>, vector<1x128x128xf32>
    %get3A_341 = vector.shape_cast %get3A_340 : vector<1x128x128xf32> to vector<128x128xf32>
    %get3A_342 = arith.constant 0 : index
    %get3A_343 = arith.index_cast %arg0 : i32 to index
    %get3A_344 = arith.constant 20 : index
    %get3A_345 = memref.load %arg1[%get3A_342, %get3A_343, %get3A_344] : memref<1x2x128xf32, #tpu.memory_space<smem>>
    %mul3A_346 = vector.broadcast %get3A_345 : f32 to vector<128x128xf32>
    %mul3A_347 = arith.mulf %get3A_341, %mul3A_346 : vector<128x128xf32>
    %swap3A_348 = arith.constant 20 : index
    %swap3A_349 = arith.constant 0 : index
    %swap3A_350 = arith.constant 0 : index
    %swap3A_351 = vector.load %arg3[%swap3A_348, %swap3A_349, %swap3A_350] : memref<128x128x128xf32, #tpu.memory_space<vmem>>, vector<1x128x128xf32>
    %swap3A_352 = vector.shape_cast %swap3A_351 : vector<1x128x128xf32> to vector<128x128xf32>
    %swap3A_353 = vector.shape_cast %mul3A_347 : vector<128x128xf32> to vector<1x128x128xf32>
    tpu.vector_store %arg3[%swap3A_348, %swap3A_349, %swap3A_350], %swap3A_353 {strides = array<i32>} : memref<128x128x128xf32, #tpu.memory_space<vmem>>, vector<1x128x128xf32>,
    %get3A_354 = arith.constant 21 : index
    %get3A_355 = arith.constant 0 : index
    %get3A_356 = arith.constant 0 : index
    %get3A_357 = vector.load %arg2[%get3A_354, %get3A_355, %get3A_356] : memref<128x128x128xf32, #tpu.memory_space<vmem>>, vector<1x128x128xf32>
    %get3A_358 = vector.shape_cast %get3A_357 : vector<1x128x128xf32> to vector<128x128xf32>
    %get3A_359 = arith.constant 0 : index
    %get3A_360 = arith.index_cast %arg0 : i32 to index
    %get3A_361 = arith.constant 21 : index
    %get3A_362 = memref.load %arg1[%get3A_359, %get3A_360, %get3A_361] : memref<1x2x128xf32, #tpu.memory_space<smem>>
    %mul3A_363 = vector.broadcast %get3A_362 : f32 to vector<128x128xf32>
    %mul3A_364 = arith.mulf %get3A_358, %mul3A_363 : vector<128x128xf32>
    %swap3A_365 = arith.constant 21 : index
    %swap3A_366 = arith.constant 0 : index
    %swap3A_367 = arith.constant 0 : index
    %swap3A_368 = vector.load %arg3[%swap3A_365, %swap3A_366, %swap3A_367] : memref<128x128x128xf32, #tpu.memory_space<vmem>>, vector<1x128x128xf32>
    %swap3A_369 = vector.shape_cast %swap3A_368 : vector<1x128x128xf32> to vector<128x128xf32>
    %swap3A_370 = vector.shape_cast %mul3A_364 : vector<128x128xf32> to vector<1x128x128xf32>
    tpu.vector_store %arg3[%swap3A_365, %swap3A_366, %swap3A_367], %swap3A_370 {strides = array<i32>} : memref<128x128x128xf32, #tpu.memory_space<vmem>>, vector<1x128x128xf32>,
    %get3A_371 = arith.constant 22 : index
    %get3A_372 = arith.constant 0 : index
    %get3A_373 = arith.constant 0 : index
    %get3A_374 = vector.load %arg2[%get3A_371, %get3A_372, %get3A_373] : memref<128x128x128xf32, #tpu.memory_space<vmem>>, vector<1x128x128xf32>
    %get3A_375 = vector.shape_cast %get3A_374 : vector<1x128x128xf32> to vector<128x128xf32>
    %get3A_376 = arith.constant 0 : index
    %get3A_377 = arith.index_cast %arg0 : i32 to index
    %get3A_378 = arith.constant 22 : index
    %get3A_379 = memref.load %arg1[%get3A_376, %get3A_377, %get3A_378] : memref<1x2x128xf32, #tpu.memory_space<smem>>
    %mul3A_380 = vector.broadcast %get3A_379 : f32 to vector<128x128xf32>
    %mul3A_381 = arith.mulf %get3A_375, %mul3A_380 : vector<128x128xf32>
    %swap3A_382 = arith.constant 22 : index
    %swap3A_383 = arith.constant 0 : index
    %swap3A_384 = arith.constant 0 : index
    %swap3A_385 = vector.load %arg3[%swap3A_382, %swap3A_383, %swap3A_384] : memref<128x128x128xf32, #tpu.memory_space<vmem>>, vector<1x128x128xf32>
    %swap3A_386 = vector.shape_cast %swap3A_385 : vector<1x128x128xf32> to vector<128x128xf32>
    %swap3A_387 = vector.shape_cast %mul3A_381 : vector<128x128xf32> to vector<1x128x128xf32>
    tpu.vector_store %arg3[%swap3A_382, %swap3A_383, %swap3A_384], %swap3A_387 {strides = array<i32>} : memref<128x128x128xf32, #tpu.memory_space<vmem>>, vector<1x128x128xf32>,
    %get3A_388 = arith.constant 23 : index
    %get3A_389 = arith.constant 0 : index
    %get3A_390 = arith.constant 0 : index
    %get3A_391 = vector.load %arg2[%get3A_388, %get3A_389, %get3A_390] : memref<128x128x128xf32, #tpu.memory_space<vmem>>, vector<1x128x128xf32>
    %get3A_392 = vector.shape_cast %get3A_391 : vector<1x128x128xf32> to vector<128x128xf32>
    %get3A_393 = arith.constant 0 : index
    %get3A_394 = arith.index_cast %arg0 : i32 to index
    %get3A_395 = arith.constant 23 : index
    %get3A_396 = memref.load %arg1[%get3A_393, %get3A_394, %get3A_395] : memref<1x2x128xf32, #tpu.memory_space<smem>>
    %mul3A_397 = vector.broadcast %get3A_396 : f32 to vector<128x128xf32>
    %mul3A_398 = arith.mulf %get3A_392, %mul3A_397 : vector<128x128xf32>
    %swap3A_399 = arith.constant 23 : index
    %swap3A_400 = arith.constant 0 : index
    %swap3A_401 = arith.constant 0 : index
    %swap3A_402 = vector.load %arg3[%swap3A_399, %swap3A_400, %swap3A_401] : memref<128x128x128xf32, #tpu.memory_space<vmem>>, vector<1x128x128xf32>
    %swap3A_403 = vector.shape_cast %swap3A_402 : vector<1x128x128xf32> to vector<128x128xf32>
    %swap3A_404 = vector.shape_cast %mul3A_398 : vector<128x128xf32> to vector<1x128x128xf32>
    tpu.vector_store %arg3[%swap3A_399, %swap3A_400, %swap3A_401], %swap3A_404 {strides = array<i32>} : memref<128x128x128xf32, #tpu.memory_space<vmem>>, vector<1x128x128xf32>,
    %get3A_405 = arith.constant 24 : index
    %get3A_406 = arith.constant 0 : index
    %get3A_407 = arith.constant 0 : index
    %get3A_408 = vector.load %arg2[%get3A_405, %get3A_406, %get3A_407] : memref<128x128x128xf32, #tpu.memory_space<vmem>>, vector<1x128x128xf32>
    %get3A_409 = vector.shape_cast %get3A_408 : vector<1x128x128xf32> to vector<128x128xf32>
    %get3A_410 = arith.constant 0 : index
    %get3A_411 = arith.index_cast %arg0 : i32 to index
    %get3A_412 = arith.constant 24 : index
    %get3A_413 = memref.load %arg1[%get3A_410, %get3A_411, %get3A_412] : memref<1x2x128xf32, #tpu.memory_space<smem>>
    %mul3A_414 = vector.broadcast %get3A_413 : f32 to vector<128x128xf32>
    %mul3A_415 = arith.mulf %get3A_409, %mul3A_414 : vector<128x128xf32>
    %swap3A_416 = arith.constant 24 : index
    %swap3A_417 = arith.constant 0 : index
    %swap3A_418 = arith.constant 0 : index
    %swap3A_419 = vector.load %arg3[%swap3A_416, %swap3A_417, %swap3A_418] : memref<128x128x128xf32, #tpu.memory_space<vmem>>, vector<1x128x128xf32>
    %swap3A_420 = vector.shape_cast %swap3A_419 : vector<1x128x128xf32> to vector<128x128xf32>
    %swap3A_421 = vector.shape_cast %mul3A_415 : vector<128x128xf32> to vector<1x128x128xf32>
    tpu.vector_store %arg3[%swap3A_416, %swap3A_417, %swap3A_418], %swap3A_421 {strides = array<i32>} : memref<128x128x128xf32, #tpu.memory_space<vmem>>, vector<1x128x128xf32>,
    %get3A_422 = arith.constant 25 : index
    %get3A_423 = arith.constant 0 : index
    %get3A_424 = arith.constant 0 : index
    %get3A_425 = vector.load %arg2[%get3A_422, %get3A_423, %get3A_424] : memref<128x128x128xf32, #tpu.memory_space<vmem>>, vector<1x128x128xf32>
    %get3A_426 = vector.shape_cast %get3A_425 : vector<1x128x128xf32> to vector<128x128xf32>
    %get3A_427 = arith.constant 0 : index
    %get3A_428 = arith.index_cast %arg0 : i32 to index
    %get3A_429 = arith.constant 25 : index
    %get3A_430 = memref.load %arg1[%get3A_427, %get3A_428, %get3A_429] : memref<1x2x128xf32, #tpu.memory_space<smem>>
    %mul3A_431 = vector.broadcast %get3A_430 : f32 to vector<128x128xf32>
    %mul3A_432 = arith.mulf %get3A_426, %mul3A_431 : vector<128x128xf32>
    %swap3A_433 = arith.constant 25 : index
    %swap3A_434 = arith.constant 0 : index
    %swap3A_435 = arith.constant 0 : index
    %swap3A_436 = vector.load %arg3[%swap3A_433, %swap3A_434, %swap3A_435] : memref<128x128x128xf32, #tpu.memory_space<vmem>>, vector<1x128x128xf32>
    %swap3A_437 = vector.shape_cast %swap3A_436 : vector<1x128x128xf32> to vector<128x128xf32>
    %swap3A_438 = vector.shape_cast %mul3A_432 : vector<128x128xf32> to vector<1x128x128xf32>
    tpu.vector_store %arg3[%swap3A_433, %swap3A_434, %swap3A_435], %swap3A_438 {strides = array<i32>} : memref<128x128x128xf32, #tpu.memory_space<vmem>>, vector<1x128x128xf32>,
    %get3A_439 = arith.constant 26 : index
    %get3A_440 = arith.constant 0 : index
    %get3A_441 = arith.constant 0 : index
    %get3A_442 = vector.load %arg2[%get3A_439, %get3A_440, %get3A_441] : memref<128x128x128xf32, #tpu.memory_space<vmem>>, vector<1x128x128xf32>
    %get3A_443 = vector.shape_cast %get3A_442 : vector<1x128x128xf32> to vector<128x128xf32>
    %get3A_444 = arith.constant 0 : index
    %get3A_445 = arith.index_cast %arg0 : i32 to index
    %get3A_446 = arith.constant 26 : index
    %get3A_447 = memref.load %arg1[%get3A_444, %get3A_445, %get3A_446] : memref<1x2x128xf32, #tpu.memory_space<smem>>
    %mul3A_448 = vector.broadcast %get3A_447 : f32 to vector<128x128xf32>
    %mul3A_449 = arith.mulf %get3A_443, %mul3A_448 : vector<128x128xf32>
    %swap3A_450 = arith.constant 26 : index
    %swap3A_451 = arith.constant 0 : index
    %swap3A_452 = arith.constant 0 : index
    %swap3A_453 = vector.load %arg3[%swap3A_450, %swap3A_451, %swap3A_452] : memref<128x128x128xf32, #tpu.memory_space<vmem>>, vector<1x128x128xf32>
    %swap3A_454 = vector.shape_cast %swap3A_453 : vector<1x128x128xf32> to vector<128x128xf32>
    %swap3A_455 = vector.shape_cast %mul3A_449 : vector<128x128xf32> to vector<1x128x128xf32>
    tpu.vector_store %arg3[%swap3A_450, %swap3A_451, %swap3A_452], %swap3A_455 {strides = array<i32>} : memref<128x128x128xf32, #tpu.memory_space<vmem>>, vector<1x128x128xf32>,
    %get3A_456 = arith.constant 27 : index
    %get3A_457 = arith.constant 0 : index
    %get3A_458 = arith.constant 0 : index
    %get3A_459 = vector.load %arg2[%get3A_456, %get3A_457, %get3A_458] : memref<128x128x128xf32, #tpu.memory_space<vmem>>, vector<1x128x128xf32>
    %get3A_460 = vector.shape_cast %get3A_459 : vector<1x128x128xf32> to vector<128x128xf32>
    %get3A_461 = arith.constant 0 : index
    %get3A_462 = arith.index_cast %arg0 : i32 to index
    %get3A_463 = arith.constant 27 : index
    %get3A_464 = memref.load %arg1[%get3A_461, %get3A_462, %get3A_463] : memref<1x2x128xf32, #tpu.memory_space<smem>>
    %mul3A_465 = vector.broadcast %get3A_464 : f32 to vector<128x128xf32>
    %mul3A_466 = arith.mulf %get3A_460, %mul3A_465 : vector<128x128xf32>
    %swap3A_467 = arith.constant 27 : index
    %swap3A_468 = arith.constant 0 : index
    %swap3A_469 = arith.constant 0 : index
    %swap3A_470 = vector.load %arg3[%swap3A_467, %swap3A_468, %swap3A_469] : memref<128x128x128xf32, #tpu.memory_space<vmem>>, vector<1x128x128xf32>
    %swap3A_471 = vector.shape_cast %swap3A_470 : vector<1x128x128xf32> to vector<128x128xf32>
    %swap3A_472 = vector.shape_cast %mul3A_466 : vector<128x128xf32> to vector<1x128x128xf32>
    tpu.vector_store %arg3[%swap3A_467, %swap3A_468, %swap3A_469], %swap3A_472 {strides = array<i32>} : memref<128x128x128xf32, #tpu.memory_space<vmem>>, vector<1x128x128xf32>,
    %get3A_473 = arith.constant 28 : index
    %get3A_474 = arith.constant 0 : index
    %get3A_475 = arith.constant 0 : index
    %get3A_476 = vector.load %arg2[%get3A_473, %get3A_474, %get3A_475] : memref<128x128x128xf32, #tpu.memory_space<vmem>>, vector<1x128x128xf32>
    %get3A_477 = vector.shape_cast %get3A_476 : vector<1x128x128xf32> to vector<128x128xf32>
    %get3A_478 = arith.constant 0 : index
    %get3A_479 = arith.index_cast %arg0 : i32 to index
    %get3A_480 = arith.constant 28 : index
    %get3A_481 = memref.load %arg1[%get3A_478, %get3A_479, %get3A_480] : memref<1x2x128xf32, #tpu.memory_space<smem>>
    %mul3A_482 = vector.broadcast %get3A_481 : f32 to vector<128x128xf32>
    %mul3A_483 = arith.mulf %get3A_477, %mul3A_482 : vector<128x128xf32>
    %swap3A_484 = arith.constant 28 : index
    %swap3A_485 = arith.constant 0 : index
    %swap3A_486 = arith.constant 0 : index
    %swap3A_487 = vector.load %arg3[%swap3A_484, %swap3A_485, %swap3A_486] : memref<128x128x128xf32, #tpu.memory_space<vmem>>, vector<1x128x128xf32>
    %swap3A_488 = vector.shape_cast %swap3A_487 : vector<1x128x128xf32> to vector<128x128xf32>
    %swap3A_489 = vector.shape_cast %mul3A_483 : vector<128x128xf32> to vector<1x128x128xf32>
    tpu.vector_store %arg3[%swap3A_484, %swap3A_485, %swap3A_486], %swap3A_489 {strides = array<i32>} : memref<128x128x128xf32, #tpu.memory_space<vmem>>, vector<1x128x128xf32>,
    %get3A_490 = arith.constant 29 : index
    %get3A_491 = arith.constant 0 : index
    %get3A_492 = arith.constant 0 : index
    %get3A_493 = vector.load %arg2[%get3A_490, %get3A_491, %get3A_492] : memref<128x128x128xf32, #tpu.memory_space<vmem>>, vector<1x128x128xf32>
    %get3A_494 = vector.shape_cast %get3A_493 : vector<1x128x128xf32> to vector<128x128xf32>
    %get3A_495 = arith.constant 0 : index
    %get3A_496 = arith.index_cast %arg0 : i32 to index
    %get3A_497 = arith.constant 29 : index
    %get3A_498 = memref.load %arg1[%get3A_495, %get3A_496, %get3A_497] : memref<1x2x128xf32, #tpu.memory_space<smem>>
    %mul3A_499 = vector.broadcast %get3A_498 : f32 to vector<128x128xf32>
    %mul3A_500 = arith.mulf %get3A_494, %mul3A_499 : vector<128x128xf32>
    %swap3A_501 = arith.constant 29 : index
    %swap3A_502 = arith.constant 0 : index
    %swap3A_503 = arith.constant 0 : index
    %swap3A_504 = vector.load %arg3[%swap3A_501, %swap3A_502, %swap3A_503] : memref<128x128x128xf32, #tpu.memory_space<vmem>>, vector<1x128x128xf32>
    %swap3A_505 = vector.shape_cast %swap3A_504 : vector<1x128x128xf32> to vector<128x128xf32>
    %swap3A_506 = vector.shape_cast %mul3A_500 : vector<128x128xf32> to vector<1x128x128xf32>
    tpu.vector_store %arg3[%swap3A_501, %swap3A_502, %swap3A_503], %swap3A_506 {strides = array<i32>} : memref<128x128x128xf32, #tpu.memory_space<vmem>>, vector<1x128x128xf32>,
    %get3A_507 = arith.constant 30 : index
    %get3A_508 = arith.constant 0 : index
    %get3A_509 = arith.constant 0 : index
    %get3A_510 = vector.load %arg2[%get3A_507, %get3A_508, %get3A_509] : memref<128x128x128xf32, #tpu.memory_space<vmem>>, vector<1x128x128xf32>
    %get3A_511 = vector.shape_cast %get3A_510 : vector<1x128x128xf32> to vector<128x128xf32>
    %get3A_512 = arith.constant 0 : index
    %get3A_513 = arith.index_cast %arg0 : i32 to index
    %get3A_514 = arith.constant 30 : index
    %get3A_515 = memref.load %arg1[%get3A_512, %get3A_513, %get3A_514] : memref<1x2x128xf32, #tpu.memory_space<smem>>
    %mul3A_516 = vector.broadcast %get3A_515 : f32 to vector<128x128xf32>
    %mul3A_517 = arith.mulf %get3A_511, %mul3A_516 : vector<128x128xf32>
    %swap3A_518 = arith.constant 30 : index
    %swap3A_519 = arith.constant 0 : index
    %swap3A_520 = arith.constant 0 : index
    %swap3A_521 = vector.load %arg3[%swap3A_518, %swap3A_519, %swap3A_520] : memref<128x128x128xf32, #tpu.memory_space<vmem>>, vector<1x128x128xf32>
    %swap3A_522 = vector.shape_cast %swap3A_521 : vector<1x128x128xf32> to vector<128x128xf32>
    %swap3A_523 = vector.shape_cast %mul3A_517 : vector<128x128xf32> to vector<1x128x128xf32>
    tpu.vector_store %arg3[%swap3A_518, %swap3A_519, %swap3A_520], %swap3A_523 {strides = array<i32>} : memref<128x128x128xf32, #tpu.memory_space<vmem>>, vector<1x128x128xf32>,
    %get3A_524 = arith.constant 31 : index
    %get3A_525 = arith.constant 0 : index
    %get3A_526 = arith.constant 0 : index
    %get3A_527 = vector.load %arg2[%get3A_524, %get3A_525, %get3A_526] : memref<128x128x128xf32, #tpu.memory_space<vmem>>, vector<1x128x128xf32>
    %get3A_528 = vector.shape_cast %get3A_527 : vector<1x128x128xf32> to vector<128x128xf32>
    %get3A_529 = arith.constant 0 : index
    %get3A_530 = arith.index_cast %arg0 : i32 to index
    %get3A_531 = arith.constant 31 : index
    %get3A_532 = memref.load %arg1[%get3A_529, %get3A_530, %get3A_531] : memref<1x2x128xf32, #tpu.memory_space<smem>>
    %mul3A_533 = vector.broadcast %get3A_532 : f32 to vector<128x128xf32>
    %mul3A_534 = arith.mulf %get3A_528, %mul3A_533 : vector<128x128xf32>
    %swap3A_535 = arith.constant 31 : index
    %swap3A_536 = arith.constant 0 : index
    %swap3A_537 = arith.constant 0 : index
    %swap3A_538 = vector.load %arg3[%swap3A_535, %swap3A_536, %swap3A_537] : memref<128x128x128xf32, #tpu.memory_space<vmem>>, vector<1x128x128xf32>
    %swap3A_539 = vector.shape_cast %swap3A_538 : vector<1x128x128xf32> to vector<128x128xf32>
    %swap3A_540 = vector.shape_cast %mul3A_534 : vector<128x128xf32> to vector<1x128x128xf32>
    tpu.vector_store %arg3[%swap3A_535, %swap3A_536, %swap3A_537], %swap3A_540 {strides = array<i32>} : memref<128x128x128xf32, #tpu.memory_space<vmem>>, vector<1x128x128xf32>,
    %get3A_541 = arith.constant 32 : index
    %get3A_542 = arith.constant 0 : index
    %get3A_543 = arith.constant 0 : index
    %get3A_544 = vector.load %arg2[%get3A_541, %get3A_542, %get3A_543] : memref<128x128x128xf32, #tpu.memory_space<vmem>>, vector<1x128x128xf32>
    %get3A_545 = vector.shape_cast %get3A_544 : vector<1x128x128xf32> to vector<128x128xf32>
    %get3A_546 = arith.constant 0 : index
    %get3A_547 = arith.index_cast %arg0 : i32 to index
    %get3A_548 = arith.constant 32 : index
    %get3A_549 = memref.load %arg1[%get3A_546, %get3A_547, %get3A_548] : memref<1x2x128xf32, #tpu.memory_space<smem>>
    %mul3A_550 = vector.broadcast %get3A_549 : f32 to vector<128x128xf32>
    %mul3A_551 = arith.mulf %get3A_545, %mul3A_550 : vector<128x128xf32>
    %swap3A_552 = arith.constant 32 : index
    %swap3A_553 = arith.constant 0 : index
    %swap3A_554 = arith.constant 0 : index
    %swap3A_555 = vector.load %arg3[%swap3A_552, %swap3A_553, %swap3A_554] : memref<128x128x128xf32, #tpu.memory_space<vmem>>, vector<1x128x128xf32>
    %swap3A_556 = vector.shape_cast %swap3A_555 : vector<1x128x128xf32> to vector<128x128xf32>
    %swap3A_557 = vector.shape_cast %mul3A_551 : vector<128x128xf32> to vector<1x128x128xf32>
    tpu.vector_store %arg3[%swap3A_552, %swap3A_553, %swap3A_554], %swap3A_557 {strides = array<i32>} : memref<128x128x128xf32, #tpu.memory_space<vmem>>, vector<1x128x128xf32>,
    %get3A_558 = arith.constant 33 : index
    %get3A_559 = arith.constant 0 : index
    %get3A_560 = arith.constant 0 : index
    %get3A_561 = vector.load %arg2[%get3A_558, %get3A_559, %get3A_560] : memref<128x128x128xf32, #tpu.memory_space<vmem>>, vector<1x128x128xf32>
    %get3A_562 = vector.shape_cast %get3A_561 : vector<1x128x128xf32> to vector<128x128xf32>
    %get3A_563 = arith.constant 0 : index
    %get3A_564 = arith.index_cast %arg0 : i32 to index
    %get3A_565 = arith.constant 33 : index
    %get3A_566 = memref.load %arg1[%get3A_563, %get3A_564, %get3A_565] : memref<1x2x128xf32, #tpu.memory_space<smem>>
    %mul3A_567 = vector.broadcast %get3A_566 : f32 to vector<128x128xf32>
    %mul3A_568 = arith.mulf %get3A_562, %mul3A_567 : vector<128x128xf32>
    %swap3A_569 = arith.constant 33 : index
    %swap3A_570 = arith.constant 0 : index
    %swap3A_571 = arith.constant 0 : index
    %swap3A_572 = vector.load %arg3[%swap3A_569, %swap3A_570, %swap3A_571] : memref<128x128x128xf32, #tpu.memory_space<vmem>>, vector<1x128x128xf32>
    %swap3A_573 = vector.shape_cast %swap3A_572 : vector<1x128x128xf32> to vector<128x128xf32>
    %swap3A_574 = vector.shape_cast %mul3A_568 : vector<128x128xf32> to vector<1x128x128xf32>
    tpu.vector_store %arg3[%swap3A_569, %swap3A_570, %swap3A_571], %swap3A_574 {strides = array<i32>} : memref<128x128x128xf32, #tpu.memory_space<vmem>>, vector<1x128x128xf32>,
    %get3A_575 = arith.constant 34 : index
    %get3A_576 = arith.constant 0 : index
    %get3A_577 = arith.constant 0 : index
    %get3A_578 = vector.load %arg2[%get3A_575, %get3A_576, %get3A_577] : memref<128x128x128xf32, #tpu.memory_space<vmem>>, vector<1x128x128xf32>
    %get3A_579 = vector.shape_cast %get3A_578 : vector<1x128x128xf32> to vector<128x128xf32>
    %get3A_580 = arith.constant 0 : index
    %get3A_581 = arith.index_cast %arg0 : i32 to index
    %get3A_582 = arith.constant 34 : index
    %get3A_583 = memref.load %arg1[%get3A_580, %get3A_581, %get3A_582] : memref<1x2x128xf32, #tpu.memory_space<smem>>
    %mul3A_584 = vector.broadcast %get3A_583 : f32 to vector<128x128xf32>
    %mul3A_585 = arith.mulf %get3A_579, %mul3A_584 : vector<128x128xf32>
    %swap3A_586 = arith.constant 34 : index
    %swap3A_587 = arith.constant 0 : index
    %swap3A_588 = arith.constant 0 : index
    %swap3A_589 = vector.load %arg3[%swap3A_586, %swap3A_587, %swap3A_588] : memref<128x128x128xf32, #tpu.memory_space<vmem>>, vector<1x128x128xf32>
    %swap3A_590 = vector.shape_cast %swap3A_589 : vector<1x128x128xf32> to vector<128x128xf32>
    %swap3A_591 = vector.shape_cast %mul3A_585 : vector<128x128xf32> to vector<1x128x128xf32>
    tpu.vector_store %arg3[%swap3A_586, %swap3A_587, %swap3A_588], %swap3A_591 {strides = array<i32>} : memref<128x128x128xf32, #tpu.memory_space<vmem>>, vector<1x128x128xf32>,
    %get3A_592 = arith.constant 35 : index
    %get3A_593 = arith.constant 0 : index
    %get3A_594 = arith.constant 0 : index
    %get3A_595 = vector.load %arg2[%get3A_592, %get3A_593, %get3A_594] : memref<128x128x128xf32, #tpu.memory_space<vmem>>, vector<1x128x128xf32>
    %get3A_596 = vector.shape_cast %get3A_595 : vector<1x128x128xf32> to vector<128x128xf32>
    %get3A_597 = arith.constant 0 : index
    %get3A_598 = arith.index_cast %arg0 : i32 to index
    %get3A_599 = arith.constant 35 : index
    %get3A_600 = memref.load %arg1[%get3A_597, %get3A_598, %get3A_599] : memref<1x2x128xf32, #tpu.memory_space<smem>>
    %mul3A_601 = vector.broadcast %get3A_600 : f32 to vector<128x128xf32>
    %mul3A_602 = arith.mulf %get3A_596, %mul3A_601 : vector<128x128xf32>
    %swap3A_603 = arith.constant 35 : index
    %swap3A_604 = arith.constant 0 : index
    %swap3A_605 = arith.constant 0 : index
    %swap3A_606 = vector.load %arg3[%swap3A_603, %swap3A_604, %swap3A_605] : memref<128x128x128xf32, #tpu.memory_space<vmem>>, vector<1x128x128xf32>
    %swap3A_607 = vector.shape_cast %swap3A_606 : vector<1x128x128xf32> to vector<128x128xf32>
    %swap3A_608 = vector.shape_cast %mul3A_602 : vector<128x128xf32> to vector<1x128x128xf32>
    tpu.vector_store %arg3[%swap3A_603, %swap3A_604, %swap3A_605], %swap3A_608 {strides = array<i32>} : memref<128x128x128xf32, #tpu.memory_space<vmem>>, vector<1x128x128xf32>,
    %get3A_609 = arith.constant 36 : index
    %get3A_610 = arith.constant 0 : index
    %get3A_611 = arith.constant 0 : index
    %get3A_612 = vector.load %arg2[%get3A_609, %get3A_610, %get3A_611] : memref<128x128x128xf32, #tpu.memory_space<vmem>>, vector<1x128x128xf32>
    %get3A_613 = vector.shape_cast %get3A_612 : vector<1x128x128xf32> to vector<128x128xf32>
    %get3A_614 = arith.constant 0 : index
    %get3A_615 = arith.index_cast %arg0 : i32 to index
    %get3A_616 = arith.constant 36 : index
    %get3A_617 = memref.load %arg1[%get3A_614, %get3A_615, %get3A_616] : memref<1x2x128xf32, #tpu.memory_space<smem>>
    %mul3A_618 = vector.broadcast %get3A_617 : f32 to vector<128x128xf32>
    %mul3A_619 = arith.mulf %get3A_613, %mul3A_618 : vector<128x128xf32>
    %swap3A_620 = arith.constant 36 : index
    %swap3A_621 = arith.constant 0 : index
    %swap3A_622 = arith.constant 0 : index
    %swap3A_623 = vector.load %arg3[%swap3A_620, %swap3A_621, %swap3A_622] : memref<128x128x128xf32, #tpu.memory_space<vmem>>, vector<1x128x128xf32>
    %swap3A_624 = vector.shape_cast %swap3A_623 : vector<1x128x128xf32> to vector<128x128xf32>
    %swap3A_625 = vector.shape_cast %mul3A_619 : vector<128x128xf32> to vector<1x128x128xf32>
    tpu.vector_store %arg3[%swap3A_620, %swap3A_621, %swap3A_622], %swap3A_625 {strides = array<i32>} : memref<128x128x128xf32, #tpu.memory_space<vmem>>, vector<1x128x128xf32>,
    %get3A_626 = arith.constant 37 : index
    %get3A_627 = arith.constant 0 : index
    %get3A_628 = arith.constant 0 : index
    %get3A_629 = vector.load %arg2[%get3A_626, %get3A_627, %get3A_628] : memref<128x128x128xf32, #tpu.memory_space<vmem>>, vector<1x128x128xf32>
    %get3A_630 = vector.shape_cast %get3A_629 : vector<1x128x128xf32> to vector<128x128xf32>
    %get3A_631 = arith.constant 0 : index
    %get3A_632 = arith.index_cast %arg0 : i32 to index
    %get3A_633 = arith.constant 37 : index
    %get3A_634 = memref.load %arg1[%get3A_631, %get3A_632, %get3A_633] : memref<1x2x128xf32, #tpu.memory_space<smem>>
    %mul3A_635 = vector.broadcast %get3A_634 : f32 to vector<128x128xf32>
    %mul3A_636 = arith.mulf %get3A_630, %mul3A_635 : vector<128x128xf32>
    %swap3A_637 = arith.constant 37 : index
    %swap3A_638 = arith.constant 0 : index
    %swap3A_639 = arith.constant 0 : index
    %swap3A_640 = vector.load %arg3[%swap3A_637, %swap3A_638, %swap3A_639] : memref<128x128x128xf32, #tpu.memory_space<vmem>>, vector<1x128x128xf32>
    %swap3A_641 = vector.shape_cast %swap3A_640 : vector<1x128x128xf32> to vector<128x128xf32>
    %swap3A_642 = vector.shape_cast %mul3A_636 : vector<128x128xf32> to vector<1x128x128xf32>
    tpu.vector_store %arg3[%swap3A_637, %swap3A_638, %swap3A_639], %swap3A_642 {strides = array<i32>} : memref<128x128x128xf32, #tpu.memory_space<vmem>>, vector<1x128x128xf32>,
    %get3A_643 = arith.constant 38 : index
    %get3A_644 = arith.constant 0 : index
    %get3A_645 = arith.constant 0 : index
    %get3A_646 = vector.load %arg2[%get3A_643, %get3A_644, %get3A_645] : memref<128x128x128xf32, #tpu.memory_space<vmem>>, vector<1x128x128xf32>
    %get3A_647 = vector.shape_cast %get3A_646 : vector<1x128x128xf32> to vector<128x128xf32>
    %get3A_648 = arith.constant 0 : index
    %get3A_649 = arith.index_cast %arg0 : i32 to index
    %get3A_650 = arith.constant 38 : index
    %get3A_651 = memref.load %arg1[%get3A_648, %get3A_649, %get3A_650] : memref<1x2x128xf32, #tpu.memory_space<smem>>
    %mul3A_652 = vector.broadcast %get3A_651 : f32 to vector<128x128xf32>
    %mul3A_653 = arith.mulf %get3A_647, %mul3A_652 : vector<128x128xf32>
    %swap3A_654 = arith.constant 38 : index
    %swap3A_655 = arith.constant 0 : index
    %swap3A_656 = arith.constant 0 : index
    %swap3A_657 = vector.load %arg3[%swap3A_654, %swap3A_655, %swap3A_656] : memref<128x128x128xf32, #tpu.memory_space<vmem>>, vector<1x128x128xf32>
    %swap3A_658 = vector.shape_cast %swap3A_657 : vector<1x128x128xf32> to vector<128x128xf32>
    %swap3A_659 = vector.shape_cast %mul3A_653 : vector<128x128xf32> to vector<1x128x128xf32>
    tpu.vector_store %arg3[%swap3A_654, %swap3A_655, %swap3A_656], %swap3A_659 {strides = array<i32>} : memref<128x128x128xf32, #tpu.memory_space<vmem>>, vector<1x128x128xf32>,
    %get3A_660 = arith.constant 39 : index
    %get3A_661 = arith.constant 0 : index
    %get3A_662 = arith.constant 0 : index
    %get3A_663 = vector.load %arg2[%get3A_660, %get3A_661, %get3A_662] : memref<128x128x128xf32, #tpu.memory_space<vmem>>, vector<1x128x128xf32>
    %get3A_664 = vector.shape_cast %get3A_663 : vector<1x128x128xf32> to vector<128x128xf32>
    %get3A_665 = arith.constant 0 : index
    %get3A_666 = arith.index_cast %arg0 : i32 to index
    %get3A_667 = arith.constant 39 : index
    %get3A_668 = memref.load %arg1[%get3A_665, %get3A_666, %get3A_667] : memref<1x2x128xf32, #tpu.memory_space<smem>>
    %mul3A_669 = vector.broadcast %get3A_668 : f32 to vector<128x128xf32>
    %mul3A_670 = arith.mulf %get3A_664, %mul3A_669 : vector<128x128xf32>
    %swap3A_671 = arith.constant 39 : index
    %swap3A_672 = arith.constant 0 : index
    %swap3A_673 = arith.constant 0 : index
    %swap3A_674 = vector.load %arg3[%swap3A_671, %swap3A_672, %swap3A_673] : memref<128x128x128xf32, #tpu.memory_space<vmem>>, vector<1x128x128xf32>
    %swap3A_675 = vector.shape_cast %swap3A_674 : vector<1x128x128xf32> to vector<128x128xf32>
    %swap3A_676 = vector.shape_cast %mul3A_670 : vector<128x128xf32> to vector<1x128x128xf32>
    tpu.vector_store %arg3[%swap3A_671, %swap3A_672, %swap3A_673], %swap3A_676 {strides = array<i32>} : memref<128x128x128xf32, #tpu.memory_space<vmem>>, vector<1x128x128xf32>,
    %get3A_677 = arith.constant 40 : index
    %get3A_678 = arith.constant 0 : index
    %get3A_679 = arith.constant 0 : index
    %get3A_680 = vector.load %arg2[%get3A_677, %get3A_678, %get3A_679] : memref<128x128x128xf32, #tpu.memory_space<vmem>>, vector<1x128x128xf32>
    %get3A_681 = vector.shape_cast %get3A_680 : vector<1x128x128xf32> to vector<128x128xf32>
    %get3A_682 = arith.constant 0 : index
    %get3A_683 = arith.index_cast %arg0 : i32 to index
    %get3A_684 = arith.constant 40 : index
    %get3A_685 = memref.load %arg1[%get3A_682, %get3A_683, %get3A_684] : memref<1x2x128xf32, #tpu.memory_space<smem>>
    %mul3A_686 = vector.broadcast %get3A_685 : f32 to vector<128x128xf32>
    %mul3A_687 = arith.mulf %get3A_681, %mul3A_686 : vector<128x128xf32>
    %swap3A_688 = arith.constant 40 : index
    %swap3A_689 = arith.constant 0 : index
    %swap3A_690 = arith.constant 0 : index
    %swap3A_691 = vector.load %arg3[%swap3A_688, %swap3A_689, %swap3A_690] : memref<128x128x128xf32, #tpu.memory_space<vmem>>, vector<1x128x128xf32>
    %swap3A_692 = vector.shape_cast %swap3A_691 : vector<1x128x128xf32> to vector<128x128xf32>
    %swap3A_693 = vector.shape_cast %mul3A_687 : vector<128x128xf32> to vector<1x128x128xf32>
    tpu.vector_store %arg3[%swap3A_688, %swap3A_689, %swap3A_690], %swap3A_693 {strides = array<i32>} : memref<128x128x128xf32, #tpu.memory_space<vmem>>, vector<1x128x128xf32>,
    %get3A_694 = arith.constant 41 : index
    %get3A_695 = arith.constant 0 : index
    %get3A_696 = arith.constant 0 : index
    %get3A_697 = vector.load %arg2[%get3A_694, %get3A_695, %get3A_696] : memref<128x128x128xf32, #tpu.memory_space<vmem>>, vector<1x128x128xf32>
    %get3A_698 = vector.shape_cast %get3A_697 : vector<1x128x128xf32> to vector<128x128xf32>
    %get3A_699 = arith.constant 0 : index
    %get3A_700 = arith.index_cast %arg0 : i32 to index
    %get3A_701 = arith.constant 41 : index
    %get3A_702 = memref.load %arg1[%get3A_699, %get3A_700, %get3A_701] : memref<1x2x128xf32, #tpu.memory_space<smem>>
    %mul3A_703 = vector.broadcast %get3A_702 : f32 to vector<128x128xf32>
    %mul3A_704 = arith.mulf %get3A_698, %mul3A_703 : vector<128x128xf32>
    %swap3A_705 = arith.constant 41 : index
    %swap3A_706 = arith.constant 0 : index
    %swap3A_707 = arith.constant 0 : index
    %swap3A_708 = vector.load %arg3[%swap3A_705, %swap3A_706, %swap3A_707] : memref<128x128x128xf32, #tpu.memory_space<vmem>>, vector<1x128x128xf32>
    %swap3A_709 = vector.shape_cast %swap3A_708 : vector<1x128x128xf32> to vector<128x128xf32>
    %swap3A_710 = vector.shape_cast %mul3A_704 : vector<128x128xf32> to vector<1x128x128xf32>
    tpu.vector_store %arg3[%swap3A_705, %swap3A_706, %swap3A_707], %swap3A_710 {strides = array<i32>} : memref<128x128x128xf32, #tpu.memory_space<vmem>>, vector<1x128x128xf32>,
    %get3A_711 = arith.constant 42 : index
    %get3A_712 = arith.constant 0 : index
    %get3A_713 = arith.constant 0 : index
    %get3A_714 = vector.load %arg2[%get3A_711, %get3A_712, %get3A_713] : memref<128x128x128xf32, #tpu.memory_space<vmem>>, vector<1x128x128xf32>
    %get3A_715 = vector.shape_cast %get3A_714 : vector<1x128x128xf32> to vector<128x128xf32>
    %get3A_716 = arith.constant 0 : index
    %get3A_717 = arith.index_cast %arg0 : i32 to index
    %get3A_718 = arith.constant 42 : index
    %get3A_719 = memref.load %arg1[%get3A_716, %get3A_717, %get3A_718] : memref<1x2x128xf32, #tpu.memory_space<smem>>
    %mul3A_720 = vector.broadcast %get3A_719 : f32 to vector<128x128xf32>
    %mul3A_721 = arith.mulf %get3A_715, %mul3A_720 : vector<128x128xf32>
    %swap3A_722 = arith.constant 42 : index
    %swap3A_723 = arith.constant 0 : index
    %swap3A_724 = arith.constant 0 : index
    %swap3A_725 = vector.load %arg3[%swap3A_722, %swap3A_723, %swap3A_724] : memref<128x128x128xf32, #tpu.memory_space<vmem>>, vector<1x128x128xf32>
    %swap3A_726 = vector.shape_cast %swap3A_725 : vector<1x128x128xf32> to vector<128x128xf32>
    %swap3A_727 = vector.shape_cast %mul3A_721 : vector<128x128xf32> to vector<1x128x128xf32>
    tpu.vector_store %arg3[%swap3A_722, %swap3A_723, %swap3A_724], %swap3A_727 {strides = array<i32>} : memref<128x128x128xf32, #tpu.memory_space<vmem>>, vector<1x128x128xf32>,
    %get3A_728 = arith.constant 43 : index
    %get3A_729 = arith.constant 0 : index
    %get3A_730 = arith.constant 0 : index
    %get3A_731 = vector.load %arg2[%get3A_728, %get3A_729, %get3A_730] : memref<128x128x128xf32, #tpu.memory_space<vmem>>, vector<1x128x128xf32>
    %get3A_732 = vector.shape_cast %get3A_731 : vector<1x128x128xf32> to vector<128x128xf32>
    %get3A_733 = arith.constant 0 : index
    %get3A_734 = arith.index_cast %arg0 : i32 to index
    %get3A_735 = arith.constant 43 : index
    %get3A_736 = memref.load %arg1[%get3A_733, %get3A_734, %get3A_735] : memref<1x2x128xf32, #tpu.memory_space<smem>>
    %mul3A_737 = vector.broadcast %get3A_736 : f32 to vector<128x128xf32>
    %mul3A_738 = arith.mulf %get3A_732, %mul3A_737 : vector<128x128xf32>
    %swap3A_739 = arith.constant 43 : index
    %swap3A_740 = arith.constant 0 : index
    %swap3A_741 = arith.constant 0 : index
    %swap3A_742 = vector.load %arg3[%swap3A_739, %swap3A_740, %swap3A_741] : memref<128x128x128xf32, #tpu.memory_space<vmem>>, vector<1x128x128xf32>
    %swap3A_743 = vector.shape_cast %swap3A_742 : vector<1x128x128xf32> to vector<128x128xf32>
    %swap3A_744 = vector.shape_cast %mul3A_738 : vector<128x128xf32> to vector<1x128x128xf32>
    tpu.vector_store %arg3[%swap3A_739, %swap3A_740, %swap3A_741], %swap3A_744 {strides = array<i32>} : memref<128x128x128xf32, #tpu.memory_space<vmem>>, vector<1x128x128xf32>,
    %get3A_745 = arith.constant 44 : index
    %get3A_746 = arith.constant 0 : index
    %get3A_747 = arith.constant 0 : index
    %get3A_748 = vector.load %arg2[%get3A_745, %get3A_746, %get3A_747] : memref<128x128x128xf32, #tpu.memory_space<vmem>>, vector<1x128x128xf32>
    %get3A_749 = vector.shape_cast %get3A_748 : vector<1x128x128xf32> to vector<128x128xf32>
    %get3A_750 = arith.constant 0 : index
    %get3A_751 = arith.index_cast %arg0 : i32 to index
    %get3A_752 = arith.constant 44 : index
    %get3A_753 = memref.load %arg1[%get3A_750, %get3A_751, %get3A_752] : memref<1x2x128xf32, #tpu.memory_space<smem>>
    %mul3A_754 = vector.broadcast %get3A_753 : f32 to vector<128x128xf32>
    %mul3A_755 = arith.mulf %get3A_749, %mul3A_754 : vector<128x128xf32>
    %swap3A_756 = arith.constant 44 : index
    %swap3A_757 = arith.constant 0 : index
    %swap3A_758 = arith.constant 0 : index
    %swap3A_759 = vector.load %arg3[%swap3A_756, %swap3A_757, %swap3A_758] : memref<128x128x128xf32, #tpu.memory_space<vmem>>, vector<1x128x128xf32>
    %swap3A_760 = vector.shape_cast %swap3A_759 : vector<1x128x128xf32> to vector<128x128xf32>
    %swap3A_761 = vector.shape_cast %mul3A_755 : vector<128x128xf32> to vector<1x128x128xf32>
    tpu.vector_store %arg3[%swap3A_756, %swap3A_757, %swap3A_758], %swap3A_761 {strides = array<i32>} : memref<128x128x128xf32, #tpu.memory_space<vmem>>, vector<1x128x128xf32>,
    %get3A_762 = arith.constant 45 : index
    %get3A_763 = arith.constant 0 : index
    %get3A_764 = arith.constant 0 : index
    %get3A_765 = vector.load %arg2[%get3A_762, %get3A_763, %get3A_764] : memref<128x128x128xf32, #tpu.memory_space<vmem>>, vector<1x128x128xf32>
    %get3A_766 = vector.shape_cast %get3A_765 : vector<1x128x128xf32> to vector<128x128xf32>
    %get3A_767 = arith.constant 0 : index
    %get3A_768 = arith.index_cast %arg0 : i32 to index
    %get3A_769 = arith.constant 45 : index
    %get3A_770 = memref.load %arg1[%get3A_767, %get3A_768, %get3A_769] : memref<1x2x128xf32, #tpu.memory_space<smem>>
    %mul3A_771 = vector.broadcast %get3A_770 : f32 to vector<128x128xf32>
    %mul3A_772 = arith.mulf %get3A_766, %mul3A_771 : vector<128x128xf32>
    %swap3A_773 = arith.constant 45 : index
    %swap3A_774 = arith.constant 0 : index
    %swap3A_775 = arith.constant 0 : index
    %swap3A_776 = vector.load %arg3[%swap3A_773, %swap3A_774, %swap3A_775] : memref<128x128x128xf32, #tpu.memory_space<vmem>>, vector<1x128x128xf32>
    %swap3A_777 = vector.shape_cast %swap3A_776 : vector<1x128x128xf32> to vector<128x128xf32>
    %swap3A_778 = vector.shape_cast %mul3A_772 : vector<128x128xf32> to vector<1x128x128xf32>
    tpu.vector_store %arg3[%swap3A_773, %swap3A_774, %swap3A_775], %swap3A_778 {strides = array<i32>} : memref<128x128x128xf32, #tpu.memory_space<vmem>>, vector<1x128x128xf32>,
    %get3A_779 = arith.constant 46 : index
    %get3A_780 = arith.constant 0 : index
    %get3A_781 = arith.constant 0 : index
    %get3A_782 = vector.load %arg2[%get3A_779, %get3A_780, %get3A_781] : memref<128x128x128xf32, #tpu.memory_space<vmem>>, vector<1x128x128xf32>
    %get3A_783 = vector.shape_cast %get3A_782 : vector<1x128x128xf32> to vector<128x128xf32>
    %get3A_784 = arith.constant 0 : index
    %get3A_785 = arith.index_cast %arg0 : i32 to index
    %get3A_786 = arith.constant 46 : index
    %get3A_787 = memref.load %arg1[%get3A_784, %get3A_785, %get3A_786] : memref<1x2x128xf32, #tpu.memory_space<smem>>
    %mul3A_788 = vector.broadcast %get3A_787 : f32 to vector<128x128xf32>
    %mul3A_789 = arith.mulf %get3A_783, %mul3A_788 : vector<128x128xf32>
    %swap3A_790 = arith.constant 46 : index
    %swap3A_791 = arith.constant 0 : index
    %swap3A_792 = arith.constant 0 : index
    %swap3A_793 = vector.load %arg3[%swap3A_790, %swap3A_791, %swap3A_792] : memref<128x128x128xf32, #tpu.memory_space<vmem>>, vector<1x128x128xf32>
    %swap3A_794 = vector.shape_cast %swap3A_793 : vector<1x128x128xf32> to vector<128x128xf32>
    %swap3A_795 = vector.shape_cast %mul3A_789 : vector<128x128xf32> to vector<1x128x128xf32>
    tpu.vector_store %arg3[%swap3A_790, %swap3A_791, %swap3A_792], %swap3A_795 {strides = array<i32>} : memref<128x128x128xf32, #tpu.memory_space<vmem>>, vector<1x128x128xf32>,
    %get3A_796 = arith.constant 47 : index
    %get3A_797 = arith.constant 0 : index
    %get3A_798 = arith.constant 0 : index
    %get3A_799 = vector.load %arg2[%get3A_796, %get3A_797, %get3A_798] : memref<128x128x128xf32, #tpu.memory_space<vmem>>, vector<1x128x128xf32>
    %get3A_800 = vector.shape_cast %get3A_799 : vector<1x128x128xf32> to vector<128x128xf32>
    %get3A_801 = arith.constant 0 : index
    %get3A_802 = arith.index_cast %arg0 : i32 to index
    %get3A_803 = arith.constant 47 : index
    %get3A_804 = memref.load %arg1[%get3A_801, %get3A_802, %get3A_803] : memref<1x2x128xf32, #tpu.memory_space<smem>>
    %mul3A_805 = vector.broadcast %get3A_804 : f32 to vector<128x128xf32>
    %mul3A_806 = arith.mulf %get3A_800, %mul3A_805 : vector<128x128xf32>
    %swap3A_807 = arith.constant 47 : index
    %swap3A_808 = arith.constant 0 : index
    %swap3A_809 = arith.constant 0 : index
    %swap3A_810 = vector.load %arg3[%swap3A_807, %swap3A_808, %swap3A_809] : memref<128x128x128xf32, #tpu.memory_space<vmem>>, vector<1x128x128xf32>
    %swap3A_811 = vector.shape_cast %swap3A_810 : vector<1x128x128xf32> to vector<128x128xf32>
    %swap3A_812 = vector.shape_cast %mul3A_806 : vector<128x128xf32> to vector<1x128x128xf32>
    tpu.vector_store %arg3[%swap3A_807, %swap3A_808, %swap3A_809], %swap3A_812 {strides = array<i32>} : memref<128x128x128xf32, #tpu.memory_space<vmem>>, vector<1x128x128xf32>,
    %get3A_813 = arith.constant 48 : index
    %get3A_814 = arith.constant 0 : index
    %get3A_815 = arith.constant 0 : index
    %get3A_816 = vector.load %arg2[%get3A_813, %get3A_814, %get3A_815] : memref<128x128x128xf32, #tpu.memory_space<vmem>>, vector<1x128x128xf32>
    %get3A_817 = vector.shape_cast %get3A_816 : vector<1x128x128xf32> to vector<128x128xf32>
    %get3A_818 = arith.constant 0 : index
    %get3A_819 = arith.index_cast %arg0 : i32 to index
    %get3A_820 = arith.constant 48 : index
    %get3A_821 = memref.load %arg1[%get3A_818, %get3A_819, %get3A_820] : memref<1x2x128xf32, #tpu.memory_space<smem>>
    %mul3A_822 = vector.broadcast %get3A_821 : f32 to vector<128x128xf32>
    %mul3A_823 = arith.mulf %get3A_817, %mul3A_822 : vector<128x128xf32>
    %swap3A_824 = arith.constant 48 : index
    %swap3A_825 = arith.constant 0 : index
    %swap3A_826 = arith.constant 0 : index
    %swap3A_827 = vector.load %arg3[%swap3A_824, %swap3A_825, %swap3A_826] : memref<128x128x128xf32, #tpu.memory_space<vmem>>, vector<1x128x128xf32>
    %swap3A_828 = vector.shape_cast %swap3A_827 : vector<1x128x128xf32> to vector<128x128xf32>
    %swap3A_829 = vector.shape_cast %mul3A_823 : vector<128x128xf32> to vector<1x128x128xf32>
    tpu.vector_store %arg3[%swap3A_824, %swap3A_825, %swap3A_826], %swap3A_829 {strides = array<i32>} : memref<128x128x128xf32, #tpu.memory_space<vmem>>, vector<1x128x128xf32>,
    %get3A_830 = arith.constant 49 : index
    %get3A_831 = arith.constant 0 : index
    %get3A_832 = arith.constant 0 : index
    %get3A_833 = vector.load %arg2[%get3A_830, %get3A_831, %get3A_832] : memref<128x128x128xf32, #tpu.memory_space<vmem>>, vector<1x128x128xf32>
    %get3A_834 = vector.shape_cast %get3A_833 : vector<1x128x128xf32> to vector<128x128xf32>
    %get3A_835 = arith.constant 0 : index
    %get3A_836 = arith.index_cast %arg0 : i32 to index
    %get3A_837 = arith.constant 49 : index
    %get3A_838 = memref.load %arg1[%get3A_835, %get3A_836, %get3A_837] : memref<1x2x128xf32, #tpu.memory_space<smem>>
    %mul3A_839 = vector.broadcast %get3A_838 : f32 to vector<128x128xf32>
    %mul3A_840 = arith.mulf %get3A_834, %mul3A_839 : vector<128x128xf32>
    %swap3A_841 = arith.constant 49 : index
    %swap3A_842 = arith.constant 0 : index
    %swap3A_843 = arith.constant 0 : index
    %swap3A_844 = vector.load %arg3[%swap3A_841, %swap3A_842, %swap3A_843] : memref<128x128x128xf32, #tpu.memory_space<vmem>>, vector<1x128x128xf32>
    %swap3A_845 = vector.shape_cast %swap3A_844 : vector<1x128x128xf32> to vector<128x128xf32>
    %swap3A_846 = vector.shape_cast %mul3A_840 : vector<128x128xf32> to vector<1x128x128xf32>
    tpu.vector_store %arg3[%swap3A_841, %swap3A_842, %swap3A_843], %swap3A_846 {strides = array<i32>} : memref<128x128x128xf32, #tpu.memory_space<vmem>>, vector<1x128x128xf32>,
    %get3A_847 = arith.constant 50 : index
    %get3A_848 = arith.constant 0 : index
    %get3A_849 = arith.constant 0 : index
    %get3A_850 = vector.load %arg2[%get3A_847, %get3A_848, %get3A_849] : memref<128x128x128xf32, #tpu.memory_space<vmem>>, vector<1x128x128xf32>
    %get3A_851 = vector.shape_cast %get3A_850 : vector<1x128x128xf32> to vector<128x128xf32>
    %get3A_852 = arith.constant 0 : index
    %get3A_853 = arith.index_cast %arg0 : i32 to index
    %get3A_854 = arith.constant 50 : index
    %get3A_855 = memref.load %arg1[%get3A_852, %get3A_853, %get3A_854] : memref<1x2x128xf32, #tpu.memory_space<smem>>
    %mul3A_856 = vector.broadcast %get3A_855 : f32 to vector<128x128xf32>
    %mul3A_857 = arith.mulf %get3A_851, %mul3A_856 : vector<128x128xf32>
    %swap3A_858 = arith.constant 50 : index
    %swap3A_859 = arith.constant 0 : index
    %swap3A_860 = arith.constant 0 : index
    %swap3A_861 = vector.load %arg3[%swap3A_858, %swap3A_859, %swap3A_860] : memref<128x128x128xf32, #tpu.memory_space<vmem>>, vector<1x128x128xf32>
    %swap3A_862 = vector.shape_cast %swap3A_861 : vector<1x128x128xf32> to vector<128x128xf32>
    %swap3A_863 = vector.shape_cast %mul3A_857 : vector<128x128xf32> to vector<1x128x128xf32>
    tpu.vector_store %arg3[%swap3A_858, %swap3A_859, %swap3A_860], %swap3A_863 {strides = array<i32>} : memref<128x128x128xf32, #tpu.memory_space<vmem>>, vector<1x128x128xf32>,
    %get3A_864 = arith.constant 51 : index
    %get3A_865 = arith.constant 0 : index
    %get3A_866 = arith.constant 0 : index
    %get3A_867 = vector.load %arg2[%get3A_864, %get3A_865, %get3A_866] : memref<128x128x128xf32, #tpu.memory_space<vmem>>, vector<1x128x128xf32>
    %get3A_868 = vector.shape_cast %get3A_867 : vector<1x128x128xf32> to vector<128x128xf32>
    %get3A_869 = arith.constant 0 : index
    %get3A_870 = arith.index_cast %arg0 : i32 to index
    %get3A_871 = arith.constant 51 : index
    %get3A_872 = memref.load %arg1[%get3A_869, %get3A_870, %get3A_871] : memref<1x2x128xf32, #tpu.memory_space<smem>>
    %mul3A_873 = vector.broadcast %get3A_872 : f32 to vector<128x128xf32>
    %mul3A_874 = arith.mulf %get3A_868, %mul3A_873 : vector<128x128xf32>
    %swap3A_875 = arith.constant 51 : index
    %swap3A_876 = arith.constant 0 : index
    %swap3A_877 = arith.constant 0 : index
    %swap3A_878 = vector.load %arg3[%swap3A_875, %swap3A_876, %swap3A_877] : memref<128x128x128xf32, #tpu.memory_space<vmem>>, vector<1x128x128xf32>
    %swap3A_879 = vector.shape_cast %swap3A_878 : vector<1x128x128xf32> to vector<128x128xf32>
    %swap3A_880 = vector.shape_cast %mul3A_874 : vector<128x128xf32> to vector<1x128x128xf32>
    tpu.vector_store %arg3[%swap3A_875, %swap3A_876, %swap3A_877], %swap3A_880 {strides = array<i32>} : memref<128x128x128xf32, #tpu.memory_space<vmem>>, vector<1x128x128xf32>,
    %get3A_881 = arith.constant 52 : index
    %get3A_882 = arith.constant 0 : index
    %get3A_883 = arith.constant 0 : index
    %get3A_884 = vector.load %arg2[%get3A_881, %get3A_882, %get3A_883] : memref<128x128x128xf32, #tpu.memory_space<vmem>>, vector<1x128x128xf32>
    %get3A_885 = vector.shape_cast %get3A_884 : vector<1x128x128xf32> to vector<128x128xf32>
    %get3A_886 = arith.constant 0 : index
    %get3A_887 = arith.index_cast %arg0 : i32 to index
    %get3A_888 = arith.constant 52 : index
    %get3A_889 = memref.load %arg1[%get3A_886, %get3A_887, %get3A_888] : memref<1x2x128xf32, #tpu.memory_space<smem>>
    %mul3A_890 = vector.broadcast %get3A_889 : f32 to vector<128x128xf32>
    %mul3A_891 = arith.mulf %get3A_885, %mul3A_890 : vector<128x128xf32>
    %swap3A_892 = arith.constant 52 : index
    %swap3A_893 = arith.constant 0 : index
    %swap3A_894 = arith.constant 0 : index
    %swap3A_895 = vector.load %arg3[%swap3A_892, %swap3A_893, %swap3A_894] : memref<128x128x128xf32, #tpu.memory_space<vmem>>, vector<1x128x128xf32>
    %swap3A_896 = vector.shape_cast %swap3A_895 : vector<1x128x128xf32> to vector<128x128xf32>
    %swap3A_897 = vector.shape_cast %mul3A_891 : vector<128x128xf32> to vector<1x128x128xf32>
    tpu.vector_store %arg3[%swap3A_892, %swap3A_893, %swap3A_894], %swap3A_897 {strides = array<i32>} : memref<128x128x128xf32, #tpu.memory_space<vmem>>, vector<1x128x128xf32>,
    %get3A_898 = arith.constant 53 : index
    %get3A_899 = arith.constant 0 : index
    %get3A_900 = arith.constant 0 : index
    %get3A_901 = vector.load %arg2[%get3A_898, %get3A_899, %get3A_900] : memref<128x128x128xf32, #tpu.memory_space<vmem>>, vector<1x128x128xf32>
    %get3A_902 = vector.shape_cast %get3A_901 : vector<1x128x128xf32> to vector<128x128xf32>
    %get3A_903 = arith.constant 0 : index
    %get3A_904 = arith.index_cast %arg0 : i32 to index
    %get3A_905 = arith.constant 53 : index
    %get3A_906 = memref.load %arg1[%get3A_903, %get3A_904, %get3A_905] : memref<1x2x128xf32, #tpu.memory_space<smem>>
    %mul3A_907 = vector.broadcast %get3A_906 : f32 to vector<128x128xf32>
    %mul3A_908 = arith.mulf %get3A_902, %mul3A_907 : vector<128x128xf32>
    %swap3A_909 = arith.constant 53 : index
    %swap3A_910 = arith.constant 0 : index
    %swap3A_911 = arith.constant 0 : index
    %swap3A_912 = vector.load %arg3[%swap3A_909, %swap3A_910, %swap3A_911] : memref<128x128x128xf32, #tpu.memory_space<vmem>>, vector<1x128x128xf32>
    %swap3A_913 = vector.shape_cast %swap3A_912 : vector<1x128x128xf32> to vector<128x128xf32>
    %swap3A_914 = vector.shape_cast %mul3A_908 : vector<128x128xf32> to vector<1x128x128xf32>
    tpu.vector_store %arg3[%swap3A_909, %swap3A_910, %swap3A_911], %swap3A_914 {strides = array<i32>} : memref<128x128x128xf32, #tpu.memory_space<vmem>>, vector<1x128x128xf32>,
    %get3A_915 = arith.constant 54 : index
    %get3A_916 = arith.constant 0 : index
    %get3A_917 = arith.constant 0 : index
    %get3A_918 = vector.load %arg2[%get3A_915, %get3A_916, %get3A_917] : memref<128x128x128xf32, #tpu.memory_space<vmem>>, vector<1x128x128xf32>
    %get3A_919 = vector.shape_cast %get3A_918 : vector<1x128x128xf32> to vector<128x128xf32>
    %get3A_920 = arith.constant 0 : index
    %get3A_921 = arith.index_cast %arg0 : i32 to index
    %get3A_922 = arith.constant 54 : index
    %get3A_923 = memref.load %arg1[%get3A_920, %get3A_921, %get3A_922] : memref<1x2x128xf32, #tpu.memory_space<smem>>
    %mul3A_924 = vector.broadcast %get3A_923 : f32 to vector<128x128xf32>
    %mul3A_925 = arith.mulf %get3A_919, %mul3A_924 : vector<128x128xf32>
    %swap3A_926 = arith.constant 54 : index
    %swap3A_927 = arith.constant 0 : index
    %swap3A_928 = arith.constant 0 : index
    %swap3A_929 = vector.load %arg3[%swap3A_926, %swap3A_927, %swap3A_928] : memref<128x128x128xf32, #tpu.memory_space<vmem>>, vector<1x128x128xf32>
    %swap3A_930 = vector.shape_cast %swap3A_929 : vector<1x128x128xf32> to vector<128x128xf32>
    %swap3A_931 = vector.shape_cast %mul3A_925 : vector<128x128xf32> to vector<1x128x128xf32>
    tpu.vector_store %arg3[%swap3A_926, %swap3A_927, %swap3A_928], %swap3A_931 {strides = array<i32>} : memref<128x128x128xf32, #tpu.memory_space<vmem>>, vector<1x128x128xf32>,
    %get3A_932 = arith.constant 55 : index
    %get3A_933 = arith.constant 0 : index
    %get3A_934 = arith.constant 0 : index
    %get3A_935 = vector.load %arg2[%get3A_932, %get3A_933, %get3A_934] : memref<128x128x128xf32, #tpu.memory_space<vmem>>, vector<1x128x128xf32>
    %get3A_936 = vector.shape_cast %get3A_935 : vector<1x128x128xf32> to vector<128x128xf32>
    %get3A_937 = arith.constant 0 : index
    %get3A_938 = arith.index_cast %arg0 : i32 to index
    %get3A_939 = arith.constant 55 : index
    %get3A_940 = memref.load %arg1[%get3A_937, %get3A_938, %get3A_939] : memref<1x2x128xf32, #tpu.memory_space<smem>>
    %mul3A_941 = vector.broadcast %get3A_940 : f32 to vector<128x128xf32>
    %mul3A_942 = arith.mulf %get3A_936, %mul3A_941 : vector<128x128xf32>
    %swap3A_943 = arith.constant 55 : index
    %swap3A_944 = arith.constant 0 : index
    %swap3A_945 = arith.constant 0 : index
    %swap3A_946 = vector.load %arg3[%swap3A_943, %swap3A_944, %swap3A_945] : memref<128x128x128xf32, #tpu.memory_space<vmem>>, vector<1x128x128xf32>
    %swap3A_947 = vector.shape_cast %swap3A_946 : vector<1x128x128xf32> to vector<128x128xf32>
    %swap3A_948 = vector.shape_cast %mul3A_942 : vector<128x128xf32> to vector<1x128x128xf32>
    tpu.vector_store %arg3[%swap3A_943, %swap3A_944, %swap3A_945], %swap3A_948 {strides = array<i32>} : memref<128x128x128xf32, #tpu.memory_space<vmem>>, vector<1x128x128xf32>,
    %get3A_949 = arith.constant 56 : index
    %get3A_950 = arith.constant 0 : index
    %get3A_951 = arith.constant 0 : index
    %get3A_952 = vector.load %arg2[%get3A_949, %get3A_950, %get3A_951] : memref<128x128x128xf32, #tpu.memory_space<vmem>>, vector<1x128x128xf32>
    %get3A_953 = vector.shape_cast %get3A_952 : vector<1x128x128xf32> to vector<128x128xf32>
    %get3A_954 = arith.constant 0 : index
    %get3A_955 = arith.index_cast %arg0 : i32 to index
    %get3A_956 = arith.constant 56 : index
    %get3A_957 = memref.load %arg1[%get3A_954, %get3A_955, %get3A_956] : memref<1x2x128xf32, #tpu.memory_space<smem>>
    %mul3A_958 = vector.broadcast %get3A_957 : f32 to vector<128x128xf32>
    %mul3A_959 = arith.mulf %get3A_953, %mul3A_958 : vector<128x128xf32>
    %swap3A_960 = arith.constant 56 : index
    %swap3A_961 = arith.constant 0 : index
    %swap3A_962 = arith.constant 0 : index
    %swap3A_963 = vector.load %arg3[%swap3A_960, %swap3A_961, %swap3A_962] : memref<128x128x128xf32, #tpu.memory_space<vmem>>, vector<1x128x128xf32>
    %swap3A_964 = vector.shape_cast %swap3A_963 : vector<1x128x128xf32> to vector<128x128xf32>
    %swap3A_965 = vector.shape_cast %mul3A_959 : vector<128x128xf32> to vector<1x128x128xf32>
    tpu.vector_store %arg3[%swap3A_960, %swap3A_961, %swap3A_962], %swap3A_965 {strides = array<i32>} : memref<128x128x128xf32, #tpu.memory_space<vmem>>, vector<1x128x128xf32>,
    %get3A_966 = arith.constant 57 : index
    %get3A_967 = arith.constant 0 : index
    %get3A_968 = arith.constant 0 : index
    %get3A_969 = vector.load %arg2[%get3A_966, %get3A_967, %get3A_968] : memref<128x128x128xf32, #tpu.memory_space<vmem>>, vector<1x128x128xf32>
    %get3A_970 = vector.shape_cast %get3A_969 : vector<1x128x128xf32> to vector<128x128xf32>
    %get3A_971 = arith.constant 0 : index
    %get3A_972 = arith.index_cast %arg0 : i32 to index
    %get3A_973 = arith.constant 57 : index
    %get3A_974 = memref.load %arg1[%get3A_971, %get3A_972, %get3A_973] : memref<1x2x128xf32, #tpu.memory_space<smem>>
    %mul3A_975 = vector.broadcast %get3A_974 : f32 to vector<128x128xf32>
    %mul3A_976 = arith.mulf %get3A_970, %mul3A_975 : vector<128x128xf32>
    %swap3A_977 = arith.constant 57 : index
    %swap3A_978 = arith.constant 0 : index
    %swap3A_979 = arith.constant 0 : index
    %swap3A_980 = vector.load %arg3[%swap3A_977, %swap3A_978, %swap3A_979] : memref<128x128x128xf32, #tpu.memory_space<vmem>>, vector<1x128x128xf32>
    %swap3A_981 = vector.shape_cast %swap3A_980 : vector<1x128x128xf32> to vector<128x128xf32>
    %swap3A_982 = vector.shape_cast %mul3A_976 : vector<128x128xf32> to vector<1x128x128xf32>
    tpu.vector_store %arg3[%swap3A_977, %swap3A_978, %swap3A_979], %swap3A_982 {strides = array<i32>} : memref<128x128x128xf32, #tpu.memory_space<vmem>>, vector<1x128x128xf32>,
    %get3A_983 = arith.constant 58 : index
    %get3A_984 = arith.constant 0 : index
    %get3A_985 = arith.constant 0 : index
    %get3A_986 = vector.load %arg2[%get3A_983, %get3A_984, %get3A_985] : memref<128x128x128xf32, #tpu.memory_space<vmem>>, vector<1x128x128xf32>
    %get3A_987 = vector.shape_cast %get3A_986 : vector<1x128x128xf32> to vector<128x128xf32>
    %get3A_988 = arith.constant 0 : index
    %get3A_989 = arith.index_cast %arg0 : i32 to index
    %get3A_990 = arith.constant 58 : index
    %get3A_991 = memref.load %arg1[%get3A_988, %get3A_989, %get3A_990] : memref<1x2x128xf32, #tpu.memory_space<smem>>
    %mul3A_992 = vector.broadcast %get3A_991 : f32 to vector<128x128xf32>
    %mul3A_993 = arith.mulf %get3A_987, %mul3A_992 : vector<128x128xf32>
    %swap3A_994 = arith.constant 58 : index
    %swap3A_995 = arith.constant 0 : index
    %swap3A_996 = arith.constant 0 : index
    %swap3A_997 = vector.load %arg3[%swap3A_994, %swap3A_995, %swap3A_996] : memref<128x128x128xf32, #tpu.memory_space<vmem>>, vector<1x128x128xf32>
    %swap3A_998 = vector.shape_cast %swap3A_997 : vector<1x128x128xf32> to vector<128x128xf32>
    %swap3A_999 = vector.shape_cast %mul3A_993 : vector<128x128xf32> to vector<1x128x128xf32>
    tpu.vector_store %arg3[%swap3A_994, %swap3A_995, %swap3A_996], %swap3A_999 {strides = array<i32>} : memref<128x128x128xf32, #tpu.memory_space<vmem>>, vector<1x128x128xf32>,
    %get3A_1000 = arith.constant 59 : index
    %get3A_1001 = arith.constant 0 : index
    %get3A_1002 = arith.constant 0 : index
    %get3A_1003 = vector.load %arg2[%get3A_1000, %get3A_1001, %get3A_1002] : memref<128x128x128xf32, #tpu.memory_space<vmem>>, vector<1x128x128xf32>
    %get3A_1004 = vector.shape_cast %get3A_1003 : vector<1x128x128xf32> to vector<128x128xf32>
    %get3A_1005 = arith.constant 0 : index
    %get3A_1006 = arith.index_cast %arg0 : i32 to index
    %get3A_1007 = arith.constant 59 : index
    %get3A_1008 = memref.load %arg1[%get3A_1005, %get3A_1006, %get3A_1007] : memref<1x2x128xf32, #tpu.memory_space<smem>>
    %mul3A_1009 = vector.broadcast %get3A_1008 : f32 to vector<128x128xf32>
    %mul3A_1010 = arith.mulf %get3A_1004, %mul3A_1009 : vector<128x128xf32>
    %swap3A_1011 = arith.constant 59 : index
    %swap3A_1012 = arith.constant 0 : index
    %swap3A_1013 = arith.constant 0 : index
    %swap3A_1014 = vector.load %arg3[%swap3A_1011, %swap3A_1012, %swap3A_1013] : memref<128x128x128xf32, #tpu.memory_space<vmem>>, vector<1x128x128xf32>
    %swap3A_1015 = vector.shape_cast %swap3A_1014 : vector<1x128x128xf32> to vector<128x128xf32>
    %swap3A_1016 = vector.shape_cast %mul3A_1010 : vector<128x128xf32> to vector<1x128x128xf32>
    tpu.vector_store %arg3[%swap3A_1011, %swap3A_1012, %swap3A_1013], %swap3A_1016 {strides = array<i32>} : memref<128x128x128xf32, #tpu.memory_space<vmem>>, vector<1x128x128xf32>,
    %get3A_1017 = arith.constant 60 : index
    %get3A_1018 = arith.constant 0 : index
    %get3A_1019 = arith.constant 0 : index
    %get3A_1020 = vector.load %arg2[%get3A_1017, %get3A_1018, %get3A_1019] : memref<128x128x128xf32, #tpu.memory_space<vmem>>, vector<1x128x128xf32>
    %get3A_1021 = vector.shape_cast %get3A_1020 : vector<1x128x128xf32> to vector<128x128xf32>
    %get3A_1022 = arith.constant 0 : index
    %get3A_1023 = arith.index_cast %arg0 : i32 to index
    %get3A_1024 = arith.constant 60 : index
    %get3A_1025 = memref.load %arg1[%get3A_1022, %get3A_1023, %get3A_1024] : memref<1x2x128xf32, #tpu.memory_space<smem>>
    %mul3A_1026 = vector.broadcast %get3A_1025 : f32 to vector<128x128xf32>
    %mul3A_1027 = arith.mulf %get3A_1021, %mul3A_1026 : vector<128x128xf32>
    %swap3A_1028 = arith.constant 60 : index
    %swap3A_1029 = arith.constant 0 : index
    %swap3A_1030 = arith.constant 0 : index
    %swap3A_1031 = vector.load %arg3[%swap3A_1028, %swap3A_1029, %swap3A_1030] : memref<128x128x128xf32, #tpu.memory_space<vmem>>, vector<1x128x128xf32>
    %swap3A_1032 = vector.shape_cast %swap3A_1031 : vector<1x128x128xf32> to vector<128x128xf32>
    %swap3A_1033 = vector.shape_cast %mul3A_1027 : vector<128x128xf32> to vector<1x128x128xf32>
    tpu.vector_store %arg3[%swap3A_1028, %swap3A_1029, %swap3A_1030], %swap3A_1033 {strides = array<i32>} : memref<128x128x128xf32, #tpu.memory_space<vmem>>, vector<1x128x128xf32>,
    %get3A_1034 = arith.constant 61 : index
    %get3A_1035 = arith.constant 0 : index
    %get3A_1036 = arith.constant 0 : index
    %get3A_1037 = vector.load %arg2[%get3A_1034, %get3A_1035, %get3A_1036] : memref<128x128x128xf32, #tpu.memory_space<vmem>>, vector<1x128x128xf32>
    %get3A_1038 = vector.shape_cast %get3A_1037 : vector<1x128x128xf32> to vector<128x128xf32>
    %get3A_1039 = arith.constant 0 : index
    %get3A_1040 = arith.index_cast %arg0 : i32 to index
    %get3A_1041 = arith.constant 61 : index
    %get3A_1042 = memref.load %arg1[%get3A_1039, %get3A_1040, %get3A_1041] : memref<1x2x128xf32, #tpu.memory_space<smem>>
    %mul3A_1043 = vector.broadcast %get3A_1042 : f32 to vector<128x128xf32>
    %mul3A_1044 = arith.mulf %get3A_1038, %mul3A_1043 : vector<128x128xf32>
    %swap3A_1045 = arith.constant 61 : index
    %swap3A_1046 = arith.constant 0 : index
    %swap3A_1047 = arith.constant 0 : index
    %swap3A_1048 = vector.load %arg3[%swap3A_1045, %swap3A_1046, %swap3A_1047] : memref<128x128x128xf32, #tpu.memory_space<vmem>>, vector<1x128x128xf32>
    %swap3A_1049 = vector.shape_cast %swap3A_1048 : vector<1x128x128xf32> to vector<128x128xf32>
    %swap3A_1050 = vector.shape_cast %mul3A_1044 : vector<128x128xf32> to vector<1x128x128xf32>
    tpu.vector_store %arg3[%swap3A_1045, %swap3A_1046, %swap3A_1047], %swap3A_1050 {strides = array<i32>} : memref<128x128x128xf32, #tpu.memory_space<vmem>>, vector<1x128x128xf32>,
    %get3A_1051 = arith.constant 62 : index
    %get3A_1052 = arith.constant 0 : index
    %get3A_1053 = arith.constant 0 : index
    %get3A_1054 = vector.load %arg2[%get3A_1051, %get3A_1052, %get3A_1053] : memref<128x128x128xf32, #tpu.memory_space<vmem>>, vector<1x128x128xf32>
    %get3A_1055 = vector.shape_cast %get3A_1054 : vector<1x128x128xf32> to vector<128x128xf32>
    %get3A_1056 = arith.constant 0 : index
    %get3A_1057 = arith.index_cast %arg0 : i32 to index
    %get3A_1058 = arith.constant 62 : index
    %get3A_1059 = memref.load %arg1[%get3A_1056, %get3A_1057, %get3A_1058] : memref<1x2x128xf32, #tpu.memory_space<smem>>
    %mul3A_1060 = vector.broadcast %get3A_1059 : f32 to vector<128x128xf32>
    %mul3A_1061 = arith.mulf %get3A_1055, %mul3A_1060 : vector<128x128xf32>
    %swap3A_1062 = arith.constant 62 : index
    %swap3A_1063 = arith.constant 0 : index
    %swap3A_1064 = arith.constant 0 : index
    %swap3A_1065 = vector.load %arg3[%swap3A_1062, %swap3A_1063, %swap3A_1064] : memref<128x128x128xf32, #tpu.memory_space<vmem>>, vector<1x128x128xf32>
    %swap3A_1066 = vector.shape_cast %swap3A_1065 : vector<1x128x128xf32> to vector<128x128xf32>
    %swap3A_1067 = vector.shape_cast %mul3A_1061 : vector<128x128xf32> to vector<1x128x128xf32>
    tpu.vector_store %arg3[%swap3A_1062, %swap3A_1063, %swap3A_1064], %swap3A_1067 {strides = array<i32>} : memref<128x128x128xf32, #tpu.memory_space<vmem>>, vector<1x128x128xf32>,
    %get3A_1068 = arith.constant 63 : index
    %get3A_1069 = arith.constant 0 : index
    %get3A_1070 = arith.constant 0 : index
    %get3A_1071 = vector.load %arg2[%get3A_1068, %get3A_1069, %get3A_1070] : memref<128x128x128xf32, #tpu.memory_space<vmem>>, vector<1x128x128xf32>
    %get3A_1072 = vector.shape_cast %get3A_1071 : vector<1x128x128xf32> to vector<128x128xf32>
    %get3A_1073 = arith.constant 0 : index
    %get3A_1074 = arith.index_cast %arg0 : i32 to index
    %get3A_1075 = arith.constant 63 : index
    %get3A_1076 = memref.load %arg1[%get3A_1073, %get3A_1074, %get3A_1075] : memref<1x2x128xf32, #tpu.memory_space<smem>>
    %mul3A_1077 = vector.broadcast %get3A_1076 : f32 to vector<128x128xf32>
    %mul3A_1078 = arith.mulf %get3A_1072, %mul3A_1077 : vector<128x128xf32>
    %swap3A_1079 = arith.constant 63 : index
    %swap3A_1080 = arith.constant 0 : index
    %swap3A_1081 = arith.constant 0 : index
    %swap3A_1082 = vector.load %arg3[%swap3A_1079, %swap3A_1080, %swap3A_1081] : memref<128x128x128xf32, #tpu.memory_space<vmem>>, vector<1x128x128xf32>
    %swap3A_1083 = vector.shape_cast %swap3A_1082 : vector<1x128x128xf32> to vector<128x128xf32>
    %swap3A_1084 = vector.shape_cast %mul3A_1078 : vector<128x128xf32> to vector<1x128x128xf32>
    tpu.vector_store %arg3[%swap3A_1079, %swap3A_1080, %swap3A_1081], %swap3A_1084 {strides = array<i32>} : memref<128x128x128xf32, #tpu.memory_space<vmem>>, vector<1x128x128xf32>,
    %get3A_1085 = arith.constant 64 : index
    %get3A_1086 = arith.constant 0 : index
    %get3A_1087 = arith.constant 0 : index
    %get3A_1088 = vector.load %arg2[%get3A_1085, %get3A_1086, %get3A_1087] : memref<128x128x128xf32, #tpu.memory_space<vmem>>, vector<1x128x128xf32>
    %get3A_1089 = vector.shape_cast %get3A_1088 : vector<1x128x128xf32> to vector<128x128xf32>
    %get3A_1090 = arith.constant 0 : index
    %get3A_1091 = arith.index_cast %arg0 : i32 to index
    %get3A_1092 = arith.constant 64 : index
    %get3A_1093 = memref.load %arg1[%get3A_1090, %get3A_1091, %get3A_1092] : memref<1x2x128xf32, #tpu.memory_space<smem>>
    %mul3A_1094 = vector.broadcast %get3A_1093 : f32 to vector<128x128xf32>
    %mul3A_1095 = arith.mulf %get3A_1089, %mul3A_1094 : vector<128x128xf32>
    %swap3A_1096 = arith.constant 64 : index
    %swap3A_1097 = arith.constant 0 : index
    %swap3A_1098 = arith.constant 0 : index
    %swap3A_1099 = vector.load %arg3[%swap3A_1096, %swap3A_1097, %swap3A_1098] : memref<128x128x128xf32, #tpu.memory_space<vmem>>, vector<1x128x128xf32>
    %swap3A_1100 = vector.shape_cast %swap3A_1099 : vector<1x128x128xf32> to vector<128x128xf32>
    %swap3A_1101 = vector.shape_cast %mul3A_1095 : vector<128x128xf32> to vector<1x128x128xf32>
    tpu.vector_store %arg3[%swap3A_1096, %swap3A_1097, %swap3A_1098], %swap3A_1101 {strides = array<i32>} : memref<128x128x128xf32, #tpu.memory_space<vmem>>, vector<1x128x128xf32>,
    %get3A_1102 = arith.constant 65 : index
    %get3A_1103 = arith.constant 0 : index
    %get3A_1104 = arith.constant 0 : index
    %get3A_1105 = vector.load %arg2[%get3A_1102, %get3A_1103, %get3A_1104] : memref<128x128x128xf32, #tpu.memory_space<vmem>>, vector<1x128x128xf32>
    %get3A_1106 = vector.shape_cast %get3A_1105 : vector<1x128x128xf32> to vector<128x128xf32>
    %get3A_1107 = arith.constant 0 : index
    %get3A_1108 = arith.index_cast %arg0 : i32 to index
    %get3A_1109 = arith.constant 65 : index
    %get3A_1110 = memref.load %arg1[%get3A_1107, %get3A_1108, %get3A_1109] : memref<1x2x128xf32, #tpu.memory_space<smem>>
    %mul3A_1111 = vector.broadcast %get3A_1110 : f32 to vector<128x128xf32>
    %mul3A_1112 = arith.mulf %get3A_1106, %mul3A_1111 : vector<128x128xf32>
    %swap3A_1113 = arith.constant 65 : index
    %swap3A_1114 = arith.constant 0 : index
    %swap3A_1115 = arith.constant 0 : index
    %swap3A_1116 = vector.load %arg3[%swap3A_1113, %swap3A_1114, %swap3A_1115] : memref<128x128x128xf32, #tpu.memory_space<vmem>>, vector<1x128x128xf32>
    %swap3A_1117 = vector.shape_cast %swap3A_1116 : vector<1x128x128xf32> to vector<128x128xf32>
    %swap3A_1118 = vector.shape_cast %mul3A_1112 : vector<128x128xf32> to vector<1x128x128xf32>
    tpu.vector_store %arg3[%swap3A_1113, %swap3A_1114, %swap3A_1115], %swap3A_1118 {strides = array<i32>} : memref<128x128x128xf32, #tpu.memory_space<vmem>>, vector<1x128x128xf32>,
    %get3A_1119 = arith.constant 66 : index
    %get3A_1120 = arith.constant 0 : index
    %get3A_1121 = arith.constant 0 : index
    %get3A_1122 = vector.load %arg2[%get3A_1119, %get3A_1120, %get3A_1121] : memref<128x128x128xf32, #tpu.memory_space<vmem>>, vector<1x128x128xf32>
    %get3A_1123 = vector.shape_cast %get3A_1122 : vector<1x128x128xf32> to vector<128x128xf32>
    %get3A_1124 = arith.constant 0 : index
    %get3A_1125 = arith.index_cast %arg0 : i32 to index
    %get3A_1126 = arith.constant 66 : index
    %get3A_1127 = memref.load %arg1[%get3A_1124, %get3A_1125, %get3A_1126] : memref<1x2x128xf32, #tpu.memory_space<smem>>
    %mul3A_1128 = vector.broadcast %get3A_1127 : f32 to vector<128x128xf32>
    %mul3A_1129 = arith.mulf %get3A_1123, %mul3A_1128 : vector<128x128xf32>
    %swap3A_1130 = arith.constant 66 : index
    %swap3A_1131 = arith.constant 0 : index
    %swap3A_1132 = arith.constant 0 : index
    %swap3A_1133 = vector.load %arg3[%swap3A_1130, %swap3A_1131, %swap3A_1132] : memref<128x128x128xf32, #tpu.memory_space<vmem>>, vector<1x128x128xf32>
    %swap3A_1134 = vector.shape_cast %swap3A_1133 : vector<1x128x128xf32> to vector<128x128xf32>
    %swap3A_1135 = vector.shape_cast %mul3A_1129 : vector<128x128xf32> to vector<1x128x128xf32>
    tpu.vector_store %arg3[%swap3A_1130, %swap3A_1131, %swap3A_1132], %swap3A_1135 {strides = array<i32>} : memref<128x128x128xf32, #tpu.memory_space<vmem>>, vector<1x128x128xf32>,
    %get3A_1136 = arith.constant 67 : index
    %get3A_1137 = arith.constant 0 : index
    %get3A_1138 = arith.constant 0 : index
    %get3A_1139 = vector.load %arg2[%get3A_1136, %get3A_1137, %get3A_1138] : memref<128x128x128xf32, #tpu.memory_space<vmem>>, vector<1x128x128xf32>
    %get3A_1140 = vector.shape_cast %get3A_1139 : vector<1x128x128xf32> to vector<128x128xf32>
    %get3A_1141 = arith.constant 0 : index
    %get3A_1142 = arith.index_cast %arg0 : i32 to index
    %get3A_1143 = arith.constant 67 : index
    %get3A_1144 = memref.load %arg1[%get3A_1141, %get3A_1142, %get3A_1143] : memref<1x2x128xf32, #tpu.memory_space<smem>>
    %mul3A_1145 = vector.broadcast %get3A_1144 : f32 to vector<128x128xf32>
    %mul3A_1146 = arith.mulf %get3A_1140, %mul3A_1145 : vector<128x128xf32>
    %swap3A_1147 = arith.constant 67 : index
    %swap3A_1148 = arith.constant 0 : index
    %swap3A_1149 = arith.constant 0 : index
    %swap3A_1150 = vector.load %arg3[%swap3A_1147, %swap3A_1148, %swap3A_1149] : memref<128x128x128xf32, #tpu.memory_space<vmem>>, vector<1x128x128xf32>
    %swap3A_1151 = vector.shape_cast %swap3A_1150 : vector<1x128x128xf32> to vector<128x128xf32>
    %swap3A_1152 = vector.shape_cast %mul3A_1146 : vector<128x128xf32> to vector<1x128x128xf32>
    tpu.vector_store %arg3[%swap3A_1147, %swap3A_1148, %swap3A_1149], %swap3A_1152 {strides = array<i32>} : memref<128x128x128xf32, #tpu.memory_space<vmem>>, vector<1x128x128xf32>,
    %get3A_1153 = arith.constant 68 : index
    %get3A_1154 = arith.constant 0 : index
    %get3A_1155 = arith.constant 0 : index
    %get3A_1156 = vector.load %arg2[%get3A_1153, %get3A_1154, %get3A_1155] : memref<128x128x128xf32, #tpu.memory_space<vmem>>, vector<1x128x128xf32>
    %get3A_1157 = vector.shape_cast %get3A_1156 : vector<1x128x128xf32> to vector<128x128xf32>
    %get3A_1158 = arith.constant 0 : index
    %get3A_1159 = arith.index_cast %arg0 : i32 to index
    %get3A_1160 = arith.constant 68 : index
    %get3A_1161 = memref.load %arg1[%get3A_1158, %get3A_1159, %get3A_1160] : memref<1x2x128xf32, #tpu.memory_space<smem>>
    %mul3A_1162 = vector.broadcast %get3A_1161 : f32 to vector<128x128xf32>
    %mul3A_1163 = arith.mulf %get3A_1157, %mul3A_1162 : vector<128x128xf32>
    %swap3A_1164 = arith.constant 68 : index
    %swap3A_1165 = arith.constant 0 : index
    %swap3A_1166 = arith.constant 0 : index
    %swap3A_1167 = vector.load %arg3[%swap3A_1164, %swap3A_1165, %swap3A_1166] : memref<128x128x128xf32, #tpu.memory_space<vmem>>, vector<1x128x128xf32>
    %swap3A_1168 = vector.shape_cast %swap3A_1167 : vector<1x128x128xf32> to vector<128x128xf32>
    %swap3A_1169 = vector.shape_cast %mul3A_1163 : vector<128x128xf32> to vector<1x128x128xf32>
    tpu.vector_store %arg3[%swap3A_1164, %swap3A_1165, %swap3A_1166], %swap3A_1169 {strides = array<i32>} : memref<128x128x128xf32, #tpu.memory_space<vmem>>, vector<1x128x128xf32>,
    %get3A_1170 = arith.constant 69 : index
    %get3A_1171 = arith.constant 0 : index
    %get3A_1172 = arith.constant 0 : index
    %get3A_1173 = vector.load %arg2[%get3A_1170, %get3A_1171, %get3A_1172] : memref<128x128x128xf32, #tpu.memory_space<vmem>>, vector<1x128x128xf32>
    %get3A_1174 = vector.shape_cast %get3A_1173 : vector<1x128x128xf32> to vector<128x128xf32>
    %get3A_1175 = arith.constant 0 : index
    %get3A_1176 = arith.index_cast %arg0 : i32 to index
    %get3A_1177 = arith.constant 69 : index
    %get3A_1178 = memref.load %arg1[%get3A_1175, %get3A_1176, %get3A_1177] : memref<1x2x128xf32, #tpu.memory_space<smem>>
    %mul3A_1179 = vector.broadcast %get3A_1178 : f32 to vector<128x128xf32>
    %mul3A_1180 = arith.mulf %get3A_1174, %mul3A_1179 : vector<128x128xf32>
    %swap3A_1181 = arith.constant 69 : index
    %swap3A_1182 = arith.constant 0 : index
    %swap3A_1183 = arith.constant 0 : index
    %swap3A_1184 = vector.load %arg3[%swap3A_1181, %swap3A_1182, %swap3A_1183] : memref<128x128x128xf32, #tpu.memory_space<vmem>>, vector<1x128x128xf32>
    %swap3A_1185 = vector.shape_cast %swap3A_1184 : vector<1x128x128xf32> to vector<128x128xf32>
    %swap3A_1186 = vector.shape_cast %mul3A_1180 : vector<128x128xf32> to vector<1x128x128xf32>
    tpu.vector_store %arg3[%swap3A_1181, %swap3A_1182, %swap3A_1183], %swap3A_1186 {strides = array<i32>} : memref<128x128x128xf32, #tpu.memory_space<vmem>>, vector<1x128x128xf32>,
    %get3A_1187 = arith.constant 70 : index
    %get3A_1188 = arith.constant 0 : index
    %get3A_1189 = arith.constant 0 : index
    %get3A_1190 = vector.load %arg2[%get3A_1187, %get3A_1188, %get3A_1189] : memref<128x128x128xf32, #tpu.memory_space<vmem>>, vector<1x128x128xf32>
    %get3A_1191 = vector.shape_cast %get3A_1190 : vector<1x128x128xf32> to vector<128x128xf32>
    %get3A_1192 = arith.constant 0 : index
    %get3A_1193 = arith.index_cast %arg0 : i32 to index
    %get3A_1194 = arith.constant 70 : index
    %get3A_1195 = memref.load %arg1[%get3A_1192, %get3A_1193, %get3A_1194] : memref<1x2x128xf32, #tpu.memory_space<smem>>
    %mul3A_1196 = vector.broadcast %get3A_1195 : f32 to vector<128x128xf32>
    %mul3A_1197 = arith.mulf %get3A_1191, %mul3A_1196 : vector<128x128xf32>
    %swap3A_1198 = arith.constant 70 : index
    %swap3A_1199 = arith.constant 0 : index
    %swap3A_1200 = arith.constant 0 : index
    %swap3A_1201 = vector.load %arg3[%swap3A_1198, %swap3A_1199, %swap3A_1200] : memref<128x128x128xf32, #tpu.memory_space<vmem>>, vector<1x128x128xf32>
    %swap3A_1202 = vector.shape_cast %swap3A_1201 : vector<1x128x128xf32> to vector<128x128xf32>
    %swap3A_1203 = vector.shape_cast %mul3A_1197 : vector<128x128xf32> to vector<1x128x128xf32>
    tpu.vector_store %arg3[%swap3A_1198, %swap3A_1199, %swap3A_1200], %swap3A_1203 {strides = array<i32>} : memref<128x128x128xf32, #tpu.memory_space<vmem>>, vector<1x128x128xf32>,
    %get3A_1204 = arith.constant 71 : index
    %get3A_1205 = arith.constant 0 : index
    %get3A_1206 = arith.constant 0 : index
    %get3A_1207 = vector.load %arg2[%get3A_1204, %get3A_1205, %get3A_1206] : memref<128x128x128xf32, #tpu.memory_space<vmem>>, vector<1x128x128xf32>
    %get3A_1208 = vector.shape_cast %get3A_1207 : vector<1x128x128xf32> to vector<128x128xf32>
    %get3A_1209 = arith.constant 0 : index
    %get3A_1210 = arith.index_cast %arg0 : i32 to index
    %get3A_1211 = arith.constant 71 : index
    %get3A_1212 = memref.load %arg1[%get3A_1209, %get3A_1210, %get3A_1211] : memref<1x2x128xf32, #tpu.memory_space<smem>>
    %mul3A_1213 = vector.broadcast %get3A_1212 : f32 to vector<128x128xf32>
    %mul3A_1214 = arith.mulf %get3A_1208, %mul3A_1213 : vector<128x128xf32>
    %swap3A_1215 = arith.constant 71 : index
    %swap3A_1216 = arith.constant 0 : index
    %swap3A_1217 = arith.constant 0 : index
    %swap3A_1218 = vector.load %arg3[%swap3A_1215, %swap3A_1216, %swap3A_1217] : memref<128x128x128xf32, #tpu.memory_space<vmem>>, vector<1x128x128xf32>
    %swap3A_1219 = vector.shape_cast %swap3A_1218 : vector<1x128x128xf32> to vector<128x128xf32>
    %swap3A_1220 = vector.shape_cast %mul3A_1214 : vector<128x128xf32> to vector<1x128x128xf32>
    tpu.vector_store %arg3[%swap3A_1215, %swap3A_1216, %swap3A_1217], %swap3A_1220 {strides = array<i32>} : memref<128x128x128xf32, #tpu.memory_space<vmem>>, vector<1x128x128xf32>,
    %get3A_1221 = arith.constant 72 : index
    %get3A_1222 = arith.constant 0 : index
    %get3A_1223 = arith.constant 0 : index
    %get3A_1224 = vector.load %arg2[%get3A_1221, %get3A_1222, %get3A_1223] : memref<128x128x128xf32, #tpu.memory_space<vmem>>, vector<1x128x128xf32>
    %get3A_1225 = vector.shape_cast %get3A_1224 : vector<1x128x128xf32> to vector<128x128xf32>
    %get3A_1226 = arith.constant 0 : index
    %get3A_1227 = arith.index_cast %arg0 : i32 to index
    %get3A_1228 = arith.constant 72 : index
    %get3A_1229 = memref.load %arg1[%get3A_1226, %get3A_1227, %get3A_1228] : memref<1x2x128xf32, #tpu.memory_space<smem>>
    %mul3A_1230 = vector.broadcast %get3A_1229 : f32 to vector<128x128xf32>
    %mul3A_1231 = arith.mulf %get3A_1225, %mul3A_1230 : vector<128x128xf32>
    %swap3A_1232 = arith.constant 72 : index
    %swap3A_1233 = arith.constant 0 : index
    %swap3A_1234 = arith.constant 0 : index
    %swap3A_1235 = vector.load %arg3[%swap3A_1232, %swap3A_1233, %swap3A_1234] : memref<128x128x128xf32, #tpu.memory_space<vmem>>, vector<1x128x128xf32>
    %swap3A_1236 = vector.shape_cast %swap3A_1235 : vector<1x128x128xf32> to vector<128x128xf32>
    %swap3A_1237 = vector.shape_cast %mul3A_1231 : vector<128x128xf32> to vector<1x128x128xf32>
    tpu.vector_store %arg3[%swap3A_1232, %swap3A_1233, %swap3A_1234], %swap3A_1237 {strides = array<i32>} : memref<128x128x128xf32, #tpu.memory_space<vmem>>, vector<1x128x128xf32>,
    %get3A_1238 = arith.constant 73 : index
    %get3A_1239 = arith.constant 0 : index
    %get3A_1240 = arith.constant 0 : index
    %get3A_1241 = vector.load %arg2[%get3A_1238, %get3A_1239, %get3A_1240] : memref<128x128x128xf32, #tpu.memory_space<vmem>>, vector<1x128x128xf32>
    %get3A_1242 = vector.shape_cast %get3A_1241 : vector<1x128x128xf32> to vector<128x128xf32>
    %get3A_1243 = arith.constant 0 : index
    %get3A_1244 = arith.index_cast %arg0 : i32 to index
    %get3A_1245 = arith.constant 73 : index
    %get3A_1246 = memref.load %arg1[%get3A_1243, %get3A_1244, %get3A_1245] : memref<1x2x128xf32, #tpu.memory_space<smem>>
    %mul3A_1247 = vector.broadcast %get3A_1246 : f32 to vector<128x128xf32>
    %mul3A_1248 = arith.mulf %get3A_1242, %mul3A_1247 : vector<128x128xf32>
    %swap3A_1249 = arith.constant 73 : index
    %swap3A_1250 = arith.constant 0 : index
    %swap3A_1251 = arith.constant 0 : index
    %swap3A_1252 = vector.load %arg3[%swap3A_1249, %swap3A_1250, %swap3A_1251] : memref<128x128x128xf32, #tpu.memory_space<vmem>>, vector<1x128x128xf32>
    %swap3A_1253 = vector.shape_cast %swap3A_1252 : vector<1x128x128xf32> to vector<128x128xf32>
    %swap3A_1254 = vector.shape_cast %mul3A_1248 : vector<128x128xf32> to vector<1x128x128xf32>
    tpu.vector_store %arg3[%swap3A_1249, %swap3A_1250, %swap3A_1251], %swap3A_1254 {strides = array<i32>} : memref<128x128x128xf32, #tpu.memory_space<vmem>>, vector<1x128x128xf32>,
    %get3A_1255 = arith.constant 74 : index
    %get3A_1256 = arith.constant 0 : index
    %get3A_1257 = arith.constant 0 : index
    %get3A_1258 = vector.load %arg2[%get3A_1255, %get3A_1256, %get3A_1257] : memref<128x128x128xf32, #tpu.memory_space<vmem>>, vector<1x128x128xf32>
    %get3A_1259 = vector.shape_cast %get3A_1258 : vector<1x128x128xf32> to vector<128x128xf32>
    %get3A_1260 = arith.constant 0 : index
    %get3A_1261 = arith.index_cast %arg0 : i32 to index
    %get3A_1262 = arith.constant 74 : index
    %get3A_1263 = memref.load %arg1[%get3A_1260, %get3A_1261, %get3A_1262] : memref<1x2x128xf32, #tpu.memory_space<smem>>
    %mul3A_1264 = vector.broadcast %get3A_1263 : f32 to vector<128x128xf32>
    %mul3A_1265 = arith.mulf %get3A_1259, %mul3A_1264 : vector<128x128xf32>
    %swap3A_1266 = arith.constant 74 : index
    %swap3A_1267 = arith.constant 0 : index
    %swap3A_1268 = arith.constant 0 : index
    %swap3A_1269 = vector.load %arg3[%swap3A_1266, %swap3A_1267, %swap3A_1268] : memref<128x128x128xf32, #tpu.memory_space<vmem>>, vector<1x128x128xf32>
    %swap3A_1270 = vector.shape_cast %swap3A_1269 : vector<1x128x128xf32> to vector<128x128xf32>
    %swap3A_1271 = vector.shape_cast %mul3A_1265 : vector<128x128xf32> to vector<1x128x128xf32>
    tpu.vector_store %arg3[%swap3A_1266, %swap3A_1267, %swap3A_1268], %swap3A_1271 {strides = array<i32>} : memref<128x128x128xf32, #tpu.memory_space<vmem>>, vector<1x128x128xf32>,
    %get3A_1272 = arith.constant 75 : index
    %get3A_1273 = arith.constant 0 : index
    %get3A_1274 = arith.constant 0 : index
    %get3A_1275 = vector.load %arg2[%get3A_1272, %get3A_1273, %get3A_1274] : memref<128x128x128xf32, #tpu.memory_space<vmem>>, vector<1x128x128xf32>
    %get3A_1276 = vector.shape_cast %get3A_1275 : vector<1x128x128xf32> to vector<128x128xf32>
    %get3A_1277 = arith.constant 0 : index
    %get3A_1278 = arith.index_cast %arg0 : i32 to index
    %get3A_1279 = arith.constant 75 : index
    %get3A_1280 = memref.load %arg1[%get3A_1277, %get3A_1278, %get3A_1279] : memref<1x2x128xf32, #tpu.memory_space<smem>>
    %mul3A_1281 = vector.broadcast %get3A_1280 : f32 to vector<128x128xf32>
    %mul3A_1282 = arith.mulf %get3A_1276, %mul3A_1281 : vector<128x128xf32>
    %swap3A_1283 = arith.constant 75 : index
    %swap3A_1284 = arith.constant 0 : index
    %swap3A_1285 = arith.constant 0 : index
    %swap3A_1286 = vector.load %arg3[%swap3A_1283, %swap3A_1284, %swap3A_1285] : memref<128x128x128xf32, #tpu.memory_space<vmem>>, vector<1x128x128xf32>
    %swap3A_1287 = vector.shape_cast %swap3A_1286 : vector<1x128x128xf32> to vector<128x128xf32>
    %swap3A_1288 = vector.shape_cast %mul3A_1282 : vector<128x128xf32> to vector<1x128x128xf32>
    tpu.vector_store %arg3[%swap3A_1283, %swap3A_1284, %swap3A_1285], %swap3A_1288 {strides = array<i32>} : memref<128x128x128xf32, #tpu.memory_space<vmem>>, vector<1x128x128xf32>,
    %get3A_1289 = arith.constant 76 : index
    %get3A_1290 = arith.constant 0 : index
    %get3A_1291 = arith.constant 0 : index
    %get3A_1292 = vector.load %arg2[%get3A_1289, %get3A_1290, %get3A_1291] : memref<128x128x128xf32, #tpu.memory_space<vmem>>, vector<1x128x128xf32>
    %get3A_1293 = vector.shape_cast %get3A_1292 : vector<1x128x128xf32> to vector<128x128xf32>
    %get3A_1294 = arith.constant 0 : index
    %get3A_1295 = arith.index_cast %arg0 : i32 to index
    %get3A_1296 = arith.constant 76 : index
    %get3A_1297 = memref.load %arg1[%get3A_1294, %get3A_1295, %get3A_1296] : memref<1x2x128xf32, #tpu.memory_space<smem>>
    %mul3A_1298 = vector.broadcast %get3A_1297 : f32 to vector<128x128xf32>
    %mul3A_1299 = arith.mulf %get3A_1293, %mul3A_1298 : vector<128x128xf32>
    %swap3A_1300 = arith.constant 76 : index
    %swap3A_1301 = arith.constant 0 : index
    %swap3A_1302 = arith.constant 0 : index
    %swap3A_1303 = vector.load %arg3[%swap3A_1300, %swap3A_1301, %swap3A_1302] : memref<128x128x128xf32, #tpu.memory_space<vmem>>, vector<1x128x128xf32>
    %swap3A_1304 = vector.shape_cast %swap3A_1303 : vector<1x128x128xf32> to vector<128x128xf32>
    %swap3A_1305 = vector.shape_cast %mul3A_1299 : vector<128x128xf32> to vector<1x128x128xf32>
    tpu.vector_store %arg3[%swap3A_1300, %swap3A_1301, %swap3A_1302], %swap3A_1305 {strides = array<i32>} : memref<128x128x128xf32, #tpu.memory_space<vmem>>, vector<1x128x128xf32>,
    %get3A_1306 = arith.constant 77 : index
    %get3A_1307 = arith.constant 0 : index
    %get3A_1308 = arith.constant 0 : index
    %get3A_1309 = vector.load %arg2[%get3A_1306, %get3A_1307, %get3A_1308] : memref<128x128x128xf32, #tpu.memory_space<vmem>>, vector<1x128x128xf32>
    %get3A_1310 = vector.shape_cast %get3A_1309 : vector<1x128x128xf32> to vector<128x128xf32>
    %get3A_1311 = arith.constant 0 : index
    %get3A_1312 = arith.index_cast %arg0 : i32 to index
    %get3A_1313 = arith.constant 77 : index
    %get3A_1314 = memref.load %arg1[%get3A_1311, %get3A_1312, %get3A_1313] : memref<1x2x128xf32, #tpu.memory_space<smem>>
    %mul3A_1315 = vector.broadcast %get3A_1314 : f32 to vector<128x128xf32>
    %mul3A_1316 = arith.mulf %get3A_1310, %mul3A_1315 : vector<128x128xf32>
    %swap3A_1317 = arith.constant 77 : index
    %swap3A_1318 = arith.constant 0 : index
    %swap3A_1319 = arith.constant 0 : index
    %swap3A_1320 = vector.load %arg3[%swap3A_1317, %swap3A_1318, %swap3A_1319] : memref<128x128x128xf32, #tpu.memory_space<vmem>>, vector<1x128x128xf32>
    %swap3A_1321 = vector.shape_cast %swap3A_1320 : vector<1x128x128xf32> to vector<128x128xf32>
    %swap3A_1322 = vector.shape_cast %mul3A_1316 : vector<128x128xf32> to vector<1x128x128xf32>
    tpu.vector_store %arg3[%swap3A_1317, %swap3A_1318, %swap3A_1319], %swap3A_1322 {strides = array<i32>} : memref<128x128x128xf32, #tpu.memory_space<vmem>>, vector<1x128x128xf32>,
    %get3A_1323 = arith.constant 78 : index
    %get3A_1324 = arith.constant 0 : index
    %get3A_1325 = arith.constant 0 : index
    %get3A_1326 = vector.load %arg2[%get3A_1323, %get3A_1324, %get3A_1325] : memref<128x128x128xf32, #tpu.memory_space<vmem>>, vector<1x128x128xf32>
    %get3A_1327 = vector.shape_cast %get3A_1326 : vector<1x128x128xf32> to vector<128x128xf32>
    %get3A_1328 = arith.constant 0 : index
    %get3A_1329 = arith.index_cast %arg0 : i32 to index
    %get3A_1330 = arith.constant 78 : index
    %get3A_1331 = memref.load %arg1[%get3A_1328, %get3A_1329, %get3A_1330] : memref<1x2x128xf32, #tpu.memory_space<smem>>
    %mul3A_1332 = vector.broadcast %get3A_1331 : f32 to vector<128x128xf32>
    %mul3A_1333 = arith.mulf %get3A_1327, %mul3A_1332 : vector<128x128xf32>
    %swap3A_1334 = arith.constant 78 : index
    %swap3A_1335 = arith.constant 0 : index
    %swap3A_1336 = arith.constant 0 : index
    %swap3A_1337 = vector.load %arg3[%swap3A_1334, %swap3A_1335, %swap3A_1336] : memref<128x128x128xf32, #tpu.memory_space<vmem>>, vector<1x128x128xf32>
    %swap3A_1338 = vector.shape_cast %swap3A_1337 : vector<1x128x128xf32> to vector<128x128xf32>
    %swap3A_1339 = vector.shape_cast %mul3A_1333 : vector<128x128xf32> to vector<1x128x128xf32>
    tpu.vector_store %arg3[%swap3A_1334, %swap3A_1335, %swap3A_1336], %swap3A_1339 {strides = array<i32>} : memref<128x128x128xf32, #tpu.memory_space<vmem>>, vector<1x128x128xf32>,
    %get3A_1340 = arith.constant 79 : index
    %get3A_1341 = arith.constant 0 : index
    %get3A_1342 = arith.constant 0 : index
    %get3A_1343 = vector.load %arg2[%get3A_1340, %get3A_1341, %get3A_1342] : memref<128x128x128xf32, #tpu.memory_space<vmem>>, vector<1x128x128xf32>
    %get3A_1344 = vector.shape_cast %get3A_1343 : vector<1x128x128xf32> to vector<128x128xf32>
    %get3A_1345 = arith.constant 0 : index
    %get3A_1346 = arith.index_cast %arg0 : i32 to index
    %get3A_1347 = arith.constant 79 : index
    %get3A_1348 = memref.load %arg1[%get3A_1345, %get3A_1346, %get3A_1347] : memref<1x2x128xf32, #tpu.memory_space<smem>>
    %mul3A_1349 = vector.broadcast %get3A_1348 : f32 to vector<128x128xf32>
    %mul3A_1350 = arith.mulf %get3A_1344, %mul3A_1349 : vector<128x128xf32>
    %swap3A_1351 = arith.constant 79 : index
    %swap3A_1352 = arith.constant 0 : index
    %swap3A_1353 = arith.constant 0 : index
    %swap3A_1354 = vector.load %arg3[%swap3A_1351, %swap3A_1352, %swap3A_1353] : memref<128x128x128xf32, #tpu.memory_space<vmem>>, vector<1x128x128xf32>
    %swap3A_1355 = vector.shape_cast %swap3A_1354 : vector<1x128x128xf32> to vector<128x128xf32>
    %swap3A_1356 = vector.shape_cast %mul3A_1350 : vector<128x128xf32> to vector<1x128x128xf32>
    tpu.vector_store %arg3[%swap3A_1351, %swap3A_1352, %swap3A_1353], %swap3A_1356 {strides = array<i32>} : memref<128x128x128xf32, #tpu.memory_space<vmem>>, vector<1x128x128xf32>,
    %get3A_1357 = arith.constant 80 : index
    %get3A_1358 = arith.constant 0 : index
    %get3A_1359 = arith.constant 0 : index
    %get3A_1360 = vector.load %arg2[%get3A_1357, %get3A_1358, %get3A_1359] : memref<128x128x128xf32, #tpu.memory_space<vmem>>, vector<1x128x128xf32>
    %get3A_1361 = vector.shape_cast %get3A_1360 : vector<1x128x128xf32> to vector<128x128xf32>
    %get3A_1362 = arith.constant 0 : index
    %get3A_1363 = arith.index_cast %arg0 : i32 to index
    %get3A_1364 = arith.constant 80 : index
    %get3A_1365 = memref.load %arg1[%get3A_1362, %get3A_1363, %get3A_1364] : memref<1x2x128xf32, #tpu.memory_space<smem>>
    %mul3A_1366 = vector.broadcast %get3A_1365 : f32 to vector<128x128xf32>
    %mul3A_1367 = arith.mulf %get3A_1361, %mul3A_1366 : vector<128x128xf32>
    %swap3A_1368 = arith.constant 80 : index
    %swap3A_1369 = arith.constant 0 : index
    %swap3A_1370 = arith.constant 0 : index
    %swap3A_1371 = vector.load %arg3[%swap3A_1368, %swap3A_1369, %swap3A_1370] : memref<128x128x128xf32, #tpu.memory_space<vmem>>, vector<1x128x128xf32>
    %swap3A_1372 = vector.shape_cast %swap3A_1371 : vector<1x128x128xf32> to vector<128x128xf32>
    %swap3A_1373 = vector.shape_cast %mul3A_1367 : vector<128x128xf32> to vector<1x128x128xf32>
    tpu.vector_store %arg3[%swap3A_1368, %swap3A_1369, %swap3A_1370], %swap3A_1373 {strides = array<i32>} : memref<128x128x128xf32, #tpu.memory_space<vmem>>, vector<1x128x128xf32>,
    %get3A_1374 = arith.constant 81 : index
    %get3A_1375 = arith.constant 0 : index
    %get3A_1376 = arith.constant 0 : index
    %get3A_1377 = vector.load %arg2[%get3A_1374, %get3A_1375, %get3A_1376] : memref<128x128x128xf32, #tpu.memory_space<vmem>>, vector<1x128x128xf32>
    %get3A_1378 = vector.shape_cast %get3A_1377 : vector<1x128x128xf32> to vector<128x128xf32>
    %get3A_1379 = arith.constant 0 : index
    %get3A_1380 = arith.index_cast %arg0 : i32 to index
    %get3A_1381 = arith.constant 81 : index
    %get3A_1382 = memref.load %arg1[%get3A_1379, %get3A_1380, %get3A_1381] : memref<1x2x128xf32, #tpu.memory_space<smem>>
    %mul3A_1383 = vector.broadcast %get3A_1382 : f32 to vector<128x128xf32>
    %mul3A_1384 = arith.mulf %get3A_1378, %mul3A_1383 : vector<128x128xf32>
    %swap3A_1385 = arith.constant 81 : index
    %swap3A_1386 = arith.constant 0 : index
    %swap3A_1387 = arith.constant 0 : index
    %swap3A_1388 = vector.load %arg3[%swap3A_1385, %swap3A_1386, %swap3A_1387] : memref<128x128x128xf32, #tpu.memory_space<vmem>>, vector<1x128x128xf32>
    %swap3A_1389 = vector.shape_cast %swap3A_1388 : vector<1x128x128xf32> to vector<128x128xf32>
    %swap3A_1390 = vector.shape_cast %mul3A_1384 : vector<128x128xf32> to vector<1x128x128xf32>
    tpu.vector_store %arg3[%swap3A_1385, %swap3A_1386, %swap3A_1387], %swap3A_1390 {strides = array<i32>} : memref<128x128x128xf32, #tpu.memory_space<vmem>>, vector<1x128x128xf32>,
    %get3A_1391 = arith.constant 82 : index
    %get3A_1392 = arith.constant 0 : index
    %get3A_1393 = arith.constant 0 : index
    %get3A_1394 = vector.load %arg2[%get3A_1391, %get3A_1392, %get3A_1393] : memref<128x128x128xf32, #tpu.memory_space<vmem>>, vector<1x128x128xf32>
    %get3A_1395 = vector.shape_cast %get3A_1394 : vector<1x128x128xf32> to vector<128x128xf32>
    %get3A_1396 = arith.constant 0 : index
    %get3A_1397 = arith.index_cast %arg0 : i32 to index
    %get3A_1398 = arith.constant 82 : index
    %get3A_1399 = memref.load %arg1[%get3A_1396, %get3A_1397, %get3A_1398] : memref<1x2x128xf32, #tpu.memory_space<smem>>
    %mul3A_1400 = vector.broadcast %get3A_1399 : f32 to vector<128x128xf32>
    %mul3A_1401 = arith.mulf %get3A_1395, %mul3A_1400 : vector<128x128xf32>
    %swap3A_1402 = arith.constant 82 : index
    %swap3A_1403 = arith.constant 0 : index
    %swap3A_1404 = arith.constant 0 : index
    %swap3A_1405 = vector.load %arg3[%swap3A_1402, %swap3A_1403, %swap3A_1404] : memref<128x128x128xf32, #tpu.memory_space<vmem>>, vector<1x128x128xf32>
    %swap3A_1406 = vector.shape_cast %swap3A_1405 : vector<1x128x128xf32> to vector<128x128xf32>
    %swap3A_1407 = vector.shape_cast %mul3A_1401 : vector<128x128xf32> to vector<1x128x128xf32>
    tpu.vector_store %arg3[%swap3A_1402, %swap3A_1403, %swap3A_1404], %swap3A_1407 {strides = array<i32>} : memref<128x128x128xf32, #tpu.memory_space<vmem>>, vector<1x128x128xf32>,
    %get3A_1408 = arith.constant 83 : index
    %get3A_1409 = arith.constant 0 : index
    %get3A_1410 = arith.constant 0 : index
    %get3A_1411 = vector.load %arg2[%get3A_1408, %get3A_1409, %get3A_1410] : memref<128x128x128xf32, #tpu.memory_space<vmem>>, vector<1x128x128xf32>
    %get3A_1412 = vector.shape_cast %get3A_1411 : vector<1x128x128xf32> to vector<128x128xf32>
    %get3A_1413 = arith.constant 0 : index
    %get3A_1414 = arith.index_cast %arg0 : i32 to index
    %get3A_1415 = arith.constant 83 : index
    %get3A_1416 = memref.load %arg1[%get3A_1413, %get3A_1414, %get3A_1415] : memref<1x2x128xf32, #tpu.memory_space<smem>>
    %mul3A_1417 = vector.broadcast %get3A_1416 : f32 to vector<128x128xf32>
    %mul3A_1418 = arith.mulf %get3A_1412, %mul3A_1417 : vector<128x128xf32>
    %swap3A_1419 = arith.constant 83 : index
    %swap3A_1420 = arith.constant 0 : index
    %swap3A_1421 = arith.constant 0 : index
    %swap3A_1422 = vector.load %arg3[%swap3A_1419, %swap3A_1420, %swap3A_1421] : memref<128x128x128xf32, #tpu.memory_space<vmem>>, vector<1x128x128xf32>
    %swap3A_1423 = vector.shape_cast %swap3A_1422 : vector<1x128x128xf32> to vector<128x128xf32>
    %swap3A_1424 = vector.shape_cast %mul3A_1418 : vector<128x128xf32> to vector<1x128x128xf32>
    tpu.vector_store %arg3[%swap3A_1419, %swap3A_1420, %swap3A_1421], %swap3A_1424 {strides = array<i32>} : memref<128x128x128xf32, #tpu.memory_space<vmem>>, vector<1x128x128xf32>,
    %get3A_1425 = arith.constant 84 : index
    %get3A_1426 = arith.constant 0 : index
    %get3A_1427 = arith.constant 0 : index
    %get3A_1428 = vector.load %arg2[%get3A_1425, %get3A_1426, %get3A_1427] : memref<128x128x128xf32, #tpu.memory_space<vmem>>, vector<1x128x128xf32>
    %get3A_1429 = vector.shape_cast %get3A_1428 : vector<1x128x128xf32> to vector<128x128xf32>
    %get3A_1430 = arith.constant 0 : index
    %get3A_1431 = arith.index_cast %arg0 : i32 to index
    %get3A_1432 = arith.constant 84 : index
    %get3A_1433 = memref.load %arg1[%get3A_1430, %get3A_1431, %get3A_1432] : memref<1x2x128xf32, #tpu.memory_space<smem>>
    %mul3A_1434 = vector.broadcast %get3A_1433 : f32 to vector<128x128xf32>
    %mul3A_1435 = arith.mulf %get3A_1429, %mul3A_1434 : vector<128x128xf32>
    %swap3A_1436 = arith.constant 84 : index
    %swap3A_1437 = arith.constant 0 : index
    %swap3A_1438 = arith.constant 0 : index
    %swap3A_1439 = vector.load %arg3[%swap3A_1436, %swap3A_1437, %swap3A_1438] : memref<128x128x128xf32, #tpu.memory_space<vmem>>, vector<1x128x128xf32>
    %swap3A_1440 = vector.shape_cast %swap3A_1439 : vector<1x128x128xf32> to vector<128x128xf32>
    %swap3A_1441 = vector.shape_cast %mul3A_1435 : vector<128x128xf32> to vector<1x128x128xf32>
    tpu.vector_store %arg3[%swap3A_1436, %swap3A_1437, %swap3A_1438], %swap3A_1441 {strides = array<i32>} : memref<128x128x128xf32, #tpu.memory_space<vmem>>, vector<1x128x128xf32>,
    %get3A_1442 = arith.constant 85 : index
    %get3A_1443 = arith.constant 0 : index
    %get3A_1444 = arith.constant 0 : index
    %get3A_1445 = vector.load %arg2[%get3A_1442, %get3A_1443, %get3A_1444] : memref<128x128x128xf32, #tpu.memory_space<vmem>>, vector<1x128x128xf32>
    %get3A_1446 = vector.shape_cast %get3A_1445 : vector<1x128x128xf32> to vector<128x128xf32>
    %get3A_1447 = arith.constant 0 : index
    %get3A_1448 = arith.index_cast %arg0 : i32 to index
    %get3A_1449 = arith.constant 85 : index
    %get3A_1450 = memref.load %arg1[%get3A_1447, %get3A_1448, %get3A_1449] : memref<1x2x128xf32, #tpu.memory_space<smem>>
    %mul3A_1451 = vector.broadcast %get3A_1450 : f32 to vector<128x128xf32>
    %mul3A_1452 = arith.mulf %get3A_1446, %mul3A_1451 : vector<128x128xf32>
    %swap3A_1453 = arith.constant 85 : index
    %swap3A_1454 = arith.constant 0 : index
    %swap3A_1455 = arith.constant 0 : index
    %swap3A_1456 = vector.load %arg3[%swap3A_1453, %swap3A_1454, %swap3A_1455] : memref<128x128x128xf32, #tpu.memory_space<vmem>>, vector<1x128x128xf32>
    %swap3A_1457 = vector.shape_cast %swap3A_1456 : vector<1x128x128xf32> to vector<128x128xf32>
    %swap3A_1458 = vector.shape_cast %mul3A_1452 : vector<128x128xf32> to vector<1x128x128xf32>
    tpu.vector_store %arg3[%swap3A_1453, %swap3A_1454, %swap3A_1455], %swap3A_1458 {strides = array<i32>} : memref<128x128x128xf32, #tpu.memory_space<vmem>>, vector<1x128x128xf32>,
    %get3A_1459 = arith.constant 86 : index
    %get3A_1460 = arith.constant 0 : index
    %get3A_1461 = arith.constant 0 : index
    %get3A_1462 = vector.load %arg2[%get3A_1459, %get3A_1460, %get3A_1461] : memref<128x128x128xf32, #tpu.memory_space<vmem>>, vector<1x128x128xf32>
    %get3A_1463 = vector.shape_cast %get3A_1462 : vector<1x128x128xf32> to vector<128x128xf32>
    %get3A_1464 = arith.constant 0 : index
    %get3A_1465 = arith.index_cast %arg0 : i32 to index
    %get3A_1466 = arith.constant 86 : index
    %get3A_1467 = memref.load %arg1[%get3A_1464, %get3A_1465, %get3A_1466] : memref<1x2x128xf32, #tpu.memory_space<smem>>
    %mul3A_1468 = vector.broadcast %get3A_1467 : f32 to vector<128x128xf32>
    %mul3A_1469 = arith.mulf %get3A_1463, %mul3A_1468 : vector<128x128xf32>
    %swap3A_1470 = arith.constant 86 : index
    %swap3A_1471 = arith.constant 0 : index
    %swap3A_1472 = arith.constant 0 : index
    %swap3A_1473 = vector.load %arg3[%swap3A_1470, %swap3A_1471, %swap3A_1472] : memref<128x128x128xf32, #tpu.memory_space<vmem>>, vector<1x128x128xf32>
    %swap3A_1474 = vector.shape_cast %swap3A_1473 : vector<1x128x128xf32> to vector<128x128xf32>
    %swap3A_1475 = vector.shape_cast %mul3A_1469 : vector<128x128xf32> to vector<1x128x128xf32>
    tpu.vector_store %arg3[%swap3A_1470, %swap3A_1471, %swap3A_1472], %swap3A_1475 {strides = array<i32>} : memref<128x128x128xf32, #tpu.memory_space<vmem>>, vector<1x128x128xf32>,
    %get3A_1476 = arith.constant 87 : index
    %get3A_1477 = arith.constant 0 : index
    %get3A_1478 = arith.constant 0 : index
    %get3A_1479 = vector.load %arg2[%get3A_1476, %get3A_1477, %get3A_1478] : memref<128x128x128xf32, #tpu.memory_space<vmem>>, vector<1x128x128xf32>
    %get3A_1480 = vector.shape_cast %get3A_1479 : vector<1x128x128xf32> to vector<128x128xf32>
    %get3A_1481 = arith.constant 0 : index
    %get3A_1482 = arith.index_cast %arg0 : i32 to index
    %get3A_1483 = arith.constant 87 : index
    %get3A_1484 = memref.load %arg1[%get3A_1481, %get3A_1482, %get3A_1483] : memref<1x2x128xf32, #tpu.memory_space<smem>>
    %mul3A_1485 = vector.broadcast %get3A_1484 : f32 to vector<128x128xf32>
    %mul3A_1486 = arith.mulf %get3A_1480, %mul3A_1485 : vector<128x128xf32>
    %swap3A_1487 = arith.constant 87 : index
    %swap3A_1488 = arith.constant 0 : index
    %swap3A_1489 = arith.constant 0 : index
    %swap3A_1490 = vector.load %arg3[%swap3A_1487, %swap3A_1488, %swap3A_1489] : memref<128x128x128xf32, #tpu.memory_space<vmem>>, vector<1x128x128xf32>
    %swap3A_1491 = vector.shape_cast %swap3A_1490 : vector<1x128x128xf32> to vector<128x128xf32>
    %swap3A_1492 = vector.shape_cast %mul3A_1486 : vector<128x128xf32> to vector<1x128x128xf32>
    tpu.vector_store %arg3[%swap3A_1487, %swap3A_1488, %swap3A_1489], %swap3A_1492 {strides = array<i32>} : memref<128x128x128xf32, #tpu.memory_space<vmem>>, vector<1x128x128xf32>,
    %get3A_1493 = arith.constant 88 : index
    %get3A_1494 = arith.constant 0 : index
    %get3A_1495 = arith.constant 0 : index
    %get3A_1496 = vector.load %arg2[%get3A_1493, %get3A_1494, %get3A_1495] : memref<128x128x128xf32, #tpu.memory_space<vmem>>, vector<1x128x128xf32>
    %get3A_1497 = vector.shape_cast %get3A_1496 : vector<1x128x128xf32> to vector<128x128xf32>
    %get3A_1498 = arith.constant 0 : index
    %get3A_1499 = arith.index_cast %arg0 : i32 to index
    %get3A_1500 = arith.constant 88 : index
    %get3A_1501 = memref.load %arg1[%get3A_1498, %get3A_1499, %get3A_1500] : memref<1x2x128xf32, #tpu.memory_space<smem>>
    %mul3A_1502 = vector.broadcast %get3A_1501 : f32 to vector<128x128xf32>
    %mul3A_1503 = arith.mulf %get3A_1497, %mul3A_1502 : vector<128x128xf32>
    %swap3A_1504 = arith.constant 88 : index
    %swap3A_1505 = arith.constant 0 : index
    %swap3A_1506 = arith.constant 0 : index
    %swap3A_1507 = vector.load %arg3[%swap3A_1504, %swap3A_1505, %swap3A_1506] : memref<128x128x128xf32, #tpu.memory_space<vmem>>, vector<1x128x128xf32>
    %swap3A_1508 = vector.shape_cast %swap3A_1507 : vector<1x128x128xf32> to vector<128x128xf32>
    %swap3A_1509 = vector.shape_cast %mul3A_1503 : vector<128x128xf32> to vector<1x128x128xf32>
    tpu.vector_store %arg3[%swap3A_1504, %swap3A_1505, %swap3A_1506], %swap3A_1509 {strides = array<i32>} : memref<128x128x128xf32, #tpu.memory_space<vmem>>, vector<1x128x128xf32>,
    %get3A_1510 = arith.constant 89 : index
    %get3A_1511 = arith.constant 0 : index
    %get3A_1512 = arith.constant 0 : index
    %get3A_1513 = vector.load %arg2[%get3A_1510, %get3A_1511, %get3A_1512] : memref<128x128x128xf32, #tpu.memory_space<vmem>>, vector<1x128x128xf32>
    %get3A_1514 = vector.shape_cast %get3A_1513 : vector<1x128x128xf32> to vector<128x128xf32>
    %get3A_1515 = arith.constant 0 : index
    %get3A_1516 = arith.index_cast %arg0 : i32 to index
    %get3A_1517 = arith.constant 89 : index
    %get3A_1518 = memref.load %arg1[%get3A_1515, %get3A_1516, %get3A_1517] : memref<1x2x128xf32, #tpu.memory_space<smem>>
    %mul3A_1519 = vector.broadcast %get3A_1518 : f32 to vector<128x128xf32>
    %mul3A_1520 = arith.mulf %get3A_1514, %mul3A_1519 : vector<128x128xf32>
    %swap3A_1521 = arith.constant 89 : index
    %swap3A_1522 = arith.constant 0 : index
    %swap3A_1523 = arith.constant 0 : index
    %swap3A_1524 = vector.load %arg3[%swap3A_1521, %swap3A_1522, %swap3A_1523] : memref<128x128x128xf32, #tpu.memory_space<vmem>>, vector<1x128x128xf32>
    %swap3A_1525 = vector.shape_cast %swap3A_1524 : vector<1x128x128xf32> to vector<128x128xf32>
    %swap3A_1526 = vector.shape_cast %mul3A_1520 : vector<128x128xf32> to vector<1x128x128xf32>
    tpu.vector_store %arg3[%swap3A_1521, %swap3A_1522, %swap3A_1523], %swap3A_1526 {strides = array<i32>} : memref<128x128x128xf32, #tpu.memory_space<vmem>>, vector<1x128x128xf32>,
    %get3A_1527 = arith.constant 90 : index
    %get3A_1528 = arith.constant 0 : index
    %get3A_1529 = arith.constant 0 : index
    %get3A_1530 = vector.load %arg2[%get3A_1527, %get3A_1528, %get3A_1529] : memref<128x128x128xf32, #tpu.memory_space<vmem>>, vector<1x128x128xf32>
    %get3A_1531 = vector.shape_cast %get3A_1530 : vector<1x128x128xf32> to vector<128x128xf32>
    %get3A_1532 = arith.constant 0 : index
    %get3A_1533 = arith.index_cast %arg0 : i32 to index
    %get3A_1534 = arith.constant 90 : index
    %get3A_1535 = memref.load %arg1[%get3A_1532, %get3A_1533, %get3A_1534] : memref<1x2x128xf32, #tpu.memory_space<smem>>
    %mul3A_1536 = vector.broadcast %get3A_1535 : f32 to vector<128x128xf32>
    %mul3A_1537 = arith.mulf %get3A_1531, %mul3A_1536 : vector<128x128xf32>
    %swap3A_1538 = arith.constant 90 : index
    %swap3A_1539 = arith.constant 0 : index
    %swap3A_1540 = arith.constant 0 : index
    %swap3A_1541 = vector.load %arg3[%swap3A_1538, %swap3A_1539, %swap3A_1540] : memref<128x128x128xf32, #tpu.memory_space<vmem>>, vector<1x128x128xf32>
    %swap3A_1542 = vector.shape_cast %swap3A_1541 : vector<1x128x128xf32> to vector<128x128xf32>
    %swap3A_1543 = vector.shape_cast %mul3A_1537 : vector<128x128xf32> to vector<1x128x128xf32>
    tpu.vector_store %arg3[%swap3A_1538, %swap3A_1539, %swap3A_1540], %swap3A_1543 {strides = array<i32>} : memref<128x128x128xf32, #tpu.memory_space<vmem>>, vector<1x128x128xf32>,
    %get3A_1544 = arith.constant 91 : index
    %get3A_1545 = arith.constant 0 : index
    %get3A_1546 = arith.constant 0 : index
    %get3A_1547 = vector.load %arg2[%get3A_1544, %get3A_1545, %get3A_1546] : memref<128x128x128xf32, #tpu.memory_space<vmem>>, vector<1x128x128xf32>
    %get3A_1548 = vector.shape_cast %get3A_1547 : vector<1x128x128xf32> to vector<128x128xf32>
    %get3A_1549 = arith.constant 0 : index
    %get3A_1550 = arith.index_cast %arg0 : i32 to index
    %get3A_1551 = arith.constant 91 : index
    %get3A_1552 = memref.load %arg1[%get3A_1549, %get3A_1550, %get3A_1551] : memref<1x2x128xf32, #tpu.memory_space<smem>>
    %mul3A_1553 = vector.broadcast %get3A_1552 : f32 to vector<128x128xf32>
    %mul3A_1554 = arith.mulf %get3A_1548, %mul3A_1553 : vector<128x128xf32>
    %swap3A_1555 = arith.constant 91 : index
    %swap3A_1556 = arith.constant 0 : index
    %swap3A_1557 = arith.constant 0 : index
    %swap3A_1558 = vector.load %arg3[%swap3A_1555, %swap3A_1556, %swap3A_1557] : memref<128x128x128xf32, #tpu.memory_space<vmem>>, vector<1x128x128xf32>
    %swap3A_1559 = vector.shape_cast %swap3A_1558 : vector<1x128x128xf32> to vector<128x128xf32>
    %swap3A_1560 = vector.shape_cast %mul3A_1554 : vector<128x128xf32> to vector<1x128x128xf32>
    tpu.vector_store %arg3[%swap3A_1555, %swap3A_1556, %swap3A_1557], %swap3A_1560 {strides = array<i32>} : memref<128x128x128xf32, #tpu.memory_space<vmem>>, vector<1x128x128xf32>,
    %get3A_1561 = arith.constant 92 : index
    %get3A_1562 = arith.constant 0 : index
    %get3A_1563 = arith.constant 0 : index
    %get3A_1564 = vector.load %arg2[%get3A_1561, %get3A_1562, %get3A_1563] : memref<128x128x128xf32, #tpu.memory_space<vmem>>, vector<1x128x128xf32>
    %get3A_1565 = vector.shape_cast %get3A_1564 : vector<1x128x128xf32> to vector<128x128xf32>
    %get3A_1566 = arith.constant 0 : index
    %get3A_1567 = arith.index_cast %arg0 : i32 to index
    %get3A_1568 = arith.constant 92 : index
    %get3A_1569 = memref.load %arg1[%get3A_1566, %get3A_1567, %get3A_1568] : memref<1x2x128xf32, #tpu.memory_space<smem>>
    %mul3A_1570 = vector.broadcast %get3A_1569 : f32 to vector<128x128xf32>
    %mul3A_1571 = arith.mulf %get3A_1565, %mul3A_1570 : vector<128x128xf32>
    %swap3A_1572 = arith.constant 92 : index
    %swap3A_1573 = arith.constant 0 : index
    %swap3A_1574 = arith.constant 0 : index
    %swap3A_1575 = vector.load %arg3[%swap3A_1572, %swap3A_1573, %swap3A_1574] : memref<128x128x128xf32, #tpu.memory_space<vmem>>, vector<1x128x128xf32>
    %swap3A_1576 = vector.shape_cast %swap3A_1575 : vector<1x128x128xf32> to vector<128x128xf32>
    %swap3A_1577 = vector.shape_cast %mul3A_1571 : vector<128x128xf32> to vector<1x128x128xf32>
    tpu.vector_store %arg3[%swap3A_1572, %swap3A_1573, %swap3A_1574], %swap3A_1577 {strides = array<i32>} : memref<128x128x128xf32, #tpu.memory_space<vmem>>, vector<1x128x128xf32>,
    %get3A_1578 = arith.constant 93 : index
    %get3A_1579 = arith.constant 0 : index
    %get3A_1580 = arith.constant 0 : index
    %get3A_1581 = vector.load %arg2[%get3A_1578, %get3A_1579, %get3A_1580] : memref<128x128x128xf32, #tpu.memory_space<vmem>>, vector<1x128x128xf32>
    %get3A_1582 = vector.shape_cast %get3A_1581 : vector<1x128x128xf32> to vector<128x128xf32>
    %get3A_1583 = arith.constant 0 : index
    %get3A_1584 = arith.index_cast %arg0 : i32 to index
    %get3A_1585 = arith.constant 93 : index
    %get3A_1586 = memref.load %arg1[%get3A_1583, %get3A_1584, %get3A_1585] : memref<1x2x128xf32, #tpu.memory_space<smem>>
    %mul3A_1587 = vector.broadcast %get3A_1586 : f32 to vector<128x128xf32>
    %mul3A_1588 = arith.mulf %get3A_1582, %mul3A_1587 : vector<128x128xf32>
    %swap3A_1589 = arith.constant 93 : index
    %swap3A_1590 = arith.constant 0 : index
    %swap3A_1591 = arith.constant 0 : index
    %swap3A_1592 = vector.load %arg3[%swap3A_1589, %swap3A_1590, %swap3A_1591] : memref<128x128x128xf32, #tpu.memory_space<vmem>>, vector<1x128x128xf32>
    %swap3A_1593 = vector.shape_cast %swap3A_1592 : vector<1x128x128xf32> to vector<128x128xf32>
    %swap3A_1594 = vector.shape_cast %mul3A_1588 : vector<128x128xf32> to vector<1x128x128xf32>
    tpu.vector_store %arg3[%swap3A_1589, %swap3A_1590, %swap3A_1591], %swap3A_1594 {strides = array<i32>} : memref<128x128x128xf32, #tpu.memory_space<vmem>>, vector<1x128x128xf32>,
    %get3A_1595 = arith.constant 94 : index
    %get3A_1596 = arith.constant 0 : index
    %get3A_1597 = arith.constant 0 : index
    %get3A_1598 = vector.load %arg2[%get3A_1595, %get3A_1596, %get3A_1597] : memref<128x128x128xf32, #tpu.memory_space<vmem>>, vector<1x128x128xf32>
    %get3A_1599 = vector.shape_cast %get3A_1598 : vector<1x128x128xf32> to vector<128x128xf32>
    %get3A_1600 = arith.constant 0 : index
    %get3A_1601 = arith.index_cast %arg0 : i32 to index
    %get3A_1602 = arith.constant 94 : index
    %get3A_1603 = memref.load %arg1[%get3A_1600, %get3A_1601, %get3A_1602] : memref<1x2x128xf32, #tpu.memory_space<smem>>
    %mul3A_1604 = vector.broadcast %get3A_1603 : f32 to vector<128x128xf32>
    %mul3A_1605 = arith.mulf %get3A_1599, %mul3A_1604 : vector<128x128xf32>
    %swap3A_1606 = arith.constant 94 : index
    %swap3A_1607 = arith.constant 0 : index
    %swap3A_1608 = arith.constant 0 : index
    %swap3A_1609 = vector.load %arg3[%swap3A_1606, %swap3A_1607, %swap3A_1608] : memref<128x128x128xf32, #tpu.memory_space<vmem>>, vector<1x128x128xf32>
    %swap3A_1610 = vector.shape_cast %swap3A_1609 : vector<1x128x128xf32> to vector<128x128xf32>
    %swap3A_1611 = vector.shape_cast %mul3A_1605 : vector<128x128xf32> to vector<1x128x128xf32>
    tpu.vector_store %arg3[%swap3A_1606, %swap3A_1607, %swap3A_1608], %swap3A_1611 {strides = array<i32>} : memref<128x128x128xf32, #tpu.memory_space<vmem>>, vector<1x128x128xf32>,
    %get3A_1612 = arith.constant 95 : index
    %get3A_1613 = arith.constant 0 : index
    %get3A_1614 = arith.constant 0 : index
    %get3A_1615 = vector.load %arg2[%get3A_1612, %get3A_1613, %get3A_1614] : memref<128x128x128xf32, #tpu.memory_space<vmem>>, vector<1x128x128xf32>
    %get3A_1616 = vector.shape_cast %get3A_1615 : vector<1x128x128xf32> to vector<128x128xf32>
    %get3A_1617 = arith.constant 0 : index
    %get3A_1618 = arith.index_cast %arg0 : i32 to index
    %get3A_1619 = arith.constant 95 : index
    %get3A_1620 = memref.load %arg1[%get3A_1617, %get3A_1618, %get3A_1619] : memref<1x2x128xf32, #tpu.memory_space<smem>>
    %mul3A_1621 = vector.broadcast %get3A_1620 : f32 to vector<128x128xf32>
    %mul3A_1622 = arith.mulf %get3A_1616, %mul3A_1621 : vector<128x128xf32>
    %swap3A_1623 = arith.constant 95 : index
    %swap3A_1624 = arith.constant 0 : index
    %swap3A_1625 = arith.constant 0 : index
    %swap3A_1626 = vector.load %arg3[%swap3A_1623, %swap3A_1624, %swap3A_1625] : memref<128x128x128xf32, #tpu.memory_space<vmem>>, vector<1x128x128xf32>
    %swap3A_1627 = vector.shape_cast %swap3A_1626 : vector<1x128x128xf32> to vector<128x128xf32>
    %swap3A_1628 = vector.shape_cast %mul3A_1622 : vector<128x128xf32> to vector<1x128x128xf32>
    tpu.vector_store %arg3[%swap3A_1623, %swap3A_1624, %swap3A_1625], %swap3A_1628 {strides = array<i32>} : memref<128x128x128xf32, #tpu.memory_space<vmem>>, vector<1x128x128xf32>,
    %get3A_1629 = arith.constant 96 : index
    %get3A_1630 = arith.constant 0 : index
    %get3A_1631 = arith.constant 0 : index
    %get3A_1632 = vector.load %arg2[%get3A_1629, %get3A_1630, %get3A_1631] : memref<128x128x128xf32, #tpu.memory_space<vmem>>, vector<1x128x128xf32>
    %get3A_1633 = vector.shape_cast %get3A_1632 : vector<1x128x128xf32> to vector<128x128xf32>
    %get3A_1634 = arith.constant 0 : index
    %get3A_1635 = arith.index_cast %arg0 : i32 to index
    %get3A_1636 = arith.constant 96 : index
    %get3A_1637 = memref.load %arg1[%get3A_1634, %get3A_1635, %get3A_1636] : memref<1x2x128xf32, #tpu.memory_space<smem>>
    %mul3A_1638 = vector.broadcast %get3A_1637 : f32 to vector<128x128xf32>
    %mul3A_1639 = arith.mulf %get3A_1633, %mul3A_1638 : vector<128x128xf32>
    %swap3A_1640 = arith.constant 96 : index
    %swap3A_1641 = arith.constant 0 : index
    %swap3A_1642 = arith.constant 0 : index
    %swap3A_1643 = vector.load %arg3[%swap3A_1640, %swap3A_1641, %swap3A_1642] : memref<128x128x128xf32, #tpu.memory_space<vmem>>, vector<1x128x128xf32>
    %swap3A_1644 = vector.shape_cast %swap3A_1643 : vector<1x128x128xf32> to vector<128x128xf32>
    %swap3A_1645 = vector.shape_cast %mul3A_1639 : vector<128x128xf32> to vector<1x128x128xf32>
    tpu.vector_store %arg3[%swap3A_1640, %swap3A_1641, %swap3A_1642], %swap3A_1645 {strides = array<i32>} : memref<128x128x128xf32, #tpu.memory_space<vmem>>, vector<1x128x128xf32>,
    %get3A_1646 = arith.constant 97 : index
    %get3A_1647 = arith.constant 0 : index
    %get3A_1648 = arith.constant 0 : index
    %get3A_1649 = vector.load %arg2[%get3A_1646, %get3A_1647, %get3A_1648] : memref<128x128x128xf32, #tpu.memory_space<vmem>>, vector<1x128x128xf32>
    %get3A_1650 = vector.shape_cast %get3A_1649 : vector<1x128x128xf32> to vector<128x128xf32>
    %get3A_1651 = arith.constant 0 : index
    %get3A_1652 = arith.index_cast %arg0 : i32 to index
    %get3A_1653 = arith.constant 97 : index
    %get3A_1654 = memref.load %arg1[%get3A_1651, %get3A_1652, %get3A_1653] : memref<1x2x128xf32, #tpu.memory_space<smem>>
    %mul3A_1655 = vector.broadcast %get3A_1654 : f32 to vector<128x128xf32>
    %mul3A_1656 = arith.mulf %get3A_1650, %mul3A_1655 : vector<128x128xf32>
    %swap3A_1657 = arith.constant 97 : index
    %swap3A_1658 = arith.constant 0 : index
    %swap3A_1659 = arith.constant 0 : index
    %swap3A_1660 = vector.load %arg3[%swap3A_1657, %swap3A_1658, %swap3A_1659] : memref<128x128x128xf32, #tpu.memory_space<vmem>>, vector<1x128x128xf32>
    %swap3A_1661 = vector.shape_cast %swap3A_1660 : vector<1x128x128xf32> to vector<128x128xf32>
    %swap3A_1662 = vector.shape_cast %mul3A_1656 : vector<128x128xf32> to vector<1x128x128xf32>
    tpu.vector_store %arg3[%swap3A_1657, %swap3A_1658, %swap3A_1659], %swap3A_1662 {strides = array<i32>} : memref<128x128x128xf32, #tpu.memory_space<vmem>>, vector<1x128x128xf32>,
    %get3A_1663 = arith.constant 98 : index
    %get3A_1664 = arith.constant 0 : index
    %get3A_1665 = arith.constant 0 : index
    %get3A_1666 = vector.load %arg2[%get3A_1663, %get3A_1664, %get3A_1665] : memref<128x128x128xf32, #tpu.memory_space<vmem>>, vector<1x128x128xf32>
    %get3A_1667 = vector.shape_cast %get3A_1666 : vector<1x128x128xf32> to vector<128x128xf32>
    %get3A_1668 = arith.constant 0 : index
    %get3A_1669 = arith.index_cast %arg0 : i32 to index
    %get3A_1670 = arith.constant 98 : index
    %get3A_1671 = memref.load %arg1[%get3A_1668, %get3A_1669, %get3A_1670] : memref<1x2x128xf32, #tpu.memory_space<smem>>
    %mul3A_1672 = vector.broadcast %get3A_1671 : f32 to vector<128x128xf32>
    %mul3A_1673 = arith.mulf %get3A_1667, %mul3A_1672 : vector<128x128xf32>
    %swap3A_1674 = arith.constant 98 : index
    %swap3A_1675 = arith.constant 0 : index
    %swap3A_1676 = arith.constant 0 : index
    %swap3A_1677 = vector.load %arg3[%swap3A_1674, %swap3A_1675, %swap3A_1676] : memref<128x128x128xf32, #tpu.memory_space<vmem>>, vector<1x128x128xf32>
    %swap3A_1678 = vector.shape_cast %swap3A_1677 : vector<1x128x128xf32> to vector<128x128xf32>
    %swap3A_1679 = vector.shape_cast %mul3A_1673 : vector<128x128xf32> to vector<1x128x128xf32>
    tpu.vector_store %arg3[%swap3A_1674, %swap3A_1675, %swap3A_1676], %swap3A_1679 {strides = array<i32>} : memref<128x128x128xf32, #tpu.memory_space<vmem>>, vector<1x128x128xf32>,
    %get3A_1680 = arith.constant 99 : index
    %get3A_1681 = arith.constant 0 : index
    %get3A_1682 = arith.constant 0 : index
    %get3A_1683 = vector.load %arg2[%get3A_1680, %get3A_1681, %get3A_1682] : memref<128x128x128xf32, #tpu.memory_space<vmem>>, vector<1x128x128xf32>
    %get3A_1684 = vector.shape_cast %get3A_1683 : vector<1x128x128xf32> to vector<128x128xf32>
    %get3A_1685 = arith.constant 0 : index
    %get3A_1686 = arith.index_cast %arg0 : i32 to index
    %get3A_1687 = arith.constant 99 : index
    %get3A_1688 = memref.load %arg1[%get3A_1685, %get3A_1686, %get3A_1687] : memref<1x2x128xf32, #tpu.memory_space<smem>>
    %mul3A_1689 = vector.broadcast %get3A_1688 : f32 to vector<128x128xf32>
    %mul3A_1690 = arith.mulf %get3A_1684, %mul3A_1689 : vector<128x128xf32>
    %swap3A_1691 = arith.constant 99 : index
    %swap3A_1692 = arith.constant 0 : index
    %swap3A_1693 = arith.constant 0 : index
    %swap3A_1694 = vector.load %arg3[%swap3A_1691, %swap3A_1692, %swap3A_1693] : memref<128x128x128xf32, #tpu.memory_space<vmem>>, vector<1x128x128xf32>
    %swap3A_1695 = vector.shape_cast %swap3A_1694 : vector<1x128x128xf32> to vector<128x128xf32>
    %swap3A_1696 = vector.shape_cast %mul3A_1690 : vector<128x128xf32> to vector<1x128x128xf32>
    tpu.vector_store %arg3[%swap3A_1691, %swap3A_1692, %swap3A_1693], %swap3A_1696 {strides = array<i32>} : memref<128x128x128xf32, #tpu.memory_space<vmem>>, vector<1x128x128xf32>,
    %get3A_1697 = arith.constant 100 : index
    %get3A_1698 = arith.constant 0 : index
    %get3A_1699 = arith.constant 0 : index
    %get3A_1700 = vector.load %arg2[%get3A_1697, %get3A_1698, %get3A_1699] : memref<128x128x128xf32, #tpu.memory_space<vmem>>, vector<1x128x128xf32>
    %get3A_1701 = vector.shape_cast %get3A_1700 : vector<1x128x128xf32> to vector<128x128xf32>
    %get3A_1702 = arith.constant 0 : index
    %get3A_1703 = arith.index_cast %arg0 : i32 to index
    %get3A_1704 = arith.constant 100 : index
    %get3A_1705 = memref.load %arg1[%get3A_1702, %get3A_1703, %get3A_1704] : memref<1x2x128xf32, #tpu.memory_space<smem>>
    %mul3A_1706 = vector.broadcast %get3A_1705 : f32 to vector<128x128xf32>
    %mul3A_1707 = arith.mulf %get3A_1701, %mul3A_1706 : vector<128x128xf32>
    %swap3A_1708 = arith.constant 100 : index
    %swap3A_1709 = arith.constant 0 : index
    %swap3A_1710 = arith.constant 0 : index
    %swap3A_1711 = vector.load %arg3[%swap3A_1708, %swap3A_1709, %swap3A_1710] : memref<128x128x128xf32, #tpu.memory_space<vmem>>, vector<1x128x128xf32>
    %swap3A_1712 = vector.shape_cast %swap3A_1711 : vector<1x128x128xf32> to vector<128x128xf32>
    %swap3A_1713 = vector.shape_cast %mul3A_1707 : vector<128x128xf32> to vector<1x128x128xf32>
    tpu.vector_store %arg3[%swap3A_1708, %swap3A_1709, %swap3A_1710], %swap3A_1713 {strides = array<i32>} : memref<128x128x128xf32, #tpu.memory_space<vmem>>, vector<1x128x128xf32>,
    %get3A_1714 = arith.constant 101 : index
    %get3A_1715 = arith.constant 0 : index
    %get3A_1716 = arith.constant 0 : index
    %get3A_1717 = vector.load %arg2[%get3A_1714, %get3A_1715, %get3A_1716] : memref<128x128x128xf32, #tpu.memory_space<vmem>>, vector<1x128x128xf32>
    %get3A_1718 = vector.shape_cast %get3A_1717 : vector<1x128x128xf32> to vector<128x128xf32>
    %get3A_1719 = arith.constant 0 : index
    %get3A_1720 = arith.index_cast %arg0 : i32 to index
    %get3A_1721 = arith.constant 101 : index
    %get3A_1722 = memref.load %arg1[%get3A_1719, %get3A_1720, %get3A_1721] : memref<1x2x128xf32, #tpu.memory_space<smem>>
    %mul3A_1723 = vector.broadcast %get3A_1722 : f32 to vector<128x128xf32>
    %mul3A_1724 = arith.mulf %get3A_1718, %mul3A_1723 : vector<128x128xf32>
    %swap3A_1725 = arith.constant 101 : index
    %swap3A_1726 = arith.constant 0 : index
    %swap3A_1727 = arith.constant 0 : index
    %swap3A_1728 = vector.load %arg3[%swap3A_1725, %swap3A_1726, %swap3A_1727] : memref<128x128x128xf32, #tpu.memory_space<vmem>>, vector<1x128x128xf32>
    %swap3A_1729 = vector.shape_cast %swap3A_1728 : vector<1x128x128xf32> to vector<128x128xf32>
    %swap3A_1730 = vector.shape_cast %mul3A_1724 : vector<128x128xf32> to vector<1x128x128xf32>
    tpu.vector_store %arg3[%swap3A_1725, %swap3A_1726, %swap3A_1727], %swap3A_1730 {strides = array<i32>} : memref<128x128x128xf32, #tpu.memory_space<vmem>>, vector<1x128x128xf32>,
    %get3A_1731 = arith.constant 102 : index
    %get3A_1732 = arith.constant 0 : index
    %get3A_1733 = arith.constant 0 : index
    %get3A_1734 = vector.load %arg2[%get3A_1731, %get3A_1732, %get3A_1733] : memref<128x128x128xf32, #tpu.memory_space<vmem>>, vector<1x128x128xf32>
    %get3A_1735 = vector.shape_cast %get3A_1734 : vector<1x128x128xf32> to vector<128x128xf32>
    %get3A_1736 = arith.constant 0 : index
    %get3A_1737 = arith.index_cast %arg0 : i32 to index
    %get3A_1738 = arith.constant 102 : index
    %get3A_1739 = memref.load %arg1[%get3A_1736, %get3A_1737, %get3A_1738] : memref<1x2x128xf32, #tpu.memory_space<smem>>
    %mul3A_1740 = vector.broadcast %get3A_1739 : f32 to vector<128x128xf32>
    %mul3A_1741 = arith.mulf %get3A_1735, %mul3A_1740 : vector<128x128xf32>
    %swap3A_1742 = arith.constant 102 : index
    %swap3A_1743 = arith.constant 0 : index
    %swap3A_1744 = arith.constant 0 : index
    %swap3A_1745 = vector.load %arg3[%swap3A_1742, %swap3A_1743, %swap3A_1744] : memref<128x128x128xf32, #tpu.memory_space<vmem>>, vector<1x128x128xf32>
    %swap3A_1746 = vector.shape_cast %swap3A_1745 : vector<1x128x128xf32> to vector<128x128xf32>
    %swap3A_1747 = vector.shape_cast %mul3A_1741 : vector<128x128xf32> to vector<1x128x128xf32>
    tpu.vector_store %arg3[%swap3A_1742, %swap3A_1743, %swap3A_1744], %swap3A_1747 {strides = array<i32>} : memref<128x128x128xf32, #tpu.memory_space<vmem>>, vector<1x128x128xf32>,
    %get3A_1748 = arith.constant 103 : index
    %get3A_1749 = arith.constant 0 : index
    %get3A_1750 = arith.constant 0 : index
    %get3A_1751 = vector.load %arg2[%get3A_1748, %get3A_1749, %get3A_1750] : memref<128x128x128xf32, #tpu.memory_space<vmem>>, vector<1x128x128xf32>
    %get3A_1752 = vector.shape_cast %get3A_1751 : vector<1x128x128xf32> to vector<128x128xf32>
    %get3A_1753 = arith.constant 0 : index
    %get3A_1754 = arith.index_cast %arg0 : i32 to index
    %get3A_1755 = arith.constant 103 : index
    %get3A_1756 = memref.load %arg1[%get3A_1753, %get3A_1754, %get3A_1755] : memref<1x2x128xf32, #tpu.memory_space<smem>>
    %mul3A_1757 = vector.broadcast %get3A_1756 : f32 to vector<128x128xf32>
    %mul3A_1758 = arith.mulf %get3A_1752, %mul3A_1757 : vector<128x128xf32>
    %swap3A_1759 = arith.constant 103 : index
    %swap3A_1760 = arith.constant 0 : index
    %swap3A_1761 = arith.constant 0 : index
    %swap3A_1762 = vector.load %arg3[%swap3A_1759, %swap3A_1760, %swap3A_1761] : memref<128x128x128xf32, #tpu.memory_space<vmem>>, vector<1x128x128xf32>
    %swap3A_1763 = vector.shape_cast %swap3A_1762 : vector<1x128x128xf32> to vector<128x128xf32>
    %swap3A_1764 = vector.shape_cast %mul3A_1758 : vector<128x128xf32> to vector<1x128x128xf32>
    tpu.vector_store %arg3[%swap3A_1759, %swap3A_1760, %swap3A_1761], %swap3A_1764 {strides = array<i32>} : memref<128x128x128xf32, #tpu.memory_space<vmem>>, vector<1x128x128xf32>,
    %get3A_1765 = arith.constant 104 : index
    %get3A_1766 = arith.constant 0 : index
    %get3A_1767 = arith.constant 0 : index
    %get3A_1768 = vector.load %arg2[%get3A_1765, %get3A_1766, %get3A_1767] : memref<128x128x128xf32, #tpu.memory_space<vmem>>, vector<1x128x128xf32>
    %get3A_1769 = vector.shape_cast %get3A_1768 : vector<1x128x128xf32> to vector<128x128xf32>
    %get3A_1770 = arith.constant 0 : index
    %get3A_1771 = arith.index_cast %arg0 : i32 to index
    %get3A_1772 = arith.constant 104 : index
    %get3A_1773 = memref.load %arg1[%get3A_1770, %get3A_1771, %get3A_1772] : memref<1x2x128xf32, #tpu.memory_space<smem>>
    %mul3A_1774 = vector.broadcast %get3A_1773 : f32 to vector<128x128xf32>
    %mul3A_1775 = arith.mulf %get3A_1769, %mul3A_1774 : vector<128x128xf32>
    %swap3A_1776 = arith.constant 104 : index
    %swap3A_1777 = arith.constant 0 : index
    %swap3A_1778 = arith.constant 0 : index
    %swap3A_1779 = vector.load %arg3[%swap3A_1776, %swap3A_1777, %swap3A_1778] : memref<128x128x128xf32, #tpu.memory_space<vmem>>, vector<1x128x128xf32>
    %swap3A_1780 = vector.shape_cast %swap3A_1779 : vector<1x128x128xf32> to vector<128x128xf32>
    %swap3A_1781 = vector.shape_cast %mul3A_1775 : vector<128x128xf32> to vector<1x128x128xf32>
    tpu.vector_store %arg3[%swap3A_1776, %swap3A_1777, %swap3A_1778], %swap3A_1781 {strides = array<i32>} : memref<128x128x128xf32, #tpu.memory_space<vmem>>, vector<1x128x128xf32>,
    %get3A_1782 = arith.constant 105 : index
    %get3A_1783 = arith.constant 0 : index
    %get3A_1784 = arith.constant 0 : index
    %get3A_1785 = vector.load %arg2[%get3A_1782, %get3A_1783, %get3A_1784] : memref<128x128x128xf32, #tpu.memory_space<vmem>>, vector<1x128x128xf32>
    %get3A_1786 = vector.shape_cast %get3A_1785 : vector<1x128x128xf32> to vector<128x128xf32>
    %get3A_1787 = arith.constant 0 : index
    %get3A_1788 = arith.index_cast %arg0 : i32 to index
    %get3A_1789 = arith.constant 105 : index
    %get3A_1790 = memref.load %arg1[%get3A_1787, %get3A_1788, %get3A_1789] : memref<1x2x128xf32, #tpu.memory_space<smem>>
    %mul3A_1791 = vector.broadcast %get3A_1790 : f32 to vector<128x128xf32>
    %mul3A_1792 = arith.mulf %get3A_1786, %mul3A_1791 : vector<128x128xf32>
    %swap3A_1793 = arith.constant 105 : index
    %swap3A_1794 = arith.constant 0 : index
    %swap3A_1795 = arith.constant 0 : index
    %swap3A_1796 = vector.load %arg3[%swap3A_1793, %swap3A_1794, %swap3A_1795] : memref<128x128x128xf32, #tpu.memory_space<vmem>>, vector<1x128x128xf32>
    %swap3A_1797 = vector.shape_cast %swap3A_1796 : vector<1x128x128xf32> to vector<128x128xf32>
    %swap3A_1798 = vector.shape_cast %mul3A_1792 : vector<128x128xf32> to vector<1x128x128xf32>
    tpu.vector_store %arg3[%swap3A_1793, %swap3A_1794, %swap3A_1795], %swap3A_1798 {strides = array<i32>} : memref<128x128x128xf32, #tpu.memory_space<vmem>>, vector<1x128x128xf32>,
    %get3A_1799 = arith.constant 106 : index
    %get3A_1800 = arith.constant 0 : index
    %get3A_1801 = arith.constant 0 : index
    %get3A_1802 = vector.load %arg2[%get3A_1799, %get3A_1800, %get3A_1801] : memref<128x128x128xf32, #tpu.memory_space<vmem>>, vector<1x128x128xf32>
    %get3A_1803 = vector.shape_cast %get3A_1802 : vector<1x128x128xf32> to vector<128x128xf32>
    %get3A_1804 = arith.constant 0 : index
    %get3A_1805 = arith.index_cast %arg0 : i32 to index
    %get3A_1806 = arith.constant 106 : index
    %get3A_1807 = memref.load %arg1[%get3A_1804, %get3A_1805, %get3A_1806] : memref<1x2x128xf32, #tpu.memory_space<smem>>
    %mul3A_1808 = vector.broadcast %get3A_1807 : f32 to vector<128x128xf32>
    %mul3A_1809 = arith.mulf %get3A_1803, %mul3A_1808 : vector<128x128xf32>
    %swap3A_1810 = arith.constant 106 : index
    %swap3A_1811 = arith.constant 0 : index
    %swap3A_1812 = arith.constant 0 : index
    %swap3A_1813 = vector.load %arg3[%swap3A_1810, %swap3A_1811, %swap3A_1812] : memref<128x128x128xf32, #tpu.memory_space<vmem>>, vector<1x128x128xf32>
    %swap3A_1814 = vector.shape_cast %swap3A_1813 : vector<1x128x128xf32> to vector<128x128xf32>
    %swap3A_1815 = vector.shape_cast %mul3A_1809 : vector<128x128xf32> to vector<1x128x128xf32>
    tpu.vector_store %arg3[%swap3A_1810, %swap3A_1811, %swap3A_1812], %swap3A_1815 {strides = array<i32>} : memref<128x128x128xf32, #tpu.memory_space<vmem>>, vector<1x128x128xf32>,
    %get3A_1816 = arith.constant 107 : index
    %get3A_1817 = arith.constant 0 : index
    %get3A_1818 = arith.constant 0 : index
    %get3A_1819 = vector.load %arg2[%get3A_1816, %get3A_1817, %get3A_1818] : memref<128x128x128xf32, #tpu.memory_space<vmem>>, vector<1x128x128xf32>
    %get3A_1820 = vector.shape_cast %get3A_1819 : vector<1x128x128xf32> to vector<128x128xf32>
    %get3A_1821 = arith.constant 0 : index
    %get3A_1822 = arith.index_cast %arg0 : i32 to index
    %get3A_1823 = arith.constant 107 : index
    %get3A_1824 = memref.load %arg1[%get3A_1821, %get3A_1822, %get3A_1823] : memref<1x2x128xf32, #tpu.memory_space<smem>>
    %mul3A_1825 = vector.broadcast %get3A_1824 : f32 to vector<128x128xf32>
    %mul3A_1826 = arith.mulf %get3A_1820, %mul3A_1825 : vector<128x128xf32>
    %swap3A_1827 = arith.constant 107 : index
    %swap3A_1828 = arith.constant 0 : index
    %swap3A_1829 = arith.constant 0 : index
    %swap3A_1830 = vector.load %arg3[%swap3A_1827, %swap3A_1828, %swap3A_1829] : memref<128x128x128xf32, #tpu.memory_space<vmem>>, vector<1x128x128xf32>
    %swap3A_1831 = vector.shape_cast %swap3A_1830 : vector<1x128x128xf32> to vector<128x128xf32>
    %swap3A_1832 = vector.shape_cast %mul3A_1826 : vector<128x128xf32> to vector<1x128x128xf32>
    tpu.vector_store %arg3[%swap3A_1827, %swap3A_1828, %swap3A_1829], %swap3A_1832 {strides = array<i32>} : memref<128x128x128xf32, #tpu.memory_space<vmem>>, vector<1x128x128xf32>,
    %get3A_1833 = arith.constant 108 : index
    %get3A_1834 = arith.constant 0 : index
    %get3A_1835 = arith.constant 0 : index
    %get3A_1836 = vector.load %arg2[%get3A_1833, %get3A_1834, %get3A_1835] : memref<128x128x128xf32, #tpu.memory_space<vmem>>, vector<1x128x128xf32>
    %get3A_1837 = vector.shape_cast %get3A_1836 : vector<1x128x128xf32> to vector<128x128xf32>
    %get3A_1838 = arith.constant 0 : index
    %get3A_1839 = arith.index_cast %arg0 : i32 to index
    %get3A_1840 = arith.constant 108 : index
    %get3A_1841 = memref.load %arg1[%get3A_1838, %get3A_1839, %get3A_1840] : memref<1x2x128xf32, #tpu.memory_space<smem>>
    %mul3A_1842 = vector.broadcast %get3A_1841 : f32 to vector<128x128xf32>
    %mul3A_1843 = arith.mulf %get3A_1837, %mul3A_1842 : vector<128x128xf32>
    %swap3A_1844 = arith.constant 108 : index
    %swap3A_1845 = arith.constant 0 : index
    %swap3A_1846 = arith.constant 0 : index
    %swap3A_1847 = vector.load %arg3[%swap3A_1844, %swap3A_1845, %swap3A_1846] : memref<128x128x128xf32, #tpu.memory_space<vmem>>, vector<1x128x128xf32>
    %swap3A_1848 = vector.shape_cast %swap3A_1847 : vector<1x128x128xf32> to vector<128x128xf32>
    %swap3A_1849 = vector.shape_cast %mul3A_1843 : vector<128x128xf32> to vector<1x128x128xf32>
    tpu.vector_store %arg3[%swap3A_1844, %swap3A_1845, %swap3A_1846], %swap3A_1849 {strides = array<i32>} : memref<128x128x128xf32, #tpu.memory_space<vmem>>, vector<1x128x128xf32>,
    %get3A_1850 = arith.constant 109 : index
    %get3A_1851 = arith.constant 0 : index
    %get3A_1852 = arith.constant 0 : index
    %get3A_1853 = vector.load %arg2[%get3A_1850, %get3A_1851, %get3A_1852] : memref<128x128x128xf32, #tpu.memory_space<vmem>>, vector<1x128x128xf32>
    %get3A_1854 = vector.shape_cast %get3A_1853 : vector<1x128x128xf32> to vector<128x128xf32>
    %get3A_1855 = arith.constant 0 : index
    %get3A_1856 = arith.index_cast %arg0 : i32 to index
    %get3A_1857 = arith.constant 109 : index
    %get3A_1858 = memref.load %arg1[%get3A_1855, %get3A_1856, %get3A_1857] : memref<1x2x128xf32, #tpu.memory_space<smem>>
    %mul3A_1859 = vector.broadcast %get3A_1858 : f32 to vector<128x128xf32>
    %mul3A_1860 = arith.mulf %get3A_1854, %mul3A_1859 : vector<128x128xf32>
    %swap3A_1861 = arith.constant 109 : index
    %swap3A_1862 = arith.constant 0 : index
    %swap3A_1863 = arith.constant 0 : index
    %swap3A_1864 = vector.load %arg3[%swap3A_1861, %swap3A_1862, %swap3A_1863] : memref<128x128x128xf32, #tpu.memory_space<vmem>>, vector<1x128x128xf32>
    %swap3A_1865 = vector.shape_cast %swap3A_1864 : vector<1x128x128xf32> to vector<128x128xf32>
    %swap3A_1866 = vector.shape_cast %mul3A_1860 : vector<128x128xf32> to vector<1x128x128xf32>
    tpu.vector_store %arg3[%swap3A_1861, %swap3A_1862, %swap3A_1863], %swap3A_1866 {strides = array<i32>} : memref<128x128x128xf32, #tpu.memory_space<vmem>>, vector<1x128x128xf32>,
    %get3A_1867 = arith.constant 110 : index
    %get3A_1868 = arith.constant 0 : index
    %get3A_1869 = arith.constant 0 : index
    %get3A_1870 = vector.load %arg2[%get3A_1867, %get3A_1868, %get3A_1869] : memref<128x128x128xf32, #tpu.memory_space<vmem>>, vector<1x128x128xf32>
    %get3A_1871 = vector.shape_cast %get3A_1870 : vector<1x128x128xf32> to vector<128x128xf32>
    %get3A_1872 = arith.constant 0 : index
    %get3A_1873 = arith.index_cast %arg0 : i32 to index
    %get3A_1874 = arith.constant 110 : index
    %get3A_1875 = memref.load %arg1[%get3A_1872, %get3A_1873, %get3A_1874] : memref<1x2x128xf32, #tpu.memory_space<smem>>
    %mul3A_1876 = vector.broadcast %get3A_1875 : f32 to vector<128x128xf32>
    %mul3A_1877 = arith.mulf %get3A_1871, %mul3A_1876 : vector<128x128xf32>
    %swap3A_1878 = arith.constant 110 : index
    %swap3A_1879 = arith.constant 0 : index
    %swap3A_1880 = arith.constant 0 : index
    %swap3A_1881 = vector.load %arg3[%swap3A_1878, %swap3A_1879, %swap3A_1880] : memref<128x128x128xf32, #tpu.memory_space<vmem>>, vector<1x128x128xf32>
    %swap3A_1882 = vector.shape_cast %swap3A_1881 : vector<1x128x128xf32> to vector<128x128xf32>
    %swap3A_1883 = vector.shape_cast %mul3A_1877 : vector<128x128xf32> to vector<1x128x128xf32>
    tpu.vector_store %arg3[%swap3A_1878, %swap3A_1879, %swap3A_1880], %swap3A_1883 {strides = array<i32>} : memref<128x128x128xf32, #tpu.memory_space<vmem>>, vector<1x128x128xf32>,
    %get3A_1884 = arith.constant 111 : index
    %get3A_1885 = arith.constant 0 : index
    %get3A_1886 = arith.constant 0 : index
    %get3A_1887 = vector.load %arg2[%get3A_1884, %get3A_1885, %get3A_1886] : memref<128x128x128xf32, #tpu.memory_space<vmem>>, vector<1x128x128xf32>
    %get3A_1888 = vector.shape_cast %get3A_1887 : vector<1x128x128xf32> to vector<128x128xf32>
    %get3A_1889 = arith.constant 0 : index
    %get3A_1890 = arith.index_cast %arg0 : i32 to index
    %get3A_1891 = arith.constant 111 : index
    %get3A_1892 = memref.load %arg1[%get3A_1889, %get3A_1890, %get3A_1891] : memref<1x2x128xf32, #tpu.memory_space<smem>>
    %mul3A_1893 = vector.broadcast %get3A_1892 : f32 to vector<128x128xf32>
    %mul3A_1894 = arith.mulf %get3A_1888, %mul3A_1893 : vector<128x128xf32>
    %swap3A_1895 = arith.constant 111 : index
    %swap3A_1896 = arith.constant 0 : index
    %swap3A_1897 = arith.constant 0 : index
    %swap3A_1898 = vector.load %arg3[%swap3A_1895, %swap3A_1896, %swap3A_1897] : memref<128x128x128xf32, #tpu.memory_space<vmem>>, vector<1x128x128xf32>
    %swap3A_1899 = vector.shape_cast %swap3A_1898 : vector<1x128x128xf32> to vector<128x128xf32>
    %swap3A_1900 = vector.shape_cast %mul3A_1894 : vector<128x128xf32> to vector<1x128x128xf32>
    tpu.vector_store %arg3[%swap3A_1895, %swap3A_1896, %swap3A_1897], %swap3A_1900 {strides = array<i32>} : memref<128x128x128xf32, #tpu.memory_space<vmem>>, vector<1x128x128xf32>,
    %get3A_1901 = arith.constant 112 : index
    %get3A_1902 = arith.constant 0 : index
    %get3A_1903 = arith.constant 0 : index
    %get3A_1904 = vector.load %arg2[%get3A_1901, %get3A_1902, %get3A_1903] : memref<128x128x128xf32, #tpu.memory_space<vmem>>, vector<1x128x128xf32>
    %get3A_1905 = vector.shape_cast %get3A_1904 : vector<1x128x128xf32> to vector<128x128xf32>
    %get3A_1906 = arith.constant 0 : index
    %get3A_1907 = arith.index_cast %arg0 : i32 to index
    %get3A_1908 = arith.constant 112 : index
    %get3A_1909 = memref.load %arg1[%get3A_1906, %get3A_1907, %get3A_1908] : memref<1x2x128xf32, #tpu.memory_space<smem>>
    %mul3A_1910 = vector.broadcast %get3A_1909 : f32 to vector<128x128xf32>
    %mul3A_1911 = arith.mulf %get3A_1905, %mul3A_1910 : vector<128x128xf32>
    %swap3A_1912 = arith.constant 112 : index
    %swap3A_1913 = arith.constant 0 : index
    %swap3A_1914 = arith.constant 0 : index
    %swap3A_1915 = vector.load %arg3[%swap3A_1912, %swap3A_1913, %swap3A_1914] : memref<128x128x128xf32, #tpu.memory_space<vmem>>, vector<1x128x128xf32>
    %swap3A_1916 = vector.shape_cast %swap3A_1915 : vector<1x128x128xf32> to vector<128x128xf32>
    %swap3A_1917 = vector.shape_cast %mul3A_1911 : vector<128x128xf32> to vector<1x128x128xf32>
    tpu.vector_store %arg3[%swap3A_1912, %swap3A_1913, %swap3A_1914], %swap3A_1917 {strides = array<i32>} : memref<128x128x128xf32, #tpu.memory_space<vmem>>, vector<1x128x128xf32>,
    %get3A_1918 = arith.constant 113 : index
    %get3A_1919 = arith.constant 0 : index
    %get3A_1920 = arith.constant 0 : index
    %get3A_1921 = vector.load %arg2[%get3A_1918, %get3A_1919, %get3A_1920] : memref<128x128x128xf32, #tpu.memory_space<vmem>>, vector<1x128x128xf32>
    %get3A_1922 = vector.shape_cast %get3A_1921 : vector<1x128x128xf32> to vector<128x128xf32>
    %get3A_1923 = arith.constant 0 : index
    %get3A_1924 = arith.index_cast %arg0 : i32 to index
    %get3A_1925 = arith.constant 113 : index
    %get3A_1926 = memref.load %arg1[%get3A_1923, %get3A_1924, %get3A_1925] : memref<1x2x128xf32, #tpu.memory_space<smem>>
    %mul3A_1927 = vector.broadcast %get3A_1926 : f32 to vector<128x128xf32>
    %mul3A_1928 = arith.mulf %get3A_1922, %mul3A_1927 : vector<128x128xf32>
    %swap3A_1929 = arith.constant 113 : index
    %swap3A_1930 = arith.constant 0 : index
    %swap3A_1931 = arith.constant 0 : index
    %swap3A_1932 = vector.load %arg3[%swap3A_1929, %swap3A_1930, %swap3A_1931] : memref<128x128x128xf32, #tpu.memory_space<vmem>>, vector<1x128x128xf32>
    %swap3A_1933 = vector.shape_cast %swap3A_1932 : vector<1x128x128xf32> to vector<128x128xf32>
    %swap3A_1934 = vector.shape_cast %mul3A_1928 : vector<128x128xf32> to vector<1x128x128xf32>
    tpu.vector_store %arg3[%swap3A_1929, %swap3A_1930, %swap3A_1931], %swap3A_1934 {strides = array<i32>} : memref<128x128x128xf32, #tpu.memory_space<vmem>>, vector<1x128x128xf32>,
    %get3A_1935 = arith.constant 114 : index
    %get3A_1936 = arith.constant 0 : index
    %get3A_1937 = arith.constant 0 : index
    %get3A_1938 = vector.load %arg2[%get3A_1935, %get3A_1936, %get3A_1937] : memref<128x128x128xf32, #tpu.memory_space<vmem>>, vector<1x128x128xf32>
    %get3A_1939 = vector.shape_cast %get3A_1938 : vector<1x128x128xf32> to vector<128x128xf32>
    %get3A_1940 = arith.constant 0 : index
    %get3A_1941 = arith.index_cast %arg0 : i32 to index
    %get3A_1942 = arith.constant 114 : index
    %get3A_1943 = memref.load %arg1[%get3A_1940, %get3A_1941, %get3A_1942] : memref<1x2x128xf32, #tpu.memory_space<smem>>
    %mul3A_1944 = vector.broadcast %get3A_1943 : f32 to vector<128x128xf32>
    %mul3A_1945 = arith.mulf %get3A_1939, %mul3A_1944 : vector<128x128xf32>
    %swap3A_1946 = arith.constant 114 : index
    %swap3A_1947 = arith.constant 0 : index
    %swap3A_1948 = arith.constant 0 : index
    %swap3A_1949 = vector.load %arg3[%swap3A_1946, %swap3A_1947, %swap3A_1948] : memref<128x128x128xf32, #tpu.memory_space<vmem>>, vector<1x128x128xf32>
    %swap3A_1950 = vector.shape_cast %swap3A_1949 : vector<1x128x128xf32> to vector<128x128xf32>
    %swap3A_1951 = vector.shape_cast %mul3A_1945 : vector<128x128xf32> to vector<1x128x128xf32>
    tpu.vector_store %arg3[%swap3A_1946, %swap3A_1947, %swap3A_1948], %swap3A_1951 {strides = array<i32>} : memref<128x128x128xf32, #tpu.memory_space<vmem>>, vector<1x128x128xf32>,
    %get3A_1952 = arith.constant 115 : index
    %get3A_1953 = arith.constant 0 : index
    %get3A_1954 = arith.constant 0 : index
    %get3A_1955 = vector.load %arg2[%get3A_1952, %get3A_1953, %get3A_1954] : memref<128x128x128xf32, #tpu.memory_space<vmem>>, vector<1x128x128xf32>
    %get3A_1956 = vector.shape_cast %get3A_1955 : vector<1x128x128xf32> to vector<128x128xf32>
    %get3A_1957 = arith.constant 0 : index
    %get3A_1958 = arith.index_cast %arg0 : i32 to index
    %get3A_1959 = arith.constant 115 : index
    %get3A_1960 = memref.load %arg1[%get3A_1957, %get3A_1958, %get3A_1959] : memref<1x2x128xf32, #tpu.memory_space<smem>>
    %mul3A_1961 = vector.broadcast %get3A_1960 : f32 to vector<128x128xf32>
    %mul3A_1962 = arith.mulf %get3A_1956, %mul3A_1961 : vector<128x128xf32>
    %swap3A_1963 = arith.constant 115 : index
    %swap3A_1964 = arith.constant 0 : index
    %swap3A_1965 = arith.constant 0 : index
    %swap3A_1966 = vector.load %arg3[%swap3A_1963, %swap3A_1964, %swap3A_1965] : memref<128x128x128xf32, #tpu.memory_space<vmem>>, vector<1x128x128xf32>
    %swap3A_1967 = vector.shape_cast %swap3A_1966 : vector<1x128x128xf32> to vector<128x128xf32>
    %swap3A_1968 = vector.shape_cast %mul3A_1962 : vector<128x128xf32> to vector<1x128x128xf32>
    tpu.vector_store %arg3[%swap3A_1963, %swap3A_1964, %swap3A_1965], %swap3A_1968 {strides = array<i32>} : memref<128x128x128xf32, #tpu.memory_space<vmem>>, vector<1x128x128xf32>,
    %get3A_1969 = arith.constant 116 : index
    %get3A_1970 = arith.constant 0 : index
    %get3A_1971 = arith.constant 0 : index
    %get3A_1972 = vector.load %arg2[%get3A_1969, %get3A_1970, %get3A_1971] : memref<128x128x128xf32, #tpu.memory_space<vmem>>, vector<1x128x128xf32>
    %get3A_1973 = vector.shape_cast %get3A_1972 : vector<1x128x128xf32> to vector<128x128xf32>
    %get3A_1974 = arith.constant 0 : index
    %get3A_1975 = arith.index_cast %arg0 : i32 to index
    %get3A_1976 = arith.constant 116 : index
    %get3A_1977 = memref.load %arg1[%get3A_1974, %get3A_1975, %get3A_1976] : memref<1x2x128xf32, #tpu.memory_space<smem>>
    %mul3A_1978 = vector.broadcast %get3A_1977 : f32 to vector<128x128xf32>
    %mul3A_1979 = arith.mulf %get3A_1973, %mul3A_1978 : vector<128x128xf32>
    %swap3A_1980 = arith.constant 116 : index
    %swap3A_1981 = arith.constant 0 : index
    %swap3A_1982 = arith.constant 0 : index
    %swap3A_1983 = vector.load %arg3[%swap3A_1980, %swap3A_1981, %swap3A_1982] : memref<128x128x128xf32, #tpu.memory_space<vmem>>, vector<1x128x128xf32>
    %swap3A_1984 = vector.shape_cast %swap3A_1983 : vector<1x128x128xf32> to vector<128x128xf32>
    %swap3A_1985 = vector.shape_cast %mul3A_1979 : vector<128x128xf32> to vector<1x128x128xf32>
    tpu.vector_store %arg3[%swap3A_1980, %swap3A_1981, %swap3A_1982], %swap3A_1985 {strides = array<i32>} : memref<128x128x128xf32, #tpu.memory_space<vmem>>, vector<1x128x128xf32>,
    %get3A_1986 = arith.constant 117 : index
    %get3A_1987 = arith.constant 0 : index
    %get3A_1988 = arith.constant 0 : index
    %get3A_1989 = vector.load %arg2[%get3A_1986, %get3A_1987, %get3A_1988] : memref<128x128x128xf32, #tpu.memory_space<vmem>>, vector<1x128x128xf32>
    %get3A_1990 = vector.shape_cast %get3A_1989 : vector<1x128x128xf32> to vector<128x128xf32>
    %get3A_1991 = arith.constant 0 : index
    %get3A_1992 = arith.index_cast %arg0 : i32 to index
    %get3A_1993 = arith.constant 117 : index
    %get3A_1994 = memref.load %arg1[%get3A_1991, %get3A_1992, %get3A_1993] : memref<1x2x128xf32, #tpu.memory_space<smem>>
    %mul3A_1995 = vector.broadcast %get3A_1994 : f32 to vector<128x128xf32>
    %mul3A_1996 = arith.mulf %get3A_1990, %mul3A_1995 : vector<128x128xf32>
    %swap3A_1997 = arith.constant 117 : index
    %swap3A_1998 = arith.constant 0 : index
    %swap3A_1999 = arith.constant 0 : index
    %swap3A_2000 = vector.load %arg3[%swap3A_1997, %swap3A_1998, %swap3A_1999] : memref<128x128x128xf32, #tpu.memory_space<vmem>>, vector<1x128x128xf32>
    %swap3A_2001 = vector.shape_cast %swap3A_2000 : vector<1x128x128xf32> to vector<128x128xf32>
    %swap3A_2002 = vector.shape_cast %mul3A_1996 : vector<128x128xf32> to vector<1x128x128xf32>
    tpu.vector_store %arg3[%swap3A_1997, %swap3A_1998, %swap3A_1999], %swap3A_2002 {strides = array<i32>} : memref<128x128x128xf32, #tpu.memory_space<vmem>>, vector<1x128x128xf32>,
    %get3A_2003 = arith.constant 118 : index
    %get3A_2004 = arith.constant 0 : index
    %get3A_2005 = arith.constant 0 : index
    %get3A_2006 = vector.load %arg2[%get3A_2003, %get3A_2004, %get3A_2005] : memref<128x128x128xf32, #tpu.memory_space<vmem>>, vector<1x128x128xf32>
    %get3A_2007 = vector.shape_cast %get3A_2006 : vector<1x128x128xf32> to vector<128x128xf32>
    %get3A_2008 = arith.constant 0 : index
    %get3A_2009 = arith.index_cast %arg0 : i32 to index
    %get3A_2010 = arith.constant 118 : index
    %get3A_2011 = memref.load %arg1[%get3A_2008, %get3A_2009, %get3A_2010] : memref<1x2x128xf32, #tpu.memory_space<smem>>
    %mul3A_2012 = vector.broadcast %get3A_2011 : f32 to vector<128x128xf32>
    %mul3A_2013 = arith.mulf %get3A_2007, %mul3A_2012 : vector<128x128xf32>
    %swap3A_2014 = arith.constant 118 : index
    %swap3A_2015 = arith.constant 0 : index
    %swap3A_2016 = arith.constant 0 : index
    %swap3A_2017 = vector.load %arg3[%swap3A_2014, %swap3A_2015, %swap3A_2016] : memref<128x128x128xf32, #tpu.memory_space<vmem>>, vector<1x128x128xf32>
    %swap3A_2018 = vector.shape_cast %swap3A_2017 : vector<1x128x128xf32> to vector<128x128xf32>
    %swap3A_2019 = vector.shape_cast %mul3A_2013 : vector<128x128xf32> to vector<1x128x128xf32>
    tpu.vector_store %arg3[%swap3A_2014, %swap3A_2015, %swap3A_2016], %swap3A_2019 {strides = array<i32>} : memref<128x128x128xf32, #tpu.memory_space<vmem>>, vector<1x128x128xf32>,
    %get3A_2020 = arith.constant 119 : index
    %get3A_2021 = arith.constant 0 : index
    %get3A_2022 = arith.constant 0 : index
    %get3A_2023 = vector.load %arg2[%get3A_2020, %get3A_2021, %get3A_2022] : memref<128x128x128xf32, #tpu.memory_space<vmem>>, vector<1x128x128xf32>
    %get3A_2024 = vector.shape_cast %get3A_2023 : vector<1x128x128xf32> to vector<128x128xf32>
    %get3A_2025 = arith.constant 0 : index
    %get3A_2026 = arith.index_cast %arg0 : i32 to index
    %get3A_2027 = arith.constant 119 : index
    %get3A_2028 = memref.load %arg1[%get3A_2025, %get3A_2026, %get3A_2027] : memref<1x2x128xf32, #tpu.memory_space<smem>>
    %mul3A_2029 = vector.broadcast %get3A_2028 : f32 to vector<128x128xf32>
    %mul3A_2030 = arith.mulf %get3A_2024, %mul3A_2029 : vector<128x128xf32>
    %swap3A_2031 = arith.constant 119 : index
    %swap3A_2032 = arith.constant 0 : index
    %swap3A_2033 = arith.constant 0 : index
    %swap3A_2034 = vector.load %arg3[%swap3A_2031, %swap3A_2032, %swap3A_2033] : memref<128x128x128xf32, #tpu.memory_space<vmem>>, vector<1x128x128xf32>
    %swap3A_2035 = vector.shape_cast %swap3A_2034 : vector<1x128x128xf32> to vector<128x128xf32>
    %swap3A_2036 = vector.shape_cast %mul3A_2030 : vector<128x128xf32> to vector<1x128x128xf32>
    tpu.vector_store %arg3[%swap3A_2031, %swap3A_2032, %swap3A_2033], %swap3A_2036 {strides = array<i32>} : memref<128x128x128xf32, #tpu.memory_space<vmem>>, vector<1x128x128xf32>,
    %get3A_2037 = arith.constant 120 : index
    %get3A_2038 = arith.constant 0 : index
    %get3A_2039 = arith.constant 0 : index
    %get3A_2040 = vector.load %arg2[%get3A_2037, %get3A_2038, %get3A_2039] : memref<128x128x128xf32, #tpu.memory_space<vmem>>, vector<1x128x128xf32>
    %get3A_2041 = vector.shape_cast %get3A_2040 : vector<1x128x128xf32> to vector<128x128xf32>
    %get3A_2042 = arith.constant 0 : index
    %get3A_2043 = arith.index_cast %arg0 : i32 to index
    %get3A_2044 = arith.constant 120 : index
    %get3A_2045 = memref.load %arg1[%get3A_2042, %get3A_2043, %get3A_2044] : memref<1x2x128xf32, #tpu.memory_space<smem>>
    %mul3A_2046 = vector.broadcast %get3A_2045 : f32 to vector<128x128xf32>
    %mul3A_2047 = arith.mulf %get3A_2041, %mul3A_2046 : vector<128x128xf32>
    %swap3A_2048 = arith.constant 120 : index
    %swap3A_2049 = arith.constant 0 : index
    %swap3A_2050 = arith.constant 0 : index
    %swap3A_2051 = vector.load %arg3[%swap3A_2048, %swap3A_2049, %swap3A_2050] : memref<128x128x128xf32, #tpu.memory_space<vmem>>, vector<1x128x128xf32>
    %swap3A_2052 = vector.shape_cast %swap3A_2051 : vector<1x128x128xf32> to vector<128x128xf32>
    %swap3A_2053 = vector.shape_cast %mul3A_2047 : vector<128x128xf32> to vector<1x128x128xf32>
    tpu.vector_store %arg3[%swap3A_2048, %swap3A_2049, %swap3A_2050], %swap3A_2053 {strides = array<i32>} : memref<128x128x128xf32, #tpu.memory_space<vmem>>, vector<1x128x128xf32>,
    %get3A_2054 = arith.constant 121 : index
    %get3A_2055 = arith.constant 0 : index
    %get3A_2056 = arith.constant 0 : index
    %get3A_2057 = vector.load %arg2[%get3A_2054, %get3A_2055, %get3A_2056] : memref<128x128x128xf32, #tpu.memory_space<vmem>>, vector<1x128x128xf32>
    %get3A_2058 = vector.shape_cast %get3A_2057 : vector<1x128x128xf32> to vector<128x128xf32>
    %get3A_2059 = arith.constant 0 : index
    %get3A_2060 = arith.index_cast %arg0 : i32 to index
    %get3A_2061 = arith.constant 121 : index
    %get3A_2062 = memref.load %arg1[%get3A_2059, %get3A_2060, %get3A_2061] : memref<1x2x128xf32, #tpu.memory_space<smem>>
    %mul3A_2063 = vector.broadcast %get3A_2062 : f32 to vector<128x128xf32>
    %mul3A_2064 = arith.mulf %get3A_2058, %mul3A_2063 : vector<128x128xf32>
    %swap3A_2065 = arith.constant 121 : index
    %swap3A_2066 = arith.constant 0 : index
    %swap3A_2067 = arith.constant 0 : index
    %swap3A_2068 = vector.load %arg3[%swap3A_2065, %swap3A_2066, %swap3A_2067] : memref<128x128x128xf32, #tpu.memory_space<vmem>>, vector<1x128x128xf32>
    %swap3A_2069 = vector.shape_cast %swap3A_2068 : vector<1x128x128xf32> to vector<128x128xf32>
    %swap3A_2070 = vector.shape_cast %mul3A_2064 : vector<128x128xf32> to vector<1x128x128xf32>
    tpu.vector_store %arg3[%swap3A_2065, %swap3A_2066, %swap3A_2067], %swap3A_2070 {strides = array<i32>} : memref<128x128x128xf32, #tpu.memory_space<vmem>>, vector<1x128x128xf32>,
    %get3A_2071 = arith.constant 122 : index
    %get3A_2072 = arith.constant 0 : index
    %get3A_2073 = arith.constant 0 : index
    %get3A_2074 = vector.load %arg2[%get3A_2071, %get3A_2072, %get3A_2073] : memref<128x128x128xf32, #tpu.memory_space<vmem>>, vector<1x128x128xf32>
    %get3A_2075 = vector.shape_cast %get3A_2074 : vector<1x128x128xf32> to vector<128x128xf32>
    %get3A_2076 = arith.constant 0 : index
    %get3A_2077 = arith.index_cast %arg0 : i32 to index
    %get3A_2078 = arith.constant 122 : index
    %get3A_2079 = memref.load %arg1[%get3A_2076, %get3A_2077, %get3A_2078] : memref<1x2x128xf32, #tpu.memory_space<smem>>
    %mul3A_2080 = vector.broadcast %get3A_2079 : f32 to vector<128x128xf32>
    %mul3A_2081 = arith.mulf %get3A_2075, %mul3A_2080 : vector<128x128xf32>
    %swap3A_2082 = arith.constant 122 : index
    %swap3A_2083 = arith.constant 0 : index
    %swap3A_2084 = arith.constant 0 : index
    %swap3A_2085 = vector.load %arg3[%swap3A_2082, %swap3A_2083, %swap3A_2084] : memref<128x128x128xf32, #tpu.memory_space<vmem>>, vector<1x128x128xf32>
    %swap3A_2086 = vector.shape_cast %swap3A_2085 : vector<1x128x128xf32> to vector<128x128xf32>
    %swap3A_2087 = vector.shape_cast %mul3A_2081 : vector<128x128xf32> to vector<1x128x128xf32>
    tpu.vector_store %arg3[%swap3A_2082, %swap3A_2083, %swap3A_2084], %swap3A_2087 {strides = array<i32>} : memref<128x128x128xf32, #tpu.memory_space<vmem>>, vector<1x128x128xf32>,
    %get3A_2088 = arith.constant 123 : index
    %get3A_2089 = arith.constant 0 : index
    %get3A_2090 = arith.constant 0 : index
    %get3A_2091 = vector.load %arg2[%get3A_2088, %get3A_2089, %get3A_2090] : memref<128x128x128xf32, #tpu.memory_space<vmem>>, vector<1x128x128xf32>
    %get3A_2092 = vector.shape_cast %get3A_2091 : vector<1x128x128xf32> to vector<128x128xf32>
    %get3A_2093 = arith.constant 0 : index
    %get3A_2094 = arith.index_cast %arg0 : i32 to index
    %get3A_2095 = arith.constant 123 : index
    %get3A_2096 = memref.load %arg1[%get3A_2093, %get3A_2094, %get3A_2095] : memref<1x2x128xf32, #tpu.memory_space<smem>>
    %mul3A_2097 = vector.broadcast %get3A_2096 : f32 to vector<128x128xf32>
    %mul3A_2098 = arith.mulf %get3A_2092, %mul3A_2097 : vector<128x128xf32>
    %swap3A_2099 = arith.constant 123 : index
    %swap3A_2100 = arith.constant 0 : index
    %swap3A_2101 = arith.constant 0 : index
    %swap3A_2102 = vector.load %arg3[%swap3A_2099, %swap3A_2100, %swap3A_2101] : memref<128x128x128xf32, #tpu.memory_space<vmem>>, vector<1x128x128xf32>
    %swap3A_2103 = vector.shape_cast %swap3A_2102 : vector<1x128x128xf32> to vector<128x128xf32>
    %swap3A_2104 = vector.shape_cast %mul3A_2098 : vector<128x128xf32> to vector<1x128x128xf32>
    tpu.vector_store %arg3[%swap3A_2099, %swap3A_2100, %swap3A_2101], %swap3A_2104 {strides = array<i32>} : memref<128x128x128xf32, #tpu.memory_space<vmem>>, vector<1x128x128xf32>,
    %get3A_2105 = arith.constant 124 : index
    %get3A_2106 = arith.constant 0 : index
    %get3A_2107 = arith.constant 0 : index
    %get3A_2108 = vector.load %arg2[%get3A_2105, %get3A_2106, %get3A_2107] : memref<128x128x128xf32, #tpu.memory_space<vmem>>, vector<1x128x128xf32>
    %get3A_2109 = vector.shape_cast %get3A_2108 : vector<1x128x128xf32> to vector<128x128xf32>
    %get3A_2110 = arith.constant 0 : index
    %get3A_2111 = arith.index_cast %arg0 : i32 to index
    %get3A_2112 = arith.constant 124 : index
    %get3A_2113 = memref.load %arg1[%get3A_2110, %get3A_2111, %get3A_2112] : memref<1x2x128xf32, #tpu.memory_space<smem>>
    %mul3A_2114 = vector.broadcast %get3A_2113 : f32 to vector<128x128xf32>
    %mul3A_2115 = arith.mulf %get3A_2109, %mul3A_2114 : vector<128x128xf32>
    %swap3A_2116 = arith.constant 124 : index
    %swap3A_2117 = arith.constant 0 : index
    %swap3A_2118 = arith.constant 0 : index
    %swap3A_2119 = vector.load %arg3[%swap3A_2116, %swap3A_2117, %swap3A_2118] : memref<128x128x128xf32, #tpu.memory_space<vmem>>, vector<1x128x128xf32>
    %swap3A_2120 = vector.shape_cast %swap3A_2119 : vector<1x128x128xf32> to vector<128x128xf32>
    %swap3A_2121 = vector.shape_cast %mul3A_2115 : vector<128x128xf32> to vector<1x128x128xf32>
    tpu.vector_store %arg3[%swap3A_2116, %swap3A_2117, %swap3A_2118], %swap3A_2121 {strides = array<i32>} : memref<128x128x128xf32, #tpu.memory_space<vmem>>, vector<1x128x128xf32>,
    %get3A_2122 = arith.constant 125 : index
    %get3A_2123 = arith.constant 0 : index
    %get3A_2124 = arith.constant 0 : index
    %get3A_2125 = vector.load %arg2[%get3A_2122, %get3A_2123, %get3A_2124] : memref<128x128x128xf32, #tpu.memory_space<vmem>>, vector<1x128x128xf32>
    %get3A_2126 = vector.shape_cast %get3A_2125 : vector<1x128x128xf32> to vector<128x128xf32>
    %get3A_2127 = arith.constant 0 : index
    %get3A_2128 = arith.index_cast %arg0 : i32 to index
    %get3A_2129 = arith.constant 125 : index
    %get3A_2130 = memref.load %arg1[%get3A_2127, %get3A_2128, %get3A_2129] : memref<1x2x128xf32, #tpu.memory_space<smem>>
    %mul3A_2131 = vector.broadcast %get3A_2130 : f32 to vector<128x128xf32>
    %mul3A_2132 = arith.mulf %get3A_2126, %mul3A_2131 : vector<128x128xf32>
    %swap3A_2133 = arith.constant 125 : index
    %swap3A_2134 = arith.constant 0 : index
    %swap3A_2135 = arith.constant 0 : index
    %swap3A_2136 = vector.load %arg3[%swap3A_2133, %swap3A_2134, %swap3A_2135] : memref<128x128x128xf32, #tpu.memory_space<vmem>>, vector<1x128x128xf32>
    %swap3A_2137 = vector.shape_cast %swap3A_2136 : vector<1x128x128xf32> to vector<128x128xf32>
    %swap3A_2138 = vector.shape_cast %mul3A_2132 : vector<128x128xf32> to vector<1x128x128xf32>
    tpu.vector_store %arg3[%swap3A_2133, %swap3A_2134, %swap3A_2135], %swap3A_2138 {strides = array<i32>} : memref<128x128x128xf32, #tpu.memory_space<vmem>>, vector<1x128x128xf32>,
    %get3A_2139 = arith.constant 126 : index
    %get3A_2140 = arith.constant 0 : index
    %get3A_2141 = arith.constant 0 : index
    %get3A_2142 = vector.load %arg2[%get3A_2139, %get3A_2140, %get3A_2141] : memref<128x128x128xf32, #tpu.memory_space<vmem>>, vector<1x128x128xf32>
    %get3A_2143 = vector.shape_cast %get3A_2142 : vector<1x128x128xf32> to vector<128x128xf32>
    %get3A_2144 = arith.constant 0 : index
    %get3A_2145 = arith.index_cast %arg0 : i32 to index
    %get3A_2146 = arith.constant 126 : index
    %get3A_2147 = memref.load %arg1[%get3A_2144, %get3A_2145, %get3A_2146] : memref<1x2x128xf32, #tpu.memory_space<smem>>
    %mul3A_2148 = vector.broadcast %get3A_2147 : f32 to vector<128x128xf32>
    %mul3A_2149 = arith.mulf %get3A_2143, %mul3A_2148 : vector<128x128xf32>
    %swap3A_2150 = arith.constant 126 : index
    %swap3A_2151 = arith.constant 0 : index
    %swap3A_2152 = arith.constant 0 : index
    %swap3A_2153 = vector.load %arg3[%swap3A_2150, %swap3A_2151, %swap3A_2152] : memref<128x128x128xf32, #tpu.memory_space<vmem>>, vector<1x128x128xf32>
    %swap3A_2154 = vector.shape_cast %swap3A_2153 : vector<1x128x128xf32> to vector<128x128xf32>
    %swap3A_2155 = vector.shape_cast %mul3A_2149 : vector<128x128xf32> to vector<1x128x128xf32>
    tpu.vector_store %arg3[%swap3A_2150, %swap3A_2151, %swap3A_2152], %swap3A_2155 {strides = array<i32>} : memref<128x128x128xf32, #tpu.memory_space<vmem>>, vector<1x128x128xf32>,
    %get3A_2156 = arith.constant 127 : index
    %get3A_2157 = arith.constant 0 : index
    %get3A_2158 = arith.constant 0 : index
    %get3A_2159 = vector.load %arg2[%get3A_2156, %get3A_2157, %get3A_2158] : memref<128x128x128xf32, #tpu.memory_space<vmem>>, vector<1x128x128xf32>
    %get3A_2160 = vector.shape_cast %get3A_2159 : vector<1x128x128xf32> to vector<128x128xf32>
    %get3A_2161 = arith.constant 0 : index
    %get3A_2162 = arith.index_cast %arg0 : i32 to index
    %get3A_2163 = arith.constant 127 : index
    %get3A_2164 = memref.load %arg1[%get3A_2161, %get3A_2162, %get3A_2163] : memref<1x2x128xf32, #tpu.memory_space<smem>>
    %mul3A_2165 = vector.broadcast %get3A_2164 : f32 to vector<128x128xf32>
    %mul3A_2166 = arith.mulf %get3A_2160, %mul3A_2165 : vector<128x128xf32>
    %swap3A_2167 = arith.constant 127 : index
    %swap3A_2168 = arith.constant 0 : index
    %swap3A_2169 = arith.constant 0 : index
    %swap3A_2170 = vector.load %arg3[%swap3A_2167, %swap3A_2168, %swap3A_2169] : memref<128x128x128xf32, #tpu.memory_space<vmem>>, vector<1x128x128xf32>
    %swap3A_2171 = vector.shape_cast %swap3A_2170 : vector<1x128x128xf32> to vector<128x128xf32>
    %swap3A_2172 = vector.shape_cast %mul3A_2166 : vector<128x128xf32> to vector<1x128x128xf32>
    tpu.vector_store %arg3[%swap3A_2167, %swap3A_2168, %swap3A_2169], %swap3A_2172 {strides = array<i32>} : memref<128x128x128xf32, #tpu.memory_space<vmem>>, vector<1x128x128xf32>,
    return
  }
  func.func @transform_0(%arg0: i32) -> (i32, i32, i32) {
    %c0_i32 = arith.constant 0 : i32
    %c0_i32_0 = arith.constant 0 : i32
    %c0_i32_1 = arith.constant 0 : i32
    %c0_i32_2 = arith.constant 0 : i32
    return %c0_i32, %c0_i32_0, %c0_i32_1 : i32, i32, i32
  }
  func.func @transform_1(%arg0: i32) -> (i32, i32, i32) {
    %add3A = arith.constant 0 : i32
    %add3A_0 = arith.addi %arg0, %add3A : i32
    %c0_i32 = arith.constant 0 : i32
    %c0_i32_1 = arith.constant 0 : i32
    %c0_i32_2 = arith.constant 0 : i32
    return %add3A_0, %c0_i32, %c0_i32_1 : i32, i32, i32
  }
  func.func @transform_2(%arg0: i32) -> (i32, i32, i32) {
    %add3A = arith.constant 0 : i32
    %add3A_0 = arith.addi %arg0, %add3A : i32
    %c0_i32 = arith.constant 0 : i32
    %c0_i32_1 = arith.constant 0 : i32
    %c0_i32_2 = arith.constant 0 : i32
    return %add3A_0, %c0_i32, %c0_i32_1 : i32, i32, i32
  }
}

</mosaic_0001>

<sc_bundles>
// kernel: kernel.6.cloned.1.call-start
scs
__scs_entry_jumppad:
0x0: {  	(pc) =	sbr.rel $0x88, $3  }
0x1: {  	(tag) =	ssettag $0x0;
	lr =	simm.s32 $0x1  }
0x2: {  	[smem:$0x3F9E] =	sst lr;
	_ =	strace $0xD0000000  }
0x3: {  	_ = 	snop  }
0x4: {  	_ = 	snop  }
0x5: {  	_ = 	snop  }
0x6: {  	_ = 	snop  }
0x7: {  	_ = 	snop  }
__scs_overlays_trampoline_lowered:
0x8: {  	[smem:$0x3FAD] =	sst s0  }
0x9: {  	[smem:$0x3FAE] =	sst s1  }
0xa: {  	[smem:$0x3FAF] =	sst s2  }
0xb: {  	[smem:$0x3FB0] =	sst s3  }
0xc: {  	[smem:$0x3FB1] =	sst s4  }
0xd: {  	[smem:$0x3FB2] =	sst s5  }
0xe: {  	[smem:$0x3FB3] =	sst s6  }
0xf: {  	[smem:$0x3FB4] =	sst s7  }
0x10: {  	[smem:$0x3FB5] =	sst s8  }
0x11: {  	[smem:$0x3FB6] =	sst s9;
	s0 =	simm.s32 @!p0 $0x0  }
0x12: {  	s1 =	sld [smem:$0x3F9C];
	s0 =	simm.s32 @p0 $0x1  }
0x13: {  	[smem:$0x3FB7] =	sst s0;
	s0 =	simm.s32 @!p1 $0x0  }
0x14: {  	s2 =	sld [smem:$0x3F9B];
	s0 =	simm.s32 @p1 $0x1  }
0x15: {  	[smem:$0x3FB8] =	sst s0;
	s0 =	simm.s32 @!p2 $0x0  }
0x16: {  	s3 =	sld [smem:$0x3FDB];
	s0 =	simm.s32 @p2 $0x1  }
0x17: {  	s4 =	simm.s32 $0x1BF5;
	[smem:$0x3FBA] =	sst s0  }
0x18: {  	s0 =	sld [smem:$0x3F9D];
	_ =	swait.ge [sflag:s4], $0x0  }
0x19: {  	s7 =	sld [smem:$0x3F9E]  }
0x1a: {  	s8 =	sadd.s32 $0xFFFFE003, lr  }
0x1b: {  	s9 =	sadd.s32 $0xFFFFFEF7, lr;
	s5 =	simm.s32 $0xFFFFFFFF;
	p2 =	slt.u32 s8, $0xFFFFF086  }
0x1c: {  	p1 =	slt.u32 s9, $0xF7A;
	s5 =	simm.s32 @!p2 $0x0  }
0x1d: {  	s5 =	simm.s32 @p1 $0x1;
	p0 =	seq.s32 s7, s2  }
0x1e: {  	s7 =	smul.u32 @!p0 $0xF7A, s2;
	p2 =	seq.s32 @!p0 s5, $0x0  }
0x1f: {  	s9 =	smul.u32 $0xF7A, s1;
	s8 =	simm.s32 @!p0 $0x1BF5;
	p2 =	por !p2, p0  }
0x20: {  	[sflag:s8] =	ssyncset.s32 @!p0 $0xFFFFF086;
	s6 =	sadd.s32 @!p0 s3, s7;
	s7 =	simm.s32 @!p0 $0x108  }
0x21: {  	s3 =	sadd.s32 s3, s9;
	s6 =	sadd.s32 @!p0 $0x88, s6;
	s7 =	simm.s32 @p2 $0x1082  }
0x22: {  	[simem:s7], [sflag:s8] =	dma.local @!p0 [hbm:s6], $0xF7A  }
0x23: {  	s9 =	sor.u32 $0xD0000000, s2;
	s6 =	simm.s32 $0x108;
	_ =	swait.ge @!p0 [sflag:s8], $0x0  }
0x24: {  	s3 =	sadd.s32 $0x88, s3;
	s6 =	simm.s32 @!p1 $0x1082;
	[sflag:s4] =	ssyncset.s32 $0xFFFFF086  }
0x25: {  	[simem:s6], [sflag:s4] =	dma.local [hbm:s3], $0xF7A  }
0x26: {  	[smem:$0x3F9E] =	sst s1;
	(tag) =	ssettag s2;
	_ =	strace s9  }
0x27: {  	s1 =	sld [smem:$0x3FAE]  }
0x28: {  	s2 =	sld [smem:$0x3FAF]  }
0x29: {  	s4 =	sld [smem:$0x3FB1]  }
0x2a: {  	p0 =	seq.s32 s5, $0x0;
	s5 =	sld [smem:$0x3FB2]  }
0x2b: {  	s6 =	sld [smem:$0x3FB3]  }
0x2c: {  	s7 =	sld [smem:$0x3FB4]  }
0x2d: {  	s3 =	simm.s32 $0x108;
	s8 =	sld [smem:$0x3FB5]  }
0x2e: {  	s3 =	simm.s32 @!p0 $0x1082;
	s9 =	sld [smem:$0x3FB6]  }
0x2f: {  	lr =	sadd.s32 s0, s3;
	s0 =	sld [smem:$0x3FAD]  }
0x30: {  	s3 =	sld [smem:$0x3FB0]  }
0x31: {  	[smem:$0x3FB9] =	sst s10  }
0x32: {  	s10 =	sld [smem:$0x3FB7];
	_ =	sdelay $0x3  }
0x33: {  	p0 =	seq.s32 s10, $0x1;
	s10 =	sld [smem:$0x3FB9];
	_ =	sdelay $0x3  }
0x34: {  	[smem:$0x3FB9] =	sst s10  }
0x35: {  	s10 =	sld [smem:$0x3FB8];
	_ =	sdelay $0x3  }
0x36: {  	p1 =	seq.s32 s10, $0x1;
	s10 =	sld [smem:$0x3FB9];
	_ =	sdelay $0x3  }
0x37: {  	[smem:$0x3FB9] =	sst s10  }
0x38: {  	s10 =	sld [smem:$0x3FBA]  }
0x39: {  	_ = 	snop;
	(pc) =	sbr.ind lr, $3  }
0x3a: {  	_ = 	snop  }
0x3b: {  	_ = 	snop  }
0x3c: {  	p2 =	seq.s32 s10, $0x1;
	s10 =	sld [smem:$0x3FB9]  }
0x3d: {  	_ =	shalt  }
0x3e: {  	_ =	shalt  }
0x3f: {  	_ =	shalt  }
0x40: {  	_ =	shalt  }
0x41: {  	_ =	shalt  }
0x42: {  	_ =	shalt  }
0x43: {  	_ =	shalt  }
0x44: {  	_ =	shalt  }
0x45: {  	_ =	shalt  }
0x46: {  	_ =	shalt  }
0x47: {  	_ =	shalt  }
0x48: {  	_ =	shalt  }
0x49: {  	_ =	shalt  }
0x4a: {  	_ =	shalt  }
0x4b: {  	_ =	shalt  }
0x4c: {  	_ =	shalt  }
0x4d: {  	_ =	shalt  }
0x4e: {  	_ =	shalt  }
0x4f: {  	_ =	shalt  }
0x50: {  	_ =	shalt  }
0x51: {  	_ =	shalt  }
0x52: {  	_ =	shalt  }
0x53: {  	_ =	shalt  }
0x54: {  	_ =	shalt  }
0x55: {  	_ =	shalt  }
0x56: {  	_ =	shalt  }
0x57: {  	_ =	shalt  }
0x58: {  	_ =	shalt  }
0x59: {  	_ =	shalt  }
0x5a: {  	_ =	shalt  }
0x5b: {  	_ =	shalt  }
0x5c: {  	_ =	shalt  }
0x5d: {  	_ =	shalt  }
0x5e: {  	_ =	shalt  }
0x5f: {  	_ =	shalt  }
0x60: {  	_ =	shalt  }
0x61: {  	_ =	shalt  }
0x62: {  	_ =	shalt  }
0x63: {  	_ =	shalt  }
0x64: {  	_ =	shalt  }
0x65: {  	_ =	shalt  }
0x66: {  	_ =	shalt  }
0x67: {  	_ =	shalt  }
0x68: {  	_ =	shalt  }
0x69: {  	_ =	shalt  }
0x6a: {  	_ =	shalt  }
0x6b: {  	_ =	shalt  }
0x6c: {  	_ =	shalt  }
0x6d: {  	_ =	shalt  }
0x6e: {  	_ =	shalt  }
0x6f: {  	_ =	shalt  }
0x70: {  	_ =	shalt  }
0x71: {  	_ =	shalt  }
0x72: {  	_ =	shalt  }
0x73: {  	_ =	shalt  }
0x74: {  	_ =	shalt  }
0x75: {  	_ =	shalt  }
0x76: {  	_ =	shalt  }
0x77: {  	_ =	shalt  }
0x78: {  	_ =	shalt  }
0x79: {  	_ =	shalt  }
0x7a: {  	_ =	shalt  }
0x7b: {  	_ =	shalt  }
0x7c: {  	_ =	shalt  }
0x7d: {  	_ =	shalt  }
0x7e: {  	_ =	shalt  }
0x7f: {  	_ =	shalt  }
0x80: {  	_ =	shalt  }
0x81: {  	_ =	shalt  }
0x82: {  	_ =	shalt  }
0x83: {  	_ =	shalt  }
0x84: {  	_ =	shalt  }
0x85: {  	_ =	shalt  }
0x86: {  	_ =	shalt  }
0x87: {  	_ =	shalt  }
.Lfunc_end0:
.L_simem_size_0:
called_computation_lowered:
.L_overlay_start_0:
0x88: {  	s0 =	sld [smem:$0x3FD9]  }
0x89: {  	s1 =	sld [smem:$0x3FFE];
	_ =	sdelay $0x3  }
0x8a: {  	s0 =	sadd.s32 s1, s0  }
0x8b: {  	[smem:$0x3FC5] =	sst s0  }
0x8c: {  	_ = 	snop  }
0x8d: {  	s0 =	sld [smem:$0x3FC8]  }
0x8e: {  	s17 =	sld [smem:$0x3FC7]  }
0x8f: {  	s2 =	sld [smem:$0x3FD0];
	(tm) =	ssettm $0x1  }
0x90: {  	s3 =	sld [smem:$0x3FFB];
	_ =	sdelay $0x3  }
0x91: {  	_ =	strace s3  }
0x92: {  	s3 =	sld [smem:$0x3FFC];
	_ =	sdelay $0x3  }
0x93: {  	_ =	strace s3  }
0x94: {  	s3 =	sld [smem:$0x3FFD];
	_ =	sdelay $0x3  }
0x95: {  	_ =	strace s3  }
0x96: {  	_ =	strace $0x8FFFFFFF  }
0x97: {  	s18 =	sld [smem:$0x3FDB];
	_ =	sdelay $0x1  }
0x98: {  	s4 =	simm.s32 $_scs_section_size  }
0x99: {  	s5 =	simm.s32 $_size__tile_overlayer_lowered;
	s6 =	simm.s32 $_tile_overlayer_lowered  }
0x9a: {  	s21 =	simm.s32 $0x1BFF;
	s20 =	sshll.u32 s6, $0x1;
	s3 =	sadd.s32 s4, s18  }
0x9b: {  	s7 =	simm.s32 $0x0;
	s19 =	sshll.u32 s5, $0x1;
	s5 =	sadd.s32 s20, s3  }
0x9c: {  	[timem:s7], [sflag:s21] =	dma.local [hbm:s5], s19  }
0x9d: {  	_ =	swait.ge [sflag:s21], s19  }
0x9e: {  	s4 =	ssub.s32 $0x0, s19;
	[sflag:s21] =	ssyncset.done $0x0  }
0x9f: {  	[sflag:s21] =	ssyncadd.s32 s4;
	_ =	sdelay $0x1  }
0xa0: {  	s22 =	simm.s32 $0x1B8B  }
0xa1: {  	_ =	swait.ge [sflag:s22], $0x1  }
0xa2: {  	[sflag:s22] =	ssyncset.done $0x0  }
0xa3: {  	s23 =	simm.s32 $0x1B8E;
	[sflag:s22] =	ssyncadd.s32 $0xFFFFFFFF  }
0xa4: {  	s24 =	simm.s32 $execute0_lowered;
	[smem:$0x3FD2] =	sst s23  }
0xa5: {  	s4 =	sshll.u32 s24, $0x1;
	_ =	strace $0x80000046;
	[dreg:$0x1] =	wrdreg $0xFFFFFFFF  }
0xa6: {  	s25 =	simm.s32 $_size_execute0_lowered;
	s3 =	sadd.s32 s3, s4;
	[dreg:$0x0] =	wrdreg $0x0  }
0xa7: {  	s4 =	sshll.u32 s25, $0x1;
	[dreg:$0x2] =	wrdreg s3  }
0xa8: {  	[dreg:$0x3] =	wrdreg s4  }
0xa9: {  	[dreg:$0x4] =	wrdreg $0xC0  }
0xaa: {  	_ =	task [dreg:s7], $0x5FFFF  }
0xab: {  	[dreg:$0x1] =	wrdreg $0xFFFFFFFF  }
0xac: {  	[dreg:$0x0] =	wrdreg $0x60  }
0xad: {  	[dreg:$0x2] =	wrdreg s17  }
0xae: {  	[dreg:$0x3] =	wrdreg s0  }
0xaf: {  	[dreg:$0x4] =	wrdreg s2  }
0xb0: {  	[dreg:$0x5] =	wrdreg $0x9  }
0xb1: {  	_ =	task.clear_ibuf [dreg:s7], $0x6FFFF;
	_ =	strace $0x90000046  }
0xb2: {  	s26 =	simm.s32 $0x9;
	_ =	strace $0x80000048  }
0xb3: {  	_ =	swait.ge [sflag:s26], $0x1  }
0xb4: {  	[sflag:s26] =	ssyncadd.s32 $0xFFFFFFFF  }
0xb5: {  	_ =	strace $0x90000048  }
0xb6: {  	_ =	sfence  }
0xb7: {  	s28 =	sld [smem:$0x0];
	_ =	sdelay $0x1  }
0xb8: {  	s29 =	srdreg.scid  }
0xb9: {  	s30 =	sshll.u32 s29, $0xD;
	s31 =	sshrl.u32 s29, $0x2  }
0xba: {  	s1 =	sand.u32 $0x1, s29;
	s2 =	sand.u32 $0x4000, s30;
	s0 =	sadd.s32 s31, s28  }
0xbb: {  	s1 =	sor.u32 s2, s1;
	s0 =	sshll.u32 s0, $0x11  }
0xbc: {  	s0 =	sor.u32 s0, s1  }
0xbd: {  	s0 =	sadd.s32 $0x8F2B, s0  }
0xbe: {  	[sflag:s0] =	ssyncadd.remote.s32 $0x1  }
0xbf: {  	_ =	sfence.sel $0xFFFF  }
0xc0: {  	[dreg:$0x0] =	wrdreg $0xFFFFFFFF;
	(pc) =	sbr.abs _section_cstart, $3  }
0xc1: {  	[dreg:$0x1] =	wrdreg $0xFFFFFFFF  }
0xc2: {  	_ =	task.clear_ibuf [dreg:s7], $0x2FFFF;
	_ =	strace $0x9FFFFFFF  }
0xc3: {  	(tm) =	ssettm $0x7FFFFFFF  }
tec
execute0_lowered:
.L_overlay_start_1:
0x0: {  	(tag) =	ssettag $0x1  }
0x1: {  	s0 =	rddreg [dreg:$0x0]  }
0x2: {  	s1 =	rddreg [dreg:$0x1]  }
0x3: {  	s2 =	rddreg [dreg:$0x2]  }
0x4: {  	s3 =	rddreg [dreg:$0x3];
	s4 =	simm.s32 $0x0;
	s5 =	stileid.u32  }
0x5: {  	[smem:$0x7FF] =	sst s4;
	s6 =	sshll.u32 s5, $0x1  }
0x6: {  	s30 =	simm.s32 $0x2;
	_ =	strace $0x80000047;
	s1 =	sadd.s32 s1, s6  }
0x7: {  	[tilespmem:s4], [sflag:$0x2] =	stream.linear.gather [hbm4b:s1+s4], $0x10, $0x38;
	[tilespmem:$0x100] =	vst v63  }
0x8: {  	_ =	swait.ge [sflag:s30], $0x10  }
0x9: {  	s7 =	simm.s32 $0x10;
	[sflag:s30] =	ssyncset.done $0x0  }
0xa: {  	s8 =	simm.s32 $0x80;
	s31 =	simm.s32 $0x1;
	[sflag:s30] =	ssyncadd.s32 $0xFFFFFFF0  }
0xb: {  	[tilespmem:s8], [sflag:$0x1] =	stream.indirect.gather [hbm4b:s0+s7], $0x1, s4, s7, $0xb8;
	[tilespmem:$0x100] =	vst v63  }
0xc: {  	_ =	swait.ge [sflag:s31], $0x10  }
0xd: {  	[sflag:s31] =	ssyncset.done $0x0  }
0xe: {  	s2 =	sadd.s32 s2, s6;
	[sflag:s31] =	ssyncadd.s32 $0xFFFFFFF0  }
0xf: {  	[hbm4b:s2+s4] =	stream.linear.scatter [tilespmem:s8], [sflag:$0x2], $0x10, $0x38;
	[tilespmem:$0x100] =	vst v63  }
0x10: {  	_ =	swait.ge [sflag:s30], $0x10  }
0x11: {  	[sflag:s30] =	ssyncset.done $0x0  }
0x12: {  	[sflag:s30] =	ssyncadd.s32 $0xFFFFFFF0  }
0x13: {  	_ =	sfence.sel $0x180000  }
0x14: {  	[bflag:$0x0] =	sbarrier.arrive $0xFFFF  }
0x15: {  	p0 =	sne.s32 s5, $0x0;
	_ =	strace $0x90000047  }
0x16: {  	s0 =	sadd.s32 @!p0 $0x100000, s3;
	[bflag:$0x2] =	sbarrier.arrive $0xFFFF  }
0x17: {  	[sflag:s0] =	ssyncadd.tile.s32 @!p0 $0x1;
	_ =	shalt  }
.Lfunc_end2:
_tile_overlayer_lowered:
.L_overlay_start_2:
0x18: {  	(tag) =	ssettag $0x2  }
0x19: {  	s0 =	rddreg [dreg:$0x0];
	s2 =	stileid.u32  }
0x1a: {  	s1 =	rddreg [dreg:$0x1];
	p0 =	sne.s32 s2, $0x0  }
0x1b: {  	s3 =	rddreg [dreg:$0x2];
	[bflag:$0x3] =	sbarrier.arrive $0xFFFF;
	s2 =	simm.s32 @!p0 $0x1C02  }
0x1c: {  	[timem:s3], [sflag:s2] =	dma.local @!p0 [hbm:s0], s1  }
0x1d: {  	s0 =	simm.s32 @!p0 $0x2  }
0x1e: {  	_ =	swait.ge @!p0 [sflag:s0], s1  }
0x1f: {  	s1 =	ssub.s32 @!p0 $0x0, s1;
	[sflag:s0] =	ssyncset.done @!p0 $0x0  }
0x20: {  	[sflag:s0] =	ssyncadd.s32 @!p0 s1  }
0x21: {  	[bflag:$0x3] =	sbarrier.arrive $0xFFFF  }
0x22: {  	_ =	shalt  }

// kernel: kernel.9.cloned.1.call-start
scs
__scs_entry_jumppad:
0x0: {  	(pc) =	sbr.rel $0x88, $3  }
0x1: {  	(tag) =	ssettag $0x0;
	lr =	simm.s32 $0x1  }
0x2: {  	[smem:$0x3F9E] =	sst lr;
	_ =	strace $0xD0000000  }
0x3: {  	_ = 	snop  }
0x4: {  	_ = 	snop  }
0x5: {  	_ = 	snop  }
0x6: {  	_ = 	snop  }
0x7: {  	_ = 	snop  }
__scs_overlays_trampoline_lowered:
0x8: {  	[smem:$0x3FAD] =	sst s0  }
0x9: {  	[smem:$0x3FAE] =	sst s1  }
0xa: {  	[smem:$0x3FAF] =	sst s2  }
0xb: {  	[smem:$0x3FB0] =	sst s3  }
0xc: {  	[smem:$0x3FB1] =	sst s4  }
0xd: {  	[smem:$0x3FB2] =	sst s5  }
0xe: {  	[smem:$0x3FB3] =	sst s6  }
0xf: {  	[smem:$0x3FB4] =	sst s7  }
0x10: {  	[smem:$0x3FB5] =	sst s8  }
0x11: {  	[smem:$0x3FB6] =	sst s9;
	s0 =	simm.s32 @!p0 $0x0  }
0x12: {  	s1 =	sld [smem:$0x3F9C];
	s0 =	simm.s32 @p0 $0x1  }
0x13: {  	[smem:$0x3FB7] =	sst s0;
	s0 =	simm.s32 @!p1 $0x0  }
0x14: {  	s2 =	sld [smem:$0x3F9B];
	s0 =	simm.s32 @p1 $0x1  }
0x15: {  	[smem:$0x3FB8] =	sst s0;
	s0 =	simm.s32 @!p2 $0x0  }
0x16: {  	s3 =	sld [smem:$0x3FDB];
	s0 =	simm.s32 @p2 $0x1  }
0x17: {  	s4 =	simm.s32 $0x1BF5;
	[smem:$0x3FBA] =	sst s0  }
0x18: {  	s0 =	sld [smem:$0x3F9D];
	_ =	swait.ge [sflag:s4], $0x0  }
0x19: {  	s7 =	sld [smem:$0x3F9E]  }
0x1a: {  	s8 =	sadd.s32 $0xFFFFE003, lr  }
0x1b: {  	s9 =	sadd.s32 $0xFFFFFEF7, lr;
	s5 =	simm.s32 $0xFFFFFFFF;
	p2 =	slt.u32 s8, $0xFFFFF086  }
0x1c: {  	p1 =	slt.u32 s9, $0xF7A;
	s5 =	simm.s32 @!p2 $0x0  }
0x1d: {  	s5 =	simm.s32 @p1 $0x1;
	p0 =	seq.s32 s7, s2  }
0x1e: {  	s7 =	smul.u32 @!p0 $0xF7A, s2;
	p2 =	seq.s32 @!p0 s5, $0x0  }
0x1f: {  	s9 =	smul.u32 $0xF7A, s1;
	s8 =	simm.s32 @!p0 $0x1BF5;
	p2 =	por !p2, p0  }
0x20: {  	[sflag:s8] =	ssyncset.s32 @!p0 $0xFFFFF086;
	s6 =	sadd.s32 @!p0 s3, s7;
	s7 =	simm.s32 @!p0 $0x108  }
0x21: {  	s3 =	sadd.s32 s3, s9;
	s6 =	sadd.s32 @!p0 $0x88, s6;
	s7 =	simm.s32 @p2 $0x1082  }
0x22: {  	[simem:s7], [sflag:s8] =	dma.local @!p0 [hbm:s6], $0xF7A  }
0x23: {  	s9 =	sor.u32 $0xD0000000, s2;
	s6 =	simm.s32 $0x108;
	_ =	swait.ge @!p0 [sflag:s8], $0x0  }
0x24: {  	s3 =	sadd.s32 $0x88, s3;
	s6 =	simm.s32 @!p1 $0x1082;
	[sflag:s4] =	ssyncset.s32 $0xFFFFF086  }
0x25: {  	[simem:s6], [sflag:s4] =	dma.local [hbm:s3], $0xF7A  }
0x26: {  	[smem:$0x3F9E] =	sst s1;
	(tag) =	ssettag s2;
	_ =	strace s9  }
0x27: {  	s1 =	sld [smem:$0x3FAE]  }
0x28: {  	s2 =	sld [smem:$0x3FAF]  }
0x29: {  	s4 =	sld [smem:$0x3FB1]  }
0x2a: {  	p0 =	seq.s32 s5, $0x0;
	s5 =	sld [smem:$0x3FB2]  }
0x2b: {  	s6 =	sld [smem:$0x3FB3]  }
0x2c: {  	s7 =	sld [smem:$0x3FB4]  }
0x2d: {  	s3 =	simm.s32 $0x108;
	s8 =	sld [smem:$0x3FB5]  }
0x2e: {  	s3 =	simm.s32 @!p0 $0x1082;
	s9 =	sld [smem:$0x3FB6]  }
0x2f: {  	lr =	sadd.s32 s0, s3;
	s0 =	sld [smem:$0x3FAD]  }
0x30: {  	s3 =	sld [smem:$0x3FB0]  }
0x31: {  	[smem:$0x3FB9] =	sst s10  }
0x32: {  	s10 =	sld [smem:$0x3FB7];
	_ =	sdelay $0x3  }
0x33: {  	p0 =	seq.s32 s10, $0x1;
	s10 =	sld [smem:$0x3FB9];
	_ =	sdelay $0x3  }
0x34: {  	[smem:$0x3FB9] =	sst s10  }
0x35: {  	s10 =	sld [smem:$0x3FB8];
	_ =	sdelay $0x3  }
0x36: {  	p1 =	seq.s32 s10, $0x1;
	s10 =	sld [smem:$0x3FB9];
	_ =	sdelay $0x3  }
0x37: {  	[smem:$0x3FB9] =	sst s10  }
0x38: {  	s10 =	sld [smem:$0x3FBA]  }
0x39: {  	_ = 	snop;
	(pc) =	sbr.ind lr, $3  }
0x3a: {  	_ = 	snop  }
0x3b: {  	_ = 	snop  }
0x3c: {  	p2 =	seq.s32 s10, $0x1;
	s10 =	sld [smem:$0x3FB9]  }
0x3d: {  	_ =	shalt  }
0x3e: {  	_ =	shalt  }
0x3f: {  	_ =	shalt  }
0x40: {  	_ =	shalt  }
0x41: {  	_ =	shalt  }
0x42: {  	_ =	shalt  }
0x43: {  	_ =	shalt  }
0x44: {  	_ =	shalt  }
0x45: {  	_ =	shalt  }
0x46: {  	_ =	shalt  }
0x47: {  	_ =	shalt  }
0x48: {  	_ =	shalt  }
0x49: {  	_ =	shalt  }
0x4a: {  	_ =	shalt  }
0x4b: {  	_ =	shalt  }
0x4c: {  	_ =	shalt  }
0x4d: {  	_ =	shalt  }
0x4e: {  	_ =	shalt  }
0x4f: {  	_ =	shalt  }
0x50: {  	_ =	shalt  }
0x51: {  	_ =	shalt  }
0x52: {  	_ =	shalt  }
0x53: {  	_ =	shalt  }
0x54: {  	_ =	shalt  }
0x55: {  	_ =	shalt  }
0x56: {  	_ =	shalt  }
0x57: {  	_ =	shalt  }
0x58: {  	_ =	shalt  }
0x59: {  	_ =	shalt  }
0x5a: {  	_ =	shalt  }
0x5b: {  	_ =	shalt  }
0x5c: {  	_ =	shalt  }
0x5d: {  	_ =	shalt  }
0x5e: {  	_ =	shalt  }
0x5f: {  	_ =	shalt  }
0x60: {  	_ =	shalt  }
0x61: {  	_ =	shalt  }
0x62: {  	_ =	shalt  }
0x63: {  	_ =	shalt  }
0x64: {  	_ =	shalt  }
0x65: {  	_ =	shalt  }
0x66: {  	_ =	shalt  }
0x67: {  	_ =	shalt  }
0x68: {  	_ =	shalt  }
0x69: {  	_ =	shalt  }
0x6a: {  	_ =	shalt  }
0x6b: {  	_ =	shalt  }
0x6c: {  	_ =	shalt  }
0x6d: {  	_ =	shalt  }
0x6e: {  	_ =	shalt  }
0x6f: {  	_ =	shalt  }
0x70: {  	_ =	shalt  }
0x71: {  	_ =	shalt  }
0x72: {  	_ =	shalt  }
0x73: {  	_ =	shalt  }
0x74: {  	_ =	shalt  }
0x75: {  	_ =	shalt  }
0x76: {  	_ =	shalt  }
0x77: {  	_ =	shalt  }
0x78: {  	_ =	shalt  }
0x79: {  	_ =	shalt  }
0x7a: {  	_ =	shalt  }
0x7b: {  	_ =	shalt  }
0x7c: {  	_ =	shalt  }
0x7d: {  	_ =	shalt  }
0x7e: {  	_ =	shalt  }
0x7f: {  	_ =	shalt  }
0x80: {  	_ =	shalt  }
0x81: {  	_ =	shalt  }
0x82: {  	_ =	shalt  }
0x83: {  	_ =	shalt  }
0x84: {  	_ =	shalt  }
0x85: {  	_ =	shalt  }
0x86: {  	_ =	shalt  }
0x87: {  	_ =	shalt  }
.Lfunc_end0:
.L_simem_size_0:
called_computation.1_lowered:
.L_overlay_start_0:
0x88: {  	s0 =	sld [smem:$0x3FD9]  }
0x89: {  	s1 =	sld [smem:$0x3FFE];
	_ =	sdelay $0x3  }
0x8a: {  	s0 =	sadd.s32 s1, s0  }
0x8b: {  	[smem:$0x3FC5] =	sst s0  }
0x8c: {  	_ = 	snop  }
0x8d: {  	s0 =	sld [smem:$0x3FC8]  }
0x8e: {  	s16 =	sld [smem:$0x3FC7];
	(tm) =	ssettm $0x1  }
0x8f: {  	s2 =	sld [smem:$0x3FFB];
	_ =	sdelay $0x3  }
0x90: {  	_ =	strace s2  }
0x91: {  	s2 =	sld [smem:$0x3FFC];
	_ =	sdelay $0x3  }
0x92: {  	_ =	strace s2  }
0x93: {  	s2 =	sld [smem:$0x3FFD];
	_ =	sdelay $0x3  }
0x94: {  	_ =	strace s2  }
0x95: {  	_ =	strace $0x8FFFFFFF  }
0x96: {  	s17 =	sld [smem:$0x3FDB];
	_ =	sdelay $0x1  }
0x97: {  	s3 =	simm.s32 $_scs_section_size  }
0x98: {  	s4 =	simm.s32 $_size__tile_overlayer_lowered;
	s5 =	simm.s32 $_tile_overlayer_lowered  }
0x99: {  	s20 =	simm.s32 $0x1BFF;
	s19 =	sshll.u32 s5, $0x1;
	s2 =	sadd.s32 s3, s17  }
0x9a: {  	s6 =	simm.s32 $0x0;
	s18 =	sshll.u32 s4, $0x1;
	s4 =	sadd.s32 s19, s2  }
0x9b: {  	[timem:s6], [sflag:s20] =	dma.local [hbm:s4], s18  }
0x9c: {  	_ =	swait.ge [sflag:s20], s18  }
0x9d: {  	s3 =	ssub.s32 $0x0, s18;
	[sflag:s20] =	ssyncset.done $0x0  }
0x9e: {  	[sflag:s20] =	ssyncadd.s32 s3;
	_ =	sdelay $0x1  }
0x9f: {  	s21 =	simm.s32 $0x1B8B  }
0xa0: {  	_ =	swait.ge [sflag:s21], $0x1  }
0xa1: {  	[sflag:s21] =	ssyncset.done $0x0  }
0xa2: {  	s23 =	simm.s32 $0x1B8E;
	s22 =	sld [smem:$0x3FFE];
	[sflag:s21] =	ssyncadd.s32 $0xFFFFFFFF  }
0xa3: {  	s24 =	simm.s32 $execute0_lowered;
	[smem:$0x3FD2] =	sst s23  }
0xa4: {  	s4 =	sshll.u32 s24, $0x1;
	_ =	strace $0x80000049;
	[dreg:$0x1] =	wrdreg $0xFFFFFFFF  }
0xa5: {  	s25 =	simm.s32 $_size_execute0_lowered;
	s2 =	sadd.s32 s2, s4;
	[dreg:$0x0] =	wrdreg $0x0  }
0xa6: {  	s4 =	sshll.u32 s25, $0x1;
	[dreg:$0x2] =	wrdreg s2  }
0xa7: {  	[dreg:$0x3] =	wrdreg s4  }
0xa8: {  	[dreg:$0x4] =	wrdreg $0xC0  }
0xa9: {  	_ =	task [dreg:s6], $0x5FFFF  }
0xaa: {  	[dreg:$0x1] =	wrdreg $0xFFFFFFFF  }
0xab: {  	[dreg:$0x0] =	wrdreg $0x60  }
0xac: {  	[dreg:$0x2] =	wrdreg s16  }
0xad: {  	[dreg:$0x3] =	wrdreg s0  }
0xae: {  	[dreg:$0x4] =	wrdreg s22  }
0xaf: {  	[dreg:$0x5] =	wrdreg $0xA  }
0xb0: {  	_ =	task.clear_ibuf [dreg:s6], $0x6FFFF;
	_ =	strace $0x90000049  }
0xb1: {  	s26 =	simm.s32 $0xA;
	_ =	strace $0x8000004B  }
0xb2: {  	_ =	swait.ge [sflag:s26], $0x1  }
0xb3: {  	[sflag:s26] =	ssyncadd.s32 $0xFFFFFFFF  }
0xb4: {  	_ =	strace $0x9000004B  }
0xb5: {  	_ =	sfence  }
0xb6: {  	s28 =	sld [smem:$0x0];
	_ =	sdelay $0x1  }
0xb7: {  	s29 =	srdreg.scid  }
0xb8: {  	s30 =	sshll.u32 s29, $0xD;
	s31 =	sshrl.u32 s29, $0x2  }
0xb9: {  	s1 =	sand.u32 $0x1, s29;
	s2 =	sand.u32 $0x4000, s30;
	s0 =	sadd.s32 s31, s28  }
0xba: {  	s1 =	sor.u32 s2, s1;
	s0 =	sshll.u32 s0, $0x11  }
0xbb: {  	s0 =	sor.u32 s0, s1  }
0xbc: {  	s0 =	sadd.s32 $0x8F2B, s0  }
0xbd: {  	[sflag:s0] =	ssyncadd.remote.s32 $0x1  }
0xbe: {  	_ =	sfence.sel $0xFFFF  }
0xbf: {  	[dreg:$0x0] =	wrdreg $0xFFFFFFFF;
	(pc) =	sbr.abs _section_cstart, $3  }
0xc0: {  	[dreg:$0x1] =	wrdreg $0xFFFFFFFF  }
0xc1: {  	_ =	task.clear_ibuf [dreg:s6], $0x2FFFF;
	_ =	strace $0x9FFFFFFF  }
0xc2: {  	(tm) =	ssettm $0x7FFFFFFF  }
0xc3: {  	_ =	shalt  }
tec
execute0_lowered:
.L_overlay_start_1:
0x0: {  	(tag) =	ssettag $0x1  }
0x1: {  	s0 =	rddreg [dreg:$0x0];
	s1 =	stileid.u32  }
0x2: {  	s2 =	rddreg [dreg:$0x1];
	s3 =	smul.u32 $0xF0, s1  }
0x3: {  	s4 =	rddreg [dreg:$0x2]  }
0x4: {  	s5 =	rddreg [dreg:$0x3];
	s6 =	simm.s32 $0x0;
	s3 =	sshrl.u32 s3, $0x3  }
0x5: {  	[smem:$0x7FF] =	sst s6;
	s2 =	sadd.s32 s2, s3  }
0x6: {  	s30 =	simm.s32 $0x2;
	_ =	strace $0x8000004A;
	s2 =	sadd.s32 $0x20, s2  }
0x7: {  	[tilespmem:s6], [sflag:$0x2] =	stream.linear.gather [hbm4b:s2+s6], $0xF0, $0x38;
	[tilespmem:$0x200] =	vst v63  }
0x8: {  	_ =	swait.ge [sflag:s30], $0xF0  }
0x9: {  	s7 =	simm.s32 $0xF0;
	[sflag:s30] =	ssyncset.done $0x0  }
0xa: {  	s8 =	simm.s32 $0x100;
	s31 =	simm.s32 $0x1;
	[sflag:s30] =	ssyncadd.s32 $0xFFFFFF10  }
0xb: {  	[tilespmem:s8], [sflag:$0x1] =	stream.indirect.gather [hbm4b:s0+s7], $0x1, s6, s7, $0xb8;
	[tilespmem:$0x200] =	vst v63  }
0xc: {  	_ =	swait.ge [sflag:s31], $0xF0  }
0xd: {  	s3 =	sadd.s32 s3, s4;
	[sflag:s31] =	ssyncset.done $0x0  }
0xe: {  	s3 =	sadd.s32 $0xC00, s3;
	[sflag:s31] =	ssyncadd.s32 $0xFFFFFF10  }
0xf: {  	[hbm4b:s3+s6] =	stream.linear.scatter [tilespmem:s8], [sflag:$0x2], $0xF0, $0x38;
	[tilespmem:$0x200] =	vst v63  }
0x10: {  	_ =	swait.ge [sflag:s30], $0xF0  }
0x11: {  	[sflag:s30] =	ssyncset.done $0x0  }
0x12: {  	[sflag:s30] =	ssyncadd.s32 $0xFFFFFF10  }
0x13: {  	_ =	sfence.sel $0x180000  }
0x14: {  	[bflag:$0x0] =	sbarrier.arrive $0xFFFF  }
0x15: {  	p0 =	sne.s32 s1, $0x0;
	_ =	strace $0x9000004A  }
0x16: {  	s0 =	sadd.s32 @!p0 $0x100000, s5;
	[bflag:$0x2] =	sbarrier.arrive $0xFFFF  }
0x17: {  	[sflag:s0] =	ssyncadd.tile.s32 @!p0 $0x1;
	_ =	shalt  }
.Lfunc_end2:
_tile_overlayer_lowered:
.L_overlay_start_2:
0x18: {  	(tag) =	ssettag $0x2  }
0x19: {  	s0 =	rddreg [dreg:$0x0];
	s2 =	stileid.u32  }
0x1a: {  	s1 =	rddreg [dreg:$0x1];
	p0 =	sne.s32 s2, $0x0  }
0x1b: {  	s3 =	rddreg [dreg:$0x2];
	[bflag:$0x3] =	sbarrier.arrive $0xFFFF;
	s2 =	simm.s32 @!p0 $0x1C02  }
0x1c: {  	[timem:s3], [sflag:s2] =	dma.local @!p0 [hbm:s0], s1  }
0x1d: {  	s0 =	simm.s32 @!p0 $0x2  }
0x1e: {  	_ =	swait.ge @!p0 [sflag:s0], s1  }
0x1f: {  	s1 =	ssub.s32 @!p0 $0x0, s1;
	[sflag:s0] =	ssyncset.done @!p0 $0x0  }
0x20: {  	[sflag:s0] =	ssyncadd.s32 @!p0 s1  }
0x21: {  	[bflag:$0x3] =	sbarrier.arrive $0xFFFF  }
0x22: {  	_ =	shalt  }

</sc_bundles>
